<compile_context>
chip_gen: v7x
topology: tpu7x:2x2x1
jax: 0.10.2.dev20260603
libtpu: 0.0.44.dev20260713+nightly
codegen_flags: <defaults>
</compile_context>

<pallas_src>
import functools

import jax
import jax.numpy as jnp
import numpy as np
from jax import lax
from jax.experimental import pallas as pl
from jax.experimental.pallas import tpu as pltpu
from jax.experimental.pallas import tpu_sc as plsc

B, N, S = 8, 2048, 512
RADII = (0.1, 0.2, 0.4)
KS = (16, 32, 64)
CPAD = 128
GOUT = 48
NROWS = B * S
BN_EPS = 1e-5


def _fps_body(pc_ref, idx_ref, nx_ref, ny_ref, nz_ref):
    x = pc_ref[:, 0, :]
    y = pc_ref[:, 1, :]
    z = pc_ref[:, 2, :]
    lane = lax.broadcasted_iota(jnp.int32, (B, N), 1)

    lane_s = lax.broadcasted_iota(jnp.int32, (B, S), 1)
    idx_ref[...] = jnp.zeros((B, S), jnp.int32)
    nx_ref[...] = jnp.zeros((B, S), jnp.float32)
    ny_ref[...] = jnp.zeros((B, S), jnp.float32)
    nz_ref[...] = jnp.zeros((B, S), jnp.float32)

    def step(i, carry):
        dist, far = carry
        m = lane == far
        cx = jnp.sum(jnp.where(m, x, 0.0), axis=1, keepdims=True)
        cy = jnp.sum(jnp.where(m, y, 0.0), axis=1, keepdims=True)
        cz = jnp.sum(jnp.where(m, z, 0.0), axis=1, keepdims=True)
        sel = lane_s == i
        sel_i = sel.astype(jnp.int32)
        sel_f = sel.astype(jnp.float32)
        idx_ref[...] = idx_ref[...] + sel_i * far
        nx_ref[...] = nx_ref[...] + sel_f * cx
        ny_ref[...] = ny_ref[...] + sel_f * cy
        nz_ref[...] = nz_ref[...] + sel_f * cz
        dx = x - cx
        dy = y - cy
        dz = z - cz
        d = (dx * dx + dy * dy) + dz * dz
        dist = jnp.minimum(dist, d)
        mx = jnp.max(dist, axis=1, keepdims=True)
        cand = jnp.where(dist == mx, lane, N)
        far = jnp.min(cand, axis=1, keepdims=True)
        return dist, far

    dist0 = jnp.full((B, N), 1e10, jnp.float32)
    far0 = jnp.zeros((B, 1), jnp.int32)
    lax.fori_loop(0, S, step, (dist0, far0))


_fps_call = pl.pallas_call(
    _fps_body,
    out_shape=(jax.ShapeDtypeStruct((B, S), jnp.int32),
               jax.ShapeDtypeStruct((B, S), jnp.float32),
               jax.ShapeDtypeStruct((B, S), jnp.float32),
               jax.ShapeDtypeStruct((B, S), jnp.float32)),
)


def _sqd_body(nx_ref, x_ref, o_ref):
    nx = nx_ref[0]
    x = x_ref[0]
    mm = lax.dot_general(nx, x, (((1,), (1,)), ((), ())),
                         preferred_element_type=jnp.float32)
    dist = -2.0 * mm
    dist = dist + jnp.sum(nx ** 2, axis=1)[:, None]
    dist = dist + jnp.sum(x ** 2, axis=1)[None, :]
    o_ref[0] = dist


_sqd_call = pl.pallas_call(
    _sqd_body,
    grid=(B,),
    in_specs=[pl.BlockSpec((1, S, 3), lambda b: (b, 0, 0)),
              pl.BlockSpec((1, N, 3), lambda b: (b, 0, 0))],
    out_specs=pl.BlockSpec((1, S, N), lambda b: (b, 0, 0)),
    out_shape=jax.ShapeDtypeStruct((B, S, N), jnp.float32),
)


def _make_sc_select_gather():
    info = plsc.get_sparse_core_info()
    nc, ns = info.num_cores, info.num_subcores
    nw = nc * ns
    rows_per_w = NROWS // nw
    nchunks = N // 16
    r2 = tuple(np.float32(r ** 2) for r in RADII)
    mesh = plsc.VectorSubcoreMesh(core_axis_name="c", subcore_axis_name="s")

    @functools.partial(
        pl.kernel,
        out_type=tuple(jax.ShapeDtypeStruct((NROWS * k, CPAD), jnp.float32)
                       for k in KS),
        mesh=mesh,
        compiler_params=pltpu.CompilerParams(needs_layout_passes=False),
        scratch_types=(
            [pltpu.VMEM((2, N), jnp.float32)]
            + [pltpu.VMEM((k + 16,), jnp.int32) for k in KS]
            + [pltpu.VMEM((k,), jnp.int32) for k in KS]
            + [pltpu.VMEM((2, k, CPAD), jnp.float32) for k in KS]
            + [pltpu.SemaphoreType.DMA] * 2
            + [pltpu.SemaphoreType.DMA] * 3
            + [pltpu.SemaphoreType.DMA] * 6
        ),
    )
    def sc_kernel(sqd_hbm, src_hbm, g1_hbm, g2_hbm, g3_hbm,
                  dist_db, rb1, rb2, rb3, fb1, fb2, fb3,
                  st1, st2, st3, dsa, dsb, gs1, gs2, gs3,
                  ws10, ws11, ws20, ws21, ws30, ws31):
        wid = lax.axis_index("s") * nc + lax.axis_index("c")
        row0 = wid * rows_per_w
        g_hbms = (g1_hbm, g2_hbm, g3_hbm)
        rbufs = (rb1, rb2, rb3)
        fbufs = (fb1, fb2, fb3)
        stages = (st1, st2, st3)
        dsems = (dsa, dsb)
        gsems = (gs1, gs2, gs3)
        wsems = ((ws10, ws11), (ws20, ws21), (ws30, ws31))
        pad = jnp.full((16,), N - 1, jnp.int32)
        ones16 = jnp.full((16,), 1, jnp.int32)
        zers16 = jnp.full((16,), 0, jnp.int32)
        iota16 = lax.iota(jnp.int32, 16)

        pltpu.async_copy(sqd_hbm.at[row0], dist_db.at[0], dsems[0])

        def process(r, p):
            row = row0 + r
            pltpu.make_async_copy(sqd_hbm.at[row], dist_db.at[p],
                                  dsems[p]).wait()

            @pl.when(r + 1 < rows_per_w)
            def _():
                pltpu.async_copy(sqd_hbm.at[row + 1], dist_db.at[1 - p],
                                 dsems[1 - p])

            for bi, k in enumerate(KS):
                for cc in range((k + 16) // 16):
                    rbufs[bi][pl.ds(cc * 16, 16)] = pad

            def chunk(c, counts):
                v = dist_db[p, pl.ds(c * 16, 16)]
                idxv = iota16 + c * 16
                new_counts = []
                for bi, k in enumerate(KS):
                    mask = v <= r2[bi]
                    cntv = counts[bi]
                    mi = jnp.where(mask, ones16, zers16)
                    s = plsc.cumsum(mi)
                    pos = jnp.minimum(cntv + s - 1, k)
                    plsc.store_scatter(rbufs[bi], [pos], idxv, mask=mask)
                    new_counts.append(
                        cntv + plsc.all_reduce_population_count(mask))
                return tuple(new_counts)

            lax.fori_loop(0, nchunks, chunk, (zers16, zers16, zers16),
                          unroll=2)

            base = (row // S) * N
            for bi, k in enumerate(KS):
                first = jnp.min(rbufs[bi][pl.ds(0, 16)], axis=0)
                for cc in range(k // 16):
                    w = rbufs[bi][pl.ds(cc * 16, 16)]
                    w = jnp.where(w == N - 1,
                                  jnp.broadcast_to(first, (16,)), w)
                    fbufs[bi][pl.ds(cc * 16, 16)] = w + base

            @pl.when(r >= 2)
            def _():
                for bi, k in enumerate(KS):
                    pltpu.make_async_copy(
                        stages[bi].at[p],
                        g_hbms[bi].at[pl.ds((row - 2) * k, k)],
                        wsems[bi][p]).wait()

            handles = [pltpu.async_copy(src_hbm.at[fbufs[bi]],
                                        stages[bi].at[p], gsems[bi])
                       for bi in range(3)]
            for bi, k in enumerate(KS):
                handles[bi].wait()
                pltpu.async_copy(stages[bi].at[p],
                                 g_hbms[bi].at[pl.ds(row * k, k)],
                                 wsems[bi][p])

        def pair(r2, _):
            process(2 * r2, 0)
            process(2 * r2 + 1, 1)
            return 0

        lax.fori_loop(0, rows_per_w // 2, pair, 0)

        for p in (0, 1):
            rlast = row0 + rows_per_w - 2 + p
            for bi, k in enumerate(KS):
                pltpu.make_async_copy(
                    stages[bi].at[p],
                    g_hbms[bi].at[pl.ds(rlast * k, k)],
                    wsems[bi][p]).wait()

    return sc_kernel


def _expand_centers(cblk, k, rb, c):
    return jnp.broadcast_to(cblk[:, None, :], (rb // k, k, c)).reshape(rb, c)


def _mlp_pass(phase, k, cdims, rb, g_ref, c_ref, *rest):
    nlayers = phase if phase < 3 else 3
    args = list(rest)
    widx = 0
    if phase == 0:
        x0 = g_ref[...][:, :GOUT]
        gsl_ref = args[2]
        gsl_ref[...] = x0
        args = args[:2] + args[3:]
    else:
        x0 = g_ref[...]
    x = x0 - _expand_centers(c_ref[...], k, rb, GOUT)
    pid = pl.program_id(0)
    nprog = pl.num_programs(0)
    for layer in range(3):
        w = args[widx][...]
        bias = args[widx + 1][...]
        widx += 2
        x = lax.dot_general(x, w, (((1,), (1,)), ((), ())),
                            preferred_element_type=jnp.float32) + bias
        if layer < nlayers:
            scale = args[widx][...]
            shift = args[widx + 1][...]
            widx += 2
            x = jnp.maximum(x * scale + shift, 0.0)
        else:
            break
    if phase < 3:
        out_ref = args[widx]
        ssum = args[widx + 1]
        ssq = args[widx + 2]

        @pl.when(pid == 0)
        def _():
            ssum[...] = jnp.zeros_like(ssum)
            ssq[...] = jnp.zeros_like(ssq)

        ssum[...] += jnp.sum(x, axis=0, keepdims=True)
        ssq[...] += jnp.sum(x * x, axis=0, keepdims=True)

        @pl.when(pid == nprog - 1)
        def _():
            out_ref[0:1, :] = ssum[...]
            out_ref[1:2, :] = ssq[...]
    else:
        out_ref = args[widx]
        cout = x.shape[-1]
        xg = x.reshape(rb // k, k, cout)
        out_ref[...] = jnp.max(xg, axis=1)


def _run_branch(g, centers, weights, k):
    cdims = [w[0].shape[0] for w in weights]
    rows = NROWS * k
    rb = 2048
    nprog = rows // rb
    n = float(rows)

    wflat = []
    for (w, bias, _, _) in weights:
        cout, cin = w.shape
        if cin == 35:
            w = jnp.pad(w, ((0, 0), (0, GOUT - 35)))
        wflat.append((w, bias.reshape(1, -1)))

    g_spec = pl.BlockSpec((rb, GOUT), lambda i: (i, 0))
    c_spec = pl.BlockSpec((rb // k, GOUT), lambda i: (i, 0))
    scales = []

    def wspecs(phase):
        sp = []
        nl = phase if phase < 3 else 3
        for layer in range(min(phase + 1, 3)):
            cout = cdims[layer]
            cin = GOUT if layer == 0 else cdims[layer - 1]
            sp.append(pl.BlockSpec((cout, cin), lambda i: (0, 0)))
            sp.append(pl.BlockSpec((1, cout), lambda i: (0, 0)))
            if layer < nl:
                sp.append(pl.BlockSpec((1, cout), lambda i: (0, 0)))
                sp.append(pl.BlockSpec((1, cout), lambda i: (0, 0)))
        return sp

    def wargs(phase):
        a = []
        nl = phase if phase < 3 else 3
        for layer in range(min(phase + 1, 3)):
            a.append(wflat[layer][0])
            a.append(wflat[layer][1])
            if layer < nl:
                a.append(scales[layer][0])
                a.append(scales[layer][1])
        return a

    gsl = None
    for phase in range(3):
        cout = cdims[phase]
        if phase == 0:
            gfull_spec = pl.BlockSpec((rb, CPAD), lambda i: (i, 0))
            gsl, stats = pl.pallas_call(
                functools.partial(_mlp_pass, phase, k, cdims, rb),
                grid=(nprog,),
                in_specs=[gfull_spec, c_spec] + wspecs(phase),
                out_specs=(g_spec, pl.BlockSpec((2, cout), lambda i: (0, 0))),
                out_shape=(jax.ShapeDtypeStruct((rows, GOUT), jnp.float32),
                           jax.ShapeDtypeStruct((2, cout), jnp.float32)),
                scratch_shapes=[pltpu.VMEM((1, cout), jnp.float32),
                                pltpu.VMEM((1, cout), jnp.float32)],
            )(g, centers, *wargs(phase))
        else:
            stats = pl.pallas_call(
                functools.partial(_mlp_pass, phase, k, cdims, rb),
                grid=(nprog,),
                in_specs=[g_spec, c_spec] + wspecs(phase),
                out_specs=pl.BlockSpec((2, cout), lambda i: (0, 0)),
                out_shape=jax.ShapeDtypeStruct((2, cout), jnp.float32),
                scratch_shapes=[pltpu.VMEM((1, cout), jnp.float32),
                                pltpu.VMEM((1, cout), jnp.float32)],
            )(gsl, centers, *wargs(phase))
        mean = stats[0] / n
        var = stats[1] / n - mean * mean
        gamma = weights[phase][2]
        beta = weights[phase][3]
        scale = (gamma / jnp.sqrt(var + BN_EPS)).reshape(1, -1)
        shift = (beta - mean * scale[0]).reshape(1, -1)
        scales.append((scale, shift))

    c3 = cdims[2]
    out = pl.pallas_call(
        functools.partial(_mlp_pass, 3, k, cdims, rb),
        grid=(nprog,),
        in_specs=[g_spec, c_spec] + wspecs(3),
        out_specs=pl.BlockSpec((rb // k, c3), lambda i: (i, 0)),
        out_shape=jax.ShapeDtypeStruct((NROWS, c3), jnp.float32),
    )(gsl, centers, *wargs(3))
    return out


_sc_select_gather = None


def kernel(point_coordinates, features, params):
    global _sc_select_gather
    if _sc_select_gather is None:
        _sc_select_gather = _make_sc_select_gather()

    fps_idx, nx, ny, nz = _fps_call(point_coordinates)
    new_xyz = jnp.stack([nx, ny, nz], axis=-1)
    pc = jnp.transpose(point_coordinates, (0, 2, 1))
    sqd = _sqd_call(new_xyz, pc)

    feats = jnp.transpose(features, (0, 2, 1))
    src = jnp.concatenate(
        [feats, pc, jnp.zeros((B, N, CPAD - 35), jnp.float32)], axis=-1)
    src = src.reshape(B * N, CPAD)

    g1, g2, g3 = _sc_select_gather(sqd.reshape(NROWS, N), src)

    centers = jnp.concatenate(
        [jnp.zeros((B, S, 32), jnp.float32), new_xyz,
         jnp.zeros((B, S, GOUT - 35), jnp.float32)], axis=-1)
    centers = centers.reshape(NROWS, GOUT)

    outs = []
    for g, w, k in zip((g1, g2, g3), params, KS):
        outs.append(_run_branch(g, centers, w, k))
    feats_out = jnp.concatenate(outs, axis=-1)
    feats_out = jnp.transpose(feats_out.reshape(B, S, 320), (0, 2, 1))
    new_xyz_out = jnp.transpose(new_xyz, (0, 2, 1))
    return new_xyz_out, feats_out

# --- scband reference (transcript-rebuilt; emitter-appended) ---
"""Pipeline reference for scband-point-net-set-abstraction-msg-46119358825116 (READ-ONLY COPY).

The authoritative reference and input builder live on the scoring server;
editing this copy changes nothing except your own understanding.
"""

import jax, jax.numpy as jnp
import numpy as np

NUM_POINTS = 512
RADIUS_LIST = [0.1, 0.2, 0.4]
NUM_SAMPLE_LIST = [16, 32, 64]
IN_CHANNEL = 35
MLP_LIST = [[32, 32, 64], [64, 64, 128], [64, 96, 128]]


def square_distance(src, dst):
    dist = -2.0 * jnp.matmul(src, jnp.transpose(dst, (0, 2, 1)))
    dist = dist + jnp.sum(src ** 2, -1)[:, :, None]
    dist = dist + jnp.sum(dst ** 2, -1)[:, None, :]
    return dist


def index_points(points, idx):
    B = points.shape[0]
    b = jnp.arange(B).reshape((B,) + (1,) * (idx.ndim - 1))
    return points[b, idx]


def farthest_point_sample(points, num_points):
    B, N, _ = points.shape
    def body(carry, i):
        centroids, distance, farthest = carry
        centroids = centroids.at[:, i].set(farthest)
        centroid = points[jnp.arange(B), farthest][:, None, :]
        dist = jnp.sum((points - centroid) ** 2, -1)
        distance = jnp.minimum(distance, dist)
        farthest = jnp.argmax(distance, -1).astype(jnp.int32)
        return (centroids, distance, farthest), None
    init = (jnp.zeros((B, num_points), dtype=jnp.int32),
            jnp.full((B, N), 1e10, dtype=points.dtype),
            jnp.zeros((B,), dtype=jnp.int32))
    (centroids, _, _), _ = jax.lax.scan(body, init, jnp.arange(num_points))
    return centroids


def query_ball_point(radius, k, xyz, new_xyz):
    B, N, _ = xyz.shape
    S = new_xyz.shape[1]
    sqrdists = square_distance(new_xyz, xyz)
    group_idx = jnp.broadcast_to(jnp.arange(N, dtype=jnp.int32), (B, S, N))
    group_idx = jnp.where(sqrdists > radius ** 2, N - 1, group_idx)
    group_idx = jnp.sort(group_idx, axis=-1)[:, :, :k]
    group_first = jnp.broadcast_to(group_idx[:, :, :1], group_idx.shape)
    group_idx = jnp.where(group_idx == N - 1, group_first, group_idx)
    return group_idx


def batch_norm(x, gamma, beta, eps=1e-5):
    mean = jnp.mean(x, axis=(0, 2, 3), keepdims=True)
    var = jnp.var(x, axis=(0, 2, 3), keepdims=True)
    xn = (x - mean) / jnp.sqrt(var + eps)
    return xn * gamma.reshape(1, -1, 1, 1) + beta.reshape(1, -1, 1, 1)


def _forward(point_coordinates, features, params):
    pc = jnp.transpose(point_coordinates, (0, 2, 1))
    feats = jnp.transpose(features, (0, 2, 1))
    B, N, C = pc.shape
    fps_idx = farthest_point_sample(jax.lax.stop_gradient(pc), NUM_POINTS)
    new_xyz = index_points(pc, fps_idx)
    new_features_list = []
    for i, radius in enumerate(RADIUS_LIST):
        k = NUM_SAMPLE_LIST[i]
        group_idx = query_ball_point(radius, k, pc, new_xyz)
        grouped_xyz = index_points(pc, group_idx) - new_xyz[:, :, None, :]
        grouped_feats = index_points(feats, group_idx)
        grouped = jnp.concatenate([grouped_feats, grouped_xyz], axis=-1)
        grouped = jnp.transpose(grouped, (0, 3, 2, 1))
        for (W, b, gamma, beta) in params[i]:
            grouped = jnp.einsum('bchw,oc->bohw', grouped, W) + b.reshape(1, -1, 1, 1)
            grouped = jax.nn.relu(batch_norm(grouped, gamma, beta))
        new_features_list.append(jnp.max(grouped, axis=2))
    new_xyz_out = jnp.transpose(new_xyz, (0, 2, 1))
    return new_xyz_out, jnp.concatenate(new_features_list, axis=1)


def setup_inputs(seed: int = 0):
    key = jax.random.key(seed)
    kp, kf, kw = jax.random.split(key, 3)
    point_coordinates = jax.random.uniform(kp, (8, 3, 2048), dtype=jnp.float32)
    features = jax.random.normal(kf, (8, 32, 2048), dtype=jnp.float32)
    params = []
    for branch in MLP_LIST:
        layers = []
        prev = IN_CHANNEL
        for out in branch:
            kw, k1 = jax.random.split(kw)
            W = jax.random.normal(k1, (out, prev), dtype=jnp.float32) / np.sqrt(prev)
            layers.append((W, jnp.zeros((out,), jnp.float32), jnp.ones((out,), jnp.float32), jnp.zeros((out,), jnp.float32)))
            prev = out
        params.append(layers)
    return {"point_coordinates": point_coordinates, "features": features, "params": params}


def reference(point_coordinates, features, params):
    return _forward(point_coordinates, features, params)

if __name__ == "__main__":
    import jax
    _d = setup_inputs()
    print(jax.jit(kernel)(*tuple(_d.values())))

</pallas_src>

<mosaic_0001>
#map = affine_map<(d0, d1) -> (0, 0)>
module attributes {stable_mosaic.version = 14 : i64} {
  func.func @sc_kernel(%arg0: i32, %arg1: i32, %arg2: memref<4096x2048xf32, #tpu.memory_space<hbm>>, %arg3: memref<16384x128xf32, #tpu.memory_space<hbm>>, %arg4: memref<65536x128xf32, #tpu.memory_space<hbm>>, %arg5: memref<131072x128xf32, #tpu.memory_space<hbm>>, %arg6: memref<262144x128xf32, #tpu.memory_space<hbm>>, %arg7: memref<2x2048xf32, #tpu.memory_space<vmem>>, %arg8: memref<32xi32, #tpu.memory_space<vmem>>, %arg9: memref<48xi32, #tpu.memory_space<vmem>>, %arg10: memref<80xi32, #tpu.memory_space<vmem>>, %arg11: memref<16xi32, #tpu.memory_space<vmem>>, %arg12: memref<32xi32, #tpu.memory_space<vmem>>, %arg13: memref<64xi32, #tpu.memory_space<vmem>>, %arg14: memref<2x16x128xf32, #tpu.memory_space<vmem>>, %arg15: memref<2x32x128xf32, #tpu.memory_space<vmem>>, %arg16: memref<2x64x128xf32, #tpu.memory_space<vmem>>, %arg17: memref<!tpu.dma_semaphore, #tpu.memory_space<semaphore_mem>>, %arg18: memref<!tpu.dma_semaphore, #tpu.memory_space<semaphore_mem>>, %arg19: memref<!tpu.dma_semaphore, #tpu.memory_space<semaphore_mem>>, %arg20: memref<!tpu.dma_semaphore, #tpu.memory_space<semaphore_mem>>, %arg21: memref<!tpu.dma_semaphore, #tpu.memory_space<semaphore_mem>>, %arg22: memref<!tpu.dma_semaphore, #tpu.memory_space<semaphore_mem>>, %arg23: memref<!tpu.dma_semaphore, #tpu.memory_space<semaphore_mem>>, %arg24: memref<!tpu.dma_semaphore, #tpu.memory_space<semaphore_mem>>, %arg25: memref<!tpu.dma_semaphore, #tpu.memory_space<semaphore_mem>>, %arg26: memref<!tpu.dma_semaphore, #tpu.memory_space<semaphore_mem>>, %arg27: memref<!tpu.dma_semaphore, #tpu.memory_space<semaphore_mem>>) attributes {dimension_semantics = [#tpu.dimension_semantics<core_parallel>, #tpu.dimension_semantics<subcore_parallel>], iteration_bounds = array<i64: 2, 16>, scalar_prefetch = 0 : i64, scratch_operands = 21 : i64, tpu.core_type = #tpu.core_type<sc_vector_subcore>, window_params = [{transform_indices = #map}, {transform_indices = #map}, {transform_indices = #map}, {transform_indices = #map}, {transform_indices = #map}]} {
    %mul3A = arith.constant 2 : i32
    %mul3A_0 = arith.muli %arg1, %mul3A : i32
    %add3A = arith.addi %mul3A_0, %arg0 : i32
    %mul3A_1 = arith.constant 128 : i32
    %mul3A_2 = arith.muli %add3A, %mul3A_1 : i32
    %broadcast_in_dim3A = arith.constant 2047 : i32
    %broadcast_in_dim3A_3 = vector.broadcast %broadcast_in_dim3A : i32 to vector<16xi32>
    %broadcast_in_dim3A_4 = arith.constant 1 : i32
    %broadcast_in_dim3A_5 = vector.broadcast %broadcast_in_dim3A_4 : i32 to vector<16xi32>
    %broadcast_in_dim3A_6 = arith.constant 0 : i32
    %broadcast_in_dim3A_7 = vector.broadcast %broadcast_in_dim3A_6 : i32 to vector<16xi32>
    %iota3A = tpu.iota {dimensions = array<i32: 0>} : vector<16xi32>
    %dma_start3A = arith.constant 0 : i32
    %dma_start3A_8 = arith.constant 0 : i32
    %dma_start3A_9 = tpu.memref_slice %arg7[%dma_start3A, %dma_start3A_8] : memref<2x2048xf32, #tpu.memory_space<vmem>> -> memref<1x2048xf32, #tpu.memory_space<vmem>>
    %dma_start3A_10 = tpu.memref_squeeze %dma_start3A_9 : memref<1x2048xf32, #tpu.memory_space<vmem>> -> memref<2048xf32, #tpu.memory_space<vmem>>
    %dma_start3A_11 = arith.constant 0 : i32
    %dma_start3A_12 = tpu.memref_slice %arg2[%mul3A_2, %dma_start3A_11] : memref<4096x2048xf32, #tpu.memory_space<hbm>> -> memref<1x2048xf32, #tpu.memory_space<hbm>>
    %dma_start3A_13 = tpu.memref_squeeze %dma_start3A_12 : memref<1x2048xf32, #tpu.memory_space<hbm>> -> memref<2048xf32, #tpu.memory_space<hbm>>
    %dma_start3A_14 = arith.constant 0 : i32
    %dma_start3A_15 = tpu.memref_slice %arg7[%dma_start3A, %dma_start3A_14] : memref<2x2048xf32, #tpu.memory_space<vmem>> -> memref<1x2048xf32, #tpu.memory_space<vmem>>
    %dma_start3A_16 = tpu.memref_squeeze %dma_start3A_15 : memref<1x2048xf32, #tpu.memory_space<vmem>> -> memref<2048xf32, #tpu.memory_space<vmem>>
    %dma_start3A_17 = arith.constant 0 : i32
    %dma_start3A_18 = tpu.memref_slice %arg2[%mul3A_2, %dma_start3A_17] : memref<4096x2048xf32, #tpu.memory_space<hbm>> -> memref<1x2048xf32, #tpu.memory_space<hbm>>
    %dma_start3A_19 = tpu.memref_squeeze %dma_start3A_18 : memref<1x2048xf32, #tpu.memory_space<hbm>> -> memref<2048xf32, #tpu.memory_space<hbm>>
    tpu.enqueue_dma source(%dma_start3A_19 : memref<2048xf32, #tpu.memory_space<hbm>>) target(%dma_start3A_16 : memref<2048xf32, #tpu.memory_space<vmem>>) target_semaphore(%arg17 : memref<!tpu.dma_semaphore, #tpu.memory_space<semaphore_mem>>)
    %scan3A = arith.constant 0 : i32
    %scan3A_20 = arith.constant 0 : i32
    %scan3A_21 = arith.constant 64 : i32
    %scan3A_22 = arith.addi %scan3A_20, %scan3A_21 : i32
    %scan3A_23 = arith.constant 1 : i32
    %scan3A_24 = scf.for %scan3A_126 = %scan3A_20 to %scan3A_22 step %scan3A_23 iter_args(%scan3A_127 = %scan3A) -> (i32)  : i32 {
      %mul3A_128 = arith.constant 2 : i32
      %mul3A_129 = arith.muli %mul3A_128, %scan3A_126 : i32
      %add3A_130 = arith.addi %mul3A_2, %mul3A_129 : i32
      %dma_wait3A_131 = arith.constant 0 : i32
      %dma_wait3A_132 = arith.constant 0 : i32
      %dma_wait3A_133 = tpu.memref_slice %arg7[%dma_wait3A_131, %dma_wait3A_132] : memref<2x2048xf32, #tpu.memory_space<vmem>> -> memref<1x2048xf32, #tpu.memory_space<vmem>>
      %dma_wait3A_134 = tpu.memref_squeeze %dma_wait3A_133 : memref<1x2048xf32, #tpu.memory_space<vmem>> -> memref<2048xf32, #tpu.memory_space<vmem>>
      %dma_wait3A_135 = arith.constant 0 : i32
      %dma_wait3A_136 = tpu.memref_slice %arg2[%add3A_130, %dma_wait3A_135] : memref<4096x2048xf32, #tpu.memory_space<hbm>> -> memref<1x2048xf32, #tpu.memory_space<hbm>>
      %dma_wait3A_137 = tpu.memref_squeeze %dma_wait3A_136 : memref<1x2048xf32, #tpu.memory_space<hbm>> -> memref<2048xf32, #tpu.memory_space<hbm>>
      %dma_wait3A_138 = arith.constant 0 : i32
      %dma_wait3A_139 = tpu.memref_slice %arg7[%dma_wait3A_131, %dma_wait3A_138] : memref<2x2048xf32, #tpu.memory_space<vmem>> -> memref<1x2048xf32, #tpu.memory_space<vmem>>
      %dma_wait3A_140 = tpu.memref_squeeze %dma_wait3A_139 : memref<1x2048xf32, #tpu.memory_space<vmem>> -> memref<2048xf32, #tpu.memory_space<vmem>>
      %dma_wait3A_141 = arith.constant 0 : i32
      %dma_wait3A_142 = tpu.memref_slice %arg2[%add3A_130, %dma_wait3A_141] : memref<4096x2048xf32, #tpu.memory_space<hbm>> -> memref<1x2048xf32, #tpu.memory_space<hbm>>
      %dma_wait3A_143 = tpu.memref_squeeze %dma_wait3A_142 : memref<1x2048xf32, #tpu.memory_space<hbm>> -> memref<2048xf32, #tpu.memory_space<hbm>>
      tpu.wait_dma2 semaphore(%arg17 : memref<!tpu.dma_semaphore, #tpu.memory_space<semaphore_mem>>) src(%dma_wait3A_143 : memref<2048xf32, #tpu.memory_space<hbm>>) dst(%dma_wait3A_140 : memref<2048xf32, #tpu.memory_space<vmem>>)
      %add3A_144 = arith.constant 1 : i32
      %add3A_145 = arith.addi %mul3A_129, %add3A_144 : i32
      %lt3A = arith.constant 128 : i32
      %lt3A_146 = arith.cmpi slt, %add3A_145, %lt3A : i32
      %convert_element_type3A = arith.extui %lt3A_146 : i1 to i32
      %cond3A = arith.constant 0 : i32
      %cond3A_147 = arith.cmpi ne, %convert_element_type3A, %cond3A : i32
      scf.if %cond3A_147 {
        %add3A_676 = arith.constant 1 : i32
        %add3A_677 = arith.addi %add3A_130, %add3A_676 : i32
        %dma_start3A_678 = arith.constant 1 : i32
        %dma_start3A_679 = arith.constant 0 : i32
        %dma_start3A_680 = tpu.memref_slice %arg7[%dma_start3A_678, %dma_start3A_679] : memref<2x2048xf32, #tpu.memory_space<vmem>> -> memref<1x2048xf32, #tpu.memory_space<vmem>>
        %dma_start3A_681 = tpu.memref_squeeze %dma_start3A_680 : memref<1x2048xf32, #tpu.memory_space<vmem>> -> memref<2048xf32, #tpu.memory_space<vmem>>
        %dma_start3A_682 = arith.constant 0 : i32
        %dma_start3A_683 = tpu.memref_slice %arg2[%add3A_677, %dma_start3A_682] : memref<4096x2048xf32, #tpu.memory_space<hbm>> -> memref<1x2048xf32, #tpu.memory_space<hbm>>
        %dma_start3A_684 = tpu.memref_squeeze %dma_start3A_683 : memref<1x2048xf32, #tpu.memory_space<hbm>> -> memref<2048xf32, #tpu.memory_space<hbm>>
        %dma_start3A_685 = arith.constant 0 : i32
        %dma_start3A_686 = tpu.memref_slice %arg7[%dma_start3A_678, %dma_start3A_685] : memref<2x2048xf32, #tpu.memory_space<vmem>> -> memref<1x2048xf32, #tpu.memory_space<vmem>>
        %dma_start3A_687 = tpu.memref_squeeze %dma_start3A_686 : memref<1x2048xf32, #tpu.memory_space<vmem>> -> memref<2048xf32, #tpu.memory_space<vmem>>
        %dma_start3A_688 = arith.constant 0 : i32
        %dma_start3A_689 = tpu.memref_slice %arg2[%add3A_677, %dma_start3A_688] : memref<4096x2048xf32, #tpu.memory_space<hbm>> -> memref<1x2048xf32, #tpu.memory_space<hbm>>
        %dma_start3A_690 = tpu.memref_squeeze %dma_start3A_689 : memref<1x2048xf32, #tpu.memory_space<hbm>> -> memref<2048xf32, #tpu.memory_space<hbm>>
        tpu.enqueue_dma source(%dma_start3A_690 : memref<2048xf32, #tpu.memory_space<hbm>>) target(%dma_start3A_687 : memref<2048xf32, #tpu.memory_space<vmem>>) target_semaphore(%arg18 : memref<!tpu.dma_semaphore, #tpu.memory_space<semaphore_mem>>)
      } else {
      }
      %swap3A = arith.constant 0 : index
      %swap3A_148 = tpu.vector_load %arg8[%swap3A] {strides = array<i32>} : memref<32xi32, #tpu.memory_space<vmem>>, vector<16xi32>,
      tpu.vector_store %arg8[%swap3A], %broadcast_in_dim3A_3 {strides = array<i32>} : memref<32xi32, #tpu.memory_space<vmem>>, vector<16xi32>,
      %swap3A_149 = arith.constant 16 : index
      %swap3A_150 = tpu.vector_load %arg8[%swap3A_149] {strides = array<i32>} : memref<32xi32, #tpu.memory_space<vmem>>, vector<16xi32>,
      tpu.vector_store %arg8[%swap3A_149], %broadcast_in_dim3A_3 {strides = array<i32>} : memref<32xi32, #tpu.memory_space<vmem>>, vector<16xi32>,
      %swap3A_151 = arith.constant 0 : index
      %swap3A_152 = tpu.vector_load %arg9[%swap3A_151] {strides = array<i32>} : memref<48xi32, #tpu.memory_space<vmem>>, vector<16xi32>,
      tpu.vector_store %arg9[%swap3A_151], %broadcast_in_dim3A_3 {strides = array<i32>} : memref<48xi32, #tpu.memory_space<vmem>>, vector<16xi32>,
      %swap3A_153 = arith.constant 16 : index
      %swap3A_154 = tpu.vector_load %arg9[%swap3A_153] {strides = array<i32>} : memref<48xi32, #tpu.memory_space<vmem>>, vector<16xi32>,
      tpu.vector_store %arg9[%swap3A_153], %broadcast_in_dim3A_3 {strides = array<i32>} : memref<48xi32, #tpu.memory_space<vmem>>, vector<16xi32>,
      %swap3A_155 = arith.constant 32 : index
      %swap3A_156 = tpu.vector_load %arg9[%swap3A_155] {strides = array<i32>} : memref<48xi32, #tpu.memory_space<vmem>>, vector<16xi32>,
      tpu.vector_store %arg9[%swap3A_155], %broadcast_in_dim3A_3 {strides = array<i32>} : memref<48xi32, #tpu.memory_space<vmem>>, vector<16xi32>,
      %swap3A_157 = arith.constant 0 : index
      %swap3A_158 = tpu.vector_load %arg10[%swap3A_157] {strides = array<i32>} : memref<80xi32, #tpu.memory_space<vmem>>, vector<16xi32>,
      tpu.vector_store %arg10[%swap3A_157], %broadcast_in_dim3A_3 {strides = array<i32>} : memref<80xi32, #tpu.memory_space<vmem>>, vector<16xi32>,
      %swap3A_159 = arith.constant 16 : index
      %swap3A_160 = tpu.vector_load %arg10[%swap3A_159] {strides = array<i32>} : memref<80xi32, #tpu.memory_space<vmem>>, vector<16xi32>,
      tpu.vector_store %arg10[%swap3A_159], %broadcast_in_dim3A_3 {strides = array<i32>} : memref<80xi32, #tpu.memory_space<vmem>>, vector<16xi32>,
      %swap3A_161 = arith.constant 32 : index
      %swap3A_162 = tpu.vector_load %arg10[%swap3A_161] {strides = array<i32>} : memref<80xi32, #tpu.memory_space<vmem>>, vector<16xi32>,
      tpu.vector_store %arg10[%swap3A_161], %broadcast_in_dim3A_3 {strides = array<i32>} : memref<80xi32, #tpu.memory_space<vmem>>, vector<16xi32>,
      %swap3A_163 = arith.constant 48 : index
      %swap3A_164 = tpu.vector_load %arg10[%swap3A_163] {strides = array<i32>} : memref<80xi32, #tpu.memory_space<vmem>>, vector<16xi32>,
      tpu.vector_store %arg10[%swap3A_163], %broadcast_in_dim3A_3 {strides = array<i32>} : memref<80xi32, #tpu.memory_space<vmem>>, vector<16xi32>,
      %swap3A_165 = arith.constant 64 : index
      %swap3A_166 = tpu.vector_load %arg10[%swap3A_165] {strides = array<i32>} : memref<80xi32, #tpu.memory_space<vmem>>, vector<16xi32>,
      tpu.vector_store %arg10[%swap3A_165], %broadcast_in_dim3A_3 {strides = array<i32>} : memref<80xi32, #tpu.memory_space<vmem>>, vector<16xi32>,
      %scan3A_167 = arith.constant 0 : i32
      %scan3A_168 = arith.constant 128 : i32
      %scan3A_169 = arith.addi %scan3A_167, %scan3A_168 : i32
      %scan3A_170 = arith.constant 2 : i32
      %scan3A_171:3 = scf.for %scan3A_676 = %scan3A_167 to %scan3A_169 step %scan3A_170 iter_args(%scan3A_677 = %broadcast_in_dim3A_7, %scan3A_678 = %broadcast_in_dim3A_7, %scan3A_679 = %broadcast_in_dim3A_7) -> (vector<16xi32>, vector<16xi32>, vector<16xi32>)  : i32 {
        %mul3A_680 = arith.constant 16 : i32
        %mul3A_681 = arith.muli %scan3A_676, %mul3A_680 : i32
        %get3A_682 = arith.constant 0 : i32
        %get3A_683 = arith.index_cast %get3A_682 : i32 to index
        %get3A_684 = arith.index_cast %mul3A_681 : i32 to index
        %get3A_685 = tpu.vector_load %arg7[%get3A_683, %get3A_684] {strides = array<i32>} : memref<2x2048xf32, #tpu.memory_space<vmem>>, vector<16xf32>,
        %mul3A_686 = arith.constant 16 : i32
        %mul3A_687 = arith.muli %scan3A_676, %mul3A_686 : i32
        %add3A_688 = vector.broadcast %mul3A_687 : i32 to vector<16xi32>
        %add3A_689 = arith.addi %iota3A, %add3A_688 : vector<16xi32>
        %le3A = arith.constant 0.00999999977 : f32
        %le3A_690 = vector.broadcast %le3A : f32 to vector<16xf32>
        %le3A_691 = arith.cmpf ole, %get3A_685, %le3A_690 : vector<16xf32>
        %select_n3A_692 = arith.select %le3A_691, %broadcast_in_dim3A_5, %broadcast_in_dim3A_7 : vector<16xi1>, vector<16xi32>
        %broadcast_in_dim3A_693 = arith.constant true
        %broadcast_in_dim3A_694 = vector.broadcast %broadcast_in_dim3A_693 : i1 to vector<16xi1>
        %masked_cumsum3A = tpu.scan <sum>, %select_n3A_692 masked %broadcast_in_dim3A_694 : vector<16xi32>, vector<16xi1> -> vector<16xi32>
        %add3A_695 = arith.addi %scan3A_677, %masked_cumsum3A : vector<16xi32>
        %sub3A_696 = arith.constant 1 : i32
        %sub3A_697 = vector.broadcast %sub3A_696 : i32 to vector<16xi32>
        %sub3A_698 = arith.subi %add3A_695, %sub3A_697 : vector<16xi32>
        %min3A = arith.constant 16 : i32
        %min3A_699 = vector.broadcast %min3A : i32 to vector<16xi32>
        %min3A_700 = arith.minsi %sub3A_698, %min3A_699 : vector<16xi32>
        tpu.vector_store_idx %arg8[%min3A_700], %add3A_689 masked %le3A_691 : memref<32xi32, #tpu.memory_space<vmem>>[vector<16xi32>], vector<16xi32>, vector<16xi1>
        %all_reduce_population_count3A = tpu.all_reduce %le3A_691 {dim = 0 : i64, kind = #tpu.reduction_kind<sum>} : vector<16xi1> -> vector<16xi32>
        %add3A_701 = arith.addi %scan3A_677, %all_reduce_population_count3A : vector<16xi32>
        %le3A_702 = arith.constant 4.000000e-02 : f32
        %le3A_703 = vector.broadcast %le3A_702 : f32 to vector<16xf32>
        %le3A_704 = arith.cmpf ole, %get3A_685, %le3A_703 : vector<16xf32>
        %select_n3A_705 = arith.select %le3A_704, %broadcast_in_dim3A_5, %broadcast_in_dim3A_7 : vector<16xi1>, vector<16xi32>
        %broadcast_in_dim3A_706 = arith.constant true
        %broadcast_in_dim3A_707 = vector.broadcast %broadcast_in_dim3A_706 : i1 to vector<16xi1>
        %masked_cumsum3A_708 = tpu.scan <sum>, %select_n3A_705 masked %broadcast_in_dim3A_707 : vector<16xi32>, vector<16xi1> -> vector<16xi32>
        %add3A_709 = arith.addi %scan3A_678, %masked_cumsum3A_708 : vector<16xi32>
        %sub3A_710 = arith.constant 1 : i32
        %sub3A_711 = vector.broadcast %sub3A_710 : i32 to vector<16xi32>
        %sub3A_712 = arith.subi %add3A_709, %sub3A_711 : vector<16xi32>
        %min3A_713 = arith.constant 32 : i32
        %min3A_714 = vector.broadcast %min3A_713 : i32 to vector<16xi32>
        %min3A_715 = arith.minsi %sub3A_712, %min3A_714 : vector<16xi32>
        tpu.vector_store_idx %arg9[%min3A_715], %add3A_689 masked %le3A_704 : memref<48xi32, #tpu.memory_space<vmem>>[vector<16xi32>], vector<16xi32>, vector<16xi1>
        %all_reduce_population_count3A_716 = tpu.all_reduce %le3A_704 {dim = 0 : i64, kind = #tpu.reduction_kind<sum>} : vector<16xi1> -> vector<16xi32>
        %add3A_717 = arith.addi %scan3A_678, %all_reduce_population_count3A_716 : vector<16xi32>
        %le3A_718 = arith.constant 1.600000e-01 : f32
        %le3A_719 = vector.broadcast %le3A_718 : f32 to vector<16xf32>
        %le3A_720 = arith.cmpf ole, %get3A_685, %le3A_719 : vector<16xf32>
        %select_n3A_721 = arith.select %le3A_720, %broadcast_in_dim3A_5, %broadcast_in_dim3A_7 : vector<16xi1>, vector<16xi32>
        %broadcast_in_dim3A_722 = arith.constant true
        %broadcast_in_dim3A_723 = vector.broadcast %broadcast_in_dim3A_722 : i1 to vector<16xi1>
        %masked_cumsum3A_724 = tpu.scan <sum>, %select_n3A_721 masked %broadcast_in_dim3A_723 : vector<16xi32>, vector<16xi1> -> vector<16xi32>
        %add3A_725 = arith.addi %scan3A_679, %masked_cumsum3A_724 : vector<16xi32>
        %sub3A_726 = arith.constant 1 : i32
        %sub3A_727 = vector.broadcast %sub3A_726 : i32 to vector<16xi32>
        %sub3A_728 = arith.subi %add3A_725, %sub3A_727 : vector<16xi32>
        %min3A_729 = arith.constant 64 : i32
        %min3A_730 = vector.broadcast %min3A_729 : i32 to vector<16xi32>
        %min3A_731 = arith.minsi %sub3A_728, %min3A_730 : vector<16xi32>
        tpu.vector_store_idx %arg10[%min3A_731], %add3A_689 masked %le3A_720 : memref<80xi32, #tpu.memory_space<vmem>>[vector<16xi32>], vector<16xi32>, vector<16xi1>
        %all_reduce_population_count3A_732 = tpu.all_reduce %le3A_720 {dim = 0 : i64, kind = #tpu.reduction_kind<sum>} : vector<16xi1> -> vector<16xi32>
        %add3A_733 = arith.addi %scan3A_679, %all_reduce_population_count3A_732 : vector<16xi32>
        %scan3A_734 = arith.constant 1 : i32
        %scan3A_735 = arith.addi %scan3A_676, %scan3A_734 : i32
        %mul3A_736 = arith.constant 16 : i32
        %mul3A_737 = arith.muli %scan3A_735, %mul3A_736 : i32
        %get3A_738 = arith.constant 0 : i32
        %get3A_739 = arith.index_cast %get3A_738 : i32 to index
        %get3A_740 = arith.index_cast %mul3A_737 : i32 to index
        %get3A_741 = tpu.vector_load %arg7[%get3A_739, %get3A_740] {strides = array<i32>} : memref<2x2048xf32, #tpu.memory_space<vmem>>, vector<16xf32>,
        %mul3A_742 = arith.constant 16 : i32
        %mul3A_743 = arith.muli %scan3A_735, %mul3A_742 : i32
        %add3A_744 = vector.broadcast %mul3A_743 : i32 to vector<16xi32>
        %add3A_745 = arith.addi %iota3A, %add3A_744 : vector<16xi32>
        %le3A_746 = arith.constant 0.00999999977 : f32
        %le3A_747 = vector.broadcast %le3A_746 : f32 to vector<16xf32>
        %le3A_748 = arith.cmpf ole, %get3A_741, %le3A_747 : vector<16xf32>
        %select_n3A_749 = arith.select %le3A_748, %broadcast_in_dim3A_5, %broadcast_in_dim3A_7 : vector<16xi1>, vector<16xi32>
        %broadcast_in_dim3A_750 = arith.constant true
        %broadcast_in_dim3A_751 = vector.broadcast %broadcast_in_dim3A_750 : i1 to vector<16xi1>
        %masked_cumsum3A_752 = tpu.scan <sum>, %select_n3A_749 masked %broadcast_in_dim3A_751 : vector<16xi32>, vector<16xi1> -> vector<16xi32>
        %add3A_753 = arith.addi %add3A_701, %masked_cumsum3A_752 : vector<16xi32>
        %sub3A_754 = arith.constant 1 : i32
        %sub3A_755 = vector.broadcast %sub3A_754 : i32 to vector<16xi32>
        %sub3A_756 = arith.subi %add3A_753, %sub3A_755 : vector<16xi32>
        %min3A_757 = arith.constant 16 : i32
        %min3A_758 = vector.broadcast %min3A_757 : i32 to vector<16xi32>
        %min3A_759 = arith.minsi %sub3A_756, %min3A_758 : vector<16xi32>
        tpu.vector_store_idx %arg8[%min3A_759], %add3A_745 masked %le3A_748 : memref<32xi32, #tpu.memory_space<vmem>>[vector<16xi32>], vector<16xi32>, vector<16xi1>
        %all_reduce_population_count3A_760 = tpu.all_reduce %le3A_748 {dim = 0 : i64, kind = #tpu.reduction_kind<sum>} : vector<16xi1> -> vector<16xi32>
        %add3A_761 = arith.addi %add3A_701, %all_reduce_population_count3A_760 : vector<16xi32>
        %le3A_762 = arith.constant 4.000000e-02 : f32
        %le3A_763 = vector.broadcast %le3A_762 : f32 to vector<16xf32>
        %le3A_764 = arith.cmpf ole, %get3A_741, %le3A_763 : vector<16xf32>
        %select_n3A_765 = arith.select %le3A_764, %broadcast_in_dim3A_5, %broadcast_in_dim3A_7 : vector<16xi1>, vector<16xi32>
        %broadcast_in_dim3A_766 = arith.constant true
        %broadcast_in_dim3A_767 = vector.broadcast %broadcast_in_dim3A_766 : i1 to vector<16xi1>
        %masked_cumsum3A_768 = tpu.scan <sum>, %select_n3A_765 masked %broadcast_in_dim3A_767 : vector<16xi32>, vector<16xi1> -> vector<16xi32>
        %add3A_769 = arith.addi %add3A_717, %masked_cumsum3A_768 : vector<16xi32>
        %sub3A_770 = arith.constant 1 : i32
        %sub3A_771 = vector.broadcast %sub3A_770 : i32 to vector<16xi32>
        %sub3A_772 = arith.subi %add3A_769, %sub3A_771 : vector<16xi32>
        %min3A_773 = arith.constant 32 : i32
        %min3A_774 = vector.broadcast %min3A_773 : i32 to vector<16xi32>
        %min3A_775 = arith.minsi %sub3A_772, %min3A_774 : vector<16xi32>
        tpu.vector_store_idx %arg9[%min3A_775], %add3A_745 masked %le3A_764 : memref<48xi32, #tpu.memory_space<vmem>>[vector<16xi32>], vector<16xi32>, vector<16xi1>
        %all_reduce_population_count3A_776 = tpu.all_reduce %le3A_764 {dim = 0 : i64, kind = #tpu.reduction_kind<sum>} : vector<16xi1> -> vector<16xi32>
        %add3A_777 = arith.addi %add3A_717, %all_reduce_population_count3A_776 : vector<16xi32>
        %le3A_778 = arith.constant 1.600000e-01 : f32
        %le3A_779 = vector.broadcast %le3A_778 : f32 to vector<16xf32>
        %le3A_780 = arith.cmpf ole, %get3A_741, %le3A_779 : vector<16xf32>
        %select_n3A_781 = arith.select %le3A_780, %broadcast_in_dim3A_5, %broadcast_in_dim3A_7 : vector<16xi1>, vector<16xi32>
        %broadcast_in_dim3A_782 = arith.constant true
        %broadcast_in_dim3A_783 = vector.broadcast %broadcast_in_dim3A_782 : i1 to vector<16xi1>
        %masked_cumsum3A_784 = tpu.scan <sum>, %select_n3A_781 masked %broadcast_in_dim3A_783 : vector<16xi32>, vector<16xi1> -> vector<16xi32>
        %add3A_785 = arith.addi %add3A_733, %masked_cumsum3A_784 : vector<16xi32>
        %sub3A_786 = arith.constant 1 : i32
        %sub3A_787 = vector.broadcast %sub3A_786 : i32 to vector<16xi32>
        %sub3A_788 = arith.subi %add3A_785, %sub3A_787 : vector<16xi32>
        %min3A_789 = arith.constant 64 : i32
        %min3A_790 = vector.broadcast %min3A_789 : i32 to vector<16xi32>
        %min3A_791 = arith.minsi %sub3A_788, %min3A_790 : vector<16xi32>
        tpu.vector_store_idx %arg10[%min3A_791], %add3A_745 masked %le3A_780 : memref<80xi32, #tpu.memory_space<vmem>>[vector<16xi32>], vector<16xi32>, vector<16xi1>
        %all_reduce_population_count3A_792 = tpu.all_reduce %le3A_780 {dim = 0 : i64, kind = #tpu.reduction_kind<sum>} : vector<16xi1> -> vector<16xi32>
        %add3A_793 = arith.addi %add3A_733, %all_reduce_population_count3A_792 : vector<16xi32>
        scf.yield %add3A_761, %add3A_777, %add3A_793 : vector<16xi32>, vector<16xi32>, vector<16xi32>
      }
      %scan3A_172 = arith.constant 128 : i32
      %jit3A = arith.constant 512 : i32
      %div3A = arith.divsi %add3A_130, %jit3A : i32
      %sign3A = arith.constant 0 : i32
      %sign3A_173 = arith.cmpi sgt, %add3A_130, %sign3A : i32
      %sign3A_174 = arith.extui %sign3A_173 : i1 to i32
      %sign3A_175 = arith.constant 0 : i32
      %sign3A_176 = arith.cmpi slt, %add3A_130, %sign3A_175 : i32
      %sign3A_177 = arith.extui %sign3A_176 : i1 to i32
      %sign3A_178 = arith.subi %sign3A_174, %sign3A_177 : i32
      %sign3A_179 = arith.constant 0 : i32
      %sign3A_180 = arith.cmpi sgt, %jit3A, %sign3A_179 : i32
      %sign3A_181 = arith.extui %sign3A_180 : i1 to i32
      %sign3A_182 = arith.constant 0 : i32
      %sign3A_183 = arith.cmpi slt, %jit3A, %sign3A_182 : i32
      %sign3A_184 = arith.extui %sign3A_183 : i1 to i32
      %sign3A_185 = arith.subi %sign3A_181, %sign3A_184 : i32
      %ne3A = arith.cmpi ne, %sign3A_178, %sign3A_185 : i32
      %rem3A = arith.remsi %add3A_130, %jit3A : i32
      %ne3A_186 = arith.constant 0 : i32
      %ne3A_187 = arith.cmpi ne, %rem3A, %ne3A_186 : i32
      %and3A = arith.andi %ne3A, %ne3A_187 : i1
      %sub3A_188 = arith.constant 1 : i32
      %sub3A_189 = arith.subi %div3A, %sub3A_188 : i32
      %select_n3A = arith.select %and3A, %sub3A_189, %div3A : i32
      %mul3A_190 = arith.constant 2048 : i32
      %mul3A_191 = arith.muli %select_n3A, %mul3A_190 : i32
      %get3A = arith.constant 0 : index
      %get3A_192 = tpu.vector_load %arg8[%get3A] {strides = array<i32>} : memref<32xi32, #tpu.memory_space<vmem>>, vector<16xi32>,
      %reduce_min3A = arith.constant true
      %reduce_min3A_193 = vector.broadcast %reduce_min3A : i1 to vector<16xi1>
      %reduce_min3A_194 = arith.constant -2147483648 : i32
      %reduce_min3A_195 = vector.broadcast %reduce_min3A_194 : i32 to vector<16xi32>
      %reduce_min3A_196 = arith.xori %get3A_192, %reduce_min3A_195 : vector<16xi32>
      %reduce_min3A_197 = tpu.scan <min>, %reduce_min3A_196 masked %reduce_min3A_193 : vector<16xi32>, vector<16xi1> -> vector<16xi32>
      %reduce_min3A_198 = arith.xori %reduce_min3A_197, %reduce_min3A_195 : vector<16xi32>
      %reduce_min3A_199 = vector.extract %reduce_min3A_198[15] : i32 from vector<16xi32>
      %get3A_200 = arith.constant 0 : index
      %get3A_201 = tpu.vector_load %arg8[%get3A_200] {strides = array<i32>} : memref<32xi32, #tpu.memory_space<vmem>>, vector<16xi32>,
      %eq3A = arith.constant 2047 : i32
      %eq3A_202 = vector.broadcast %eq3A : i32 to vector<16xi32>
      %eq3A_203 = arith.cmpi eq, %get3A_201, %eq3A_202 : vector<16xi32>
      %broadcast_in_dim3A_204 = vector.broadcast %reduce_min3A_199 : i32 to vector<16xi32>
      %select_n3A_205 = arith.select %eq3A_203, %broadcast_in_dim3A_204, %get3A_201 : vector<16xi1>, vector<16xi32>
      %add3A_206 = vector.broadcast %mul3A_191 : i32 to vector<16xi32>
      %add3A_207 = arith.addi %select_n3A_205, %add3A_206 : vector<16xi32>
      %swap3A_208 = arith.constant 0 : index
      %swap3A_209 = tpu.vector_load %arg11[%swap3A_208] {strides = array<i32>} : memref<16xi32, #tpu.memory_space<vmem>>, vector<16xi32>,
      tpu.vector_store %arg11[%swap3A_208], %add3A_207 {strides = array<i32>} : memref<16xi32, #tpu.memory_space<vmem>>, vector<16xi32>,
      %get3A_210 = arith.constant 0 : index
      %get3A_211 = tpu.vector_load %arg9[%get3A_210] {strides = array<i32>} : memref<48xi32, #tpu.memory_space<vmem>>, vector<16xi32>,
      %reduce_min3A_212 = arith.constant true
      %reduce_min3A_213 = vector.broadcast %reduce_min3A_212 : i1 to vector<16xi1>
      %reduce_min3A_214 = arith.constant -2147483648 : i32
      %reduce_min3A_215 = vector.broadcast %reduce_min3A_214 : i32 to vector<16xi32>
      %reduce_min3A_216 = arith.xori %get3A_211, %reduce_min3A_215 : vector<16xi32>
      %reduce_min3A_217 = tpu.scan <min>, %reduce_min3A_216 masked %reduce_min3A_213 : vector<16xi32>, vector<16xi1> -> vector<16xi32>
      %reduce_min3A_218 = arith.xori %reduce_min3A_217, %reduce_min3A_215 : vector<16xi32>
      %reduce_min3A_219 = vector.extract %reduce_min3A_218[15] : i32 from vector<16xi32>
      %get3A_220 = arith.constant 0 : index
      %get3A_221 = tpu.vector_load %arg9[%get3A_220] {strides = array<i32>} : memref<48xi32, #tpu.memory_space<vmem>>, vector<16xi32>,
      %eq3A_222 = arith.constant 2047 : i32
      %eq3A_223 = vector.broadcast %eq3A_222 : i32 to vector<16xi32>
      %eq3A_224 = arith.cmpi eq, %get3A_221, %eq3A_223 : vector<16xi32>
      %broadcast_in_dim3A_225 = vector.broadcast %reduce_min3A_219 : i32 to vector<16xi32>
      %select_n3A_226 = arith.select %eq3A_224, %broadcast_in_dim3A_225, %get3A_221 : vector<16xi1>, vector<16xi32>
      %add3A_227 = vector.broadcast %mul3A_191 : i32 to vector<16xi32>
      %add3A_228 = arith.addi %select_n3A_226, %add3A_227 : vector<16xi32>
      %swap3A_229 = arith.constant 0 : index
      %swap3A_230 = tpu.vector_load %arg12[%swap3A_229] {strides = array<i32>} : memref<32xi32, #tpu.memory_space<vmem>>, vector<16xi32>,
      tpu.vector_store %arg12[%swap3A_229], %add3A_228 {strides = array<i32>} : memref<32xi32, #tpu.memory_space<vmem>>, vector<16xi32>,
      %get3A_231 = arith.constant 16 : index
      %get3A_232 = tpu.vector_load %arg9[%get3A_231] {strides = array<i32>} : memref<48xi32, #tpu.memory_space<vmem>>, vector<16xi32>,
      %eq3A_233 = arith.constant 2047 : i32
      %eq3A_234 = vector.broadcast %eq3A_233 : i32 to vector<16xi32>
      %eq3A_235 = arith.cmpi eq, %get3A_232, %eq3A_234 : vector<16xi32>
      %broadcast_in_dim3A_236 = vector.broadcast %reduce_min3A_219 : i32 to vector<16xi32>
      %select_n3A_237 = arith.select %eq3A_235, %broadcast_in_dim3A_236, %get3A_232 : vector<16xi1>, vector<16xi32>
      %add3A_238 = vector.broadcast %mul3A_191 : i32 to vector<16xi32>
      %add3A_239 = arith.addi %select_n3A_237, %add3A_238 : vector<16xi32>
      %swap3A_240 = arith.constant 16 : index
      %swap3A_241 = tpu.vector_load %arg12[%swap3A_240] {strides = array<i32>} : memref<32xi32, #tpu.memory_space<vmem>>, vector<16xi32>,
      tpu.vector_store %arg12[%swap3A_240], %add3A_239 {strides = array<i32>} : memref<32xi32, #tpu.memory_space<vmem>>, vector<16xi32>,
      %get3A_242 = arith.constant 0 : index
      %get3A_243 = tpu.vector_load %arg10[%get3A_242] {strides = array<i32>} : memref<80xi32, #tpu.memory_space<vmem>>, vector<16xi32>,
      %reduce_min3A_244 = arith.constant true
      %reduce_min3A_245 = vector.broadcast %reduce_min3A_244 : i1 to vector<16xi1>
      %reduce_min3A_246 = arith.constant -2147483648 : i32
      %reduce_min3A_247 = vector.broadcast %reduce_min3A_246 : i32 to vector<16xi32>
      %reduce_min3A_248 = arith.xori %get3A_243, %reduce_min3A_247 : vector<16xi32>
      %reduce_min3A_249 = tpu.scan <min>, %reduce_min3A_248 masked %reduce_min3A_245 : vector<16xi32>, vector<16xi1> -> vector<16xi32>
      %reduce_min3A_250 = arith.xori %reduce_min3A_249, %reduce_min3A_247 : vector<16xi32>
      %reduce_min3A_251 = vector.extract %reduce_min3A_250[15] : i32 from vector<16xi32>
      %get3A_252 = arith.constant 0 : index
      %get3A_253 = tpu.vector_load %arg10[%get3A_252] {strides = array<i32>} : memref<80xi32, #tpu.memory_space<vmem>>, vector<16xi32>,
      %eq3A_254 = arith.constant 2047 : i32
      %eq3A_255 = vector.broadcast %eq3A_254 : i32 to vector<16xi32>
      %eq3A_256 = arith.cmpi eq, %get3A_253, %eq3A_255 : vector<16xi32>
      %broadcast_in_dim3A_257 = vector.broadcast %reduce_min3A_251 : i32 to vector<16xi32>
      %select_n3A_258 = arith.select %eq3A_256, %broadcast_in_dim3A_257, %get3A_253 : vector<16xi1>, vector<16xi32>
      %add3A_259 = vector.broadcast %mul3A_191 : i32 to vector<16xi32>
      %add3A_260 = arith.addi %select_n3A_258, %add3A_259 : vector<16xi32>
      %swap3A_261 = arith.constant 0 : index
      %swap3A_262 = tpu.vector_load %arg13[%swap3A_261] {strides = array<i32>} : memref<64xi32, #tpu.memory_space<vmem>>, vector<16xi32>,
      tpu.vector_store %arg13[%swap3A_261], %add3A_260 {strides = array<i32>} : memref<64xi32, #tpu.memory_space<vmem>>, vector<16xi32>,
      %get3A_263 = arith.constant 16 : index
      %get3A_264 = tpu.vector_load %arg10[%get3A_263] {strides = array<i32>} : memref<80xi32, #tpu.memory_space<vmem>>, vector<16xi32>,
      %eq3A_265 = arith.constant 2047 : i32
      %eq3A_266 = vector.broadcast %eq3A_265 : i32 to vector<16xi32>
      %eq3A_267 = arith.cmpi eq, %get3A_264, %eq3A_266 : vector<16xi32>
      %broadcast_in_dim3A_268 = vector.broadcast %reduce_min3A_251 : i32 to vector<16xi32>
      %select_n3A_269 = arith.select %eq3A_267, %broadcast_in_dim3A_268, %get3A_264 : vector<16xi1>, vector<16xi32>
      %add3A_270 = vector.broadcast %mul3A_191 : i32 to vector<16xi32>
      %add3A_271 = arith.addi %select_n3A_269, %add3A_270 : vector<16xi32>
      %swap3A_272 = arith.constant 16 : index
      %swap3A_273 = tpu.vector_load %arg13[%swap3A_272] {strides = array<i32>} : memref<64xi32, #tpu.memory_space<vmem>>, vector<16xi32>,
      tpu.vector_store %arg13[%swap3A_272], %add3A_271 {strides = array<i32>} : memref<64xi32, #tpu.memory_space<vmem>>, vector<16xi32>,
      %get3A_274 = arith.constant 32 : index
      %get3A_275 = tpu.vector_load %arg10[%get3A_274] {strides = array<i32>} : memref<80xi32, #tpu.memory_space<vmem>>, vector<16xi32>,
      %eq3A_276 = arith.constant 2047 : i32
      %eq3A_277 = vector.broadcast %eq3A_276 : i32 to vector<16xi32>
      %eq3A_278 = arith.cmpi eq, %get3A_275, %eq3A_277 : vector<16xi32>
      %broadcast_in_dim3A_279 = vector.broadcast %reduce_min3A_251 : i32 to vector<16xi32>
      %select_n3A_280 = arith.select %eq3A_278, %broadcast_in_dim3A_279, %get3A_275 : vector<16xi1>, vector<16xi32>
      %add3A_281 = vector.broadcast %mul3A_191 : i32 to vector<16xi32>
      %add3A_282 = arith.addi %select_n3A_280, %add3A_281 : vector<16xi32>
      %swap3A_283 = arith.constant 32 : index
      %swap3A_284 = tpu.vector_load %arg13[%swap3A_283] {strides = array<i32>} : memref<64xi32, #tpu.memory_space<vmem>>, vector<16xi32>,
      tpu.vector_store %arg13[%swap3A_283], %add3A_282 {strides = array<i32>} : memref<64xi32, #tpu.memory_space<vmem>>, vector<16xi32>,
      %get3A_285 = arith.constant 48 : index
      %get3A_286 = tpu.vector_load %arg10[%get3A_285] {strides = array<i32>} : memref<80xi32, #tpu.memory_space<vmem>>, vector<16xi32>,
      %eq3A_287 = arith.constant 2047 : i32
      %eq3A_288 = vector.broadcast %eq3A_287 : i32 to vector<16xi32>
      %eq3A_289 = arith.cmpi eq, %get3A_286, %eq3A_288 : vector<16xi32>
      %broadcast_in_dim3A_290 = vector.broadcast %reduce_min3A_251 : i32 to vector<16xi32>
      %select_n3A_291 = arith.select %eq3A_289, %broadcast_in_dim3A_290, %get3A_286 : vector<16xi1>, vector<16xi32>
      %add3A_292 = vector.broadcast %mul3A_191 : i32 to vector<16xi32>
      %add3A_293 = arith.addi %select_n3A_291, %add3A_292 : vector<16xi32>
      %swap3A_294 = arith.constant 48 : index
      %swap3A_295 = tpu.vector_load %arg13[%swap3A_294] {strides = array<i32>} : memref<64xi32, #tpu.memory_space<vmem>>, vector<16xi32>,
      tpu.vector_store %arg13[%swap3A_294], %add3A_293 {strides = array<i32>} : memref<64xi32, #tpu.memory_space<vmem>>, vector<16xi32>,
      %ge3A = arith.constant 2 : i32
      %ge3A_296 = arith.cmpi sge, %mul3A_129, %ge3A : i32
      %convert_element_type3A_297 = arith.extui %ge3A_296 : i1 to i32
      %cond3A_298 = arith.constant 0 : i32
      %cond3A_299 = arith.cmpi ne, %convert_element_type3A_297, %cond3A_298 : i32
      scf.if %cond3A_299 {
        %sub3A_676 = arith.constant 2 : i32
        %sub3A_677 = arith.subi %add3A_130, %sub3A_676 : i32
        %mul3A_678 = arith.constant 16 : i32
        %mul3A_679 = arith.muli %sub3A_677, %mul3A_678 : i32
        %dma_wait3A_680 = arith.constant 0 : i32
        %dma_wait3A_681 = arith.constant 0 : i32
        %dma_wait3A_682 = arith.constant 0 : i32
        %dma_wait3A_683 = tpu.memref_slice %arg14[%dma_wait3A_680, %dma_wait3A_681, %dma_wait3A_682] : memref<2x16x128xf32, #tpu.memory_space<vmem>> -> memref<1x16x128xf32, #tpu.memory_space<vmem>>
        %dma_wait3A_684 = tpu.memref_squeeze %dma_wait3A_683 : memref<1x16x128xf32, #tpu.memory_space<vmem>> -> memref<16x128xf32, #tpu.memory_space<vmem>>
        %dma_wait3A_685 = arith.constant 0 : i32
        %dma_wait3A_686 = tpu.memref_slice %arg4[%mul3A_679, %dma_wait3A_685] : memref<65536x128xf32, #tpu.memory_space<hbm>> -> memref<16x128xf32, #tpu.memory_space<hbm>>
        %dma_wait3A_687 = arith.constant 0 : i32
        %dma_wait3A_688 = tpu.memref_slice %arg4[%mul3A_679, %dma_wait3A_687] : memref<65536x128xf32, #tpu.memory_space<hbm>> -> memref<16x128xf32, #tpu.memory_space<hbm>>
        %dma_wait3A_689 = arith.constant 0 : i32
        %dma_wait3A_690 = arith.constant 0 : i32
        %dma_wait3A_691 = tpu.memref_slice %arg14[%dma_wait3A_680, %dma_wait3A_689, %dma_wait3A_690] : memref<2x16x128xf32, #tpu.memory_space<vmem>> -> memref<1x16x128xf32, #tpu.memory_space<vmem>>
        %dma_wait3A_692 = tpu.memref_squeeze %dma_wait3A_691 : memref<1x16x128xf32, #tpu.memory_space<vmem>> -> memref<16x128xf32, #tpu.memory_space<vmem>>
        tpu.wait_dma2 semaphore(%arg22 : memref<!tpu.dma_semaphore, #tpu.memory_space<semaphore_mem>>) src(%dma_wait3A_692 : memref<16x128xf32, #tpu.memory_space<vmem>>) dst(%dma_wait3A_688 : memref<16x128xf32, #tpu.memory_space<hbm>>)
        %sub3A_693 = arith.constant 2 : i32
        %sub3A_694 = arith.subi %add3A_130, %sub3A_693 : i32
        %mul3A_695 = arith.constant 32 : i32
        %mul3A_696 = arith.muli %sub3A_694, %mul3A_695 : i32
        %dma_wait3A_697 = arith.constant 0 : i32
        %dma_wait3A_698 = arith.constant 0 : i32
        %dma_wait3A_699 = arith.constant 0 : i32
        %dma_wait3A_700 = tpu.memref_slice %arg15[%dma_wait3A_697, %dma_wait3A_698, %dma_wait3A_699] : memref<2x32x128xf32, #tpu.memory_space<vmem>> -> memref<1x32x128xf32, #tpu.memory_space<vmem>>
        %dma_wait3A_701 = tpu.memref_squeeze %dma_wait3A_700 : memref<1x32x128xf32, #tpu.memory_space<vmem>> -> memref<32x128xf32, #tpu.memory_space<vmem>>
        %dma_wait3A_702 = arith.constant 0 : i32
        %dma_wait3A_703 = tpu.memref_slice %arg5[%mul3A_696, %dma_wait3A_702] : memref<131072x128xf32, #tpu.memory_space<hbm>> -> memref<32x128xf32, #tpu.memory_space<hbm>>
        %dma_wait3A_704 = arith.constant 0 : i32
        %dma_wait3A_705 = tpu.memref_slice %arg5[%mul3A_696, %dma_wait3A_704] : memref<131072x128xf32, #tpu.memory_space<hbm>> -> memref<32x128xf32, #tpu.memory_space<hbm>>
        %dma_wait3A_706 = arith.constant 0 : i32
        %dma_wait3A_707 = arith.constant 0 : i32
        %dma_wait3A_708 = tpu.memref_slice %arg15[%dma_wait3A_697, %dma_wait3A_706, %dma_wait3A_707] : memref<2x32x128xf32, #tpu.memory_space<vmem>> -> memref<1x32x128xf32, #tpu.memory_space<vmem>>
        %dma_wait3A_709 = tpu.memref_squeeze %dma_wait3A_708 : memref<1x32x128xf32, #tpu.memory_space<vmem>> -> memref<32x128xf32, #tpu.memory_space<vmem>>
        tpu.wait_dma2 semaphore(%arg24 : memref<!tpu.dma_semaphore, #tpu.memory_space<semaphore_mem>>) src(%dma_wait3A_709 : memref<32x128xf32, #tpu.memory_space<vmem>>) dst(%dma_wait3A_705 : memref<32x128xf32, #tpu.memory_space<hbm>>)
        %sub3A_710 = arith.constant 2 : i32
        %sub3A_711 = arith.subi %add3A_130, %sub3A_710 : i32
        %mul3A_712 = arith.constant 64 : i32
        %mul3A_713 = arith.muli %sub3A_711, %mul3A_712 : i32
        %dma_wait3A_714 = arith.constant 0 : i32
        %dma_wait3A_715 = arith.constant 0 : i32
        %dma_wait3A_716 = arith.constant 0 : i32
        %dma_wait3A_717 = tpu.memref_slice %arg16[%dma_wait3A_714, %dma_wait3A_715, %dma_wait3A_716] : memref<2x64x128xf32, #tpu.memory_space<vmem>> -> memref<1x64x128xf32, #tpu.memory_space<vmem>>
        %dma_wait3A_718 = tpu.memref_squeeze %dma_wait3A_717 : memref<1x64x128xf32, #tpu.memory_space<vmem>> -> memref<64x128xf32, #tpu.memory_space<vmem>>
        %dma_wait3A_719 = arith.constant 0 : i32
        %dma_wait3A_720 = tpu.memref_slice %arg6[%mul3A_713, %dma_wait3A_719] : memref<262144x128xf32, #tpu.memory_space<hbm>> -> memref<64x128xf32, #tpu.memory_space<hbm>>
        %dma_wait3A_721 = arith.constant 0 : i32
        %dma_wait3A_722 = tpu.memref_slice %arg6[%mul3A_713, %dma_wait3A_721] : memref<262144x128xf32, #tpu.memory_space<hbm>> -> memref<64x128xf32, #tpu.memory_space<hbm>>
        %dma_wait3A_723 = arith.constant 0 : i32
        %dma_wait3A_724 = arith.constant 0 : i32
        %dma_wait3A_725 = tpu.memref_slice %arg16[%dma_wait3A_714, %dma_wait3A_723, %dma_wait3A_724] : memref<2x64x128xf32, #tpu.memory_space<vmem>> -> memref<1x64x128xf32, #tpu.memory_space<vmem>>
        %dma_wait3A_726 = tpu.memref_squeeze %dma_wait3A_725 : memref<1x64x128xf32, #tpu.memory_space<vmem>> -> memref<64x128xf32, #tpu.memory_space<vmem>>
        tpu.wait_dma2 semaphore(%arg26 : memref<!tpu.dma_semaphore, #tpu.memory_space<semaphore_mem>>) src(%dma_wait3A_726 : memref<64x128xf32, #tpu.memory_space<vmem>>) dst(%dma_wait3A_722 : memref<64x128xf32, #tpu.memory_space<hbm>>)
      } else {
      }
      %dma_start3A_300 = arith.constant 0 : i32
      %dma_start3A_301 = arith.constant 0 : i32
      %dma_start3A_302 = arith.constant 0 : i32
      %dma_start3A_303 = tpu.memref_slice %arg14[%dma_start3A_300, %dma_start3A_301, %dma_start3A_302] : memref<2x16x128xf32, #tpu.memory_space<vmem>> -> memref<1x16x128xf32, #tpu.memory_space<vmem>>
      %dma_start3A_304 = tpu.memref_squeeze %dma_start3A_303 : memref<1x16x128xf32, #tpu.memory_space<vmem>> -> memref<16x128xf32, #tpu.memory_space<vmem>>
      %dma_start3A_305 = arith.constant 0 : i32
      %dma_start3A_306 = arith.constant 0 : i32
      %dma_start3A_307 = tpu.memref_slice %arg3[%dma_start3A_305, %dma_start3A_306] : memref<16384x128xf32, #tpu.memory_space<hbm>> -> memref<16384x128xf32, #tpu.memory_space<hbm>>
      tpu.enqueue_indirect_dma source(%dma_start3A_307 : memref<16384x128xf32, #tpu.memory_space<hbm>>) target(%dma_start3A_304 : memref<16x128xf32, #tpu.memory_space<vmem>>) offsets(%arg11 : memref<16xi32, #tpu.memory_space<vmem>>) semaphore(%arg19 : memref<!tpu.dma_semaphore, #tpu.memory_space<semaphore_mem>>)
      %dma_start3A_308 = arith.constant 0 : i32
      %dma_start3A_309 = arith.constant 0 : i32
      %dma_start3A_310 = arith.constant 0 : i32
      %dma_start3A_311 = tpu.memref_slice %arg15[%dma_start3A_308, %dma_start3A_309, %dma_start3A_310] : memref<2x32x128xf32, #tpu.memory_space<vmem>> -> memref<1x32x128xf32, #tpu.memory_space<vmem>>
      %dma_start3A_312 = tpu.memref_squeeze %dma_start3A_311 : memref<1x32x128xf32, #tpu.memory_space<vmem>> -> memref<32x128xf32, #tpu.memory_space<vmem>>
      %dma_start3A_313 = arith.constant 0 : i32
      %dma_start3A_314 = arith.constant 0 : i32
      %dma_start3A_315 = tpu.memref_slice %arg3[%dma_start3A_313, %dma_start3A_314] : memref<16384x128xf32, #tpu.memory_space<hbm>> -> memref<16384x128xf32, #tpu.memory_space<hbm>>
      tpu.enqueue_indirect_dma source(%dma_start3A_315 : memref<16384x128xf32, #tpu.memory_space<hbm>>) target(%dma_start3A_312 : memref<32x128xf32, #tpu.memory_space<vmem>>) offsets(%arg12 : memref<32xi32, #tpu.memory_space<vmem>>) semaphore(%arg20 : memref<!tpu.dma_semaphore, #tpu.memory_space<semaphore_mem>>)
      %dma_start3A_316 = arith.constant 0 : i32
      %dma_start3A_317 = arith.constant 0 : i32
      %dma_start3A_318 = arith.constant 0 : i32
      %dma_start3A_319 = tpu.memref_slice %arg16[%dma_start3A_316, %dma_start3A_317, %dma_start3A_318] : memref<2x64x128xf32, #tpu.memory_space<vmem>> -> memref<1x64x128xf32, #tpu.memory_space<vmem>>
      %dma_start3A_320 = tpu.memref_squeeze %dma_start3A_319 : memref<1x64x128xf32, #tpu.memory_space<vmem>> -> memref<64x128xf32, #tpu.memory_space<vmem>>
      %dma_start3A_321 = arith.constant 0 : i32
      %dma_start3A_322 = arith.constant 0 : i32
      %dma_start3A_323 = tpu.memref_slice %arg3[%dma_start3A_321, %dma_start3A_322] : memref<16384x128xf32, #tpu.memory_space<hbm>> -> memref<16384x128xf32, #tpu.memory_space<hbm>>
      tpu.enqueue_indirect_dma source(%dma_start3A_323 : memref<16384x128xf32, #tpu.memory_space<hbm>>) target(%dma_start3A_320 : memref<64x128xf32, #tpu.memory_space<vmem>>) offsets(%arg13 : memref<64xi32, #tpu.memory_space<vmem>>) semaphore(%arg21 : memref<!tpu.dma_semaphore, #tpu.memory_space<semaphore_mem>>)
      %dma_wait3A_324 = arith.constant 0 : i32
      %dma_wait3A_325 = arith.constant 0 : i32
      %dma_wait3A_326 = arith.constant 0 : i32
      %dma_wait3A_327 = tpu.memref_slice %arg14[%dma_wait3A_324, %dma_wait3A_325, %dma_wait3A_326] : memref<2x16x128xf32, #tpu.memory_space<vmem>> -> memref<1x16x128xf32, #tpu.memory_space<vmem>>
      %dma_wait3A_328 = tpu.memref_squeeze %dma_wait3A_327 : memref<1x16x128xf32, #tpu.memory_space<vmem>> -> memref<16x128xf32, #tpu.memory_space<vmem>>
      %dma_wait3A_329 = arith.constant 0 : i32
      %dma_wait3A_330 = arith.constant 0 : i32
      %dma_wait3A_331 = tpu.memref_slice %arg3[%dma_wait3A_329, %dma_wait3A_330] : memref<16384x128xf32, #tpu.memory_space<hbm>> -> memref<16384x128xf32, #tpu.memory_space<hbm>>
      tpu.wait_indirect_dma semaphore(%arg19 : memref<!tpu.dma_semaphore, #tpu.memory_space<semaphore_mem>>) src(%dma_wait3A_331 : memref<16384x128xf32, #tpu.memory_space<hbm>>) dst(%dma_wait3A_328 : memref<16x128xf32, #tpu.memory_space<vmem>>)
      %mul3A_332 = arith.constant 16 : i32
      %mul3A_333 = arith.muli %add3A_130, %mul3A_332 : i32
      %dma_start3A_334 = arith.constant 0 : i32
      %dma_start3A_335 = arith.constant 0 : i32
      %dma_start3A_336 = arith.constant 0 : i32
      %dma_start3A_337 = tpu.memref_slice %arg14[%dma_start3A_334, %dma_start3A_335, %dma_start3A_336] : memref<2x16x128xf32, #tpu.memory_space<vmem>> -> memref<1x16x128xf32, #tpu.memory_space<vmem>>
      %dma_start3A_338 = tpu.memref_squeeze %dma_start3A_337 : memref<1x16x128xf32, #tpu.memory_space<vmem>> -> memref<16x128xf32, #tpu.memory_space<vmem>>
      %dma_start3A_339 = arith.constant 0 : i32
      %dma_start3A_340 = tpu.memref_slice %arg4[%mul3A_333, %dma_start3A_339] : memref<65536x128xf32, #tpu.memory_space<hbm>> -> memref<16x128xf32, #tpu.memory_space<hbm>>
      %dma_start3A_341 = arith.constant 0 : i32
      %dma_start3A_342 = tpu.memref_slice %arg4[%mul3A_333, %dma_start3A_341] : memref<65536x128xf32, #tpu.memory_space<hbm>> -> memref<16x128xf32, #tpu.memory_space<hbm>>
      %dma_start3A_343 = arith.constant 0 : i32
      %dma_start3A_344 = arith.constant 0 : i32
      %dma_start3A_345 = tpu.memref_slice %arg14[%dma_start3A_334, %dma_start3A_343, %dma_start3A_344] : memref<2x16x128xf32, #tpu.memory_space<vmem>> -> memref<1x16x128xf32, #tpu.memory_space<vmem>>
      %dma_start3A_346 = tpu.memref_squeeze %dma_start3A_345 : memref<1x16x128xf32, #tpu.memory_space<vmem>> -> memref<16x128xf32, #tpu.memory_space<vmem>>
      tpu.enqueue_dma source(%dma_start3A_346 : memref<16x128xf32, #tpu.memory_space<vmem>>) target(%dma_start3A_342 : memref<16x128xf32, #tpu.memory_space<hbm>>) target_semaphore(%arg22 : memref<!tpu.dma_semaphore, #tpu.memory_space<semaphore_mem>>)
      %dma_wait3A_347 = arith.constant 0 : i32
      %dma_wait3A_348 = arith.constant 0 : i32
      %dma_wait3A_349 = arith.constant 0 : i32
      %dma_wait3A_350 = tpu.memref_slice %arg15[%dma_wait3A_347, %dma_wait3A_348, %dma_wait3A_349] : memref<2x32x128xf32, #tpu.memory_space<vmem>> -> memref<1x32x128xf32, #tpu.memory_space<vmem>>
      %dma_wait3A_351 = tpu.memref_squeeze %dma_wait3A_350 : memref<1x32x128xf32, #tpu.memory_space<vmem>> -> memref<32x128xf32, #tpu.memory_space<vmem>>
      %dma_wait3A_352 = arith.constant 0 : i32
      %dma_wait3A_353 = arith.constant 0 : i32
      %dma_wait3A_354 = tpu.memref_slice %arg3[%dma_wait3A_352, %dma_wait3A_353] : memref<16384x128xf32, #tpu.memory_space<hbm>> -> memref<16384x128xf32, #tpu.memory_space<hbm>>
      tpu.wait_indirect_dma semaphore(%arg20 : memref<!tpu.dma_semaphore, #tpu.memory_space<semaphore_mem>>) src(%dma_wait3A_354 : memref<16384x128xf32, #tpu.memory_space<hbm>>) dst(%dma_wait3A_351 : memref<32x128xf32, #tpu.memory_space<vmem>>)
      %mul3A_355 = arith.constant 32 : i32
      %mul3A_356 = arith.muli %add3A_130, %mul3A_355 : i32
      %dma_start3A_357 = arith.constant 0 : i32
      %dma_start3A_358 = arith.constant 0 : i32
      %dma_start3A_359 = arith.constant 0 : i32
      %dma_start3A_360 = tpu.memref_slice %arg15[%dma_start3A_357, %dma_start3A_358, %dma_start3A_359] : memref<2x32x128xf32, #tpu.memory_space<vmem>> -> memref<1x32x128xf32, #tpu.memory_space<vmem>>
      %dma_start3A_361 = tpu.memref_squeeze %dma_start3A_360 : memref<1x32x128xf32, #tpu.memory_space<vmem>> -> memref<32x128xf32, #tpu.memory_space<vmem>>
      %dma_start3A_362 = arith.constant 0 : i32
      %dma_start3A_363 = tpu.memref_slice %arg5[%mul3A_356, %dma_start3A_362] : memref<131072x128xf32, #tpu.memory_space<hbm>> -> memref<32x128xf32, #tpu.memory_space<hbm>>
      %dma_start3A_364 = arith.constant 0 : i32
      %dma_start3A_365 = tpu.memref_slice %arg5[%mul3A_356, %dma_start3A_364] : memref<131072x128xf32, #tpu.memory_space<hbm>> -> memref<32x128xf32, #tpu.memory_space<hbm>>
      %dma_start3A_366 = arith.constant 0 : i32
      %dma_start3A_367 = arith.constant 0 : i32
      %dma_start3A_368 = tpu.memref_slice %arg15[%dma_start3A_357, %dma_start3A_366, %dma_start3A_367] : memref<2x32x128xf32, #tpu.memory_space<vmem>> -> memref<1x32x128xf32, #tpu.memory_space<vmem>>
      %dma_start3A_369 = tpu.memref_squeeze %dma_start3A_368 : memref<1x32x128xf32, #tpu.memory_space<vmem>> -> memref<32x128xf32, #tpu.memory_space<vmem>>
      tpu.enqueue_dma source(%dma_start3A_369 : memref<32x128xf32, #tpu.memory_space<vmem>>) target(%dma_start3A_365 : memref<32x128xf32, #tpu.memory_space<hbm>>) target_semaphore(%arg24 : memref<!tpu.dma_semaphore, #tpu.memory_space<semaphore_mem>>)
      %dma_wait3A_370 = arith.constant 0 : i32
      %dma_wait3A_371 = arith.constant 0 : i32
      %dma_wait3A_372 = arith.constant 0 : i32
      %dma_wait3A_373 = tpu.memref_slice %arg16[%dma_wait3A_370, %dma_wait3A_371, %dma_wait3A_372] : memref<2x64x128xf32, #tpu.memory_space<vmem>> -> memref<1x64x128xf32, #tpu.memory_space<vmem>>
      %dma_wait3A_374 = tpu.memref_squeeze %dma_wait3A_373 : memref<1x64x128xf32, #tpu.memory_space<vmem>> -> memref<64x128xf32, #tpu.memory_space<vmem>>
      %dma_wait3A_375 = arith.constant 0 : i32
      %dma_wait3A_376 = arith.constant 0 : i32
      %dma_wait3A_377 = tpu.memref_slice %arg3[%dma_wait3A_375, %dma_wait3A_376] : memref<16384x128xf32, #tpu.memory_space<hbm>> -> memref<16384x128xf32, #tpu.memory_space<hbm>>
      tpu.wait_indirect_dma semaphore(%arg21 : memref<!tpu.dma_semaphore, #tpu.memory_space<semaphore_mem>>) src(%dma_wait3A_377 : memref<16384x128xf32, #tpu.memory_space<hbm>>) dst(%dma_wait3A_374 : memref<64x128xf32, #tpu.memory_space<vmem>>)
      %mul3A_378 = arith.constant 64 : i32
      %mul3A_379 = arith.muli %add3A_130, %mul3A_378 : i32
      %dma_start3A_380 = arith.constant 0 : i32
      %dma_start3A_381 = arith.constant 0 : i32
      %dma_start3A_382 = arith.constant 0 : i32
      %dma_start3A_383 = tpu.memref_slice %arg16[%dma_start3A_380, %dma_start3A_381, %dma_start3A_382] : memref<2x64x128xf32, #tpu.memory_space<vmem>> -> memref<1x64x128xf32, #tpu.memory_space<vmem>>
      %dma_start3A_384 = tpu.memref_squeeze %dma_start3A_383 : memref<1x64x128xf32, #tpu.memory_space<vmem>> -> memref<64x128xf32, #tpu.memory_space<vmem>>
      %dma_start3A_385 = arith.constant 0 : i32
      %dma_start3A_386 = tpu.memref_slice %arg6[%mul3A_379, %dma_start3A_385] : memref<262144x128xf32, #tpu.memory_space<hbm>> -> memref<64x128xf32, #tpu.memory_space<hbm>>
      %dma_start3A_387 = arith.constant 0 : i32
      %dma_start3A_388 = tpu.memref_slice %arg6[%mul3A_379, %dma_start3A_387] : memref<262144x128xf32, #tpu.memory_space<hbm>> -> memref<64x128xf32, #tpu.memory_space<hbm>>
      %dma_start3A_389 = arith.constant 0 : i32
      %dma_start3A_390 = arith.constant 0 : i32
      %dma_start3A_391 = tpu.memref_slice %arg16[%dma_start3A_380, %dma_start3A_389, %dma_start3A_390] : memref<2x64x128xf32, #tpu.memory_space<vmem>> -> memref<1x64x128xf32, #tpu.memory_space<vmem>>
      %dma_start3A_392 = tpu.memref_squeeze %dma_start3A_391 : memref<1x64x128xf32, #tpu.memory_space<vmem>> -> memref<64x128xf32, #tpu.memory_space<vmem>>
      tpu.enqueue_dma source(%dma_start3A_392 : memref<64x128xf32, #tpu.memory_space<vmem>>) target(%dma_start3A_388 : memref<64x128xf32, #tpu.memory_space<hbm>>) target_semaphore(%arg26 : memref<!tpu.dma_semaphore, #tpu.memory_space<semaphore_mem>>)
      %mul3A_393 = arith.constant 2 : i32
      %mul3A_394 = arith.muli %mul3A_393, %scan3A_126 : i32
      %add3A_395 = arith.constant 1 : i32
      %add3A_396 = arith.addi %mul3A_394, %add3A_395 : i32
      %add3A_397 = arith.addi %mul3A_2, %add3A_396 : i32
      %dma_wait3A_398 = arith.constant 1 : i32
      %dma_wait3A_399 = arith.constant 0 : i32
      %dma_wait3A_400 = tpu.memref_slice %arg7[%dma_wait3A_398, %dma_wait3A_399] : memref<2x2048xf32, #tpu.memory_space<vmem>> -> memref<1x2048xf32, #tpu.memory_space<vmem>>
      %dma_wait3A_401 = tpu.memref_squeeze %dma_wait3A_400 : memref<1x2048xf32, #tpu.memory_space<vmem>> -> memref<2048xf32, #tpu.memory_space<vmem>>
      %dma_wait3A_402 = arith.constant 0 : i32
      %dma_wait3A_403 = tpu.memref_slice %arg2[%add3A_397, %dma_wait3A_402] : memref<4096x2048xf32, #tpu.memory_space<hbm>> -> memref<1x2048xf32, #tpu.memory_space<hbm>>
      %dma_wait3A_404 = tpu.memref_squeeze %dma_wait3A_403 : memref<1x2048xf32, #tpu.memory_space<hbm>> -> memref<2048xf32, #tpu.memory_space<hbm>>
      %dma_wait3A_405 = arith.constant 0 : i32
      %dma_wait3A_406 = tpu.memref_slice %arg7[%dma_wait3A_398, %dma_wait3A_405] : memref<2x2048xf32, #tpu.memory_space<vmem>> -> memref<1x2048xf32, #tpu.memory_space<vmem>>
      %dma_wait3A_407 = tpu.memref_squeeze %dma_wait3A_406 : memref<1x2048xf32, #tpu.memory_space<vmem>> -> memref<2048xf32, #tpu.memory_space<vmem>>
      %dma_wait3A_408 = arith.constant 0 : i32
      %dma_wait3A_409 = tpu.memref_slice %arg2[%add3A_397, %dma_wait3A_408] : memref<4096x2048xf32, #tpu.memory_space<hbm>> -> memref<1x2048xf32, #tpu.memory_space<hbm>>
      %dma_wait3A_410 = tpu.memref_squeeze %dma_wait3A_409 : memref<1x2048xf32, #tpu.memory_space<hbm>> -> memref<2048xf32, #tpu.memory_space<hbm>>
      tpu.wait_dma2 semaphore(%arg18 : memref<!tpu.dma_semaphore, #tpu.memory_space<semaphore_mem>>) src(%dma_wait3A_410 : memref<2048xf32, #tpu.memory_space<hbm>>) dst(%dma_wait3A_407 : memref<2048xf32, #tpu.memory_space<vmem>>)
      %add3A_411 = arith.constant 1 : i32
      %add3A_412 = arith.addi %add3A_396, %add3A_411 : i32
      %lt3A_413 = arith.constant 128 : i32
      %lt3A_414 = arith.cmpi slt, %add3A_412, %lt3A_413 : i32
      %convert_element_type3A_415 = arith.extui %lt3A_414 : i1 to i32
      %cond3A_416 = arith.constant 0 : i32
      %cond3A_417 = arith.cmpi ne, %convert_element_type3A_415, %cond3A_416 : i32
      scf.if %cond3A_417 {
        %add3A_676 = arith.constant 1 : i32
        %add3A_677 = arith.addi %add3A_397, %add3A_676 : i32
        %dma_start3A_678 = arith.constant 0 : i32
        %dma_start3A_679 = arith.constant 0 : i32
        %dma_start3A_680 = tpu.memref_slice %arg7[%dma_start3A_678, %dma_start3A_679] : memref<2x2048xf32, #tpu.memory_space<vmem>> -> memref<1x2048xf32, #tpu.memory_space<vmem>>
        %dma_start3A_681 = tpu.memref_squeeze %dma_start3A_680 : memref<1x2048xf32, #tpu.memory_space<vmem>> -> memref<2048xf32, #tpu.memory_space<vmem>>
        %dma_start3A_682 = arith.constant 0 : i32
        %dma_start3A_683 = tpu.memref_slice %arg2[%add3A_677, %dma_start3A_682] : memref<4096x2048xf32, #tpu.memory_space<hbm>> -> memref<1x2048xf32, #tpu.memory_space<hbm>>
        %dma_start3A_684 = tpu.memref_squeeze %dma_start3A_683 : memref<1x2048xf32, #tpu.memory_space<hbm>> -> memref<2048xf32, #tpu.memory_space<hbm>>
        %dma_start3A_685 = arith.constant 0 : i32
        %dma_start3A_686 = tpu.memref_slice %arg7[%dma_start3A_678, %dma_start3A_685] : memref<2x2048xf32, #tpu.memory_space<vmem>> -> memref<1x2048xf32, #tpu.memory_space<vmem>>
        %dma_start3A_687 = tpu.memref_squeeze %dma_start3A_686 : memref<1x2048xf32, #tpu.memory_space<vmem>> -> memref<2048xf32, #tpu.memory_space<vmem>>
        %dma_start3A_688 = arith.constant 0 : i32
        %dma_start3A_689 = tpu.memref_slice %arg2[%add3A_677, %dma_start3A_688] : memref<4096x2048xf32, #tpu.memory_space<hbm>> -> memref<1x2048xf32, #tpu.memory_space<hbm>>
        %dma_start3A_690 = tpu.memref_squeeze %dma_start3A_689 : memref<1x2048xf32, #tpu.memory_space<hbm>> -> memref<2048xf32, #tpu.memory_space<hbm>>
        tpu.enqueue_dma source(%dma_start3A_690 : memref<2048xf32, #tpu.memory_space<hbm>>) target(%dma_start3A_687 : memref<2048xf32, #tpu.memory_space<vmem>>) target_semaphore(%arg17 : memref<!tpu.dma_semaphore, #tpu.memory_space<semaphore_mem>>)
      } else {
      }
      %swap3A_418 = arith.constant 0 : index
      %swap3A_419 = tpu.vector_load %arg8[%swap3A_418] {strides = array<i32>} : memref<32xi32, #tpu.memory_space<vmem>>, vector<16xi32>,
      tpu.vector_store %arg8[%swap3A_418], %broadcast_in_dim3A_3 {strides = array<i32>} : memref<32xi32, #tpu.memory_space<vmem>>, vector<16xi32>,
      %swap3A_420 = arith.constant 16 : index
      %swap3A_421 = tpu.vector_load %arg8[%swap3A_420] {strides = array<i32>} : memref<32xi32, #tpu.memory_space<vmem>>, vector<16xi32>,
      tpu.vector_store %arg8[%swap3A_420], %broadcast_in_dim3A_3 {strides = array<i32>} : memref<32xi32, #tpu.memory_space<vmem>>, vector<16xi32>,
      %swap3A_422 = arith.constant 0 : index
      %swap3A_423 = tpu.vector_load %arg9[%swap3A_422] {strides = array<i32>} : memref<48xi32, #tpu.memory_space<vmem>>, vector<16xi32>,
      tpu.vector_store %arg9[%swap3A_422], %broadcast_in_dim3A_3 {strides = array<i32>} : memref<48xi32, #tpu.memory_space<vmem>>, vector<16xi32>,
      %swap3A_424 = arith.constant 16 : index
      %swap3A_425 = tpu.vector_load %arg9[%swap3A_424] {strides = array<i32>} : memref<48xi32, #tpu.memory_space<vmem>>, vector<16xi32>,
      tpu.vector_store %arg9[%swap3A_424], %broadcast_in_dim3A_3 {strides = array<i32>} : memref<48xi32, #tpu.memory_space<vmem>>, vector<16xi32>,
      %swap3A_426 = arith.constant 32 : index
      %swap3A_427 = tpu.vector_load %arg9[%swap3A_426] {strides = array<i32>} : memref<48xi32, #tpu.memory_space<vmem>>, vector<16xi32>,
      tpu.vector_store %arg9[%swap3A_426], %broadcast_in_dim3A_3 {strides = array<i32>} : memref<48xi32, #tpu.memory_space<vmem>>, vector<16xi32>,
      %swap3A_428 = arith.constant 0 : index
      %swap3A_429 = tpu.vector_load %arg10[%swap3A_428] {strides = array<i32>} : memref<80xi32, #tpu.memory_space<vmem>>, vector<16xi32>,
      tpu.vector_store %arg10[%swap3A_428], %broadcast_in_dim3A_3 {strides = array<i32>} : memref<80xi32, #tpu.memory_space<vmem>>, vector<16xi32>,
      %swap3A_430 = arith.constant 16 : index
      %swap3A_431 = tpu.vector_load %arg10[%swap3A_430] {strides = array<i32>} : memref<80xi32, #tpu.memory_space<vmem>>, vector<16xi32>,
      tpu.vector_store %arg10[%swap3A_430], %broadcast_in_dim3A_3 {strides = array<i32>} : memref<80xi32, #tpu.memory_space<vmem>>, vector<16xi32>,
      %swap3A_432 = arith.constant 32 : index
      %swap3A_433 = tpu.vector_load %arg10[%swap3A_432] {strides = array<i32>} : memref<80xi32, #tpu.memory_space<vmem>>, vector<16xi32>,
      tpu.vector_store %arg10[%swap3A_432], %broadcast_in_dim3A_3 {strides = array<i32>} : memref<80xi32, #tpu.memory_space<vmem>>, vector<16xi32>,
      %swap3A_434 = arith.constant 48 : index
      %swap3A_435 = tpu.vector_load %arg10[%swap3A_434] {strides = array<i32>} : memref<80xi32, #tpu.memory_space<vmem>>, vector<16xi32>,
      tpu.vector_store %arg10[%swap3A_434], %broadcast_in_dim3A_3 {strides = array<i32>} : memref<80xi32, #tpu.memory_space<vmem>>, vector<16xi32>,
      %swap3A_436 = arith.constant 64 : index
      %swap3A_437 = tpu.vector_load %arg10[%swap3A_436] {strides = array<i32>} : memref<80xi32, #tpu.memory_space<vmem>>, vector<16xi32>,
      tpu.vector_store %arg10[%swap3A_436], %broadcast_in_dim3A_3 {strides = array<i32>} : memref<80xi32, #tpu.memory_space<vmem>>, vector<16xi32>,
      %scan3A_438 = arith.constant 0 : i32
      %scan3A_439 = arith.constant 128 : i32
      %scan3A_440 = arith.addi %scan3A_438, %scan3A_439 : i32
      %scan3A_441 = arith.constant 2 : i32
      %scan3A_442:3 = scf.for %scan3A_676 = %scan3A_438 to %scan3A_440 step %scan3A_441 iter_args(%scan3A_677 = %broadcast_in_dim3A_7, %scan3A_678 = %broadcast_in_dim3A_7, %scan3A_679 = %broadcast_in_dim3A_7) -> (vector<16xi32>, vector<16xi32>, vector<16xi32>)  : i32 {
        %mul3A_680 = arith.constant 16 : i32
        %mul3A_681 = arith.muli %scan3A_676, %mul3A_680 : i32
        %get3A_682 = arith.constant 1 : i32
        %get3A_683 = arith.index_cast %get3A_682 : i32 to index
        %get3A_684 = arith.index_cast %mul3A_681 : i32 to index
        %get3A_685 = tpu.vector_load %arg7[%get3A_683, %get3A_684] {strides = array<i32>} : memref<2x2048xf32, #tpu.memory_space<vmem>>, vector<16xf32>,
        %mul3A_686 = arith.constant 16 : i32
        %mul3A_687 = arith.muli %scan3A_676, %mul3A_686 : i32
        %add3A_688 = vector.broadcast %mul3A_687 : i32 to vector<16xi32>
        %add3A_689 = arith.addi %iota3A, %add3A_688 : vector<16xi32>
        %le3A = arith.constant 0.00999999977 : f32
        %le3A_690 = vector.broadcast %le3A : f32 to vector<16xf32>
        %le3A_691 = arith.cmpf ole, %get3A_685, %le3A_690 : vector<16xf32>
        %select_n3A_692 = arith.select %le3A_691, %broadcast_in_dim3A_5, %broadcast_in_dim3A_7 : vector<16xi1>, vector<16xi32>
        %broadcast_in_dim3A_693 = arith.constant true
        %broadcast_in_dim3A_694 = vector.broadcast %broadcast_in_dim3A_693 : i1 to vector<16xi1>
        %masked_cumsum3A = tpu.scan <sum>, %select_n3A_692 masked %broadcast_in_dim3A_694 : vector<16xi32>, vector<16xi1> -> vector<16xi32>
        %add3A_695 = arith.addi %scan3A_677, %masked_cumsum3A : vector<16xi32>
        %sub3A_696 = arith.constant 1 : i32
        %sub3A_697 = vector.broadcast %sub3A_696 : i32 to vector<16xi32>
        %sub3A_698 = arith.subi %add3A_695, %sub3A_697 : vector<16xi32>
        %min3A = arith.constant 16 : i32
        %min3A_699 = vector.broadcast %min3A : i32 to vector<16xi32>
        %min3A_700 = arith.minsi %sub3A_698, %min3A_699 : vector<16xi32>
        tpu.vector_store_idx %arg8[%min3A_700], %add3A_689 masked %le3A_691 : memref<32xi32, #tpu.memory_space<vmem>>[vector<16xi32>], vector<16xi32>, vector<16xi1>
        %all_reduce_population_count3A = tpu.all_reduce %le3A_691 {dim = 0 : i64, kind = #tpu.reduction_kind<sum>} : vector<16xi1> -> vector<16xi32>
        %add3A_701 = arith.addi %scan3A_677, %all_reduce_population_count3A : vector<16xi32>
        %le3A_702 = arith.constant 4.000000e-02 : f32
        %le3A_703 = vector.broadcast %le3A_702 : f32 to vector<16xf32>
        %le3A_704 = arith.cmpf ole, %get3A_685, %le3A_703 : vector<16xf32>
        %select_n3A_705 = arith.select %le3A_704, %broadcast_in_dim3A_5, %broadcast_in_dim3A_7 : vector<16xi1>, vector<16xi32>
        %broadcast_in_dim3A_706 = arith.constant true
        %broadcast_in_dim3A_707 = vector.broadcast %broadcast_in_dim3A_706 : i1 to vector<16xi1>
        %masked_cumsum3A_708 = tpu.scan <sum>, %select_n3A_705 masked %broadcast_in_dim3A_707 : vector<16xi32>, vector<16xi1> -> vector<16xi32>
        %add3A_709 = arith.addi %scan3A_678, %masked_cumsum3A_708 : vector<16xi32>
        %sub3A_710 = arith.constant 1 : i32
        %sub3A_711 = vector.broadcast %sub3A_710 : i32 to vector<16xi32>
        %sub3A_712 = arith.subi %add3A_709, %sub3A_711 : vector<16xi32>
        %min3A_713 = arith.constant 32 : i32
        %min3A_714 = vector.broadcast %min3A_713 : i32 to vector<16xi32>
        %min3A_715 = arith.minsi %sub3A_712, %min3A_714 : vector<16xi32>
        tpu.vector_store_idx %arg9[%min3A_715], %add3A_689 masked %le3A_704 : memref<48xi32, #tpu.memory_space<vmem>>[vector<16xi32>], vector<16xi32>, vector<16xi1>
        %all_reduce_population_count3A_716 = tpu.all_reduce %le3A_704 {dim = 0 : i64, kind = #tpu.reduction_kind<sum>} : vector<16xi1> -> vector<16xi32>
        %add3A_717 = arith.addi %scan3A_678, %all_reduce_population_count3A_716 : vector<16xi32>
        %le3A_718 = arith.constant 1.600000e-01 : f32
        %le3A_719 = vector.broadcast %le3A_718 : f32 to vector<16xf32>
        %le3A_720 = arith.cmpf ole, %get3A_685, %le3A_719 : vector<16xf32>
        %select_n3A_721 = arith.select %le3A_720, %broadcast_in_dim3A_5, %broadcast_in_dim3A_7 : vector<16xi1>, vector<16xi32>
        %broadcast_in_dim3A_722 = arith.constant true
        %broadcast_in_dim3A_723 = vector.broadcast %broadcast_in_dim3A_722 : i1 to vector<16xi1>
        %masked_cumsum3A_724 = tpu.scan <sum>, %select_n3A_721 masked %broadcast_in_dim3A_723 : vector<16xi32>, vector<16xi1> -> vector<16xi32>
        %add3A_725 = arith.addi %scan3A_679, %masked_cumsum3A_724 : vector<16xi32>
        %sub3A_726 = arith.constant 1 : i32
        %sub3A_727 = vector.broadcast %sub3A_726 : i32 to vector<16xi32>
        %sub3A_728 = arith.subi %add3A_725, %sub3A_727 : vector<16xi32>
        %min3A_729 = arith.constant 64 : i32
        %min3A_730 = vector.broadcast %min3A_729 : i32 to vector<16xi32>
        %min3A_731 = arith.minsi %sub3A_728, %min3A_730 : vector<16xi32>
        tpu.vector_store_idx %arg10[%min3A_731], %add3A_689 masked %le3A_720 : memref<80xi32, #tpu.memory_space<vmem>>[vector<16xi32>], vector<16xi32>, vector<16xi1>
        %all_reduce_population_count3A_732 = tpu.all_reduce %le3A_720 {dim = 0 : i64, kind = #tpu.reduction_kind<sum>} : vector<16xi1> -> vector<16xi32>
        %add3A_733 = arith.addi %scan3A_679, %all_reduce_population_count3A_732 : vector<16xi32>
        %scan3A_734 = arith.constant 1 : i32
        %scan3A_735 = arith.addi %scan3A_676, %scan3A_734 : i32
        %mul3A_736 = arith.constant 16 : i32
        %mul3A_737 = arith.muli %scan3A_735, %mul3A_736 : i32
        %get3A_738 = arith.constant 1 : i32
        %get3A_739 = arith.index_cast %get3A_738 : i32 to index
        %get3A_740 = arith.index_cast %mul3A_737 : i32 to index
        %get3A_741 = tpu.vector_load %arg7[%get3A_739, %get3A_740] {strides = array<i32>} : memref<2x2048xf32, #tpu.memory_space<vmem>>, vector<16xf32>,
        %mul3A_742 = arith.constant 16 : i32
        %mul3A_743 = arith.muli %scan3A_735, %mul3A_742 : i32
        %add3A_744 = vector.broadcast %mul3A_743 : i32 to vector<16xi32>
        %add3A_745 = arith.addi %iota3A, %add3A_744 : vector<16xi32>
        %le3A_746 = arith.constant 0.00999999977 : f32
        %le3A_747 = vector.broadcast %le3A_746 : f32 to vector<16xf32>
        %le3A_748 = arith.cmpf ole, %get3A_741, %le3A_747 : vector<16xf32>
        %select_n3A_749 = arith.select %le3A_748, %broadcast_in_dim3A_5, %broadcast_in_dim3A_7 : vector<16xi1>, vector<16xi32>
        %broadcast_in_dim3A_750 = arith.constant true
        %broadcast_in_dim3A_751 = vector.broadcast %broadcast_in_dim3A_750 : i1 to vector<16xi1>
        %masked_cumsum3A_752 = tpu.scan <sum>, %select_n3A_749 masked %broadcast_in_dim3A_751 : vector<16xi32>, vector<16xi1> -> vector<16xi32>
        %add3A_753 = arith.addi %add3A_701, %masked_cumsum3A_752 : vector<16xi32>
        %sub3A_754 = arith.constant 1 : i32
        %sub3A_755 = vector.broadcast %sub3A_754 : i32 to vector<16xi32>
        %sub3A_756 = arith.subi %add3A_753, %sub3A_755 : vector<16xi32>
        %min3A_757 = arith.constant 16 : i32
        %min3A_758 = vector.broadcast %min3A_757 : i32 to vector<16xi32>
        %min3A_759 = arith.minsi %sub3A_756, %min3A_758 : vector<16xi32>
        tpu.vector_store_idx %arg8[%min3A_759], %add3A_745 masked %le3A_748 : memref<32xi32, #tpu.memory_space<vmem>>[vector<16xi32>], vector<16xi32>, vector<16xi1>
        %all_reduce_population_count3A_760 = tpu.all_reduce %le3A_748 {dim = 0 : i64, kind = #tpu.reduction_kind<sum>} : vector<16xi1> -> vector<16xi32>
        %add3A_761 = arith.addi %add3A_701, %all_reduce_population_count3A_760 : vector<16xi32>
        %le3A_762 = arith.constant 4.000000e-02 : f32
        %le3A_763 = vector.broadcast %le3A_762 : f32 to vector<16xf32>
        %le3A_764 = arith.cmpf ole, %get3A_741, %le3A_763 : vector<16xf32>
        %select_n3A_765 = arith.select %le3A_764, %broadcast_in_dim3A_5, %broadcast_in_dim3A_7 : vector<16xi1>, vector<16xi32>
        %broadcast_in_dim3A_766 = arith.constant true
        %broadcast_in_dim3A_767 = vector.broadcast %broadcast_in_dim3A_766 : i1 to vector<16xi1>
        %masked_cumsum3A_768 = tpu.scan <sum>, %select_n3A_765 masked %broadcast_in_dim3A_767 : vector<16xi32>, vector<16xi1> -> vector<16xi32>
        %add3A_769 = arith.addi %add3A_717, %masked_cumsum3A_768 : vector<16xi32>
        %sub3A_770 = arith.constant 1 : i32
        %sub3A_771 = vector.broadcast %sub3A_770 : i32 to vector<16xi32>
        %sub3A_772 = arith.subi %add3A_769, %sub3A_771 : vector<16xi32>
        %min3A_773 = arith.constant 32 : i32
        %min3A_774 = vector.broadcast %min3A_773 : i32 to vector<16xi32>
        %min3A_775 = arith.minsi %sub3A_772, %min3A_774 : vector<16xi32>
        tpu.vector_store_idx %arg9[%min3A_775], %add3A_745 masked %le3A_764 : memref<48xi32, #tpu.memory_space<vmem>>[vector<16xi32>], vector<16xi32>, vector<16xi1>
        %all_reduce_population_count3A_776 = tpu.all_reduce %le3A_764 {dim = 0 : i64, kind = #tpu.reduction_kind<sum>} : vector<16xi1> -> vector<16xi32>
        %add3A_777 = arith.addi %add3A_717, %all_reduce_population_count3A_776 : vector<16xi32>
        %le3A_778 = arith.constant 1.600000e-01 : f32
        %le3A_779 = vector.broadcast %le3A_778 : f32 to vector<16xf32>
        %le3A_780 = arith.cmpf ole, %get3A_741, %le3A_779 : vector<16xf32>
        %select_n3A_781 = arith.select %le3A_780, %broadcast_in_dim3A_5, %broadcast_in_dim3A_7 : vector<16xi1>, vector<16xi32>
        %broadcast_in_dim3A_782 = arith.constant true
        %broadcast_in_dim3A_783 = vector.broadcast %broadcast_in_dim3A_782 : i1 to vector<16xi1>
        %masked_cumsum3A_784 = tpu.scan <sum>, %select_n3A_781 masked %broadcast_in_dim3A_783 : vector<16xi32>, vector<16xi1> -> vector<16xi32>
        %add3A_785 = arith.addi %add3A_733, %masked_cumsum3A_784 : vector<16xi32>
        %sub3A_786 = arith.constant 1 : i32
        %sub3A_787 = vector.broadcast %sub3A_786 : i32 to vector<16xi32>
        %sub3A_788 = arith.subi %add3A_785, %sub3A_787 : vector<16xi32>
        %min3A_789 = arith.constant 64 : i32
        %min3A_790 = vector.broadcast %min3A_789 : i32 to vector<16xi32>
        %min3A_791 = arith.minsi %sub3A_788, %min3A_790 : vector<16xi32>
        tpu.vector_store_idx %arg10[%min3A_791], %add3A_745 masked %le3A_780 : memref<80xi32, #tpu.memory_space<vmem>>[vector<16xi32>], vector<16xi32>, vector<16xi1>
        %all_reduce_population_count3A_792 = tpu.all_reduce %le3A_780 {dim = 0 : i64, kind = #tpu.reduction_kind<sum>} : vector<16xi1> -> vector<16xi32>
        %add3A_793 = arith.addi %add3A_733, %all_reduce_population_count3A_792 : vector<16xi32>
        scf.yield %add3A_761, %add3A_777, %add3A_793 : vector<16xi32>, vector<16xi32>, vector<16xi32>
      }
      %scan3A_443 = arith.constant 128 : i32
      %jit3A_444 = arith.constant 512 : i32
      %div3A_445 = arith.divsi %add3A_397, %jit3A_444 : i32
      %sign3A_446 = arith.constant 0 : i32
      %sign3A_447 = arith.cmpi sgt, %add3A_397, %sign3A_446 : i32
      %sign3A_448 = arith.extui %sign3A_447 : i1 to i32
      %sign3A_449 = arith.constant 0 : i32
      %sign3A_450 = arith.cmpi slt, %add3A_397, %sign3A_449 : i32
      %sign3A_451 = arith.extui %sign3A_450 : i1 to i32
      %sign3A_452 = arith.subi %sign3A_448, %sign3A_451 : i32
      %sign3A_453 = arith.constant 0 : i32
      %sign3A_454 = arith.cmpi sgt, %jit3A_444, %sign3A_453 : i32
      %sign3A_455 = arith.extui %sign3A_454 : i1 to i32
      %sign3A_456 = arith.constant 0 : i32
      %sign3A_457 = arith.cmpi slt, %jit3A_444, %sign3A_456 : i32
      %sign3A_458 = arith.extui %sign3A_457 : i1 to i32
      %sign3A_459 = arith.subi %sign3A_455, %sign3A_458 : i32
      %ne3A_460 = arith.cmpi ne, %sign3A_452, %sign3A_459 : i32
      %rem3A_461 = arith.remsi %add3A_397, %jit3A_444 : i32
      %ne3A_462 = arith.constant 0 : i32
      %ne3A_463 = arith.cmpi ne, %rem3A_461, %ne3A_462 : i32
      %and3A_464 = arith.andi %ne3A_460, %ne3A_463 : i1
      %sub3A_465 = arith.constant 1 : i32
      %sub3A_466 = arith.subi %div3A_445, %sub3A_465 : i32
      %select_n3A_467 = arith.select %and3A_464, %sub3A_466, %div3A_445 : i32
      %mul3A_468 = arith.constant 2048 : i32
      %mul3A_469 = arith.muli %select_n3A_467, %mul3A_468 : i32
      %get3A_470 = arith.constant 0 : index
      %get3A_471 = tpu.vector_load %arg8[%get3A_470] {strides = array<i32>} : memref<32xi32, #tpu.memory_space<vmem>>, vector<16xi32>,
      %reduce_min3A_472 = arith.constant true
      %reduce_min3A_473 = vector.broadcast %reduce_min3A_472 : i1 to vector<16xi1>
      %reduce_min3A_474 = arith.constant -2147483648 : i32
      %reduce_min3A_475 = vector.broadcast %reduce_min3A_474 : i32 to vector<16xi32>
      %reduce_min3A_476 = arith.xori %get3A_471, %reduce_min3A_475 : vector<16xi32>
      %reduce_min3A_477 = tpu.scan <min>, %reduce_min3A_476 masked %reduce_min3A_473 : vector<16xi32>, vector<16xi1> -> vector<16xi32>
      %reduce_min3A_478 = arith.xori %reduce_min3A_477, %reduce_min3A_475 : vector<16xi32>
      %reduce_min3A_479 = vector.extract %reduce_min3A_478[15] : i32 from vector<16xi32>
      %get3A_480 = arith.constant 0 : index
      %get3A_481 = tpu.vector_load %arg8[%get3A_480] {strides = array<i32>} : memref<32xi32, #tpu.memory_space<vmem>>, vector<16xi32>,
      %eq3A_482 = arith.constant 2047 : i32
      %eq3A_483 = vector.broadcast %eq3A_482 : i32 to vector<16xi32>
      %eq3A_484 = arith.cmpi eq, %get3A_481, %eq3A_483 : vector<16xi32>
      %broadcast_in_dim3A_485 = vector.broadcast %reduce_min3A_479 : i32 to vector<16xi32>
      %select_n3A_486 = arith.select %eq3A_484, %broadcast_in_dim3A_485, %get3A_481 : vector<16xi1>, vector<16xi32>
      %add3A_487 = vector.broadcast %mul3A_469 : i32 to vector<16xi32>
      %add3A_488 = arith.addi %select_n3A_486, %add3A_487 : vector<16xi32>
      %swap3A_489 = arith.constant 0 : index
      %swap3A_490 = tpu.vector_load %arg11[%swap3A_489] {strides = array<i32>} : memref<16xi32, #tpu.memory_space<vmem>>, vector<16xi32>,
      tpu.vector_store %arg11[%swap3A_489], %add3A_488 {strides = array<i32>} : memref<16xi32, #tpu.memory_space<vmem>>, vector<16xi32>,
      %get3A_491 = arith.constant 0 : index
      %get3A_492 = tpu.vector_load %arg9[%get3A_491] {strides = array<i32>} : memref<48xi32, #tpu.memory_space<vmem>>, vector<16xi32>,
      %reduce_min3A_493 = arith.constant true
      %reduce_min3A_494 = vector.broadcast %reduce_min3A_493 : i1 to vector<16xi1>
      %reduce_min3A_495 = arith.constant -2147483648 : i32
      %reduce_min3A_496 = vector.broadcast %reduce_min3A_495 : i32 to vector<16xi32>
      %reduce_min3A_497 = arith.xori %get3A_492, %reduce_min3A_496 : vector<16xi32>
      %reduce_min3A_498 = tpu.scan <min>, %reduce_min3A_497 masked %reduce_min3A_494 : vector<16xi32>, vector<16xi1> -> vector<16xi32>
      %reduce_min3A_499 = arith.xori %reduce_min3A_498, %reduce_min3A_496 : vector<16xi32>
      %reduce_min3A_500 = vector.extract %reduce_min3A_499[15] : i32 from vector<16xi32>
      %get3A_501 = arith.constant 0 : index
      %get3A_502 = tpu.vector_load %arg9[%get3A_501] {strides = array<i32>} : memref<48xi32, #tpu.memory_space<vmem>>, vector<16xi32>,
      %eq3A_503 = arith.constant 2047 : i32
      %eq3A_504 = vector.broadcast %eq3A_503 : i32 to vector<16xi32>
      %eq3A_505 = arith.cmpi eq, %get3A_502, %eq3A_504 : vector<16xi32>
      %broadcast_in_dim3A_506 = vector.broadcast %reduce_min3A_500 : i32 to vector<16xi32>
      %select_n3A_507 = arith.select %eq3A_505, %broadcast_in_dim3A_506, %get3A_502 : vector<16xi1>, vector<16xi32>
      %add3A_508 = vector.broadcast %mul3A_469 : i32 to vector<16xi32>
      %add3A_509 = arith.addi %select_n3A_507, %add3A_508 : vector<16xi32>
      %swap3A_510 = arith.constant 0 : index
      %swap3A_511 = tpu.vector_load %arg12[%swap3A_510] {strides = array<i32>} : memref<32xi32, #tpu.memory_space<vmem>>, vector<16xi32>,
      tpu.vector_store %arg12[%swap3A_510], %add3A_509 {strides = array<i32>} : memref<32xi32, #tpu.memory_space<vmem>>, vector<16xi32>,
      %get3A_512 = arith.constant 16 : index
      %get3A_513 = tpu.vector_load %arg9[%get3A_512] {strides = array<i32>} : memref<48xi32, #tpu.memory_space<vmem>>, vector<16xi32>,
      %eq3A_514 = arith.constant 2047 : i32
      %eq3A_515 = vector.broadcast %eq3A_514 : i32 to vector<16xi32>
      %eq3A_516 = arith.cmpi eq, %get3A_513, %eq3A_515 : vector<16xi32>
      %broadcast_in_dim3A_517 = vector.broadcast %reduce_min3A_500 : i32 to vector<16xi32>
      %select_n3A_518 = arith.select %eq3A_516, %broadcast_in_dim3A_517, %get3A_513 : vector<16xi1>, vector<16xi32>
      %add3A_519 = vector.broadcast %mul3A_469 : i32 to vector<16xi32>
      %add3A_520 = arith.addi %select_n3A_518, %add3A_519 : vector<16xi32>
      %swap3A_521 = arith.constant 16 : index
      %swap3A_522 = tpu.vector_load %arg12[%swap3A_521] {strides = array<i32>} : memref<32xi32, #tpu.memory_space<vmem>>, vector<16xi32>,
      tpu.vector_store %arg12[%swap3A_521], %add3A_520 {strides = array<i32>} : memref<32xi32, #tpu.memory_space<vmem>>, vector<16xi32>,
      %get3A_523 = arith.constant 0 : index
      %get3A_524 = tpu.vector_load %arg10[%get3A_523] {strides = array<i32>} : memref<80xi32, #tpu.memory_space<vmem>>, vector<16xi32>,
      %reduce_min3A_525 = arith.constant true
      %reduce_min3A_526 = vector.broadcast %reduce_min3A_525 : i1 to vector<16xi1>
      %reduce_min3A_527 = arith.constant -2147483648 : i32
      %reduce_min3A_528 = vector.broadcast %reduce_min3A_527 : i32 to vector<16xi32>
      %reduce_min3A_529 = arith.xori %get3A_524, %reduce_min3A_528 : vector<16xi32>
      %reduce_min3A_530 = tpu.scan <min>, %reduce_min3A_529 masked %reduce_min3A_526 : vector<16xi32>, vector<16xi1> -> vector<16xi32>
      %reduce_min3A_531 = arith.xori %reduce_min3A_530, %reduce_min3A_528 : vector<16xi32>
      %reduce_min3A_532 = vector.extract %reduce_min3A_531[15] : i32 from vector<16xi32>
      %get3A_533 = arith.constant 0 : index
      %get3A_534 = tpu.vector_load %arg10[%get3A_533] {strides = array<i32>} : memref<80xi32, #tpu.memory_space<vmem>>, vector<16xi32>,
      %eq3A_535 = arith.constant 2047 : i32
      %eq3A_536 = vector.broadcast %eq3A_535 : i32 to vector<16xi32>
      %eq3A_537 = arith.cmpi eq, %get3A_534, %eq3A_536 : vector<16xi32>
      %broadcast_in_dim3A_538 = vector.broadcast %reduce_min3A_532 : i32 to vector<16xi32>
      %select_n3A_539 = arith.select %eq3A_537, %broadcast_in_dim3A_538, %get3A_534 : vector<16xi1>, vector<16xi32>
      %add3A_540 = vector.broadcast %mul3A_469 : i32 to vector<16xi32>
      %add3A_541 = arith.addi %select_n3A_539, %add3A_540 : vector<16xi32>
      %swap3A_542 = arith.constant 0 : index
      %swap3A_543 = tpu.vector_load %arg13[%swap3A_542] {strides = array<i32>} : memref<64xi32, #tpu.memory_space<vmem>>, vector<16xi32>,
      tpu.vector_store %arg13[%swap3A_542], %add3A_541 {strides = array<i32>} : memref<64xi32, #tpu.memory_space<vmem>>, vector<16xi32>,
      %get3A_544 = arith.constant 16 : index
      %get3A_545 = tpu.vector_load %arg10[%get3A_544] {strides = array<i32>} : memref<80xi32, #tpu.memory_space<vmem>>, vector<16xi32>,
      %eq3A_546 = arith.constant 2047 : i32
      %eq3A_547 = vector.broadcast %eq3A_546 : i32 to vector<16xi32>
      %eq3A_548 = arith.cmpi eq, %get3A_545, %eq3A_547 : vector<16xi32>
      %broadcast_in_dim3A_549 = vector.broadcast %reduce_min3A_532 : i32 to vector<16xi32>
      %select_n3A_550 = arith.select %eq3A_548, %broadcast_in_dim3A_549, %get3A_545 : vector<16xi1>, vector<16xi32>
      %add3A_551 = vector.broadcast %mul3A_469 : i32 to vector<16xi32>
      %add3A_552 = arith.addi %select_n3A_550, %add3A_551 : vector<16xi32>
      %swap3A_553 = arith.constant 16 : index
      %swap3A_554 = tpu.vector_load %arg13[%swap3A_553] {strides = array<i32>} : memref<64xi32, #tpu.memory_space<vmem>>, vector<16xi32>,
      tpu.vector_store %arg13[%swap3A_553], %add3A_552 {strides = array<i32>} : memref<64xi32, #tpu.memory_space<vmem>>, vector<16xi32>,
      %get3A_555 = arith.constant 32 : index
      %get3A_556 = tpu.vector_load %arg10[%get3A_555] {strides = array<i32>} : memref<80xi32, #tpu.memory_space<vmem>>, vector<16xi32>,
      %eq3A_557 = arith.constant 2047 : i32
      %eq3A_558 = vector.broadcast %eq3A_557 : i32 to vector<16xi32>
      %eq3A_559 = arith.cmpi eq, %get3A_556, %eq3A_558 : vector<16xi32>
      %broadcast_in_dim3A_560 = vector.broadcast %reduce_min3A_532 : i32 to vector<16xi32>
      %select_n3A_561 = arith.select %eq3A_559, %broadcast_in_dim3A_560, %get3A_556 : vector<16xi1>, vector<16xi32>
      %add3A_562 = vector.broadcast %mul3A_469 : i32 to vector<16xi32>
      %add3A_563 = arith.addi %select_n3A_561, %add3A_562 : vector<16xi32>
      %swap3A_564 = arith.constant 32 : index
      %swap3A_565 = tpu.vector_load %arg13[%swap3A_564] {strides = array<i32>} : memref<64xi32, #tpu.memory_space<vmem>>, vector<16xi32>,
      tpu.vector_store %arg13[%swap3A_564], %add3A_563 {strides = array<i32>} : memref<64xi32, #tpu.memory_space<vmem>>, vector<16xi32>,
      %get3A_566 = arith.constant 48 : index
      %get3A_567 = tpu.vector_load %arg10[%get3A_566] {strides = array<i32>} : memref<80xi32, #tpu.memory_space<vmem>>, vector<16xi32>,
      %eq3A_568 = arith.constant 2047 : i32
      %eq3A_569 = vector.broadcast %eq3A_568 : i32 to vector<16xi32>
      %eq3A_570 = arith.cmpi eq, %get3A_567, %eq3A_569 : vector<16xi32>
      %broadcast_in_dim3A_571 = vector.broadcast %reduce_min3A_532 : i32 to vector<16xi32>
      %select_n3A_572 = arith.select %eq3A_570, %broadcast_in_dim3A_571, %get3A_567 : vector<16xi1>, vector<16xi32>
      %add3A_573 = vector.broadcast %mul3A_469 : i32 to vector<16xi32>
      %add3A_574 = arith.addi %select_n3A_572, %add3A_573 : vector<16xi32>
      %swap3A_575 = arith.constant 48 : index
      %swap3A_576 = tpu.vector_load %arg13[%swap3A_575] {strides = array<i32>} : memref<64xi32, #tpu.memory_space<vmem>>, vector<16xi32>,
      tpu.vector_store %arg13[%swap3A_575], %add3A_574 {strides = array<i32>} : memref<64xi32, #tpu.memory_space<vmem>>, vector<16xi32>,
      %ge3A_577 = arith.constant 2 : i32
      %ge3A_578 = arith.cmpi sge, %add3A_396, %ge3A_577 : i32
      %convert_element_type3A_579 = arith.extui %ge3A_578 : i1 to i32
      %cond3A_580 = arith.constant 0 : i32
      %cond3A_581 = arith.cmpi ne, %convert_element_type3A_579, %cond3A_580 : i32
      scf.if %cond3A_581 {
        %sub3A_676 = arith.constant 2 : i32
        %sub3A_677 = arith.subi %add3A_397, %sub3A_676 : i32
        %mul3A_678 = arith.constant 16 : i32
        %mul3A_679 = arith.muli %sub3A_677, %mul3A_678 : i32
        %dma_wait3A_680 = arith.constant 1 : i32
        %dma_wait3A_681 = arith.constant 0 : i32
        %dma_wait3A_682 = arith.constant 0 : i32
        %dma_wait3A_683 = tpu.memref_slice %arg14[%dma_wait3A_680, %dma_wait3A_681, %dma_wait3A_682] : memref<2x16x128xf32, #tpu.memory_space<vmem>> -> memref<1x16x128xf32, #tpu.memory_space<vmem>>
        %dma_wait3A_684 = tpu.memref_squeeze %dma_wait3A_683 : memref<1x16x128xf32, #tpu.memory_space<vmem>> -> memref<16x128xf32, #tpu.memory_space<vmem>>
        %dma_wait3A_685 = arith.constant 0 : i32
        %dma_wait3A_686 = tpu.memref_slice %arg4[%mul3A_679, %dma_wait3A_685] : memref<65536x128xf32, #tpu.memory_space<hbm>> -> memref<16x128xf32, #tpu.memory_space<hbm>>
        %dma_wait3A_687 = arith.constant 0 : i32
        %dma_wait3A_688 = tpu.memref_slice %arg4[%mul3A_679, %dma_wait3A_687] : memref<65536x128xf32, #tpu.memory_space<hbm>> -> memref<16x128xf32, #tpu.memory_space<hbm>>
        %dma_wait3A_689 = arith.constant 0 : i32
        %dma_wait3A_690 = arith.constant 0 : i32
        %dma_wait3A_691 = tpu.memref_slice %arg14[%dma_wait3A_680, %dma_wait3A_689, %dma_wait3A_690] : memref<2x16x128xf32, #tpu.memory_space<vmem>> -> memref<1x16x128xf32, #tpu.memory_space<vmem>>
        %dma_wait3A_692 = tpu.memref_squeeze %dma_wait3A_691 : memref<1x16x128xf32, #tpu.memory_space<vmem>> -> memref<16x128xf32, #tpu.memory_space<vmem>>
        tpu.wait_dma2 semaphore(%arg23 : memref<!tpu.dma_semaphore, #tpu.memory_space<semaphore_mem>>) src(%dma_wait3A_692 : memref<16x128xf32, #tpu.memory_space<vmem>>) dst(%dma_wait3A_688 : memref<16x128xf32, #tpu.memory_space<hbm>>)
        %sub3A_693 = arith.constant 2 : i32
        %sub3A_694 = arith.subi %add3A_397, %sub3A_693 : i32
        %mul3A_695 = arith.constant 32 : i32
        %mul3A_696 = arith.muli %sub3A_694, %mul3A_695 : i32
        %dma_wait3A_697 = arith.constant 1 : i32
        %dma_wait3A_698 = arith.constant 0 : i32
        %dma_wait3A_699 = arith.constant 0 : i32
        %dma_wait3A_700 = tpu.memref_slice %arg15[%dma_wait3A_697, %dma_wait3A_698, %dma_wait3A_699] : memref<2x32x128xf32, #tpu.memory_space<vmem>> -> memref<1x32x128xf32, #tpu.memory_space<vmem>>
        %dma_wait3A_701 = tpu.memref_squeeze %dma_wait3A_700 : memref<1x32x128xf32, #tpu.memory_space<vmem>> -> memref<32x128xf32, #tpu.memory_space<vmem>>
        %dma_wait3A_702 = arith.constant 0 : i32
        %dma_wait3A_703 = tpu.memref_slice %arg5[%mul3A_696, %dma_wait3A_702] : memref<131072x128xf32, #tpu.memory_space<hbm>> -> memref<32x128xf32, #tpu.memory_space<hbm>>
        %dma_wait3A_704 = arith.constant 0 : i32
        %dma_wait3A_705 = tpu.memref_slice %arg5[%mul3A_696, %dma_wait3A_704] : memref<131072x128xf32, #tpu.memory_space<hbm>> -> memref<32x128xf32, #tpu.memory_space<hbm>>
        %dma_wait3A_706 = arith.constant 0 : i32
        %dma_wait3A_707 = arith.constant 0 : i32
        %dma_wait3A_708 = tpu.memref_slice %arg15[%dma_wait3A_697, %dma_wait3A_706, %dma_wait3A_707] : memref<2x32x128xf32, #tpu.memory_space<vmem>> -> memref<1x32x128xf32, #tpu.memory_space<vmem>>
        %dma_wait3A_709 = tpu.memref_squeeze %dma_wait3A_708 : memref<1x32x128xf32, #tpu.memory_space<vmem>> -> memref<32x128xf32, #tpu.memory_space<vmem>>
        tpu.wait_dma2 semaphore(%arg25 : memref<!tpu.dma_semaphore, #tpu.memory_space<semaphore_mem>>) src(%dma_wait3A_709 : memref<32x128xf32, #tpu.memory_space<vmem>>) dst(%dma_wait3A_705 : memref<32x128xf32, #tpu.memory_space<hbm>>)
        %sub3A_710 = arith.constant 2 : i32
        %sub3A_711 = arith.subi %add3A_397, %sub3A_710 : i32
        %mul3A_712 = arith.constant 64 : i32
        %mul3A_713 = arith.muli %sub3A_711, %mul3A_712 : i32
        %dma_wait3A_714 = arith.constant 1 : i32
        %dma_wait3A_715 = arith.constant 0 : i32
        %dma_wait3A_716 = arith.constant 0 : i32
        %dma_wait3A_717 = tpu.memref_slice %arg16[%dma_wait3A_714, %dma_wait3A_715, %dma_wait3A_716] : memref<2x64x128xf32, #tpu.memory_space<vmem>> -> memref<1x64x128xf32, #tpu.memory_space<vmem>>
        %dma_wait3A_718 = tpu.memref_squeeze %dma_wait3A_717 : memref<1x64x128xf32, #tpu.memory_space<vmem>> -> memref<64x128xf32, #tpu.memory_space<vmem>>
        %dma_wait3A_719 = arith.constant 0 : i32
        %dma_wait3A_720 = tpu.memref_slice %arg6[%mul3A_713, %dma_wait3A_719] : memref<262144x128xf32, #tpu.memory_space<hbm>> -> memref<64x128xf32, #tpu.memory_space<hbm>>
        %dma_wait3A_721 = arith.constant 0 : i32
        %dma_wait3A_722 = tpu.memref_slice %arg6[%mul3A_713, %dma_wait3A_721] : memref<262144x128xf32, #tpu.memory_space<hbm>> -> memref<64x128xf32, #tpu.memory_space<hbm>>
        %dma_wait3A_723 = arith.constant 0 : i32
        %dma_wait3A_724 = arith.constant 0 : i32
        %dma_wait3A_725 = tpu.memref_slice %arg16[%dma_wait3A_714, %dma_wait3A_723, %dma_wait3A_724] : memref<2x64x128xf32, #tpu.memory_space<vmem>> -> memref<1x64x128xf32, #tpu.memory_space<vmem>>
        %dma_wait3A_726 = tpu.memref_squeeze %dma_wait3A_725 : memref<1x64x128xf32, #tpu.memory_space<vmem>> -> memref<64x128xf32, #tpu.memory_space<vmem>>
        tpu.wait_dma2 semaphore(%arg27 : memref<!tpu.dma_semaphore, #tpu.memory_space<semaphore_mem>>) src(%dma_wait3A_726 : memref<64x128xf32, #tpu.memory_space<vmem>>) dst(%dma_wait3A_722 : memref<64x128xf32, #tpu.memory_space<hbm>>)
      } else {
      }
      %dma_start3A_582 = arith.constant 1 : i32
      %dma_start3A_583 = arith.constant 0 : i32
      %dma_start3A_584 = arith.constant 0 : i32
      %dma_start3A_585 = tpu.memref_slice %arg14[%dma_start3A_582, %dma_start3A_583, %dma_start3A_584] : memref<2x16x128xf32, #tpu.memory_space<vmem>> -> memref<1x16x128xf32, #tpu.memory_space<vmem>>
      %dma_start3A_586 = tpu.memref_squeeze %dma_start3A_585 : memref<1x16x128xf32, #tpu.memory_space<vmem>> -> memref<16x128xf32, #tpu.memory_space<vmem>>
      %dma_start3A_587 = arith.constant 0 : i32
      %dma_start3A_588 = arith.constant 0 : i32
      %dma_start3A_589 = tpu.memref_slice %arg3[%dma_start3A_587, %dma_start3A_588] : memref<16384x128xf32, #tpu.memory_space<hbm>> -> memref<16384x128xf32, #tpu.memory_space<hbm>>
      tpu.enqueue_indirect_dma source(%dma_start3A_589 : memref<16384x128xf32, #tpu.memory_space<hbm>>) target(%dma_start3A_586 : memref<16x128xf32, #tpu.memory_space<vmem>>) offsets(%arg11 : memref<16xi32, #tpu.memory_space<vmem>>) semaphore(%arg19 : memref<!tpu.dma_semaphore, #tpu.memory_space<semaphore_mem>>)
      %dma_start3A_590 = arith.constant 1 : i32
      %dma_start3A_591 = arith.constant 0 : i32
      %dma_start3A_592 = arith.constant 0 : i32
      %dma_start3A_593 = tpu.memref_slice %arg15[%dma_start3A_590, %dma_start3A_591, %dma_start3A_592] : memref<2x32x128xf32, #tpu.memory_space<vmem>> -> memref<1x32x128xf32, #tpu.memory_space<vmem>>
      %dma_start3A_594 = tpu.memref_squeeze %dma_start3A_593 : memref<1x32x128xf32, #tpu.memory_space<vmem>> -> memref<32x128xf32, #tpu.memory_space<vmem>>
      %dma_start3A_595 = arith.constant 0 : i32
      %dma_start3A_596 = arith.constant 0 : i32
      %dma_start3A_597 = tpu.memref_slice %arg3[%dma_start3A_595, %dma_start3A_596] : memref<16384x128xf32, #tpu.memory_space<hbm>> -> memref<16384x128xf32, #tpu.memory_space<hbm>>
      tpu.enqueue_indirect_dma source(%dma_start3A_597 : memref<16384x128xf32, #tpu.memory_space<hbm>>) target(%dma_start3A_594 : memref<32x128xf32, #tpu.memory_space<vmem>>) offsets(%arg12 : memref<32xi32, #tpu.memory_space<vmem>>) semaphore(%arg20 : memref<!tpu.dma_semaphore, #tpu.memory_space<semaphore_mem>>)
      %dma_start3A_598 = arith.constant 1 : i32
      %dma_start3A_599 = arith.constant 0 : i32
      %dma_start3A_600 = arith.constant 0 : i32
      %dma_start3A_601 = tpu.memref_slice %arg16[%dma_start3A_598, %dma_start3A_599, %dma_start3A_600] : memref<2x64x128xf32, #tpu.memory_space<vmem>> -> memref<1x64x128xf32, #tpu.memory_space<vmem>>
      %dma_start3A_602 = tpu.memref_squeeze %dma_start3A_601 : memref<1x64x128xf32, #tpu.memory_space<vmem>> -> memref<64x128xf32, #tpu.memory_space<vmem>>
      %dma_start3A_603 = arith.constant 0 : i32
      %dma_start3A_604 = arith.constant 0 : i32
      %dma_start3A_605 = tpu.memref_slice %arg3[%dma_start3A_603, %dma_start3A_604] : memref<16384x128xf32, #tpu.memory_space<hbm>> -> memref<16384x128xf32, #tpu.memory_space<hbm>>
      tpu.enqueue_indirect_dma source(%dma_start3A_605 : memref<16384x128xf32, #tpu.memory_space<hbm>>) target(%dma_start3A_602 : memref<64x128xf32, #tpu.memory_space<vmem>>) offsets(%arg13 : memref<64xi32, #tpu.memory_space<vmem>>) semaphore(%arg21 : memref<!tpu.dma_semaphore, #tpu.memory_space<semaphore_mem>>)
      %dma_wait3A_606 = arith.constant 1 : i32
      %dma_wait3A_607 = arith.constant 0 : i32
      %dma_wait3A_608 = arith.constant 0 : i32
      %dma_wait3A_609 = tpu.memref_slice %arg14[%dma_wait3A_606, %dma_wait3A_607, %dma_wait3A_608] : memref<2x16x128xf32, #tpu.memory_space<vmem>> -> memref<1x16x128xf32, #tpu.memory_space<vmem>>
      %dma_wait3A_610 = tpu.memref_squeeze %dma_wait3A_609 : memref<1x16x128xf32, #tpu.memory_space<vmem>> -> memref<16x128xf32, #tpu.memory_space<vmem>>
      %dma_wait3A_611 = arith.constant 0 : i32
      %dma_wait3A_612 = arith.constant 0 : i32
      %dma_wait3A_613 = tpu.memref_slice %arg3[%dma_wait3A_611, %dma_wait3A_612] : memref<16384x128xf32, #tpu.memory_space<hbm>> -> memref<16384x128xf32, #tpu.memory_space<hbm>>
      tpu.wait_indirect_dma semaphore(%arg19 : memref<!tpu.dma_semaphore, #tpu.memory_space<semaphore_mem>>) src(%dma_wait3A_613 : memref<16384x128xf32, #tpu.memory_space<hbm>>) dst(%dma_wait3A_610 : memref<16x128xf32, #tpu.memory_space<vmem>>)
      %mul3A_614 = arith.constant 16 : i32
      %mul3A_615 = arith.muli %add3A_397, %mul3A_614 : i32
      %dma_start3A_616 = arith.constant 1 : i32
      %dma_start3A_617 = arith.constant 0 : i32
      %dma_start3A_618 = arith.constant 0 : i32
      %dma_start3A_619 = tpu.memref_slice %arg14[%dma_start3A_616, %dma_start3A_617, %dma_start3A_618] : memref<2x16x128xf32, #tpu.memory_space<vmem>> -> memref<1x16x128xf32, #tpu.memory_space<vmem>>
      %dma_start3A_620 = tpu.memref_squeeze %dma_start3A_619 : memref<1x16x128xf32, #tpu.memory_space<vmem>> -> memref<16x128xf32, #tpu.memory_space<vmem>>
      %dma_start3A_621 = arith.constant 0 : i32
      %dma_start3A_622 = tpu.memref_slice %arg4[%mul3A_615, %dma_start3A_621] : memref<65536x128xf32, #tpu.memory_space<hbm>> -> memref<16x128xf32, #tpu.memory_space<hbm>>
      %dma_start3A_623 = arith.constant 0 : i32
      %dma_start3A_624 = tpu.memref_slice %arg4[%mul3A_615, %dma_start3A_623] : memref<65536x128xf32, #tpu.memory_space<hbm>> -> memref<16x128xf32, #tpu.memory_space<hbm>>
      %dma_start3A_625 = arith.constant 0 : i32
      %dma_start3A_626 = arith.constant 0 : i32
      %dma_start3A_627 = tpu.memref_slice %arg14[%dma_start3A_616, %dma_start3A_625, %dma_start3A_626] : memref<2x16x128xf32, #tpu.memory_space<vmem>> -> memref<1x16x128xf32, #tpu.memory_space<vmem>>
      %dma_start3A_628 = tpu.memref_squeeze %dma_start3A_627 : memref<1x16x128xf32, #tpu.memory_space<vmem>> -> memref<16x128xf32, #tpu.memory_space<vmem>>
      tpu.enqueue_dma source(%dma_start3A_628 : memref<16x128xf32, #tpu.memory_space<vmem>>) target(%dma_start3A_624 : memref<16x128xf32, #tpu.memory_space<hbm>>) target_semaphore(%arg23 : memref<!tpu.dma_semaphore, #tpu.memory_space<semaphore_mem>>)
      %dma_wait3A_629 = arith.constant 1 : i32
      %dma_wait3A_630 = arith.constant 0 : i32
      %dma_wait3A_631 = arith.constant 0 : i32
      %dma_wait3A_632 = tpu.memref_slice %arg15[%dma_wait3A_629, %dma_wait3A_630, %dma_wait3A_631] : memref<2x32x128xf32, #tpu.memory_space<vmem>> -> memref<1x32x128xf32, #tpu.memory_space<vmem>>
      %dma_wait3A_633 = tpu.memref_squeeze %dma_wait3A_632 : memref<1x32x128xf32, #tpu.memory_space<vmem>> -> memref<32x128xf32, #tpu.memory_space<vmem>>
      %dma_wait3A_634 = arith.constant 0 : i32
      %dma_wait3A_635 = arith.constant 0 : i32
      %dma_wait3A_636 = tpu.memref_slice %arg3[%dma_wait3A_634, %dma_wait3A_635] : memref<16384x128xf32, #tpu.memory_space<hbm>> -> memref<16384x128xf32, #tpu.memory_space<hbm>>
      tpu.wait_indirect_dma semaphore(%arg20 : memref<!tpu.dma_semaphore, #tpu.memory_space<semaphore_mem>>) src(%dma_wait3A_636 : memref<16384x128xf32, #tpu.memory_space<hbm>>) dst(%dma_wait3A_633 : memref<32x128xf32, #tpu.memory_space<vmem>>)
      %mul3A_637 = arith.constant 32 : i32
      %mul3A_638 = arith.muli %add3A_397, %mul3A_637 : i32
      %dma_start3A_639 = arith.constant 1 : i32
      %dma_start3A_640 = arith.constant 0 : i32
      %dma_start3A_641 = arith.constant 0 : i32
      %dma_start3A_642 = tpu.memref_slice %arg15[%dma_start3A_639, %dma_start3A_640, %dma_start3A_641] : memref<2x32x128xf32, #tpu.memory_space<vmem>> -> memref<1x32x128xf32, #tpu.memory_space<vmem>>
      %dma_start3A_643 = tpu.memref_squeeze %dma_start3A_642 : memref<1x32x128xf32, #tpu.memory_space<vmem>> -> memref<32x128xf32, #tpu.memory_space<vmem>>
      %dma_start3A_644 = arith.constant 0 : i32
      %dma_start3A_645 = tpu.memref_slice %arg5[%mul3A_638, %dma_start3A_644] : memref<131072x128xf32, #tpu.memory_space<hbm>> -> memref<32x128xf32, #tpu.memory_space<hbm>>
      %dma_start3A_646 = arith.constant 0 : i32
      %dma_start3A_647 = tpu.memref_slice %arg5[%mul3A_638, %dma_start3A_646] : memref<131072x128xf32, #tpu.memory_space<hbm>> -> memref<32x128xf32, #tpu.memory_space<hbm>>
      %dma_start3A_648 = arith.constant 0 : i32
      %dma_start3A_649 = arith.constant 0 : i32
      %dma_start3A_650 = tpu.memref_slice %arg15[%dma_start3A_639, %dma_start3A_648, %dma_start3A_649] : memref<2x32x128xf32, #tpu.memory_space<vmem>> -> memref<1x32x128xf32, #tpu.memory_space<vmem>>
      %dma_start3A_651 = tpu.memref_squeeze %dma_start3A_650 : memref<1x32x128xf32, #tpu.memory_space<vmem>> -> memref<32x128xf32, #tpu.memory_space<vmem>>
      tpu.enqueue_dma source(%dma_start3A_651 : memref<32x128xf32, #tpu.memory_space<vmem>>) target(%dma_start3A_647 : memref<32x128xf32, #tpu.memory_space<hbm>>) target_semaphore(%arg25 : memref<!tpu.dma_semaphore, #tpu.memory_space<semaphore_mem>>)
      %dma_wait3A_652 = arith.constant 1 : i32
      %dma_wait3A_653 = arith.constant 0 : i32
      %dma_wait3A_654 = arith.constant 0 : i32
      %dma_wait3A_655 = tpu.memref_slice %arg16[%dma_wait3A_652, %dma_wait3A_653, %dma_wait3A_654] : memref<2x64x128xf32, #tpu.memory_space<vmem>> -> memref<1x64x128xf32, #tpu.memory_space<vmem>>
      %dma_wait3A_656 = tpu.memref_squeeze %dma_wait3A_655 : memref<1x64x128xf32, #tpu.memory_space<vmem>> -> memref<64x128xf32, #tpu.memory_space<vmem>>
      %dma_wait3A_657 = arith.constant 0 : i32
      %dma_wait3A_658 = arith.constant 0 : i32
      %dma_wait3A_659 = tpu.memref_slice %arg3[%dma_wait3A_657, %dma_wait3A_658] : memref<16384x128xf32, #tpu.memory_space<hbm>> -> memref<16384x128xf32, #tpu.memory_space<hbm>>
      tpu.wait_indirect_dma semaphore(%arg21 : memref<!tpu.dma_semaphore, #tpu.memory_space<semaphore_mem>>) src(%dma_wait3A_659 : memref<16384x128xf32, #tpu.memory_space<hbm>>) dst(%dma_wait3A_656 : memref<64x128xf32, #tpu.memory_space<vmem>>)
      %mul3A_660 = arith.constant 64 : i32
      %mul3A_661 = arith.muli %add3A_397, %mul3A_660 : i32
      %dma_start3A_662 = arith.constant 1 : i32
      %dma_start3A_663 = arith.constant 0 : i32
      %dma_start3A_664 = arith.constant 0 : i32
      %dma_start3A_665 = tpu.memref_slice %arg16[%dma_start3A_662, %dma_start3A_663, %dma_start3A_664] : memref<2x64x128xf32, #tpu.memory_space<vmem>> -> memref<1x64x128xf32, #tpu.memory_space<vmem>>
      %dma_start3A_666 = tpu.memref_squeeze %dma_start3A_665 : memref<1x64x128xf32, #tpu.memory_space<vmem>> -> memref<64x128xf32, #tpu.memory_space<vmem>>
      %dma_start3A_667 = arith.constant 0 : i32
      %dma_start3A_668 = tpu.memref_slice %arg6[%mul3A_661, %dma_start3A_667] : memref<262144x128xf32, #tpu.memory_space<hbm>> -> memref<64x128xf32, #tpu.memory_space<hbm>>
      %dma_start3A_669 = arith.constant 0 : i32
      %dma_start3A_670 = tpu.memref_slice %arg6[%mul3A_661, %dma_start3A_669] : memref<262144x128xf32, #tpu.memory_space<hbm>> -> memref<64x128xf32, #tpu.memory_space<hbm>>
      %dma_start3A_671 = arith.constant 0 : i32
      %dma_start3A_672 = arith.constant 0 : i32
      %dma_start3A_673 = tpu.memref_slice %arg16[%dma_start3A_662, %dma_start3A_671, %dma_start3A_672] : memref<2x64x128xf32, #tpu.memory_space<vmem>> -> memref<1x64x128xf32, #tpu.memory_space<vmem>>
      %dma_start3A_674 = tpu.memref_squeeze %dma_start3A_673 : memref<1x64x128xf32, #tpu.memory_space<vmem>> -> memref<64x128xf32, #tpu.memory_space<vmem>>
      tpu.enqueue_dma source(%dma_start3A_674 : memref<64x128xf32, #tpu.memory_space<vmem>>) target(%dma_start3A_670 : memref<64x128xf32, #tpu.memory_space<hbm>>) target_semaphore(%arg27 : memref<!tpu.dma_semaphore, #tpu.memory_space<semaphore_mem>>)
      %scan3A_675 = arith.constant 0 : i32
      scf.yield %scan3A_675 : i32
    }
    %scan3A_25 = arith.constant 64 : i32
    %add3A_26 = arith.constant 128 : i32
    %add3A_27 = arith.addi %mul3A_2, %add3A_26 : i32
    %sub3A = arith.constant 2 : i32
    %sub3A_28 = arith.subi %add3A_27, %sub3A : i32
    %add3A_29 = arith.constant 0 : i32
    %add3A_30 = arith.addi %sub3A_28, %add3A_29 : i32
    %mul3A_31 = arith.constant 16 : i32
    %mul3A_32 = arith.muli %add3A_30, %mul3A_31 : i32
    %dma_wait3A = arith.constant 0 : i32
    %dma_wait3A_33 = arith.constant 0 : i32
    %dma_wait3A_34 = arith.constant 0 : i32
    %dma_wait3A_35 = tpu.memref_slice %arg14[%dma_wait3A, %dma_wait3A_33, %dma_wait3A_34] : memref<2x16x128xf32, #tpu.memory_space<vmem>> -> memref<1x16x128xf32, #tpu.memory_space<vmem>>
    %dma_wait3A_36 = tpu.memref_squeeze %dma_wait3A_35 : memref<1x16x128xf32, #tpu.memory_space<vmem>> -> memref<16x128xf32, #tpu.memory_space<vmem>>
    %dma_wait3A_37 = arith.constant 0 : i32
    %dma_wait3A_38 = tpu.memref_slice %arg4[%mul3A_32, %dma_wait3A_37] : memref<65536x128xf32, #tpu.memory_space<hbm>> -> memref<16x128xf32, #tpu.memory_space<hbm>>
    %dma_wait3A_39 = arith.constant 0 : i32
    %dma_wait3A_40 = tpu.memref_slice %arg4[%mul3A_32, %dma_wait3A_39] : memref<65536x128xf32, #tpu.memory_space<hbm>> -> memref<16x128xf32, #tpu.memory_space<hbm>>
    %dma_wait3A_41 = arith.constant 0 : i32
    %dma_wait3A_42 = arith.constant 0 : i32
    %dma_wait3A_43 = tpu.memref_slice %arg14[%dma_wait3A, %dma_wait3A_41, %dma_wait3A_42] : memref<2x16x128xf32, #tpu.memory_space<vmem>> -> memref<1x16x128xf32, #tpu.memory_space<vmem>>
    %dma_wait3A_44 = tpu.memref_squeeze %dma_wait3A_43 : memref<1x16x128xf32, #tpu.memory_space<vmem>> -> memref<16x128xf32, #tpu.memory_space<vmem>>
    tpu.wait_dma2 semaphore(%arg22 : memref<!tpu.dma_semaphore, #tpu.memory_space<semaphore_mem>>) src(%dma_wait3A_44 : memref<16x128xf32, #tpu.memory_space<vmem>>) dst(%dma_wait3A_40 : memref<16x128xf32, #tpu.memory_space<hbm>>)
    %mul3A_45 = arith.constant 32 : i32
    %mul3A_46 = arith.muli %add3A_30, %mul3A_45 : i32
    %dma_wait3A_47 = arith.constant 0 : i32
    %dma_wait3A_48 = arith.constant 0 : i32
    %dma_wait3A_49 = arith.constant 0 : i32
    %dma_wait3A_50 = tpu.memref_slice %arg15[%dma_wait3A_47, %dma_wait3A_48, %dma_wait3A_49] : memref<2x32x128xf32, #tpu.memory_space<vmem>> -> memref<1x32x128xf32, #tpu.memory_space<vmem>>
    %dma_wait3A_51 = tpu.memref_squeeze %dma_wait3A_50 : memref<1x32x128xf32, #tpu.memory_space<vmem>> -> memref<32x128xf32, #tpu.memory_space<vmem>>
    %dma_wait3A_52 = arith.constant 0 : i32
    %dma_wait3A_53 = tpu.memref_slice %arg5[%mul3A_46, %dma_wait3A_52] : memref<131072x128xf32, #tpu.memory_space<hbm>> -> memref<32x128xf32, #tpu.memory_space<hbm>>
    %dma_wait3A_54 = arith.constant 0 : i32
    %dma_wait3A_55 = tpu.memref_slice %arg5[%mul3A_46, %dma_wait3A_54] : memref<131072x128xf32, #tpu.memory_space<hbm>> -> memref<32x128xf32, #tpu.memory_space<hbm>>
    %dma_wait3A_56 = arith.constant 0 : i32
    %dma_wait3A_57 = arith.constant 0 : i32
    %dma_wait3A_58 = tpu.memref_slice %arg15[%dma_wait3A_47, %dma_wait3A_56, %dma_wait3A_57] : memref<2x32x128xf32, #tpu.memory_space<vmem>> -> memref<1x32x128xf32, #tpu.memory_space<vmem>>
    %dma_wait3A_59 = tpu.memref_squeeze %dma_wait3A_58 : memref<1x32x128xf32, #tpu.memory_space<vmem>> -> memref<32x128xf32, #tpu.memory_space<vmem>>
    tpu.wait_dma2 semaphore(%arg24 : memref<!tpu.dma_semaphore, #tpu.memory_space<semaphore_mem>>) src(%dma_wait3A_59 : memref<32x128xf32, #tpu.memory_space<vmem>>) dst(%dma_wait3A_55 : memref<32x128xf32, #tpu.memory_space<hbm>>)
    %mul3A_60 = arith.constant 64 : i32
    %mul3A_61 = arith.muli %add3A_30, %mul3A_60 : i32
    %dma_wait3A_62 = arith.constant 0 : i32
    %dma_wait3A_63 = arith.constant 0 : i32
    %dma_wait3A_64 = arith.constant 0 : i32
    %dma_wait3A_65 = tpu.memref_slice %arg16[%dma_wait3A_62, %dma_wait3A_63, %dma_wait3A_64] : memref<2x64x128xf32, #tpu.memory_space<vmem>> -> memref<1x64x128xf32, #tpu.memory_space<vmem>>
    %dma_wait3A_66 = tpu.memref_squeeze %dma_wait3A_65 : memref<1x64x128xf32, #tpu.memory_space<vmem>> -> memref<64x128xf32, #tpu.memory_space<vmem>>
    %dma_wait3A_67 = arith.constant 0 : i32
    %dma_wait3A_68 = tpu.memref_slice %arg6[%mul3A_61, %dma_wait3A_67] : memref<262144x128xf32, #tpu.memory_space<hbm>> -> memref<64x128xf32, #tpu.memory_space<hbm>>
    %dma_wait3A_69 = arith.constant 0 : i32
    %dma_wait3A_70 = tpu.memref_slice %arg6[%mul3A_61, %dma_wait3A_69] : memref<262144x128xf32, #tpu.memory_space<hbm>> -> memref<64x128xf32, #tpu.memory_space<hbm>>
    %dma_wait3A_71 = arith.constant 0 : i32
    %dma_wait3A_72 = arith.constant 0 : i32
    %dma_wait3A_73 = tpu.memref_slice %arg16[%dma_wait3A_62, %dma_wait3A_71, %dma_wait3A_72] : memref<2x64x128xf32, #tpu.memory_space<vmem>> -> memref<1x64x128xf32, #tpu.memory_space<vmem>>
    %dma_wait3A_74 = tpu.memref_squeeze %dma_wait3A_73 : memref<1x64x128xf32, #tpu.memory_space<vmem>> -> memref<64x128xf32, #tpu.memory_space<vmem>>
    tpu.wait_dma2 semaphore(%arg26 : memref<!tpu.dma_semaphore, #tpu.memory_space<semaphore_mem>>) src(%dma_wait3A_74 : memref<64x128xf32, #tpu.memory_space<vmem>>) dst(%dma_wait3A_70 : memref<64x128xf32, #tpu.memory_space<hbm>>)
    %add3A_75 = arith.constant 128 : i32
    %add3A_76 = arith.addi %mul3A_2, %add3A_75 : i32
    %sub3A_77 = arith.constant 2 : i32
    %sub3A_78 = arith.subi %add3A_76, %sub3A_77 : i32
    %add3A_79 = arith.constant 1 : i32
    %add3A_80 = arith.addi %sub3A_78, %add3A_79 : i32
    %mul3A_81 = arith.constant 16 : i32
    %mul3A_82 = arith.muli %add3A_80, %mul3A_81 : i32
    %dma_wait3A_83 = arith.constant 1 : i32
    %dma_wait3A_84 = arith.constant 0 : i32
    %dma_wait3A_85 = arith.constant 0 : i32
    %dma_wait3A_86 = tpu.memref_slice %arg14[%dma_wait3A_83, %dma_wait3A_84, %dma_wait3A_85] : memref<2x16x128xf32, #tpu.memory_space<vmem>> -> memref<1x16x128xf32, #tpu.memory_space<vmem>>
    %dma_wait3A_87 = tpu.memref_squeeze %dma_wait3A_86 : memref<1x16x128xf32, #tpu.memory_space<vmem>> -> memref<16x128xf32, #tpu.memory_space<vmem>>
    %dma_wait3A_88 = arith.constant 0 : i32
    %dma_wait3A_89 = tpu.memref_slice %arg4[%mul3A_82, %dma_wait3A_88] : memref<65536x128xf32, #tpu.memory_space<hbm>> -> memref<16x128xf32, #tpu.memory_space<hbm>>
    %dma_wait3A_90 = arith.constant 0 : i32
    %dma_wait3A_91 = tpu.memref_slice %arg4[%mul3A_82, %dma_wait3A_90] : memref<65536x128xf32, #tpu.memory_space<hbm>> -> memref<16x128xf32, #tpu.memory_space<hbm>>
    %dma_wait3A_92 = arith.constant 0 : i32
    %dma_wait3A_93 = arith.constant 0 : i32
    %dma_wait3A_94 = tpu.memref_slice %arg14[%dma_wait3A_83, %dma_wait3A_92, %dma_wait3A_93] : memref<2x16x128xf32, #tpu.memory_space<vmem>> -> memref<1x16x128xf32, #tpu.memory_space<vmem>>
    %dma_wait3A_95 = tpu.memref_squeeze %dma_wait3A_94 : memref<1x16x128xf32, #tpu.memory_space<vmem>> -> memref<16x128xf32, #tpu.memory_space<vmem>>
    tpu.wait_dma2 semaphore(%arg23 : memref<!tpu.dma_semaphore, #tpu.memory_space<semaphore_mem>>) src(%dma_wait3A_95 : memref<16x128xf32, #tpu.memory_space<vmem>>) dst(%dma_wait3A_91 : memref<16x128xf32, #tpu.memory_space<hbm>>)
    %mul3A_96 = arith.constant 32 : i32
    %mul3A_97 = arith.muli %add3A_80, %mul3A_96 : i32
    %dma_wait3A_98 = arith.constant 1 : i32
    %dma_wait3A_99 = arith.constant 0 : i32
    %dma_wait3A_100 = arith.constant 0 : i32
    %dma_wait3A_101 = tpu.memref_slice %arg15[%dma_wait3A_98, %dma_wait3A_99, %dma_wait3A_100] : memref<2x32x128xf32, #tpu.memory_space<vmem>> -> memref<1x32x128xf32, #tpu.memory_space<vmem>>
    %dma_wait3A_102 = tpu.memref_squeeze %dma_wait3A_101 : memref<1x32x128xf32, #tpu.memory_space<vmem>> -> memref<32x128xf32, #tpu.memory_space<vmem>>
    %dma_wait3A_103 = arith.constant 0 : i32
    %dma_wait3A_104 = tpu.memref_slice %arg5[%mul3A_97, %dma_wait3A_103] : memref<131072x128xf32, #tpu.memory_space<hbm>> -> memref<32x128xf32, #tpu.memory_space<hbm>>
    %dma_wait3A_105 = arith.constant 0 : i32
    %dma_wait3A_106 = tpu.memref_slice %arg5[%mul3A_97, %dma_wait3A_105] : memref<131072x128xf32, #tpu.memory_space<hbm>> -> memref<32x128xf32, #tpu.memory_space<hbm>>
    %dma_wait3A_107 = arith.constant 0 : i32
    %dma_wait3A_108 = arith.constant 0 : i32
    %dma_wait3A_109 = tpu.memref_slice %arg15[%dma_wait3A_98, %dma_wait3A_107, %dma_wait3A_108] : memref<2x32x128xf32, #tpu.memory_space<vmem>> -> memref<1x32x128xf32, #tpu.memory_space<vmem>>
    %dma_wait3A_110 = tpu.memref_squeeze %dma_wait3A_109 : memref<1x32x128xf32, #tpu.memory_space<vmem>> -> memref<32x128xf32, #tpu.memory_space<vmem>>
    tpu.wait_dma2 semaphore(%arg25 : memref<!tpu.dma_semaphore, #tpu.memory_space<semaphore_mem>>) src(%dma_wait3A_110 : memref<32x128xf32, #tpu.memory_space<vmem>>) dst(%dma_wait3A_106 : memref<32x128xf32, #tpu.memory_space<hbm>>)
    %mul3A_111 = arith.constant 64 : i32
    %mul3A_112 = arith.muli %add3A_80, %mul3A_111 : i32
    %dma_wait3A_113 = arith.constant 1 : i32
    %dma_wait3A_114 = arith.constant 0 : i32
    %dma_wait3A_115 = arith.constant 0 : i32
    %dma_wait3A_116 = tpu.memref_slice %arg16[%dma_wait3A_113, %dma_wait3A_114, %dma_wait3A_115] : memref<2x64x128xf32, #tpu.memory_space<vmem>> -> memref<1x64x128xf32, #tpu.memory_space<vmem>>
    %dma_wait3A_117 = tpu.memref_squeeze %dma_wait3A_116 : memref<1x64x128xf32, #tpu.memory_space<vmem>> -> memref<64x128xf32, #tpu.memory_space<vmem>>
    %dma_wait3A_118 = arith.constant 0 : i32
    %dma_wait3A_119 = tpu.memref_slice %arg6[%mul3A_112, %dma_wait3A_118] : memref<262144x128xf32, #tpu.memory_space<hbm>> -> memref<64x128xf32, #tpu.memory_space<hbm>>
    %dma_wait3A_120 = arith.constant 0 : i32
    %dma_wait3A_121 = tpu.memref_slice %arg6[%mul3A_112, %dma_wait3A_120] : memref<262144x128xf32, #tpu.memory_space<hbm>> -> memref<64x128xf32, #tpu.memory_space<hbm>>
    %dma_wait3A_122 = arith.constant 0 : i32
    %dma_wait3A_123 = arith.constant 0 : i32
    %dma_wait3A_124 = tpu.memref_slice %arg16[%dma_wait3A_113, %dma_wait3A_122, %dma_wait3A_123] : memref<2x64x128xf32, #tpu.memory_space<vmem>> -> memref<1x64x128xf32, #tpu.memory_space<vmem>>
    %dma_wait3A_125 = tpu.memref_squeeze %dma_wait3A_124 : memref<1x64x128xf32, #tpu.memory_space<vmem>> -> memref<64x128xf32, #tpu.memory_space<vmem>>
    tpu.wait_dma2 semaphore(%arg27 : memref<!tpu.dma_semaphore, #tpu.memory_space<semaphore_mem>>) src(%dma_wait3A_125 : memref<64x128xf32, #tpu.memory_space<vmem>>) dst(%dma_wait3A_121 : memref<64x128xf32, #tpu.memory_space<hbm>>)
    return
  }
}

module attributes {stable_mosaic.version = 14 : i64} {
  func.func @_fps_body(%arg0: memref<8x3x2048xf32, #tpu.memory_space<vmem>>, %arg1: memref<8x512xi32, #tpu.memory_space<vmem>>, %arg2: memref<8x512xf32, #tpu.memory_space<vmem>>, %arg3: memref<8x512xf32, #tpu.memory_space<vmem>>, %arg4: memref<8x512xf32, #tpu.memory_space<vmem>>) attributes {dimension_semantics = [], scalar_prefetch = 0 : i64, scratch_operands = 0 : i64, tpu.core_type = #tpu.core_type<tc>} {
    %get3A = arith.constant 0 : index
    %get3A_0 = arith.constant 0 : index
    %get3A_1 = arith.constant 0 : index
    %get3A_2 = vector.load %arg0[%get3A, %get3A_0, %get3A_1] : memref<8x3x2048xf32, #tpu.memory_space<vmem>>, vector<8x1x2048xf32>
    %get3A_3 = vector.shape_cast %get3A_2 : vector<8x1x2048xf32> to vector<8x2048xf32>
    %get3A_4 = arith.constant 0 : index
    %get3A_5 = arith.constant 1 : index
    %get3A_6 = arith.constant 0 : index
    %get3A_7 = vector.load %arg0[%get3A_4, %get3A_5, %get3A_6] : memref<8x3x2048xf32, #tpu.memory_space<vmem>>, vector<8x1x2048xf32>
    %get3A_8 = vector.shape_cast %get3A_7 : vector<8x1x2048xf32> to vector<8x2048xf32>
    %get3A_9 = arith.constant 0 : index
    %get3A_10 = arith.constant 2 : index
    %get3A_11 = arith.constant 0 : index
    %get3A_12 = vector.load %arg0[%get3A_9, %get3A_10, %get3A_11] : memref<8x3x2048xf32, #tpu.memory_space<vmem>>, vector<8x1x2048xf32>
    %get3A_13 = vector.shape_cast %get3A_12 : vector<8x1x2048xf32> to vector<8x2048xf32>
    %iota3A = tpu.iota {dimensions = array<i32: 1>} : vector<8x2048xi32>
    %iota3A_14 = tpu.iota {dimensions = array<i32: 1>} : vector<8x512xi32>
    %broadcast_in_dim3A = arith.constant 0 : i32
    %broadcast_in_dim3A_15 = vector.broadcast %broadcast_in_dim3A : i32 to vector<8x512xi32>
    %swap3A = arith.constant 0 : index
    %swap3A_16 = arith.constant 0 : index
    %swap3A_17 = vector.load %arg1[%swap3A, %swap3A_16] : memref<8x512xi32, #tpu.memory_space<vmem>>, vector<8x512xi32>
    tpu.vector_store %arg1[%swap3A, %swap3A_16], %broadcast_in_dim3A_15 {strides = array<i32>} : memref<8x512xi32, #tpu.memory_space<vmem>>, vector<8x512xi32>,
    %broadcast_in_dim3A_18 = arith.constant 0.000000e+00 : f32
    %broadcast_in_dim3A_19 = vector.broadcast %broadcast_in_dim3A_18 : f32 to vector<8x512xf32>
    %swap3A_20 = arith.constant 0 : index
    %swap3A_21 = arith.constant 0 : index
    %swap3A_22 = vector.load %arg2[%swap3A_20, %swap3A_21] : memref<8x512xf32, #tpu.memory_space<vmem>>, vector<8x512xf32>
    tpu.vector_store %arg2[%swap3A_20, %swap3A_21], %broadcast_in_dim3A_19 {strides = array<i32>} : memref<8x512xf32, #tpu.memory_space<vmem>>, vector<8x512xf32>,
    %broadcast_in_dim3A_23 = arith.constant 0.000000e+00 : f32
    %broadcast_in_dim3A_24 = vector.broadcast %broadcast_in_dim3A_23 : f32 to vector<8x512xf32>
    %swap3A_25 = arith.constant 0 : index
    %swap3A_26 = arith.constant 0 : index
    %swap3A_27 = vector.load %arg3[%swap3A_25, %swap3A_26] : memref<8x512xf32, #tpu.memory_space<vmem>>, vector<8x512xf32>
    tpu.vector_store %arg3[%swap3A_25, %swap3A_26], %broadcast_in_dim3A_24 {strides = array<i32>} : memref<8x512xf32, #tpu.memory_space<vmem>>, vector<8x512xf32>,
    %broadcast_in_dim3A_28 = arith.constant 0.000000e+00 : f32
    %broadcast_in_dim3A_29 = vector.broadcast %broadcast_in_dim3A_28 : f32 to vector<8x512xf32>
    %swap3A_30 = arith.constant 0 : index
    %swap3A_31 = arith.constant 0 : index
    %swap3A_32 = vector.load %arg4[%swap3A_30, %swap3A_31] : memref<8x512xf32, #tpu.memory_space<vmem>>, vector<8x512xf32>
    tpu.vector_store %arg4[%swap3A_30, %swap3A_31], %broadcast_in_dim3A_29 {strides = array<i32>} : memref<8x512xf32, #tpu.memory_space<vmem>>, vector<8x512xf32>,
    %broadcast_in_dim3A_33 = arith.constant 1.000000e+10 : f32
    %broadcast_in_dim3A_34 = vector.broadcast %broadcast_in_dim3A_33 : f32 to vector<8x2048xf32>
    %broadcast_in_dim3A_35 = arith.constant 0 : i32
    %broadcast_in_dim3A_36 = vector.broadcast %broadcast_in_dim3A_35 : i32 to vector<8x1xi32>
    %scan3A = arith.constant 0 : i32
    %scan3A_37 = arith.constant 512 : i32
    %scan3A_38 = arith.addi %scan3A, %scan3A_37 : i32
    %scan3A_39 = arith.constant 1 : i32
    %scan3A_40:2 = scf.for %scan3A_42 = %scan3A to %scan3A_38 step %scan3A_39 iter_args(%scan3A_43 = %broadcast_in_dim3A_34, %scan3A_44 = %broadcast_in_dim3A_36) -> (vector<8x2048xf32>, vector<8x1xi32>)  : i32 {
      %eq3A = vector.broadcast %scan3A_44 : vector<8x1xi32> to vector<8x2048xi32>
      %eq3A_45 = arith.cmpi eq, %iota3A, %eq3A : vector<8x2048xi32>
      %jit3A = arith.constant 0.000000e+00 : f32
      %broadcast_in_dim3A_46 = vector.broadcast %jit3A : f32 to vector<8x2048xf32>
      %select_n3A = arith.select %eq3A_45, %get3A_3, %broadcast_in_dim3A_46 : vector<8x2048xi1>, vector<8x2048xf32>
      %reduce_sum3A = arith.constant dense<0.000000e+00> : vector<8xf32>
      %reduce_sum3A_47 = vector.multi_reduction <add>, %select_n3A, %reduce_sum3A [1] : vector<8x2048xf32> to vector<8xf32>
      %broadcast_in_dim3A_48 = vector.shape_cast %reduce_sum3A_47 : vector<8xf32> to vector<8x1xf32>
      %jit3A_49 = arith.constant 0.000000e+00 : f32
      %broadcast_in_dim3A_50 = vector.broadcast %jit3A_49 : f32 to vector<8x2048xf32>
      %select_n3A_51 = arith.select %eq3A_45, %get3A_8, %broadcast_in_dim3A_50 : vector<8x2048xi1>, vector<8x2048xf32>
      %reduce_sum3A_52 = arith.constant dense<0.000000e+00> : vector<8xf32>
      %reduce_sum3A_53 = vector.multi_reduction <add>, %select_n3A_51, %reduce_sum3A_52 [1] : vector<8x2048xf32> to vector<8xf32>
      %broadcast_in_dim3A_54 = vector.shape_cast %reduce_sum3A_53 : vector<8xf32> to vector<8x1xf32>
      %jit3A_55 = arith.constant 0.000000e+00 : f32
      %broadcast_in_dim3A_56 = vector.broadcast %jit3A_55 : f32 to vector<8x2048xf32>
      %select_n3A_57 = arith.select %eq3A_45, %get3A_13, %broadcast_in_dim3A_56 : vector<8x2048xi1>, vector<8x2048xf32>
      %reduce_sum3A_58 = arith.constant dense<0.000000e+00> : vector<8xf32>
      %reduce_sum3A_59 = vector.multi_reduction <add>, %select_n3A_57, %reduce_sum3A_58 [1] : vector<8x2048xf32> to vector<8xf32>
      %broadcast_in_dim3A_60 = vector.shape_cast %reduce_sum3A_59 : vector<8xf32> to vector<8x1xf32>
      %eq3A_61 = vector.broadcast %scan3A_42 : i32 to vector<8x512xi32>
      %eq3A_62 = arith.cmpi eq, %iota3A_14, %eq3A_61 : vector<8x512xi32>
      %convert_element_type3A = arith.extui %eq3A_62 : vector<8x512xi1> to vector<8x512xi32>
      %convert_element_type3A_63 = arith.extui %eq3A_62 : vector<8x512xi1> to vector<8x512xi32>
      %convert_element_type3A_64 = arith.sitofp %convert_element_type3A_63 : vector<8x512xi32> to vector<8x512xf32>
      %get3A_65 = arith.constant 0 : index
      %get3A_66 = arith.constant 0 : index
      %get3A_67 = vector.load %arg1[%get3A_65, %get3A_66] : memref<8x512xi32, #tpu.memory_space<vmem>>, vector<8x512xi32>
      %mul3A = vector.broadcast %scan3A_44 : vector<8x1xi32> to vector<8x512xi32>
      %mul3A_68 = arith.muli %convert_element_type3A, %mul3A : vector<8x512xi32>
      %add3A = arith.addi %get3A_67, %mul3A_68 : vector<8x512xi32>
      %swap3A_69 = arith.constant 0 : index
      %swap3A_70 = arith.constant 0 : index
      %swap3A_71 = vector.load %arg1[%swap3A_69, %swap3A_70] : memref<8x512xi32, #tpu.memory_space<vmem>>, vector<8x512xi32>
      tpu.vector_store %arg1[%swap3A_69, %swap3A_70], %add3A {strides = array<i32>} : memref<8x512xi32, #tpu.memory_space<vmem>>, vector<8x512xi32>,
      %get3A_72 = arith.constant 0 : index
      %get3A_73 = arith.constant 0 : index
      %get3A_74 = vector.load %arg2[%get3A_72, %get3A_73] : memref<8x512xf32, #tpu.memory_space<vmem>>, vector<8x512xf32>
      %mul3A_75 = vector.broadcast %broadcast_in_dim3A_48 : vector<8x1xf32> to vector<8x512xf32>
      %mul3A_76 = arith.mulf %convert_element_type3A_64, %mul3A_75 : vector<8x512xf32>
      %add3A_77 = arith.addf %get3A_74, %mul3A_76 : vector<8x512xf32>
      %swap3A_78 = arith.constant 0 : index
      %swap3A_79 = arith.constant 0 : index
      %swap3A_80 = vector.load %arg2[%swap3A_78, %swap3A_79] : memref<8x512xf32, #tpu.memory_space<vmem>>, vector<8x512xf32>
      tpu.vector_store %arg2[%swap3A_78, %swap3A_79], %add3A_77 {strides = array<i32>} : memref<8x512xf32, #tpu.memory_space<vmem>>, vector<8x512xf32>,
      %get3A_81 = arith.constant 0 : index
      %get3A_82 = arith.constant 0 : index
      %get3A_83 = vector.load %arg3[%get3A_81, %get3A_82] : memref<8x512xf32, #tpu.memory_space<vmem>>, vector<8x512xf32>
      %mul3A_84 = vector.broadcast %broadcast_in_dim3A_54 : vector<8x1xf32> to vector<8x512xf32>
      %mul3A_85 = arith.mulf %convert_element_type3A_64, %mul3A_84 : vector<8x512xf32>
      %add3A_86 = arith.addf %get3A_83, %mul3A_85 : vector<8x512xf32>
      %swap3A_87 = arith.constant 0 : index
      %swap3A_88 = arith.constant 0 : index
      %swap3A_89 = vector.load %arg3[%swap3A_87, %swap3A_88] : memref<8x512xf32, #tpu.memory_space<vmem>>, vector<8x512xf32>
      tpu.vector_store %arg3[%swap3A_87, %swap3A_88], %add3A_86 {strides = array<i32>} : memref<8x512xf32, #tpu.memory_space<vmem>>, vector<8x512xf32>,
      %get3A_90 = arith.constant 0 : index
      %get3A_91 = arith.constant 0 : index
      %get3A_92 = vector.load %arg4[%get3A_90, %get3A_91] : memref<8x512xf32, #tpu.memory_space<vmem>>, vector<8x512xf32>
      %mul3A_93 = vector.broadcast %broadcast_in_dim3A_60 : vector<8x1xf32> to vector<8x512xf32>
      %mul3A_94 = arith.mulf %convert_element_type3A_64, %mul3A_93 : vector<8x512xf32>
      %add3A_95 = arith.addf %get3A_92, %mul3A_94 : vector<8x512xf32>
      %swap3A_96 = arith.constant 0 : index
      %swap3A_97 = arith.constant 0 : index
      %swap3A_98 = vector.load %arg4[%swap3A_96, %swap3A_97] : memref<8x512xf32, #tpu.memory_space<vmem>>, vector<8x512xf32>
      tpu.vector_store %arg4[%swap3A_96, %swap3A_97], %add3A_95 {strides = array<i32>} : memref<8x512xf32, #tpu.memory_space<vmem>>, vector<8x512xf32>,
      %sub3A = vector.broadcast %broadcast_in_dim3A_48 : vector<8x1xf32> to vector<8x2048xf32>
      %sub3A_99 = arith.subf %get3A_3, %sub3A : vector<8x2048xf32>
      %sub3A_100 = vector.broadcast %broadcast_in_dim3A_54 : vector<8x1xf32> to vector<8x2048xf32>
      %sub3A_101 = arith.subf %get3A_8, %sub3A_100 : vector<8x2048xf32>
      %sub3A_102 = vector.broadcast %broadcast_in_dim3A_60 : vector<8x1xf32> to vector<8x2048xf32>
      %sub3A_103 = arith.subf %get3A_13, %sub3A_102 : vector<8x2048xf32>
      %mul3A_104 = arith.mulf %sub3A_99, %sub3A_99 : vector<8x2048xf32>
      %mul3A_105 = arith.mulf %sub3A_101, %sub3A_101 : vector<8x2048xf32>
      %add3A_106 = arith.addf %mul3A_104, %mul3A_105 : vector<8x2048xf32>
      %mul3A_107 = arith.mulf %sub3A_103, %sub3A_103 : vector<8x2048xf32>
      %add3A_108 = arith.addf %add3A_106, %mul3A_107 : vector<8x2048xf32>
      %min3A = arith.minimumf %scan3A_43, %add3A_108 : vector<8x2048xf32>
      %reduce_max3A = arith.constant dense<0xFF800000> : vector<8xf32>
      %reduce_max3A_109 = vector.multi_reduction <maximumf>, %min3A, %reduce_max3A [1] : vector<8x2048xf32> to vector<8xf32>
      %broadcast_in_dim3A_110 = vector.shape_cast %reduce_max3A_109 : vector<8xf32> to vector<8x1xf32>
      %eq3A_111 = vector.broadcast %broadcast_in_dim3A_110 : vector<8x1xf32> to vector<8x2048xf32>
      %eq3A_112 = arith.cmpf oeq, %min3A, %eq3A_111 : vector<8x2048xf32>
      %jit3A_113 = arith.constant 2048 : i32
      %broadcast_in_dim3A_114 = vector.broadcast %jit3A_113 : i32 to vector<8x2048xi32>
      %select_n3A_115 = arith.select %eq3A_112, %iota3A, %broadcast_in_dim3A_114 : vector<8x2048xi1>, vector<8x2048xi32>
      %reduce_min3A = arith.constant dense<2147483647> : vector<8xi32>
      %reduce_min3A_116 = vector.multi_reduction <minsi>, %select_n3A_115, %reduce_min3A [1] : vector<8x2048xi32> to vector<8xi32>
      %broadcast_in_dim3A_117 = vector.shape_cast %reduce_min3A_116 : vector<8xi32> to vector<8x1xi32>
      scf.yield %min3A, %broadcast_in_dim3A_117 : vector<8x2048xf32>, vector<8x1xi32>
    }
    %scan3A_41 = arith.constant 512 : i32
    return
  }
}

module attributes {stable_mosaic.version = 14 : i64} {
  func.func @_sqd_body(%arg0: i32, %arg1: memref<1x512x3xf32, #tpu.memory_space<vmem>>, %arg2: memref<1x2048x3xf32, #tpu.memory_space<vmem>>, %arg3: memref<1x512x2048xf32, #tpu.memory_space<vmem>>) attributes {dimension_semantics = [#tpu.dimension_semantics<arbitrary>], iteration_bounds = array<i64: 8>, scalar_prefetch = 0 : i64, scratch_operands = 0 : i64, tpu.core_type = #tpu.core_type<tc>, window_params = [{transform_indices = @transform_0, window_bounds = array<i64: 1, 512, 3>}, {transform_indices = @transform_1, window_bounds = array<i64: 1, 2048, 3>}, {transform_indices = @transform_2, window_bounds = array<i64: 1, 512, 2048>}]} {
    %get3A = arith.constant 0 : index
    %get3A_0 = arith.constant 0 : index
    %get3A_1 = arith.constant 0 : index
    %get3A_2 = vector.load %arg1[%get3A, %get3A_0, %get3A_1] : memref<1x512x3xf32, #tpu.memory_space<vmem>>, vector<1x512x3xf32>
    %get3A_3 = vector.shape_cast %get3A_2 : vector<1x512x3xf32> to vector<512x3xf32>
    %get3A_4 = arith.constant 0 : index
    %get3A_5 = arith.constant 0 : index
    %get3A_6 = arith.constant 0 : index
    %get3A_7 = vector.load %arg2[%get3A_4, %get3A_5, %get3A_6] : memref<1x2048x3xf32, #tpu.memory_space<vmem>>, vector<1x2048x3xf32>
    %get3A_8 = vector.shape_cast %get3A_7 : vector<1x2048x3xf32> to vector<2048x3xf32>
    %dot_general3A = arith.constant dense<0.000000e+00> : vector<512x2048xf32>
    %dot_general3A_9 = tpu.matmul %get3A_3, %get3A_8, %dot_general3A {dimension_numbers = #tpu.dot_dimension_numbers<[1], [1], [0], [0], [0, 0, 1, 0], [], []>, transpose_lhs_hint = false} : vector<512x3xf32>, vector<2048x3xf32>, vector<512x2048xf32> -> vector<512x2048xf32>
    %mul3A = arith.constant -2.000000e+00 : f32
    %mul3A_10 = vector.broadcast %mul3A : f32 to vector<512x2048xf32>
    %mul3A_11 = arith.mulf %mul3A_10, %dot_general3A_9 : vector<512x2048xf32>
    %integer_pow3A = arith.mulf %get3A_3, %get3A_3 : vector<512x3xf32>
    %reduce_sum3A = arith.constant dense<0.000000e+00> : vector<512xf32>
    %reduce_sum3A_12 = vector.multi_reduction <add>, %integer_pow3A, %reduce_sum3A [1] : vector<512x3xf32> to vector<512xf32>
    %broadcast_in_dim3A = vector.shape_cast %reduce_sum3A_12 : vector<512xf32> to vector<512x1xf32>
    %add3A = vector.broadcast %broadcast_in_dim3A : vector<512x1xf32> to vector<512x2048xf32>
    %add3A_13 = arith.addf %mul3A_11, %add3A : vector<512x2048xf32>
    %integer_pow3A_14 = arith.mulf %get3A_8, %get3A_8 : vector<2048x3xf32>
    %reduce_sum3A_15 = arith.constant dense<0.000000e+00> : vector<2048xf32>
    %reduce_sum3A_16 = vector.multi_reduction <add>, %integer_pow3A_14, %reduce_sum3A_15 [1] : vector<2048x3xf32> to vector<2048xf32>
    %broadcast_in_dim3A_17 = vector.shape_cast %reduce_sum3A_16 : vector<2048xf32> to vector<1x2048xf32>
    %add3A_18 = vector.broadcast %broadcast_in_dim3A_17 : vector<1x2048xf32> to vector<512x2048xf32>
    %add3A_19 = arith.addf %add3A_13, %add3A_18 : vector<512x2048xf32>
    %swap3A = arith.constant 0 : index
    %swap3A_20 = arith.constant 0 : index
    %swap3A_21 = arith.constant 0 : index
    %swap3A_22 = vector.load %arg3[%swap3A, %swap3A_20, %swap3A_21] : memref<1x512x2048xf32, #tpu.memory_space<vmem>>, vector<1x512x2048xf32>
    %swap3A_23 = vector.shape_cast %swap3A_22 : vector<1x512x2048xf32> to vector<512x2048xf32>
    %swap3A_24 = vector.shape_cast %add3A_19 : vector<512x2048xf32> to vector<1x512x2048xf32>
    tpu.vector_store %arg3[%swap3A, %swap3A_20, %swap3A_21], %swap3A_24 {strides = array<i32>} : memref<1x512x2048xf32, #tpu.memory_space<vmem>>, vector<1x512x2048xf32>,
    return
  }
  func.func @transform_0(%arg0: i32) -> (i32, i32, i32) {
    %c0_i32 = arith.constant 0 : i32
    %c0_i32_0 = arith.constant 0 : i32
    %c0_i32_1 = arith.constant 0 : i32
    return %arg0, %c0_i32, %c0_i32_0 : i32, i32, i32
  }
  func.func @transform_1(%arg0: i32) -> (i32, i32, i32) {
    %c0_i32 = arith.constant 0 : i32
    %c0_i32_0 = arith.constant 0 : i32
    %c0_i32_1 = arith.constant 0 : i32
    return %arg0, %c0_i32, %c0_i32_0 : i32, i32, i32
  }
  func.func @transform_2(%arg0: i32) -> (i32, i32, i32) {
    %c0_i32 = arith.constant 0 : i32
    %c0_i32_0 = arith.constant 0 : i32
    %c0_i32_1 = arith.constant 0 : i32
    return %arg0, %c0_i32, %c0_i32_0 : i32, i32, i32
  }
}

module attributes {stable_mosaic.version = 14 : i64} {
  func.func @_mlp_pass(%arg0: i32, %arg1: memref<2048x128xf32, #tpu.memory_space<vmem>>, %arg2: memref<128x48xf32, #tpu.memory_space<vmem>>, %arg3: memref<32x48xf32, #tpu.memory_space<vmem>>, %arg4: memref<1x32xf32, #tpu.memory_space<vmem>>, %arg5: memref<2048x48xf32, #tpu.memory_space<vmem>>, %arg6: memref<2x32xf32, #tpu.memory_space<vmem>>, %arg7: memref<1x32xf32, #tpu.memory_space<vmem>>, %arg8: memref<1x32xf32, #tpu.memory_space<vmem>>) attributes {dimension_semantics = [#tpu.dimension_semantics<arbitrary>], iteration_bounds = array<i64: 32>, scalar_prefetch = 0 : i64, scratch_operands = 2 : i64, tpu.core_type = #tpu.core_type<tc>, window_params = [{transform_indices = @transform_0, window_bounds = array<i64: 2048, 128>}, {transform_indices = @transform_1, window_bounds = array<i64: 128, 48>}, {pipeline_mode = #tpu.pipeline_mode<synchronous>, transform_indices = @transform_2, window_bounds = array<i64: 32, 48>}, {pipeline_mode = #tpu.pipeline_mode<synchronous>, transform_indices = @transform_3, window_bounds = array<i64: 1, 32>}, {transform_indices = @transform_4, window_bounds = array<i64: 2048, 48>}, {pipeline_mode = #tpu.pipeline_mode<synchronous>, transform_indices = @transform_5, window_bounds = array<i64: 2, 32>}]} {
    %get3A = arith.constant 0 : index
    %get3A_0 = arith.constant 0 : index
    %get3A_1 = vector.load %arg1[%get3A, %get3A_0] : memref<2048x128xf32, #tpu.memory_space<vmem>>, vector<2048x128xf32>
    %slice3A = vector.extract_strided_slice %get3A_1 {offsets = [0, 0], sizes = [2048, 48], strides = [1, 1]} : vector<2048x128xf32> to vector<2048x48xf32>
    %swap3A = arith.constant 0 : index
    %swap3A_2 = arith.constant 0 : index
    %swap3A_3 = vector.load %arg5[%swap3A, %swap3A_2] : memref<2048x48xf32, #tpu.memory_space<vmem>>, vector<2048x48xf32>
    tpu.vector_store %arg5[%swap3A, %swap3A_2], %slice3A {strides = array<i32>} : memref<2048x48xf32, #tpu.memory_space<vmem>>, vector<2048x48xf32>,
    %get3A_4 = arith.constant 0 : index
    %get3A_5 = arith.constant 0 : index
    %get3A_6 = vector.load %arg2[%get3A_4, %get3A_5] : memref<128x48xf32, #tpu.memory_space<vmem>>, vector<128x48xf32>
    %broadcast_in_dim3A = vector.shape_cast %get3A_6 : vector<128x48xf32> to vector<128x1x48xf32>
    %broadcast_in_dim3A_7 = vector.shape_cast %broadcast_in_dim3A : vector<128x1x48xf32> to vector<128x1x48xf32>
    %broadcast_in_dim3A_8 = vector.broadcast %broadcast_in_dim3A_7 : vector<128x1x48xf32> to vector<128x16x48xf32>
    %reshape3A = vector.shape_cast %broadcast_in_dim3A_8 : vector<128x16x48xf32> to vector<2048x48xf32>
    %sub3A = arith.subf %slice3A, %reshape3A : vector<2048x48xf32>
    %get3A_9 = arith.constant 0 : index
    %get3A_10 = arith.constant 0 : index
    %get3A_11 = vector.load %arg3[%get3A_9, %get3A_10] : memref<32x48xf32, #tpu.memory_space<vmem>>, vector<32x48xf32>
    %get3A_12 = arith.constant 0 : index
    %get3A_13 = arith.constant 0 : index
    %get3A_14 = vector.load %arg4[%get3A_12, %get3A_13] : memref<1x32xf32, #tpu.memory_space<vmem>>, vector<1x32xf32>
    %dot_general3A = arith.constant dense<0.000000e+00> : vector<2048x32xf32>
    %dot_general3A_15 = tpu.matmul %sub3A, %get3A_11, %dot_general3A {dimension_numbers = #tpu.dot_dimension_numbers<[1], [1], [0], [0], [0, 0, 1, 0], [], []>, transpose_lhs_hint = false} : vector<2048x48xf32>, vector<32x48xf32>, vector<2048x32xf32> -> vector<2048x32xf32>
    %add3A = vector.broadcast %get3A_14 : vector<1x32xf32> to vector<2048x32xf32>
    %add3A_16 = arith.addf %dot_general3A_15, %add3A : vector<2048x32xf32>
    %eq3A = arith.constant 0 : i32
    %eq3A_17 = arith.cmpi eq, %arg0, %eq3A : i32
    %convert_element_type3A = arith.extui %eq3A_17 : i1 to i32
    %cond3A = arith.constant 0 : i32
    %cond3A_18 = arith.cmpi ne, %convert_element_type3A, %cond3A : i32
    scf.if %cond3A_18 {
      %broadcast_in_dim3A_43 = arith.constant 0.000000e+00 : f32
      %broadcast_in_dim3A_44 = vector.broadcast %broadcast_in_dim3A_43 : f32 to vector<1x32xf32>
      %swap3A_45 = arith.constant 0 : index
      %swap3A_46 = arith.constant 0 : index
      %swap3A_47 = vector.load %arg7[%swap3A_45, %swap3A_46] : memref<1x32xf32, #tpu.memory_space<vmem>>, vector<1x32xf32>
      tpu.vector_store %arg7[%swap3A_45, %swap3A_46], %broadcast_in_dim3A_44 {strides = array<i32>} : memref<1x32xf32, #tpu.memory_space<vmem>>, vector<1x32xf32>,
      %broadcast_in_dim3A_48 = arith.constant 0.000000e+00 : f32
      %broadcast_in_dim3A_49 = vector.broadcast %broadcast_in_dim3A_48 : f32 to vector<1x32xf32>
      %swap3A_50 = arith.constant 0 : index
      %swap3A_51 = arith.constant 0 : index
      %swap3A_52 = vector.load %arg8[%swap3A_50, %swap3A_51] : memref<1x32xf32, #tpu.memory_space<vmem>>, vector<1x32xf32>
      tpu.vector_store %arg8[%swap3A_50, %swap3A_51], %broadcast_in_dim3A_49 {strides = array<i32>} : memref<1x32xf32, #tpu.memory_space<vmem>>, vector<1x32xf32>,
    } else {
    }
    %get3A_19 = arith.constant 0 : index
    %get3A_20 = arith.constant 0 : index
    %get3A_21 = vector.load %arg7[%get3A_19, %get3A_20] : memref<1x32xf32, #tpu.memory_space<vmem>>, vector<1x32xf32>
    %reduce_sum3A = arith.constant dense<0.000000e+00> : vector<32xf32>
    %reduce_sum3A_22 = vector.multi_reduction <add>, %add3A_16, %reduce_sum3A [0] : vector<2048x32xf32> to vector<32xf32>
    %broadcast_in_dim3A_23 = vector.shape_cast %reduce_sum3A_22 : vector<32xf32> to vector<1x32xf32>
    %add3A_24 = arith.addf %get3A_21, %broadcast_in_dim3A_23 : vector<1x32xf32>
    %swap3A_25 = arith.constant 0 : index
    %swap3A_26 = arith.constant 0 : index
    %swap3A_27 = vector.load %arg7[%swap3A_25, %swap3A_26] : memref<1x32xf32, #tpu.memory_space<vmem>>, vector<1x32xf32>
    tpu.vector_store %arg7[%swap3A_25, %swap3A_26], %add3A_24 {strides = array<i32>} : memref<1x32xf32, #tpu.memory_space<vmem>>, vector<1x32xf32>,
    %get3A_28 = arith.constant 0 : index
    %get3A_29 = arith.constant 0 : index
    %get3A_30 = vector.load %arg8[%get3A_28, %get3A_29] : memref<1x32xf32, #tpu.memory_space<vmem>>, vector<1x32xf32>
    %mul3A = arith.mulf %add3A_16, %add3A_16 : vector<2048x32xf32>
    %reduce_sum3A_31 = arith.constant dense<0.000000e+00> : vector<32xf32>
    %reduce_sum3A_32 = vector.multi_reduction <add>, %mul3A, %reduce_sum3A_31 [0] : vector<2048x32xf32> to vector<32xf32>
    %broadcast_in_dim3A_33 = vector.shape_cast %reduce_sum3A_32 : vector<32xf32> to vector<1x32xf32>
    %add3A_34 = arith.addf %get3A_30, %broadcast_in_dim3A_33 : vector<1x32xf32>
    %swap3A_35 = arith.constant 0 : index
    %swap3A_36 = arith.constant 0 : index
    %swap3A_37 = vector.load %arg8[%swap3A_35, %swap3A_36] : memref<1x32xf32, #tpu.memory_space<vmem>>, vector<1x32xf32>
    tpu.vector_store %arg8[%swap3A_35, %swap3A_36], %add3A_34 {strides = array<i32>} : memref<1x32xf32, #tpu.memory_space<vmem>>, vector<1x32xf32>,
    %eq3A_38 = arith.constant 31 : i32
    %eq3A_39 = arith.cmpi eq, %arg0, %eq3A_38 : i32
    %convert_element_type3A_40 = arith.extui %eq3A_39 : i1 to i32
    %cond3A_41 = arith.constant 0 : i32
    %cond3A_42 = arith.cmpi ne, %convert_element_type3A_40, %cond3A_41 : i32
    scf.if %cond3A_42 {
      %get3A_43 = arith.constant 0 : index
      %get3A_44 = arith.constant 0 : index
      %get3A_45 = vector.load %arg7[%get3A_43, %get3A_44] : memref<1x32xf32, #tpu.memory_space<vmem>>, vector<1x32xf32>
      %swap3A_46 = arith.constant 0 : index
      %swap3A_47 = arith.constant 0 : index
      %swap3A_48 = vector.load %arg6[%swap3A_46, %swap3A_47] : memref<2x32xf32, #tpu.memory_space<vmem>>, vector<1x32xf32>
      tpu.vector_store %arg6[%swap3A_46, %swap3A_47], %get3A_45 {strides = array<i32>} : memref<2x32xf32, #tpu.memory_space<vmem>>, vector<1x32xf32>,
      %get3A_49 = arith.constant 0 : index
      %get3A_50 = arith.constant 0 : index
      %get3A_51 = vector.load %arg8[%get3A_49, %get3A_50] : memref<1x32xf32, #tpu.memory_space<vmem>>, vector<1x32xf32>
      %swap3A_52 = arith.constant 1 : index
      %swap3A_53 = arith.constant 0 : index
      %swap3A_54 = vector.load %arg6[%swap3A_52, %swap3A_53] : memref<2x32xf32, #tpu.memory_space<vmem>>, vector<1x32xf32>
      tpu.vector_store %arg6[%swap3A_52, %swap3A_53], %get3A_51 {strides = array<i32>} : memref<2x32xf32, #tpu.memory_space<vmem>>, vector<1x32xf32>,
    } else {
    }
    return
  }
  func.func @transform_0(%arg0: i32) -> (i32, i32) {
    %c0_i32 = arith.constant 0 : i32
    %c0_i32_0 = arith.constant 0 : i32
    return %arg0, %c0_i32 : i32, i32
  }
  func.func @transform_1(%arg0: i32) -> (i32, i32) {
    %c0_i32 = arith.constant 0 : i32
    %c0_i32_0 = arith.constant 0 : i32
    return %arg0, %c0_i32 : i32, i32
  }
  func.func @transform_2(%arg0: i32) -> (i32, i32) {
    %c0_i32 = arith.constant 0 : i32
    %c0_i32_0 = arith.constant 0 : i32
    %c0_i32_1 = arith.constant 0 : i32
    return %c0_i32, %c0_i32_0 : i32, i32
  }
  func.func @transform_3(%arg0: i32) -> (i32, i32) {
    %c0_i32 = arith.constant 0 : i32
    %c0_i32_0 = arith.constant 0 : i32
    %c0_i32_1 = arith.constant 0 : i32
    return %c0_i32, %c0_i32_0 : i32, i32
  }
  func.func @transform_4(%arg0: i32) -> (i32, i32) {
    %c0_i32 = arith.constant 0 : i32
    %c0_i32_0 = arith.constant 0 : i32
    return %arg0, %c0_i32 : i32, i32
  }
  func.func @transform_5(%arg0: i32) -> (i32, i32) {
    %c0_i32 = arith.constant 0 : i32
    %c0_i32_0 = arith.constant 0 : i32
    %c0_i32_1 = arith.constant 0 : i32
    return %c0_i32, %c0_i32_0 : i32, i32
  }
}

module attributes {stable_mosaic.version = 14 : i64} {
  func.func @_mlp_pass(%arg0: i32, %arg1: memref<2048x48xf32, #tpu.memory_space<vmem>>, %arg2: memref<128x48xf32, #tpu.memory_space<vmem>>, %arg3: memref<32x48xf32, #tpu.memory_space<vmem>>, %arg4: memref<1x32xf32, #tpu.memory_space<vmem>>, %arg5: memref<1x32xf32, #tpu.memory_space<vmem>>, %arg6: memref<1x32xf32, #tpu.memory_space<vmem>>, %arg7: memref<32x32xf32, #tpu.memory_space<vmem>>, %arg8: memref<1x32xf32, #tpu.memory_space<vmem>>, %arg9: memref<2x32xf32, #tpu.memory_space<vmem>>, %arg10: memref<1x32xf32, #tpu.memory_space<vmem>>, %arg11: memref<1x32xf32, #tpu.memory_space<vmem>>) attributes {dimension_semantics = [#tpu.dimension_semantics<arbitrary>], iteration_bounds = array<i64: 32>, scalar_prefetch = 0 : i64, scratch_operands = 2 : i64, tpu.core_type = #tpu.core_type<tc>, window_params = [{transform_indices = @transform_0, window_bounds = array<i64: 2048, 48>}, {transform_indices = @transform_1, window_bounds = array<i64: 128, 48>}, {pipeline_mode = #tpu.pipeline_mode<synchronous>, transform_indices = @transform_2, window_bounds = array<i64: 32, 48>}, {pipeline_mode = #tpu.pipeline_mode<synchronous>, transform_indices = @transform_3, window_bounds = array<i64: 1, 32>}, {pipeline_mode = #tpu.pipeline_mode<synchronous>, transform_indices = @transform_4, window_bounds = array<i64: 1, 32>}, {pipeline_mode = #tpu.pipeline_mode<synchronous>, transform_indices = @transform_5, window_bounds = array<i64: 1, 32>}, {pipeline_mode = #tpu.pipeline_mode<synchronous>, transform_indices = @transform_6, window_bounds = array<i64: 32, 32>}, {pipeline_mode = #tpu.pipeline_mode<synchronous>, transform_indices = @transform_7, window_bounds = array<i64: 1, 32>}, {pipeline_mode = #tpu.pipeline_mode<synchronous>, transform_indices = @transform_8, window_bounds = array<i64: 2, 32>}]} {
    %get3A = arith.constant 0 : index
    %get3A_0 = arith.constant 0 : index
    %get3A_1 = vector.load %arg1[%get3A, %get3A_0] : memref<2048x48xf32, #tpu.memory_space<vmem>>, vector<2048x48xf32>
    %get3A_2 = arith.constant 0 : index
    %get3A_3 = arith.constant 0 : index
    %get3A_4 = vector.load %arg2[%get3A_2, %get3A_3] : memref<128x48xf32, #tpu.memory_space<vmem>>, vector<128x48xf32>
    %broadcast_in_dim3A = vector.shape_cast %get3A_4 : vector<128x48xf32> to vector<128x1x48xf32>
    %broadcast_in_dim3A_5 = vector.shape_cast %broadcast_in_dim3A : vector<128x1x48xf32> to vector<128x1x48xf32>
    %broadcast_in_dim3A_6 = vector.broadcast %broadcast_in_dim3A_5 : vector<128x1x48xf32> to vector<128x16x48xf32>
    %reshape3A = vector.shape_cast %broadcast_in_dim3A_6 : vector<128x16x48xf32> to vector<2048x48xf32>
    %sub3A = arith.subf %get3A_1, %reshape3A : vector<2048x48xf32>
    %get3A_7 = arith.constant 0 : index
    %get3A_8 = arith.constant 0 : index
    %get3A_9 = vector.load %arg3[%get3A_7, %get3A_8] : memref<32x48xf32, #tpu.memory_space<vmem>>, vector<32x48xf32>
    %get3A_10 = arith.constant 0 : index
    %get3A_11 = arith.constant 0 : index
    %get3A_12 = vector.load %arg4[%get3A_10, %get3A_11] : memref<1x32xf32, #tpu.memory_space<vmem>>, vector<1x32xf32>
    %dot_general3A = arith.constant dense<0.000000e+00> : vector<2048x32xf32>
    %dot_general3A_13 = tpu.matmul %sub3A, %get3A_9, %dot_general3A {dimension_numbers = #tpu.dot_dimension_numbers<[1], [1], [0], [0], [0, 0, 1, 0], [], []>, transpose_lhs_hint = false} : vector<2048x48xf32>, vector<32x48xf32>, vector<2048x32xf32> -> vector<2048x32xf32>
    %add3A = vector.broadcast %get3A_12 : vector<1x32xf32> to vector<2048x32xf32>
    %add3A_14 = arith.addf %dot_general3A_13, %add3A : vector<2048x32xf32>
    %get3A_15 = arith.constant 0 : index
    %get3A_16 = arith.constant 0 : index
    %get3A_17 = vector.load %arg5[%get3A_15, %get3A_16] : memref<1x32xf32, #tpu.memory_space<vmem>>, vector<1x32xf32>
    %get3A_18 = arith.constant 0 : index
    %get3A_19 = arith.constant 0 : index
    %get3A_20 = vector.load %arg6[%get3A_18, %get3A_19] : memref<1x32xf32, #tpu.memory_space<vmem>>, vector<1x32xf32>
    %mul3A = vector.broadcast %get3A_17 : vector<1x32xf32> to vector<2048x32xf32>
    %mul3A_21 = arith.mulf %add3A_14, %mul3A : vector<2048x32xf32>
    %add3A_22 = vector.broadcast %get3A_20 : vector<1x32xf32> to vector<2048x32xf32>
    %add3A_23 = arith.addf %mul3A_21, %add3A_22 : vector<2048x32xf32>
    %max3A = arith.constant 0.000000e+00 : f32
    %max3A_24 = vector.broadcast %max3A : f32 to vector<2048x32xf32>
    %max3A_25 = arith.maximumf %add3A_23, %max3A_24 : vector<2048x32xf32>
    %get3A_26 = arith.constant 0 : index
    %get3A_27 = arith.constant 0 : index
    %get3A_28 = vector.load %arg7[%get3A_26, %get3A_27] : memref<32x32xf32, #tpu.memory_space<vmem>>, vector<32x32xf32>
    %get3A_29 = arith.constant 0 : index
    %get3A_30 = arith.constant 0 : index
    %get3A_31 = vector.load %arg8[%get3A_29, %get3A_30] : memref<1x32xf32, #tpu.memory_space<vmem>>, vector<1x32xf32>
    %dot_general3A_32 = arith.constant dense<0.000000e+00> : vector<2048x32xf32>
    %dot_general3A_33 = tpu.matmul %max3A_25, %get3A_28, %dot_general3A_32 {dimension_numbers = #tpu.dot_dimension_numbers<[1], [1], [0], [0], [0, 0, 1, 0], [], []>, transpose_lhs_hint = false} : vector<2048x32xf32>, vector<32x32xf32>, vector<2048x32xf32> -> vector<2048x32xf32>
    %add3A_34 = vector.broadcast %get3A_31 : vector<1x32xf32> to vector<2048x32xf32>
    %add3A_35 = arith.addf %dot_general3A_33, %add3A_34 : vector<2048x32xf32>
    %eq3A = arith.constant 0 : i32
    %eq3A_36 = arith.cmpi eq, %arg0, %eq3A : i32
    %convert_element_type3A = arith.extui %eq3A_36 : i1 to i32
    %cond3A = arith.constant 0 : i32
    %cond3A_37 = arith.cmpi ne, %convert_element_type3A, %cond3A : i32
    scf.if %cond3A_37 {
      %broadcast_in_dim3A_62 = arith.constant 0.000000e+00 : f32
      %broadcast_in_dim3A_63 = vector.broadcast %broadcast_in_dim3A_62 : f32 to vector<1x32xf32>
      %swap3A_64 = arith.constant 0 : index
      %swap3A_65 = arith.constant 0 : index
      %swap3A_66 = vector.load %arg10[%swap3A_64, %swap3A_65] : memref<1x32xf32, #tpu.memory_space<vmem>>, vector<1x32xf32>
      tpu.vector_store %arg10[%swap3A_64, %swap3A_65], %broadcast_in_dim3A_63 {strides = array<i32>} : memref<1x32xf32, #tpu.memory_space<vmem>>, vector<1x32xf32>,
      %broadcast_in_dim3A_67 = arith.constant 0.000000e+00 : f32
      %broadcast_in_dim3A_68 = vector.broadcast %broadcast_in_dim3A_67 : f32 to vector<1x32xf32>
      %swap3A_69 = arith.constant 0 : index
      %swap3A_70 = arith.constant 0 : index
      %swap3A_71 = vector.load %arg11[%swap3A_69, %swap3A_70] : memref<1x32xf32, #tpu.memory_space<vmem>>, vector<1x32xf32>
      tpu.vector_store %arg11[%swap3A_69, %swap3A_70], %broadcast_in_dim3A_68 {strides = array<i32>} : memref<1x32xf32, #tpu.memory_space<vmem>>, vector<1x32xf32>,
    } else {
    }
    %get3A_38 = arith.constant 0 : index
    %get3A_39 = arith.constant 0 : index
    %get3A_40 = vector.load %arg10[%get3A_38, %get3A_39] : memref<1x32xf32, #tpu.memory_space<vmem>>, vector<1x32xf32>
    %reduce_sum3A = arith.constant dense<0.000000e+00> : vector<32xf32>
    %reduce_sum3A_41 = vector.multi_reduction <add>, %add3A_35, %reduce_sum3A [0] : vector<2048x32xf32> to vector<32xf32>
    %broadcast_in_dim3A_42 = vector.shape_cast %reduce_sum3A_41 : vector<32xf32> to vector<1x32xf32>
    %add3A_43 = arith.addf %get3A_40, %broadcast_in_dim3A_42 : vector<1x32xf32>
    %swap3A = arith.constant 0 : index
    %swap3A_44 = arith.constant 0 : index
    %swap3A_45 = vector.load %arg10[%swap3A, %swap3A_44] : memref<1x32xf32, #tpu.memory_space<vmem>>, vector<1x32xf32>
    tpu.vector_store %arg10[%swap3A, %swap3A_44], %add3A_43 {strides = array<i32>} : memref<1x32xf32, #tpu.memory_space<vmem>>, vector<1x32xf32>,
    %get3A_46 = arith.constant 0 : index
    %get3A_47 = arith.constant 0 : index
    %get3A_48 = vector.load %arg11[%get3A_46, %get3A_47] : memref<1x32xf32, #tpu.memory_space<vmem>>, vector<1x32xf32>
    %mul3A_49 = arith.mulf %add3A_35, %add3A_35 : vector<2048x32xf32>
    %reduce_sum3A_50 = arith.constant dense<0.000000e+00> : vector<32xf32>
    %reduce_sum3A_51 = vector.multi_reduction <add>, %mul3A_49, %reduce_sum3A_50 [0] : vector<2048x32xf32> to vector<32xf32>
    %broadcast_in_dim3A_52 = vector.shape_cast %reduce_sum3A_51 : vector<32xf32> to vector<1x32xf32>
    %add3A_53 = arith.addf %get3A_48, %broadcast_in_dim3A_52 : vector<1x32xf32>
    %swap3A_54 = arith.constant 0 : index
    %swap3A_55 = arith.constant 0 : index
    %swap3A_56 = vector.load %arg11[%swap3A_54, %swap3A_55] : memref<1x32xf32, #tpu.memory_space<vmem>>, vector<1x32xf32>
    tpu.vector_store %arg11[%swap3A_54, %swap3A_55], %add3A_53 {strides = array<i32>} : memref<1x32xf32, #tpu.memory_space<vmem>>, vector<1x32xf32>,
    %eq3A_57 = arith.constant 31 : i32
    %eq3A_58 = arith.cmpi eq, %arg0, %eq3A_57 : i32
    %convert_element_type3A_59 = arith.extui %eq3A_58 : i1 to i32
    %cond3A_60 = arith.constant 0 : i32
    %cond3A_61 = arith.cmpi ne, %convert_element_type3A_59, %cond3A_60 : i32
    scf.if %cond3A_61 {
      %get3A_62 = arith.constant 0 : index
      %get3A_63 = arith.constant 0 : index
      %get3A_64 = vector.load %arg10[%get3A_62, %get3A_63] : memref<1x32xf32, #tpu.memory_space<vmem>>, vector<1x32xf32>
      %swap3A_65 = arith.constant 0 : index
      %swap3A_66 = arith.constant 0 : index
      %swap3A_67 = vector.load %arg9[%swap3A_65, %swap3A_66] : memref<2x32xf32, #tpu.memory_space<vmem>>, vector<1x32xf32>
      tpu.vector_store %arg9[%swap3A_65, %swap3A_66], %get3A_64 {strides = array<i32>} : memref<2x32xf32, #tpu.memory_space<vmem>>, vector<1x32xf32>,
      %get3A_68 = arith.constant 0 : index
      %get3A_69 = arith.constant 0 : index
      %get3A_70 = vector.load %arg11[%get3A_68, %get3A_69] : memref<1x32xf32, #tpu.memory_space<vmem>>, vector<1x32xf32>
      %swap3A_71 = arith.constant 1 : index
      %swap3A_72 = arith.constant 0 : index
      %swap3A_73 = vector.load %arg9[%swap3A_71, %swap3A_72] : memref<2x32xf32, #tpu.memory_space<vmem>>, vector<1x32xf32>
      tpu.vector_store %arg9[%swap3A_71, %swap3A_72], %get3A_70 {strides = array<i32>} : memref<2x32xf32, #tpu.memory_space<vmem>>, vector<1x32xf32>,
    } else {
    }
    return
  }
  func.func @transform_0(%arg0: i32) -> (i32, i32) {
    %c0_i32 = arith.constant 0 : i32
    %c0_i32_0 = arith.constant 0 : i32
    return %arg0, %c0_i32 : i32, i32
  }
  func.func @transform_1(%arg0: i32) -> (i32, i32) {
    %c0_i32 = arith.constant 0 : i32
    %c0_i32_0 = arith.constant 0 : i32
    return %arg0, %c0_i32 : i32, i32
  }
  func.func @transform_2(%arg0: i32) -> (i32, i32) {
    %c0_i32 = arith.constant 0 : i32
    %c0_i32_0 = arith.constant 0 : i32
    %c0_i32_1 = arith.constant 0 : i32
    return %c0_i32, %c0_i32_0 : i32, i32
  }
  func.func @transform_3(%arg0: i32) -> (i32, i32) {
    %c0_i32 = arith.constant 0 : i32
    %c0_i32_0 = arith.constant 0 : i32
    %c0_i32_1 = arith.constant 0 : i32
    return %c0_i32, %c0_i32_0 : i32, i32
  }
  func.func @transform_4(%arg0: i32) -> (i32, i32) {
    %c0_i32 = arith.constant 0 : i32
    %c0_i32_0 = arith.constant 0 : i32
    %c0_i32_1 = arith.constant 0 : i32
    return %c0_i32, %c0_i32_0 : i32, i32
  }
  func.func @transform_5(%arg0: i32) -> (i32, i32) {
    %c0_i32 = arith.constant 0 : i32
    %c0_i32_0 = arith.constant 0 : i32
    %c0_i32_1 = arith.constant 0 : i32
    return %c0_i32, %c0_i32_0 : i32, i32
  }
  func.func @transform_6(%arg0: i32) -> (i32, i32) {
    %c0_i32 = arith.constant 0 : i32
    %c0_i32_0 = arith.constant 0 : i32
    %c0_i32_1 = arith.constant 0 : i32
    return %c0_i32, %c0_i32_0 : i32, i32
  }
  func.func @transform_7(%arg0: i32) -> (i32, i32) {
    %c0_i32 = arith.constant 0 : i32
    %c0_i32_0 = arith.constant 0 : i32
    %c0_i32_1 = arith.constant 0 : i32
    return %c0_i32, %c0_i32_0 : i32, i32
  }
  func.func @transform_8(%arg0: i32) -> (i32, i32) {
    %c0_i32 = arith.constant 0 : i32
    %c0_i32_0 = arith.constant 0 : i32
    %c0_i32_1 = arith.constant 0 : i32
    return %c0_i32, %c0_i32_0 : i32, i32
  }
}

module attributes {stable_mosaic.version = 14 : i64} {
  func.func @_mlp_pass(%arg0: i32, %arg1: memref<2048x48xf32, #tpu.memory_space<vmem>>, %arg2: memref<128x48xf32, #tpu.memory_space<vmem>>, %arg3: memref<32x48xf32, #tpu.memory_space<vmem>>, %arg4: memref<1x32xf32, #tpu.memory_space<vmem>>, %arg5: memref<1x32xf32, #tpu.memory_space<vmem>>, %arg6: memref<1x32xf32, #tpu.memory_space<vmem>>, %arg7: memref<32x32xf32, #tpu.memory_space<vmem>>, %arg8: memref<1x32xf32, #tpu.memory_space<vmem>>, %arg9: memref<1x32xf32, #tpu.memory_space<vmem>>, %arg10: memref<1x32xf32, #tpu.memory_space<vmem>>, %arg11: memref<64x32xf32, #tpu.memory_space<vmem>>, %arg12: memref<1x64xf32, #tpu.memory_space<vmem>>, %arg13: memref<2x64xf32, #tpu.memory_space<vmem>>, %arg14: memref<1x64xf32, #tpu.memory_space<vmem>>, %arg15: memref<1x64xf32, #tpu.memory_space<vmem>>) attributes {dimension_semantics = [#tpu.dimension_semantics<arbitrary>], iteration_bounds = array<i64: 32>, scalar_prefetch = 0 : i64, scratch_operands = 2 : i64, tpu.core_type = #tpu.core_type<tc>, window_params = [{transform_indices = @transform_0, window_bounds = array<i64: 2048, 48>}, {transform_indices = @transform_1, window_bounds = array<i64: 128, 48>}, {pipeline_mode = #tpu.pipeline_mode<synchronous>, transform_indices = @transform_2, window_bounds = array<i64: 32, 48>}, {pipeline_mode = #tpu.pipeline_mode<synchronous>, transform_indices = @transform_3, window_bounds = array<i64: 1, 32>}, {pipeline_mode = #tpu.pipeline_mode<synchronous>, transform_indices = @transform_4, window_bounds = array<i64: 1, 32>}, {pipeline_mode = #tpu.pipeline_mode<synchronous>, transform_indices = @transform_5, window_bounds = array<i64: 1, 32>}, {pipeline_mode = #tpu.pipeline_mode<synchronous>, transform_indices = @transform_6, window_bounds = array<i64: 32, 32>}, {pipeline_mode = #tpu.pipeline_mode<synchronous>, transform_indices = @transform_7, window_bounds = array<i64: 1, 32>}, {pipeline_mode = #tpu.pipeline_mode<synchronous>, transform_indices = @transform_8, window_bounds = array<i64: 1, 32>}, {pipeline_mode = #tpu.pipeline_mode<synchronous>, transform_indices = @transform_9, window_bounds = array<i64: 1, 32>}, {pipeline_mode = #tpu.pipeline_mode<synchronous>, transform_indices = @transform_10, window_bounds = array<i64: 64, 32>}, {pipeline_mode = #tpu.pipeline_mode<synchronous>, transform_indices = @transform_11, window_bounds = array<i64: 1, 64>}, {pipeline_mode = #tpu.pipeline_mode<synchronous>, transform_indices = @transform_12, window_bounds = array<i64: 2, 64>}]} {
    %get3A = arith.constant 0 : index
    %get3A_0 = arith.constant 0 : index
    %get3A_1 = vector.load %arg1[%get3A, %get3A_0] : memref<2048x48xf32, #tpu.memory_space<vmem>>, vector<2048x48xf32>
    %get3A_2 = arith.constant 0 : index
    %get3A_3 = arith.constant 0 : index
    %get3A_4 = vector.load %arg2[%get3A_2, %get3A_3] : memref<128x48xf32, #tpu.memory_space<vmem>>, vector<128x48xf32>
    %broadcast_in_dim3A = vector.shape_cast %get3A_4 : vector<128x48xf32> to vector<128x1x48xf32>
    %broadcast_in_dim3A_5 = vector.shape_cast %broadcast_in_dim3A : vector<128x1x48xf32> to vector<128x1x48xf32>
    %broadcast_in_dim3A_6 = vector.broadcast %broadcast_in_dim3A_5 : vector<128x1x48xf32> to vector<128x16x48xf32>
    %reshape3A = vector.shape_cast %broadcast_in_dim3A_6 : vector<128x16x48xf32> to vector<2048x48xf32>
    %sub3A = arith.subf %get3A_1, %reshape3A : vector<2048x48xf32>
    %get3A_7 = arith.constant 0 : index
    %get3A_8 = arith.constant 0 : index
    %get3A_9 = vector.load %arg3[%get3A_7, %get3A_8] : memref<32x48xf32, #tpu.memory_space<vmem>>, vector<32x48xf32>
    %get3A_10 = arith.constant 0 : index
    %get3A_11 = arith.constant 0 : index
    %get3A_12 = vector.load %arg4[%get3A_10, %get3A_11] : memref<1x32xf32, #tpu.memory_space<vmem>>, vector<1x32xf32>
    %dot_general3A = arith.constant dense<0.000000e+00> : vector<2048x32xf32>
    %dot_general3A_13 = tpu.matmul %sub3A, %get3A_9, %dot_general3A {dimension_numbers = #tpu.dot_dimension_numbers<[1], [1], [0], [0], [0, 0, 1, 0], [], []>, transpose_lhs_hint = false} : vector<2048x48xf32>, vector<32x48xf32>, vector<2048x32xf32> -> vector<2048x32xf32>
    %add3A = vector.broadcast %get3A_12 : vector<1x32xf32> to vector<2048x32xf32>
    %add3A_14 = arith.addf %dot_general3A_13, %add3A : vector<2048x32xf32>
    %get3A_15 = arith.constant 0 : index
    %get3A_16 = arith.constant 0 : index
    %get3A_17 = vector.load %arg5[%get3A_15, %get3A_16] : memref<1x32xf32, #tpu.memory_space<vmem>>, vector<1x32xf32>
    %get3A_18 = arith.constant 0 : index
    %get3A_19 = arith.constant 0 : index
    %get3A_20 = vector.load %arg6[%get3A_18, %get3A_19] : memref<1x32xf32, #tpu.memory_space<vmem>>, vector<1x32xf32>
    %mul3A = vector.broadcast %get3A_17 : vector<1x32xf32> to vector<2048x32xf32>
    %mul3A_21 = arith.mulf %add3A_14, %mul3A : vector<2048x32xf32>
    %add3A_22 = vector.broadcast %get3A_20 : vector<1x32xf32> to vector<2048x32xf32>
    %add3A_23 = arith.addf %mul3A_21, %add3A_22 : vector<2048x32xf32>
    %max3A = arith.constant 0.000000e+00 : f32
    %max3A_24 = vector.broadcast %max3A : f32 to vector<2048x32xf32>
    %max3A_25 = arith.maximumf %add3A_23, %max3A_24 : vector<2048x32xf32>
    %get3A_26 = arith.constant 0 : index
    %get3A_27 = arith.constant 0 : index
    %get3A_28 = vector.load %arg7[%get3A_26, %get3A_27] : memref<32x32xf32, #tpu.memory_space<vmem>>, vector<32x32xf32>
    %get3A_29 = arith.constant 0 : index
    %get3A_30 = arith.constant 0 : index
    %get3A_31 = vector.load %arg8[%get3A_29, %get3A_30] : memref<1x32xf32, #tpu.memory_space<vmem>>, vector<1x32xf32>
    %dot_general3A_32 = arith.constant dense<0.000000e+00> : vector<2048x32xf32>
    %dot_general3A_33 = tpu.matmul %max3A_25, %get3A_28, %dot_general3A_32 {dimension_numbers = #tpu.dot_dimension_numbers<[1], [1], [0], [0], [0, 0, 1, 0], [], []>, transpose_lhs_hint = false} : vector<2048x32xf32>, vector<32x32xf32>, vector<2048x32xf32> -> vector<2048x32xf32>
    %add3A_34 = vector.broadcast %get3A_31 : vector<1x32xf32> to vector<2048x32xf32>
    %add3A_35 = arith.addf %dot_general3A_33, %add3A_34 : vector<2048x32xf32>
    %get3A_36 = arith.constant 0 : index
    %get3A_37 = arith.constant 0 : index
    %get3A_38 = vector.load %arg9[%get3A_36, %get3A_37] : memref<1x32xf32, #tpu.memory_space<vmem>>, vector<1x32xf32>
    %get3A_39 = arith.constant 0 : index
    %get3A_40 = arith.constant 0 : index
    %get3A_41 = vector.load %arg10[%get3A_39, %get3A_40] : memref<1x32xf32, #tpu.memory_space<vmem>>, vector<1x32xf32>
    %mul3A_42 = vector.broadcast %get3A_38 : vector<1x32xf32> to vector<2048x32xf32>
    %mul3A_43 = arith.mulf %add3A_35, %mul3A_42 : vector<2048x32xf32>
    %add3A_44 = vector.broadcast %get3A_41 : vector<1x32xf32> to vector<2048x32xf32>
    %add3A_45 = arith.addf %mul3A_43, %add3A_44 : vector<2048x32xf32>
    %max3A_46 = arith.constant 0.000000e+00 : f32
    %max3A_47 = vector.broadcast %max3A_46 : f32 to vector<2048x32xf32>
    %max3A_48 = arith.maximumf %add3A_45, %max3A_47 : vector<2048x32xf32>
    %get3A_49 = arith.constant 0 : index
    %get3A_50 = arith.constant 0 : index
    %get3A_51 = vector.load %arg11[%get3A_49, %get3A_50] : memref<64x32xf32, #tpu.memory_space<vmem>>, vector<64x32xf32>
    %get3A_52 = arith.constant 0 : index
    %get3A_53 = arith.constant 0 : index
    %get3A_54 = vector.load %arg12[%get3A_52, %get3A_53] : memref<1x64xf32, #tpu.memory_space<vmem>>, vector<1x64xf32>
    %dot_general3A_55 = arith.constant dense<0.000000e+00> : vector<2048x64xf32>
    %dot_general3A_56 = tpu.matmul %max3A_48, %get3A_51, %dot_general3A_55 {dimension_numbers = #tpu.dot_dimension_numbers<[1], [1], [0], [0], [0, 0, 1, 0], [], []>, transpose_lhs_hint = false} : vector<2048x32xf32>, vector<64x32xf32>, vector<2048x64xf32> -> vector<2048x64xf32>
    %add3A_57 = vector.broadcast %get3A_54 : vector<1x64xf32> to vector<2048x64xf32>
    %add3A_58 = arith.addf %dot_general3A_56, %add3A_57 : vector<2048x64xf32>
    %eq3A = arith.constant 0 : i32
    %eq3A_59 = arith.cmpi eq, %arg0, %eq3A : i32
    %convert_element_type3A = arith.extui %eq3A_59 : i1 to i32
    %cond3A = arith.constant 0 : i32
    %cond3A_60 = arith.cmpi ne, %convert_element_type3A, %cond3A : i32
    scf.if %cond3A_60 {
      %broadcast_in_dim3A_85 = arith.constant 0.000000e+00 : f32
      %broadcast_in_dim3A_86 = vector.broadcast %broadcast_in_dim3A_85 : f32 to vector<1x64xf32>
      %swap3A_87 = arith.constant 0 : index
      %swap3A_88 = arith.constant 0 : index
      %swap3A_89 = vector.load %arg14[%swap3A_87, %swap3A_88] : memref<1x64xf32, #tpu.memory_space<vmem>>, vector<1x64xf32>
      tpu.vector_store %arg14[%swap3A_87, %swap3A_88], %broadcast_in_dim3A_86 {strides = array<i32>} : memref<1x64xf32, #tpu.memory_space<vmem>>, vector<1x64xf32>,
      %broadcast_in_dim3A_90 = arith.constant 0.000000e+00 : f32
      %broadcast_in_dim3A_91 = vector.broadcast %broadcast_in_dim3A_90 : f32 to vector<1x64xf32>
      %swap3A_92 = arith.constant 0 : index
      %swap3A_93 = arith.constant 0 : index
      %swap3A_94 = vector.load %arg15[%swap3A_92, %swap3A_93] : memref<1x64xf32, #tpu.memory_space<vmem>>, vector<1x64xf32>
      tpu.vector_store %arg15[%swap3A_92, %swap3A_93], %broadcast_in_dim3A_91 {strides = array<i32>} : memref<1x64xf32, #tpu.memory_space<vmem>>, vector<1x64xf32>,
    } else {
    }
    %get3A_61 = arith.constant 0 : index
    %get3A_62 = arith.constant 0 : index
    %get3A_63 = vector.load %arg14[%get3A_61, %get3A_62] : memref<1x64xf32, #tpu.memory_space<vmem>>, vector<1x64xf32>
    %reduce_sum3A = arith.constant dense<0.000000e+00> : vector<64xf32>
    %reduce_sum3A_64 = vector.multi_reduction <add>, %add3A_58, %reduce_sum3A [0] : vector<2048x64xf32> to vector<64xf32>
    %broadcast_in_dim3A_65 = vector.shape_cast %reduce_sum3A_64 : vector<64xf32> to vector<1x64xf32>
    %add3A_66 = arith.addf %get3A_63, %broadcast_in_dim3A_65 : vector<1x64xf32>
    %swap3A = arith.constant 0 : index
    %swap3A_67 = arith.constant 0 : index
    %swap3A_68 = vector.load %arg14[%swap3A, %swap3A_67] : memref<1x64xf32, #tpu.memory_space<vmem>>, vector<1x64xf32>
    tpu.vector_store %arg14[%swap3A, %swap3A_67], %add3A_66 {strides = array<i32>} : memref<1x64xf32, #tpu.memory_space<vmem>>, vector<1x64xf32>,
    %get3A_69 = arith.constant 0 : index
    %get3A_70 = arith.constant 0 : index
    %get3A_71 = vector.load %arg15[%get3A_69, %get3A_70] : memref<1x64xf32, #tpu.memory_space<vmem>>, vector<1x64xf32>
    %mul3A_72 = arith.mulf %add3A_58, %add3A_58 : vector<2048x64xf32>
    %reduce_sum3A_73 = arith.constant dense<0.000000e+00> : vector<64xf32>
    %reduce_sum3A_74 = vector.multi_reduction <add>, %mul3A_72, %reduce_sum3A_73 [0] : vector<2048x64xf32> to vector<64xf32>
    %broadcast_in_dim3A_75 = vector.shape_cast %reduce_sum3A_74 : vector<64xf32> to vector<1x64xf32>
    %add3A_76 = arith.addf %get3A_71, %broadcast_in_dim3A_75 : vector<1x64xf32>
    %swap3A_77 = arith.constant 0 : index
    %swap3A_78 = arith.constant 0 : index
    %swap3A_79 = vector.load %arg15[%swap3A_77, %swap3A_78] : memref<1x64xf32, #tpu.memory_space<vmem>>, vector<1x64xf32>
    tpu.vector_store %arg15[%swap3A_77, %swap3A_78], %add3A_76 {strides = array<i32>} : memref<1x64xf32, #tpu.memory_space<vmem>>, vector<1x64xf32>,
    %eq3A_80 = arith.constant 31 : i32
    %eq3A_81 = arith.cmpi eq, %arg0, %eq3A_80 : i32
    %convert_element_type3A_82 = arith.extui %eq3A_81 : i1 to i32
    %cond3A_83 = arith.constant 0 : i32
    %cond3A_84 = arith.cmpi ne, %convert_element_type3A_82, %cond3A_83 : i32
    scf.if %cond3A_84 {
      %get3A_85 = arith.constant 0 : index
      %get3A_86 = arith.constant 0 : index
      %get3A_87 = vector.load %arg14[%get3A_85, %get3A_86] : memref<1x64xf32, #tpu.memory_space<vmem>>, vector<1x64xf32>
      %swap3A_88 = arith.constant 0 : index
      %swap3A_89 = arith.constant 0 : index
      %swap3A_90 = vector.load %arg13[%swap3A_88, %swap3A_89] : memref<2x64xf32, #tpu.memory_space<vmem>>, vector<1x64xf32>
      tpu.vector_store %arg13[%swap3A_88, %swap3A_89], %get3A_87 {strides = array<i32>} : memref<2x64xf32, #tpu.memory_space<vmem>>, vector<1x64xf32>,
      %get3A_91 = arith.constant 0 : index
      %get3A_92 = arith.constant 0 : index
      %get3A_93 = vector.load %arg15[%get3A_91, %get3A_92] : memref<1x64xf32, #tpu.memory_space<vmem>>, vector<1x64xf32>
      %swap3A_94 = arith.constant 1 : index
      %swap3A_95 = arith.constant 0 : index
      %swap3A_96 = vector.load %arg13[%swap3A_94, %swap3A_95] : memref<2x64xf32, #tpu.memory_space<vmem>>, vector<1x64xf32>
      tpu.vector_store %arg13[%swap3A_94, %swap3A_95], %get3A_93 {strides = array<i32>} : memref<2x64xf32, #tpu.memory_space<vmem>>, vector<1x64xf32>,
    } else {
    }
    return
  }
  func.func @transform_0(%arg0: i32) -> (i32, i32) {
    %c0_i32 = arith.constant 0 : i32
    %c0_i32_0 = arith.constant 0 : i32
    return %arg0, %c0_i32 : i32, i32
  }
  func.func @transform_1(%arg0: i32) -> (i32, i32) {
    %c0_i32 = arith.constant 0 : i32
    %c0_i32_0 = arith.constant 0 : i32
    return %arg0, %c0_i32 : i32, i32
  }
  func.func @transform_2(%arg0: i32) -> (i32, i32) {
    %c0_i32 = arith.constant 0 : i32
    %c0_i32_0 = arith.constant 0 : i32
    %c0_i32_1 = arith.constant 0 : i32
    return %c0_i32, %c0_i32_0 : i32, i32
  }
  func.func @transform_3(%arg0: i32) -> (i32, i32) {
    %c0_i32 = arith.constant 0 : i32
    %c0_i32_0 = arith.constant 0 : i32
    %c0_i32_1 = arith.constant 0 : i32
    return %c0_i32, %c0_i32_0 : i32, i32
  }
  func.func @transform_4(%arg0: i32) -> (i32, i32) {
    %c0_i32 = arith.constant 0 : i32
    %c0_i32_0 = arith.constant 0 : i32
    %c0_i32_1 = arith.constant 0 : i32
    return %c0_i32, %c0_i32_0 : i32, i32
  }
  func.func @transform_5(%arg0: i32) -> (i32, i32) {
    %c0_i32 = arith.constant 0 : i32
    %c0_i32_0 = arith.constant 0 : i32
    %c0_i32_1 = arith.constant 0 : i32
    return %c0_i32, %c0_i32_0 : i32, i32
  }
  func.func @transform_6(%arg0: i32) -> (i32, i32) {
    %c0_i32 = arith.constant 0 : i32
    %c0_i32_0 = arith.constant 0 : i32
    %c0_i32_1 = arith.constant 0 : i32
    return %c0_i32, %c0_i32_0 : i32, i32
  }
  func.func @transform_7(%arg0: i32) -> (i32, i32) {
    %c0_i32 = arith.constant 0 : i32
    %c0_i32_0 = arith.constant 0 : i32
    %c0_i32_1 = arith.constant 0 : i32
    return %c0_i32, %c0_i32_0 : i32, i32
  }
  func.func @transform_8(%arg0: i32) -> (i32, i32) {
    %c0_i32 = arith.constant 0 : i32
    %c0_i32_0 = arith.constant 0 : i32
    %c0_i32_1 = arith.constant 0 : i32
    return %c0_i32, %c0_i32_0 : i32, i32
  }
  func.func @transform_9(%arg0: i32) -> (i32, i32) {
    %c0_i32 = arith.constant 0 : i32
    %c0_i32_0 = arith.constant 0 : i32
    %c0_i32_1 = arith.constant 0 : i32
    return %c0_i32, %c0_i32_0 : i32, i32
  }
  func.func @transform_10(%arg0: i32) -> (i32, i32) {
    %c0_i32 = arith.constant 0 : i32
    %c0_i32_0 = arith.constant 0 : i32
    %c0_i32_1 = arith.constant 0 : i32
    return %c0_i32, %c0_i32_0 : i32, i32
  }
  func.func @transform_11(%arg0: i32) -> (i32, i32) {
    %c0_i32 = arith.constant 0 : i32
    %c0_i32_0 = arith.constant 0 : i32
    %c0_i32_1 = arith.constant 0 : i32
    return %c0_i32, %c0_i32_0 : i32, i32
  }
  func.func @transform_12(%arg0: i32) -> (i32, i32) {
    %c0_i32 = arith.constant 0 : i32
    %c0_i32_0 = arith.constant 0 : i32
    %c0_i32_1 = arith.constant 0 : i32
    return %c0_i32, %c0_i32_0 : i32, i32
  }
}

module attributes {stable_mosaic.version = 14 : i64} {
  func.func @_mlp_pass(%arg0: i32, %arg1: memref<2048x48xf32, #tpu.memory_space<vmem>>, %arg2: memref<128x48xf32, #tpu.memory_space<vmem>>, %arg3: memref<32x48xf32, #tpu.memory_space<vmem>>, %arg4: memref<1x32xf32, #tpu.memory_space<vmem>>, %arg5: memref<1x32xf32, #tpu.memory_space<vmem>>, %arg6: memref<1x32xf32, #tpu.memory_space<vmem>>, %arg7: memref<32x32xf32, #tpu.memory_space<vmem>>, %arg8: memref<1x32xf32, #tpu.memory_space<vmem>>, %arg9: memref<1x32xf32, #tpu.memory_space<vmem>>, %arg10: memref<1x32xf32, #tpu.memory_space<vmem>>, %arg11: memref<64x32xf32, #tpu.memory_space<vmem>>, %arg12: memref<1x64xf32, #tpu.memory_space<vmem>>, %arg13: memref<1x64xf32, #tpu.memory_space<vmem>>, %arg14: memref<1x64xf32, #tpu.memory_space<vmem>>, %arg15: memref<128x64xf32, #tpu.memory_space<vmem>>) attributes {dimension_semantics = [#tpu.dimension_semantics<arbitrary>], iteration_bounds = array<i64: 32>, scalar_prefetch = 0 : i64, scratch_operands = 0 : i64, tpu.core_type = #tpu.core_type<tc>, window_params = [{transform_indices = @transform_0, window_bounds = array<i64: 2048, 48>}, {transform_indices = @transform_1, window_bounds = array<i64: 128, 48>}, {pipeline_mode = #tpu.pipeline_mode<synchronous>, transform_indices = @transform_2, window_bounds = array<i64: 32, 48>}, {pipeline_mode = #tpu.pipeline_mode<synchronous>, transform_indices = @transform_3, window_bounds = array<i64: 1, 32>}, {pipeline_mode = #tpu.pipeline_mode<synchronous>, transform_indices = @transform_4, window_bounds = array<i64: 1, 32>}, {pipeline_mode = #tpu.pipeline_mode<synchronous>, transform_indices = @transform_5, window_bounds = array<i64: 1, 32>}, {pipeline_mode = #tpu.pipeline_mode<synchronous>, transform_indices = @transform_6, window_bounds = array<i64: 32, 32>}, {pipeline_mode = #tpu.pipeline_mode<synchronous>, transform_indices = @transform_7, window_bounds = array<i64: 1, 32>}, {pipeline_mode = #tpu.pipeline_mode<synchronous>, transform_indices = @transform_8, window_bounds = array<i64: 1, 32>}, {pipeline_mode = #tpu.pipeline_mode<synchronous>, transform_indices = @transform_9, window_bounds = array<i64: 1, 32>}, {pipeline_mode = #tpu.pipeline_mode<synchronous>, transform_indices = @transform_10, window_bounds = array<i64: 64, 32>}, {pipeline_mode = #tpu.pipeline_mode<synchronous>, transform_indices = @transform_11, window_bounds = array<i64: 1, 64>}, {pipeline_mode = #tpu.pipeline_mode<synchronous>, transform_indices = @transform_12, window_bounds = array<i64: 1, 64>}, {pipeline_mode = #tpu.pipeline_mode<synchronous>, transform_indices = @transform_13, window_bounds = array<i64: 1, 64>}, {transform_indices = @transform_14, window_bounds = array<i64: 128, 64>}]} {
    %get3A = arith.constant 0 : index
    %get3A_0 = arith.constant 0 : index
    %get3A_1 = vector.load %arg1[%get3A, %get3A_0] : memref<2048x48xf32, #tpu.memory_space<vmem>>, vector<2048x48xf32>
    %get3A_2 = arith.constant 0 : index
    %get3A_3 = arith.constant 0 : index
    %get3A_4 = vector.load %arg2[%get3A_2, %get3A_3] : memref<128x48xf32, #tpu.memory_space<vmem>>, vector<128x48xf32>
    %broadcast_in_dim3A = vector.shape_cast %get3A_4 : vector<128x48xf32> to vector<128x1x48xf32>
    %broadcast_in_dim3A_5 = vector.shape_cast %broadcast_in_dim3A : vector<128x1x48xf32> to vector<128x1x48xf32>
    %broadcast_in_dim3A_6 = vector.broadcast %broadcast_in_dim3A_5 : vector<128x1x48xf32> to vector<128x16x48xf32>
    %reshape3A = vector.shape_cast %broadcast_in_dim3A_6 : vector<128x16x48xf32> to vector<2048x48xf32>
    %sub3A = arith.subf %get3A_1, %reshape3A : vector<2048x48xf32>
    %get3A_7 = arith.constant 0 : index
    %get3A_8 = arith.constant 0 : index
    %get3A_9 = vector.load %arg3[%get3A_7, %get3A_8] : memref<32x48xf32, #tpu.memory_space<vmem>>, vector<32x48xf32>
    %get3A_10 = arith.constant 0 : index
    %get3A_11 = arith.constant 0 : index
    %get3A_12 = vector.load %arg4[%get3A_10, %get3A_11] : memref<1x32xf32, #tpu.memory_space<vmem>>, vector<1x32xf32>
    %dot_general3A = arith.constant dense<0.000000e+00> : vector<2048x32xf32>
    %dot_general3A_13 = tpu.matmul %sub3A, %get3A_9, %dot_general3A {dimension_numbers = #tpu.dot_dimension_numbers<[1], [1], [0], [0], [0, 0, 1, 0], [], []>, transpose_lhs_hint = false} : vector<2048x48xf32>, vector<32x48xf32>, vector<2048x32xf32> -> vector<2048x32xf32>
    %add3A = vector.broadcast %get3A_12 : vector<1x32xf32> to vector<2048x32xf32>
    %add3A_14 = arith.addf %dot_general3A_13, %add3A : vector<2048x32xf32>
    %get3A_15 = arith.constant 0 : index
    %get3A_16 = arith.constant 0 : index
    %get3A_17 = vector.load %arg5[%get3A_15, %get3A_16] : memref<1x32xf32, #tpu.memory_space<vmem>>, vector<1x32xf32>
    %get3A_18 = arith.constant 0 : index
    %get3A_19 = arith.constant 0 : index
    %get3A_20 = vector.load %arg6[%get3A_18, %get3A_19] : memref<1x32xf32, #tpu.memory_space<vmem>>, vector<1x32xf32>
    %mul3A = vector.broadcast %get3A_17 : vector<1x32xf32> to vector<2048x32xf32>
    %mul3A_21 = arith.mulf %add3A_14, %mul3A : vector<2048x32xf32>
    %add3A_22 = vector.broadcast %get3A_20 : vector<1x32xf32> to vector<2048x32xf32>
    %add3A_23 = arith.addf %mul3A_21, %add3A_22 : vector<2048x32xf32>
    %max3A = arith.constant 0.000000e+00 : f32
    %max3A_24 = vector.broadcast %max3A : f32 to vector<2048x32xf32>
    %max3A_25 = arith.maximumf %add3A_23, %max3A_24 : vector<2048x32xf32>
    %get3A_26 = arith.constant 0 : index
    %get3A_27 = arith.constant 0 : index
    %get3A_28 = vector.load %arg7[%get3A_26, %get3A_27] : memref<32x32xf32, #tpu.memory_space<vmem>>, vector<32x32xf32>
    %get3A_29 = arith.constant 0 : index
    %get3A_30 = arith.constant 0 : index
    %get3A_31 = vector.load %arg8[%get3A_29, %get3A_30] : memref<1x32xf32, #tpu.memory_space<vmem>>, vector<1x32xf32>
    %dot_general3A_32 = arith.constant dense<0.000000e+00> : vector<2048x32xf32>
    %dot_general3A_33 = tpu.matmul %max3A_25, %get3A_28, %dot_general3A_32 {dimension_numbers = #tpu.dot_dimension_numbers<[1], [1], [0], [0], [0, 0, 1, 0], [], []>, transpose_lhs_hint = false} : vector<2048x32xf32>, vector<32x32xf32>, vector<2048x32xf32> -> vector<2048x32xf32>
    %add3A_34 = vector.broadcast %get3A_31 : vector<1x32xf32> to vector<2048x32xf32>
    %add3A_35 = arith.addf %dot_general3A_33, %add3A_34 : vector<2048x32xf32>
    %get3A_36 = arith.constant 0 : index
    %get3A_37 = arith.constant 0 : index
    %get3A_38 = vector.load %arg9[%get3A_36, %get3A_37] : memref<1x32xf32, #tpu.memory_space<vmem>>, vector<1x32xf32>
    %get3A_39 = arith.constant 0 : index
    %get3A_40 = arith.constant 0 : index
    %get3A_41 = vector.load %arg10[%get3A_39, %get3A_40] : memref<1x32xf32, #tpu.memory_space<vmem>>, vector<1x32xf32>
    %mul3A_42 = vector.broadcast %get3A_38 : vector<1x32xf32> to vector<2048x32xf32>
    %mul3A_43 = arith.mulf %add3A_35, %mul3A_42 : vector<2048x32xf32>
    %add3A_44 = vector.broadcast %get3A_41 : vector<1x32xf32> to vector<2048x32xf32>
    %add3A_45 = arith.addf %mul3A_43, %add3A_44 : vector<2048x32xf32>
    %max3A_46 = arith.constant 0.000000e+00 : f32
    %max3A_47 = vector.broadcast %max3A_46 : f32 to vector<2048x32xf32>
    %max3A_48 = arith.maximumf %add3A_45, %max3A_47 : vector<2048x32xf32>
    %get3A_49 = arith.constant 0 : index
    %get3A_50 = arith.constant 0 : index
    %get3A_51 = vector.load %arg11[%get3A_49, %get3A_50] : memref<64x32xf32, #tpu.memory_space<vmem>>, vector<64x32xf32>
    %get3A_52 = arith.constant 0 : index
    %get3A_53 = arith.constant 0 : index
    %get3A_54 = vector.load %arg12[%get3A_52, %get3A_53] : memref<1x64xf32, #tpu.memory_space<vmem>>, vector<1x64xf32>
    %dot_general3A_55 = arith.constant dense<0.000000e+00> : vector<2048x64xf32>
    %dot_general3A_56 = tpu.matmul %max3A_48, %get3A_51, %dot_general3A_55 {dimension_numbers = #tpu.dot_dimension_numbers<[1], [1], [0], [0], [0, 0, 1, 0], [], []>, transpose_lhs_hint = false} : vector<2048x32xf32>, vector<64x32xf32>, vector<2048x64xf32> -> vector<2048x64xf32>
    %add3A_57 = vector.broadcast %get3A_54 : vector<1x64xf32> to vector<2048x64xf32>
    %add3A_58 = arith.addf %dot_general3A_56, %add3A_57 : vector<2048x64xf32>
    %get3A_59 = arith.constant 0 : index
    %get3A_60 = arith.constant 0 : index
    %get3A_61 = vector.load %arg13[%get3A_59, %get3A_60] : memref<1x64xf32, #tpu.memory_space<vmem>>, vector<1x64xf32>
    %get3A_62 = arith.constant 0 : index
    %get3A_63 = arith.constant 0 : index
    %get3A_64 = vector.load %arg14[%get3A_62, %get3A_63] : memref<1x64xf32, #tpu.memory_space<vmem>>, vector<1x64xf32>
    %mul3A_65 = vector.broadcast %get3A_61 : vector<1x64xf32> to vector<2048x64xf32>
    %mul3A_66 = arith.mulf %add3A_58, %mul3A_65 : vector<2048x64xf32>
    %add3A_67 = vector.broadcast %get3A_64 : vector<1x64xf32> to vector<2048x64xf32>
    %add3A_68 = arith.addf %mul3A_66, %add3A_67 : vector<2048x64xf32>
    %max3A_69 = arith.constant 0.000000e+00 : f32
    %max3A_70 = vector.broadcast %max3A_69 : f32 to vector<2048x64xf32>
    %max3A_71 = arith.maximumf %add3A_68, %max3A_70 : vector<2048x64xf32>
    %reshape3A_72 = vector.shape_cast %max3A_71 : vector<2048x64xf32> to vector<128x16x64xf32>
    %reduce_max3A = arith.constant dense<0xFF800000> : vector<128x64xf32>
    %reduce_max3A_73 = vector.multi_reduction <maximumf>, %reshape3A_72, %reduce_max3A [1] : vector<128x16x64xf32> to vector<128x64xf32>
    %swap3A = arith.constant 0 : index
    %swap3A_74 = arith.constant 0 : index
    %swap3A_75 = vector.load %arg15[%swap3A, %swap3A_74] : memref<128x64xf32, #tpu.memory_space<vmem>>, vector<128x64xf32>
    tpu.vector_store %arg15[%swap3A, %swap3A_74], %reduce_max3A_73 {strides = array<i32>} : memref<128x64xf32, #tpu.memory_space<vmem>>, vector<128x64xf32>,
    return
  }
  func.func @transform_0(%arg0: i32) -> (i32, i32) {
    %c0_i32 = arith.constant 0 : i32
    %c0_i32_0 = arith.constant 0 : i32
    return %arg0, %c0_i32 : i32, i32
  }
  func.func @transform_1(%arg0: i32) -> (i32, i32) {
    %c0_i32 = arith.constant 0 : i32
    %c0_i32_0 = arith.constant 0 : i32
    return %arg0, %c0_i32 : i32, i32
  }
  func.func @transform_2(%arg0: i32) -> (i32, i32) {
    %c0_i32 = arith.constant 0 : i32
    %c0_i32_0 = arith.constant 0 : i32
    %c0_i32_1 = arith.constant 0 : i32
    return %c0_i32, %c0_i32_0 : i32, i32
  }
  func.func @transform_3(%arg0: i32) -> (i32, i32) {
    %c0_i32 = arith.constant 0 : i32
    %c0_i32_0 = arith.constant 0 : i32
    %c0_i32_1 = arith.constant 0 : i32
    return %c0_i32, %c0_i32_0 : i32, i32
  }
  func.func @transform_4(%arg0: i32) -> (i32, i32) {
    %c0_i32 = arith.constant 0 : i32
    %c0_i32_0 = arith.constant 0 : i32
    %c0_i32_1 = arith.constant 0 : i32
    return %c0_i32, %c0_i32_0 : i32, i32
  }
  func.func @transform_5(%arg0: i32) -> (i32, i32) {
    %c0_i32 = arith.constant 0 : i32
    %c0_i32_0 = arith.constant 0 : i32
    %c0_i32_1 = arith.constant 0 : i32
    return %c0_i32, %c0_i32_0 : i32, i32
  }
  func.func @transform_6(%arg0: i32) -> (i32, i32) {
    %c0_i32 = arith.constant 0 : i32
    %c0_i32_0 = arith.constant 0 : i32
    %c0_i32_1 = arith.constant 0 : i32
    return %c0_i32, %c0_i32_0 : i32, i32
  }
  func.func @transform_7(%arg0: i32) -> (i32, i32) {
    %c0_i32 = arith.constant 0 : i32
    %c0_i32_0 = arith.constant 0 : i32
    %c0_i32_1 = arith.constant 0 : i32
    return %c0_i32, %c0_i32_0 : i32, i32
  }
  func.func @transform_8(%arg0: i32) -> (i32, i32) {
    %c0_i32 = arith.constant 0 : i32
    %c0_i32_0 = arith.constant 0 : i32
    %c0_i32_1 = arith.constant 0 : i32
    return %c0_i32, %c0_i32_0 : i32, i32
  }
  func.func @transform_9(%arg0: i32) -> (i32, i32) {
    %c0_i32 = arith.constant 0 : i32
    %c0_i32_0 = arith.constant 0 : i32
    %c0_i32_1 = arith.constant 0 : i32
    return %c0_i32, %c0_i32_0 : i32, i32
  }
  func.func @transform_10(%arg0: i32) -> (i32, i32) {
    %c0_i32 = arith.constant 0 : i32
    %c0_i32_0 = arith.constant 0 : i32
    %c0_i32_1 = arith.constant 0 : i32
    return %c0_i32, %c0_i32_0 : i32, i32
  }
  func.func @transform_11(%arg0: i32) -> (i32, i32) {
    %c0_i32 = arith.constant 0 : i32
    %c0_i32_0 = arith.constant 0 : i32
    %c0_i32_1 = arith.constant 0 : i32
    return %c0_i32, %c0_i32_0 : i32, i32
  }
  func.func @transform_12(%arg0: i32) -> (i32, i32) {
    %c0_i32 = arith.constant 0 : i32
    %c0_i32_0 = arith.constant 0 : i32
    %c0_i32_1 = arith.constant 0 : i32
    return %c0_i32, %c0_i32_0 : i32, i32
  }
  func.func @transform_13(%arg0: i32) -> (i32, i32) {
    %c0_i32 = arith.constant 0 : i32
    %c0_i32_0 = arith.constant 0 : i32
    %c0_i32_1 = arith.constant 0 : i32
    return %c0_i32, %c0_i32_0 : i32, i32
  }
  func.func @transform_14(%arg0: i32) -> (i32, i32) {
    %c0_i32 = arith.constant 0 : i32
    %c0_i32_0 = arith.constant 0 : i32
    return %arg0, %c0_i32 : i32, i32
  }
}

module attributes {stable_mosaic.version = 14 : i64} {
  func.func @_mlp_pass(%arg0: i32, %arg1: memref<2048x128xf32, #tpu.memory_space<vmem>>, %arg2: memref<64x48xf32, #tpu.memory_space<vmem>>, %arg3: memref<64x48xf32, #tpu.memory_space<vmem>>, %arg4: memref<1x64xf32, #tpu.memory_space<vmem>>, %arg5: memref<2048x48xf32, #tpu.memory_space<vmem>>, %arg6: memref<2x64xf32, #tpu.memory_space<vmem>>, %arg7: memref<1x64xf32, #tpu.memory_space<vmem>>, %arg8: memref<1x64xf32, #tpu.memory_space<vmem>>) attributes {dimension_semantics = [#tpu.dimension_semantics<arbitrary>], iteration_bounds = array<i64: 64>, scalar_prefetch = 0 : i64, scratch_operands = 2 : i64, tpu.core_type = #tpu.core_type<tc>, window_params = [{transform_indices = @transform_0, window_bounds = array<i64: 2048, 128>}, {transform_indices = @transform_1, window_bounds = array<i64: 64, 48>}, {pipeline_mode = #tpu.pipeline_mode<synchronous>, transform_indices = @transform_2, window_bounds = array<i64: 64, 48>}, {pipeline_mode = #tpu.pipeline_mode<synchronous>, transform_indices = @transform_3, window_bounds = array<i64: 1, 64>}, {transform_indices = @transform_4, window_bounds = array<i64: 2048, 48>}, {pipeline_mode = #tpu.pipeline_mode<synchronous>, transform_indices = @transform_5, window_bounds = array<i64: 2, 64>}]} {
    %get3A = arith.constant 0 : index
    %get3A_0 = arith.constant 0 : index
    %get3A_1 = vector.load %arg1[%get3A, %get3A_0] : memref<2048x128xf32, #tpu.memory_space<vmem>>, vector<2048x128xf32>
    %slice3A = vector.extract_strided_slice %get3A_1 {offsets = [0, 0], sizes = [2048, 48], strides = [1, 1]} : vector<2048x128xf32> to vector<2048x48xf32>
    %swap3A = arith.constant 0 : index
    %swap3A_2 = arith.constant 0 : index
    %swap3A_3 = vector.load %arg5[%swap3A, %swap3A_2] : memref<2048x48xf32, #tpu.memory_space<vmem>>, vector<2048x48xf32>
    tpu.vector_store %arg5[%swap3A, %swap3A_2], %slice3A {strides = array<i32>} : memref<2048x48xf32, #tpu.memory_space<vmem>>, vector<2048x48xf32>,
    %get3A_4 = arith.constant 0 : index
    %get3A_5 = arith.constant 0 : index
    %get3A_6 = vector.load %arg2[%get3A_4, %get3A_5] : memref<64x48xf32, #tpu.memory_space<vmem>>, vector<64x48xf32>
    %broadcast_in_dim3A = vector.shape_cast %get3A_6 : vector<64x48xf32> to vector<64x1x48xf32>
    %broadcast_in_dim3A_7 = vector.shape_cast %broadcast_in_dim3A : vector<64x1x48xf32> to vector<64x1x48xf32>
    %broadcast_in_dim3A_8 = vector.broadcast %broadcast_in_dim3A_7 : vector<64x1x48xf32> to vector<64x32x48xf32>
    %reshape3A = vector.shape_cast %broadcast_in_dim3A_8 : vector<64x32x48xf32> to vector<2048x48xf32>
    %sub3A = arith.subf %slice3A, %reshape3A : vector<2048x48xf32>
    %get3A_9 = arith.constant 0 : index
    %get3A_10 = arith.constant 0 : index
    %get3A_11 = vector.load %arg3[%get3A_9, %get3A_10] : memref<64x48xf32, #tpu.memory_space<vmem>>, vector<64x48xf32>
    %get3A_12 = arith.constant 0 : index
    %get3A_13 = arith.constant 0 : index
    %get3A_14 = vector.load %arg4[%get3A_12, %get3A_13] : memref<1x64xf32, #tpu.memory_space<vmem>>, vector<1x64xf32>
    %dot_general3A = arith.constant dense<0.000000e+00> : vector<2048x64xf32>
    %dot_general3A_15 = tpu.matmul %sub3A, %get3A_11, %dot_general3A {dimension_numbers = #tpu.dot_dimension_numbers<[1], [1], [0], [0], [0, 0, 1, 0], [], []>, transpose_lhs_hint = false} : vector<2048x48xf32>, vector<64x48xf32>, vector<2048x64xf32> -> vector<2048x64xf32>
    %add3A = vector.broadcast %get3A_14 : vector<1x64xf32> to vector<2048x64xf32>
    %add3A_16 = arith.addf %dot_general3A_15, %add3A : vector<2048x64xf32>
    %eq3A = arith.constant 0 : i32
    %eq3A_17 = arith.cmpi eq, %arg0, %eq3A : i32
    %convert_element_type3A = arith.extui %eq3A_17 : i1 to i32
    %cond3A = arith.constant 0 : i32
    %cond3A_18 = arith.cmpi ne, %convert_element_type3A, %cond3A : i32
    scf.if %cond3A_18 {
      %broadcast_in_dim3A_43 = arith.constant 0.000000e+00 : f32
      %broadcast_in_dim3A_44 = vector.broadcast %broadcast_in_dim3A_43 : f32 to vector<1x64xf32>
      %swap3A_45 = arith.constant 0 : index
      %swap3A_46 = arith.constant 0 : index
      %swap3A_47 = vector.load %arg7[%swap3A_45, %swap3A_46] : memref<1x64xf32, #tpu.memory_space<vmem>>, vector<1x64xf32>
      tpu.vector_store %arg7[%swap3A_45, %swap3A_46], %broadcast_in_dim3A_44 {strides = array<i32>} : memref<1x64xf32, #tpu.memory_space<vmem>>, vector<1x64xf32>,
      %broadcast_in_dim3A_48 = arith.constant 0.000000e+00 : f32
      %broadcast_in_dim3A_49 = vector.broadcast %broadcast_in_dim3A_48 : f32 to vector<1x64xf32>
      %swap3A_50 = arith.constant 0 : index
      %swap3A_51 = arith.constant 0 : index
      %swap3A_52 = vector.load %arg8[%swap3A_50, %swap3A_51] : memref<1x64xf32, #tpu.memory_space<vmem>>, vector<1x64xf32>
      tpu.vector_store %arg8[%swap3A_50, %swap3A_51], %broadcast_in_dim3A_49 {strides = array<i32>} : memref<1x64xf32, #tpu.memory_space<vmem>>, vector<1x64xf32>,
    } else {
    }
    %get3A_19 = arith.constant 0 : index
    %get3A_20 = arith.constant 0 : index
    %get3A_21 = vector.load %arg7[%get3A_19, %get3A_20] : memref<1x64xf32, #tpu.memory_space<vmem>>, vector<1x64xf32>
    %reduce_sum3A = arith.constant dense<0.000000e+00> : vector<64xf32>
    %reduce_sum3A_22 = vector.multi_reduction <add>, %add3A_16, %reduce_sum3A [0] : vector<2048x64xf32> to vector<64xf32>
    %broadcast_in_dim3A_23 = vector.shape_cast %reduce_sum3A_22 : vector<64xf32> to vector<1x64xf32>
    %add3A_24 = arith.addf %get3A_21, %broadcast_in_dim3A_23 : vector<1x64xf32>
    %swap3A_25 = arith.constant 0 : index
    %swap3A_26 = arith.constant 0 : index
    %swap3A_27 = vector.load %arg7[%swap3A_25, %swap3A_26] : memref<1x64xf32, #tpu.memory_space<vmem>>, vector<1x64xf32>
    tpu.vector_store %arg7[%swap3A_25, %swap3A_26], %add3A_24 {strides = array<i32>} : memref<1x64xf32, #tpu.memory_space<vmem>>, vector<1x64xf32>,
    %get3A_28 = arith.constant 0 : index
    %get3A_29 = arith.constant 0 : index
    %get3A_30 = vector.load %arg8[%get3A_28, %get3A_29] : memref<1x64xf32, #tpu.memory_space<vmem>>, vector<1x64xf32>
    %mul3A = arith.mulf %add3A_16, %add3A_16 : vector<2048x64xf32>
    %reduce_sum3A_31 = arith.constant dense<0.000000e+00> : vector<64xf32>
    %reduce_sum3A_32 = vector.multi_reduction <add>, %mul3A, %reduce_sum3A_31 [0] : vector<2048x64xf32> to vector<64xf32>
    %broadcast_in_dim3A_33 = vector.shape_cast %reduce_sum3A_32 : vector<64xf32> to vector<1x64xf32>
    %add3A_34 = arith.addf %get3A_30, %broadcast_in_dim3A_33 : vector<1x64xf32>
    %swap3A_35 = arith.constant 0 : index
    %swap3A_36 = arith.constant 0 : index
    %swap3A_37 = vector.load %arg8[%swap3A_35, %swap3A_36] : memref<1x64xf32, #tpu.memory_space<vmem>>, vector<1x64xf32>
    tpu.vector_store %arg8[%swap3A_35, %swap3A_36], %add3A_34 {strides = array<i32>} : memref<1x64xf32, #tpu.memory_space<vmem>>, vector<1x64xf32>,
    %eq3A_38 = arith.constant 63 : i32
    %eq3A_39 = arith.cmpi eq, %arg0, %eq3A_38 : i32
    %convert_element_type3A_40 = arith.extui %eq3A_39 : i1 to i32
    %cond3A_41 = arith.constant 0 : i32
    %cond3A_42 = arith.cmpi ne, %convert_element_type3A_40, %cond3A_41 : i32
    scf.if %cond3A_42 {
      %get3A_43 = arith.constant 0 : index
      %get3A_44 = arith.constant 0 : index
      %get3A_45 = vector.load %arg7[%get3A_43, %get3A_44] : memref<1x64xf32, #tpu.memory_space<vmem>>, vector<1x64xf32>
      %swap3A_46 = arith.constant 0 : index
      %swap3A_47 = arith.constant 0 : index
      %swap3A_48 = vector.load %arg6[%swap3A_46, %swap3A_47] : memref<2x64xf32, #tpu.memory_space<vmem>>, vector<1x64xf32>
      tpu.vector_store %arg6[%swap3A_46, %swap3A_47], %get3A_45 {strides = array<i32>} : memref<2x64xf32, #tpu.memory_space<vmem>>, vector<1x64xf32>,
      %get3A_49 = arith.constant 0 : index
      %get3A_50 = arith.constant 0 : index
      %get3A_51 = vector.load %arg8[%get3A_49, %get3A_50] : memref<1x64xf32, #tpu.memory_space<vmem>>, vector<1x64xf32>
      %swap3A_52 = arith.constant 1 : index
      %swap3A_53 = arith.constant 0 : index
      %swap3A_54 = vector.load %arg6[%swap3A_52, %swap3A_53] : memref<2x64xf32, #tpu.memory_space<vmem>>, vector<1x64xf32>
      tpu.vector_store %arg6[%swap3A_52, %swap3A_53], %get3A_51 {strides = array<i32>} : memref<2x64xf32, #tpu.memory_space<vmem>>, vector<1x64xf32>,
    } else {
    }
    return
  }
  func.func @transform_0(%arg0: i32) -> (i32, i32) {
    %c0_i32 = arith.constant 0 : i32
    %c0_i32_0 = arith.constant 0 : i32
    return %arg0, %c0_i32 : i32, i32
  }
  func.func @transform_1(%arg0: i32) -> (i32, i32) {
    %c0_i32 = arith.constant 0 : i32
    %c0_i32_0 = arith.constant 0 : i32
    return %arg0, %c0_i32 : i32, i32
  }
  func.func @transform_2(%arg0: i32) -> (i32, i32) {
    %c0_i32 = arith.constant 0 : i32
    %c0_i32_0 = arith.constant 0 : i32
    %c0_i32_1 = arith.constant 0 : i32
    return %c0_i32, %c0_i32_0 : i32, i32
  }
  func.func @transform_3(%arg0: i32) -> (i32, i32) {
    %c0_i32 = arith.constant 0 : i32
    %c0_i32_0 = arith.constant 0 : i32
    %c0_i32_1 = arith.constant 0 : i32
    return %c0_i32, %c0_i32_0 : i32, i32
  }
  func.func @transform_4(%arg0: i32) -> (i32, i32) {
    %c0_i32 = arith.constant 0 : i32
    %c0_i32_0 = arith.constant 0 : i32
    return %arg0, %c0_i32 : i32, i32
  }
  func.func @transform_5(%arg0: i32) -> (i32, i32) {
    %c0_i32 = arith.constant 0 : i32
    %c0_i32_0 = arith.constant 0 : i32
    %c0_i32_1 = arith.constant 0 : i32
    return %c0_i32, %c0_i32_0 : i32, i32
  }
}

module attributes {stable_mosaic.version = 14 : i64} {
  func.func @_mlp_pass(%arg0: i32, %arg1: memref<2048x48xf32, #tpu.memory_space<vmem>>, %arg2: memref<64x48xf32, #tpu.memory_space<vmem>>, %arg3: memref<64x48xf32, #tpu.memory_space<vmem>>, %arg4: memref<1x64xf32, #tpu.memory_space<vmem>>, %arg5: memref<1x64xf32, #tpu.memory_space<vmem>>, %arg6: memref<1x64xf32, #tpu.memory_space<vmem>>, %arg7: memref<64x64xf32, #tpu.memory_space<vmem>>, %arg8: memref<1x64xf32, #tpu.memory_space<vmem>>, %arg9: memref<2x64xf32, #tpu.memory_space<vmem>>, %arg10: memref<1x64xf32, #tpu.memory_space<vmem>>, %arg11: memref<1x64xf32, #tpu.memory_space<vmem>>) attributes {dimension_semantics = [#tpu.dimension_semantics<arbitrary>], iteration_bounds = array<i64: 64>, scalar_prefetch = 0 : i64, scratch_operands = 2 : i64, tpu.core_type = #tpu.core_type<tc>, window_params = [{transform_indices = @transform_0, window_bounds = array<i64: 2048, 48>}, {transform_indices = @transform_1, window_bounds = array<i64: 64, 48>}, {pipeline_mode = #tpu.pipeline_mode<synchronous>, transform_indices = @transform_2, window_bounds = array<i64: 64, 48>}, {pipeline_mode = #tpu.pipeline_mode<synchronous>, transform_indices = @transform_3, window_bounds = array<i64: 1, 64>}, {pipeline_mode = #tpu.pipeline_mode<synchronous>, transform_indices = @transform_4, window_bounds = array<i64: 1, 64>}, {pipeline_mode = #tpu.pipeline_mode<synchronous>, transform_indices = @transform_5, window_bounds = array<i64: 1, 64>}, {pipeline_mode = #tpu.pipeline_mode<synchronous>, transform_indices = @transform_6, window_bounds = array<i64: 64, 64>}, {pipeline_mode = #tpu.pipeline_mode<synchronous>, transform_indices = @transform_7, window_bounds = array<i64: 1, 64>}, {pipeline_mode = #tpu.pipeline_mode<synchronous>, transform_indices = @transform_8, window_bounds = array<i64: 2, 64>}]} {
    %get3A = arith.constant 0 : index
    %get3A_0 = arith.constant 0 : index
    %get3A_1 = vector.load %arg1[%get3A, %get3A_0] : memref<2048x48xf32, #tpu.memory_space<vmem>>, vector<2048x48xf32>
    %get3A_2 = arith.constant 0 : index
    %get3A_3 = arith.constant 0 : index
    %get3A_4 = vector.load %arg2[%get3A_2, %get3A_3] : memref<64x48xf32, #tpu.memory_space<vmem>>, vector<64x48xf32>
    %broadcast_in_dim3A = vector.shape_cast %get3A_4 : vector<64x48xf32> to vector<64x1x48xf32>
    %broadcast_in_dim3A_5 = vector.shape_cast %broadcast_in_dim3A : vector<64x1x48xf32> to vector<64x1x48xf32>
    %broadcast_in_dim3A_6 = vector.broadcast %broadcast_in_dim3A_5 : vector<64x1x48xf32> to vector<64x32x48xf32>
    %reshape3A = vector.shape_cast %broadcast_in_dim3A_6 : vector<64x32x48xf32> to vector<2048x48xf32>
    %sub3A = arith.subf %get3A_1, %reshape3A : vector<2048x48xf32>
    %get3A_7 = arith.constant 0 : index
    %get3A_8 = arith.constant 0 : index
    %get3A_9 = vector.load %arg3[%get3A_7, %get3A_8] : memref<64x48xf32, #tpu.memory_space<vmem>>, vector<64x48xf32>
    %get3A_10 = arith.constant 0 : index
    %get3A_11 = arith.constant 0 : index
    %get3A_12 = vector.load %arg4[%get3A_10, %get3A_11] : memref<1x64xf32, #tpu.memory_space<vmem>>, vector<1x64xf32>
    %dot_general3A = arith.constant dense<0.000000e+00> : vector<2048x64xf32>
    %dot_general3A_13 = tpu.matmul %sub3A, %get3A_9, %dot_general3A {dimension_numbers = #tpu.dot_dimension_numbers<[1], [1], [0], [0], [0, 0, 1, 0], [], []>, transpose_lhs_hint = false} : vector<2048x48xf32>, vector<64x48xf32>, vector<2048x64xf32> -> vector<2048x64xf32>
    %add3A = vector.broadcast %get3A_12 : vector<1x64xf32> to vector<2048x64xf32>
    %add3A_14 = arith.addf %dot_general3A_13, %add3A : vector<2048x64xf32>
    %get3A_15 = arith.constant 0 : index
    %get3A_16 = arith.constant 0 : index
    %get3A_17 = vector.load %arg5[%get3A_15, %get3A_16] : memref<1x64xf32, #tpu.memory_space<vmem>>, vector<1x64xf32>
    %get3A_18 = arith.constant 0 : index
    %get3A_19 = arith.constant 0 : index
    %get3A_20 = vector.load %arg6[%get3A_18, %get3A_19] : memref<1x64xf32, #tpu.memory_space<vmem>>, vector<1x64xf32>
    %mul3A = vector.broadcast %get3A_17 : vector<1x64xf32> to vector<2048x64xf32>
    %mul3A_21 = arith.mulf %add3A_14, %mul3A : vector<2048x64xf32>
    %add3A_22 = vector.broadcast %get3A_20 : vector<1x64xf32> to vector<2048x64xf32>
    %add3A_23 = arith.addf %mul3A_21, %add3A_22 : vector<2048x64xf32>
    %max3A = arith.constant 0.000000e+00 : f32
    %max3A_24 = vector.broadcast %max3A : f32 to vector<2048x64xf32>
    %max3A_25 = arith.maximumf %add3A_23, %max3A_24 : vector<2048x64xf32>
    %get3A_26 = arith.constant 0 : index
    %get3A_27 = arith.constant 0 : index
    %get3A_28 = vector.load %arg7[%get3A_26, %get3A_27] : memref<64x64xf32, #tpu.memory_space<vmem>>, vector<64x64xf32>
    %get3A_29 = arith.constant 0 : index
    %get3A_30 = arith.constant 0 : index
    %get3A_31 = vector.load %arg8[%get3A_29, %get3A_30] : memref<1x64xf32, #tpu.memory_space<vmem>>, vector<1x64xf32>
    %dot_general3A_32 = arith.constant dense<0.000000e+00> : vector<2048x64xf32>
    %dot_general3A_33 = tpu.matmul %max3A_25, %get3A_28, %dot_general3A_32 {dimension_numbers = #tpu.dot_dimension_numbers<[1], [1], [0], [0], [0, 0, 1, 0], [], []>, transpose_lhs_hint = false} : vector<2048x64xf32>, vector<64x64xf32>, vector<2048x64xf32> -> vector<2048x64xf32>
    %add3A_34 = vector.broadcast %get3A_31 : vector<1x64xf32> to vector<2048x64xf32>
    %add3A_35 = arith.addf %dot_general3A_33, %add3A_34 : vector<2048x64xf32>
    %eq3A = arith.constant 0 : i32
    %eq3A_36 = arith.cmpi eq, %arg0, %eq3A : i32
    %convert_element_type3A = arith.extui %eq3A_36 : i1 to i32
    %cond3A = arith.constant 0 : i32
    %cond3A_37 = arith.cmpi ne, %convert_element_type3A, %cond3A : i32
    scf.if %cond3A_37 {
      %broadcast_in_dim3A_62 = arith.constant 0.000000e+00 : f32
      %broadcast_in_dim3A_63 = vector.broadcast %broadcast_in_dim3A_62 : f32 to vector<1x64xf32>
      %swap3A_64 = arith.constant 0 : index
      %swap3A_65 = arith.constant 0 : index
      %swap3A_66 = vector.load %arg10[%swap3A_64, %swap3A_65] : memref<1x64xf32, #tpu.memory_space<vmem>>, vector<1x64xf32>
      tpu.vector_store %arg10[%swap3A_64, %swap3A_65], %broadcast_in_dim3A_63 {strides = array<i32>} : memref<1x64xf32, #tpu.memory_space<vmem>>, vector<1x64xf32>,
      %broadcast_in_dim3A_67 = arith.constant 0.000000e+00 : f32
      %broadcast_in_dim3A_68 = vector.broadcast %broadcast_in_dim3A_67 : f32 to vector<1x64xf32>
      %swap3A_69 = arith.constant 0 : index
      %swap3A_70 = arith.constant 0 : index
      %swap3A_71 = vector.load %arg11[%swap3A_69, %swap3A_70] : memref<1x64xf32, #tpu.memory_space<vmem>>, vector<1x64xf32>
      tpu.vector_store %arg11[%swap3A_69, %swap3A_70], %broadcast_in_dim3A_68 {strides = array<i32>} : memref<1x64xf32, #tpu.memory_space<vmem>>, vector<1x64xf32>,
    } else {
    }
    %get3A_38 = arith.constant 0 : index
    %get3A_39 = arith.constant 0 : index
    %get3A_40 = vector.load %arg10[%get3A_38, %get3A_39] : memref<1x64xf32, #tpu.memory_space<vmem>>, vector<1x64xf32>
    %reduce_sum3A = arith.constant dense<0.000000e+00> : vector<64xf32>
    %reduce_sum3A_41 = vector.multi_reduction <add>, %add3A_35, %reduce_sum3A [0] : vector<2048x64xf32> to vector<64xf32>
    %broadcast_in_dim3A_42 = vector.shape_cast %reduce_sum3A_41 : vector<64xf32> to vector<1x64xf32>
    %add3A_43 = arith.addf %get3A_40, %broadcast_in_dim3A_42 : vector<1x64xf32>
    %swap3A = arith.constant 0 : index
    %swap3A_44 = arith.constant 0 : index
    %swap3A_45 = vector.load %arg10[%swap3A, %swap3A_44] : memref<1x64xf32, #tpu.memory_space<vmem>>, vector<1x64xf32>
    tpu.vector_store %arg10[%swap3A, %swap3A_44], %add3A_43 {strides = array<i32>} : memref<1x64xf32, #tpu.memory_space<vmem>>, vector<1x64xf32>,
    %get3A_46 = arith.constant 0 : index
    %get3A_47 = arith.constant 0 : index
    %get3A_48 = vector.load %arg11[%get3A_46, %get3A_47] : memref<1x64xf32, #tpu.memory_space<vmem>>, vector<1x64xf32>
    %mul3A_49 = arith.mulf %add3A_35, %add3A_35 : vector<2048x64xf32>
    %reduce_sum3A_50 = arith.constant dense<0.000000e+00> : vector<64xf32>
    %reduce_sum3A_51 = vector.multi_reduction <add>, %mul3A_49, %reduce_sum3A_50 [0] : vector<2048x64xf32> to vector<64xf32>
    %broadcast_in_dim3A_52 = vector.shape_cast %reduce_sum3A_51 : vector<64xf32> to vector<1x64xf32>
    %add3A_53 = arith.addf %get3A_48, %broadcast_in_dim3A_52 : vector<1x64xf32>
    %swap3A_54 = arith.constant 0 : index
    %swap3A_55 = arith.constant 0 : index
    %swap3A_56 = vector.load %arg11[%swap3A_54, %swap3A_55] : memref<1x64xf32, #tpu.memory_space<vmem>>, vector<1x64xf32>
    tpu.vector_store %arg11[%swap3A_54, %swap3A_55], %add3A_53 {strides = array<i32>} : memref<1x64xf32, #tpu.memory_space<vmem>>, vector<1x64xf32>,
    %eq3A_57 = arith.constant 63 : i32
    %eq3A_58 = arith.cmpi eq, %arg0, %eq3A_57 : i32
    %convert_element_type3A_59 = arith.extui %eq3A_58 : i1 to i32
    %cond3A_60 = arith.constant 0 : i32
    %cond3A_61 = arith.cmpi ne, %convert_element_type3A_59, %cond3A_60 : i32
    scf.if %cond3A_61 {
      %get3A_62 = arith.constant 0 : index
      %get3A_63 = arith.constant 0 : index
      %get3A_64 = vector.load %arg10[%get3A_62, %get3A_63] : memref<1x64xf32, #tpu.memory_space<vmem>>, vector<1x64xf32>
      %swap3A_65 = arith.constant 0 : index
      %swap3A_66 = arith.constant 0 : index
      %swap3A_67 = vector.load %arg9[%swap3A_65, %swap3A_66] : memref<2x64xf32, #tpu.memory_space<vmem>>, vector<1x64xf32>
      tpu.vector_store %arg9[%swap3A_65, %swap3A_66], %get3A_64 {strides = array<i32>} : memref<2x64xf32, #tpu.memory_space<vmem>>, vector<1x64xf32>,
      %get3A_68 = arith.constant 0 : index
      %get3A_69 = arith.constant 0 : index
      %get3A_70 = vector.load %arg11[%get3A_68, %get3A_69] : memref<1x64xf32, #tpu.memory_space<vmem>>, vector<1x64xf32>
      %swap3A_71 = arith.constant 1 : index
      %swap3A_72 = arith.constant 0 : index
      %swap3A_73 = vector.load %arg9[%swap3A_71, %swap3A_72] : memref<2x64xf32, #tpu.memory_space<vmem>>, vector<1x64xf32>
      tpu.vector_store %arg9[%swap3A_71, %swap3A_72], %get3A_70 {strides = array<i32>} : memref<2x64xf32, #tpu.memory_space<vmem>>, vector<1x64xf32>,
    } else {
    }
    return
  }
  func.func @transform_0(%arg0: i32) -> (i32, i32) {
    %c0_i32 = arith.constant 0 : i32
    %c0_i32_0 = arith.constant 0 : i32
    return %arg0, %c0_i32 : i32, i32
  }
  func.func @transform_1(%arg0: i32) -> (i32, i32) {
    %c0_i32 = arith.constant 0 : i32
    %c0_i32_0 = arith.constant 0 : i32
    return %arg0, %c0_i32 : i32, i32
  }
  func.func @transform_2(%arg0: i32) -> (i32, i32) {
    %c0_i32 = arith.constant 0 : i32
    %c0_i32_0 = arith.constant 0 : i32
    %c0_i32_1 = arith.constant 0 : i32
    return %c0_i32, %c0_i32_0 : i32, i32
  }
  func.func @transform_3(%arg0: i32) -> (i32, i32) {
    %c0_i32 = arith.constant 0 : i32
    %c0_i32_0 = arith.constant 0 : i32
    %c0_i32_1 = arith.constant 0 : i32
    return %c0_i32, %c0_i32_0 : i32, i32
  }
  func.func @transform_4(%arg0: i32) -> (i32, i32) {
    %c0_i32 = arith.constant 0 : i32
    %c0_i32_0 = arith.constant 0 : i32
    %c0_i32_1 = arith.constant 0 : i32
    return %c0_i32, %c0_i32_0 : i32, i32
  }
  func.func @transform_5(%arg0: i32) -> (i32, i32) {
    %c0_i32 = arith.constant 0 : i32
    %c0_i32_0 = arith.constant 0 : i32
    %c0_i32_1 = arith.constant 0 : i32
    return %c0_i32, %c0_i32_0 : i32, i32
  }
  func.func @transform_6(%arg0: i32) -> (i32, i32) {
    %c0_i32 = arith.constant 0 : i32
    %c0_i32_0 = arith.constant 0 : i32
    %c0_i32_1 = arith.constant 0 : i32
    return %c0_i32, %c0_i32_0 : i32, i32
  }
  func.func @transform_7(%arg0: i32) -> (i32, i32) {
    %c0_i32 = arith.constant 0 : i32
    %c0_i32_0 = arith.constant 0 : i32
    %c0_i32_1 = arith.constant 0 : i32
    return %c0_i32, %c0_i32_0 : i32, i32
  }
  func.func @transform_8(%arg0: i32) -> (i32, i32) {
    %c0_i32 = arith.constant 0 : i32
    %c0_i32_0 = arith.constant 0 : i32
    %c0_i32_1 = arith.constant 0 : i32
    return %c0_i32, %c0_i32_0 : i32, i32
  }
}

module attributes {stable_mosaic.version = 14 : i64} {
  func.func @_mlp_pass(%arg0: i32, %arg1: memref<2048x48xf32, #tpu.memory_space<vmem>>, %arg2: memref<64x48xf32, #tpu.memory_space<vmem>>, %arg3: memref<64x48xf32, #tpu.memory_space<vmem>>, %arg4: memref<1x64xf32, #tpu.memory_space<vmem>>, %arg5: memref<1x64xf32, #tpu.memory_space<vmem>>, %arg6: memref<1x64xf32, #tpu.memory_space<vmem>>, %arg7: memref<64x64xf32, #tpu.memory_space<vmem>>, %arg8: memref<1x64xf32, #tpu.memory_space<vmem>>, %arg9: memref<1x64xf32, #tpu.memory_space<vmem>>, %arg10: memref<1x64xf32, #tpu.memory_space<vmem>>, %arg11: memref<128x64xf32, #tpu.memory_space<vmem>>, %arg12: memref<1x128xf32, #tpu.memory_space<vmem>>, %arg13: memref<2x128xf32, #tpu.memory_space<vmem>>, %arg14: memref<1x128xf32, #tpu.memory_space<vmem>>, %arg15: memref<1x128xf32, #tpu.memory_space<vmem>>) attributes {dimension_semantics = [#tpu.dimension_semantics<arbitrary>], iteration_bounds = array<i64: 64>, scalar_prefetch = 0 : i64, scratch_operands = 2 : i64, tpu.core_type = #tpu.core_type<tc>, window_params = [{transform_indices = @transform_0, window_bounds = array<i64: 2048, 48>}, {transform_indices = @transform_1, window_bounds = array<i64: 64, 48>}, {pipeline_mode = #tpu.pipeline_mode<synchronous>, transform_indices = @transform_2, window_bounds = array<i64: 64, 48>}, {pipeline_mode = #tpu.pipeline_mode<synchronous>, transform_indices = @transform_3, window_bounds = array<i64: 1, 64>}, {pipeline_mode = #tpu.pipeline_mode<synchronous>, transform_indices = @transform_4, window_bounds = array<i64: 1, 64>}, {pipeline_mode = #tpu.pipeline_mode<synchronous>, transform_indices = @transform_5, window_bounds = array<i64: 1, 64>}, {pipeline_mode = #tpu.pipeline_mode<synchronous>, transform_indices = @transform_6, window_bounds = array<i64: 64, 64>}, {pipeline_mode = #tpu.pipeline_mode<synchronous>, transform_indices = @transform_7, window_bounds = array<i64: 1, 64>}, {pipeline_mode = #tpu.pipeline_mode<synchronous>, transform_indices = @transform_8, window_bounds = array<i64: 1, 64>}, {pipeline_mode = #tpu.pipeline_mode<synchronous>, transform_indices = @transform_9, window_bounds = array<i64: 1, 64>}, {pipeline_mode = #tpu.pipeline_mode<synchronous>, transform_indices = @transform_10, window_bounds = array<i64: 128, 64>}, {pipeline_mode = #tpu.pipeline_mode<synchronous>, transform_indices = @transform_11, window_bounds = array<i64: 1, 128>}, {pipeline_mode = #tpu.pipeline_mode<synchronous>, transform_indices = @transform_12, window_bounds = array<i64: 2, 128>}]} {
    %get3A = arith.constant 0 : index
    %get3A_0 = arith.constant 0 : index
    %get3A_1 = vector.load %arg1[%get3A, %get3A_0] : memref<2048x48xf32, #tpu.memory_space<vmem>>, vector<2048x48xf32>
    %get3A_2 = arith.constant 0 : index
    %get3A_3 = arith.constant 0 : index
    %get3A_4 = vector.load %arg2[%get3A_2, %get3A_3] : memref<64x48xf32, #tpu.memory_space<vmem>>, vector<64x48xf32>
    %broadcast_in_dim3A = vector.shape_cast %get3A_4 : vector<64x48xf32> to vector<64x1x48xf32>
    %broadcast_in_dim3A_5 = vector.shape_cast %broadcast_in_dim3A : vector<64x1x48xf32> to vector<64x1x48xf32>
    %broadcast_in_dim3A_6 = vector.broadcast %broadcast_in_dim3A_5 : vector<64x1x48xf32> to vector<64x32x48xf32>
    %reshape3A = vector.shape_cast %broadcast_in_dim3A_6 : vector<64x32x48xf32> to vector<2048x48xf32>
    %sub3A = arith.subf %get3A_1, %reshape3A : vector<2048x48xf32>
    %get3A_7 = arith.constant 0 : index
    %get3A_8 = arith.constant 0 : index
    %get3A_9 = vector.load %arg3[%get3A_7, %get3A_8] : memref<64x48xf32, #tpu.memory_space<vmem>>, vector<64x48xf32>
    %get3A_10 = arith.constant 0 : index
    %get3A_11 = arith.constant 0 : index
    %get3A_12 = vector.load %arg4[%get3A_10, %get3A_11] : memref<1x64xf32, #tpu.memory_space<vmem>>, vector<1x64xf32>
    %dot_general3A = arith.constant dense<0.000000e+00> : vector<2048x64xf32>
    %dot_general3A_13 = tpu.matmul %sub3A, %get3A_9, %dot_general3A {dimension_numbers = #tpu.dot_dimension_numbers<[1], [1], [0], [0], [0, 0, 1, 0], [], []>, transpose_lhs_hint = false} : vector<2048x48xf32>, vector<64x48xf32>, vector<2048x64xf32> -> vector<2048x64xf32>
    %add3A = vector.broadcast %get3A_12 : vector<1x64xf32> to vector<2048x64xf32>
    %add3A_14 = arith.addf %dot_general3A_13, %add3A : vector<2048x64xf32>
    %get3A_15 = arith.constant 0 : index
    %get3A_16 = arith.constant 0 : index
    %get3A_17 = vector.load %arg5[%get3A_15, %get3A_16] : memref<1x64xf32, #tpu.memory_space<vmem>>, vector<1x64xf32>
    %get3A_18 = arith.constant 0 : index
    %get3A_19 = arith.constant 0 : index
    %get3A_20 = vector.load %arg6[%get3A_18, %get3A_19] : memref<1x64xf32, #tpu.memory_space<vmem>>, vector<1x64xf32>
    %mul3A = vector.broadcast %get3A_17 : vector<1x64xf32> to vector<2048x64xf32>
    %mul3A_21 = arith.mulf %add3A_14, %mul3A : vector<2048x64xf32>
    %add3A_22 = vector.broadcast %get3A_20 : vector<1x64xf32> to vector<2048x64xf32>
    %add3A_23 = arith.addf %mul3A_21, %add3A_22 : vector<2048x64xf32>
    %max3A = arith.constant 0.000000e+00 : f32
    %max3A_24 = vector.broadcast %max3A : f32 to vector<2048x64xf32>
    %max3A_25 = arith.maximumf %add3A_23, %max3A_24 : vector<2048x64xf32>
    %get3A_26 = arith.constant 0 : index
    %get3A_27 = arith.constant 0 : index
    %get3A_28 = vector.load %arg7[%get3A_26, %get3A_27] : memref<64x64xf32, #tpu.memory_space<vmem>>, vector<64x64xf32>
    %get3A_29 = arith.constant 0 : index
    %get3A_30 = arith.constant 0 : index
    %get3A_31 = vector.load %arg8[%get3A_29, %get3A_30] : memref<1x64xf32, #tpu.memory_space<vmem>>, vector<1x64xf32>
    %dot_general3A_32 = arith.constant dense<0.000000e+00> : vector<2048x64xf32>
    %dot_general3A_33 = tpu.matmul %max3A_25, %get3A_28, %dot_general3A_32 {dimension_numbers = #tpu.dot_dimension_numbers<[1], [1], [0], [0], [0, 0, 1, 0], [], []>, transpose_lhs_hint = false} : vector<2048x64xf32>, vector<64x64xf32>, vector<2048x64xf32> -> vector<2048x64xf32>
    %add3A_34 = vector.broadcast %get3A_31 : vector<1x64xf32> to vector<2048x64xf32>
    %add3A_35 = arith.addf %dot_general3A_33, %add3A_34 : vector<2048x64xf32>
    %get3A_36 = arith.constant 0 : index
    %get3A_37 = arith.constant 0 : index
    %get3A_38 = vector.load %arg9[%get3A_36, %get3A_37] : memref<1x64xf32, #tpu.memory_space<vmem>>, vector<1x64xf32>
    %get3A_39 = arith.constant 0 : index
    %get3A_40 = arith.constant 0 : index
    %get3A_41 = vector.load %arg10[%get3A_39, %get3A_40] : memref<1x64xf32, #tpu.memory_space<vmem>>, vector<1x64xf32>
    %mul3A_42 = vector.broadcast %get3A_38 : vector<1x64xf32> to vector<2048x64xf32>
    %mul3A_43 = arith.mulf %add3A_35, %mul3A_42 : vector<2048x64xf32>
    %add3A_44 = vector.broadcast %get3A_41 : vector<1x64xf32> to vector<2048x64xf32>
    %add3A_45 = arith.addf %mul3A_43, %add3A_44 : vector<2048x64xf32>
    %max3A_46 = arith.constant 0.000000e+00 : f32
    %max3A_47 = vector.broadcast %max3A_46 : f32 to vector<2048x64xf32>
    %max3A_48 = arith.maximumf %add3A_45, %max3A_47 : vector<2048x64xf32>
    %get3A_49 = arith.constant 0 : index
    %get3A_50 = arith.constant 0 : index
    %get3A_51 = vector.load %arg11[%get3A_49, %get3A_50] : memref<128x64xf32, #tpu.memory_space<vmem>>, vector<128x64xf32>
    %get3A_52 = arith.constant 0 : index
    %get3A_53 = arith.constant 0 : index
    %get3A_54 = vector.load %arg12[%get3A_52, %get3A_53] : memref<1x128xf32, #tpu.memory_space<vmem>>, vector<1x128xf32>
    %dot_general3A_55 = arith.constant dense<0.000000e+00> : vector<2048x128xf32>
    %dot_general3A_56 = tpu.matmul %max3A_48, %get3A_51, %dot_general3A_55 {dimension_numbers = #tpu.dot_dimension_numbers<[1], [1], [0], [0], [0, 0, 1, 0], [], []>, transpose_lhs_hint = false} : vector<2048x64xf32>, vector<128x64xf32>, vector<2048x128xf32> -> vector<2048x128xf32>
    %add3A_57 = vector.broadcast %get3A_54 : vector<1x128xf32> to vector<2048x128xf32>
    %add3A_58 = arith.addf %dot_general3A_56, %add3A_57 : vector<2048x128xf32>
    %eq3A = arith.constant 0 : i32
    %eq3A_59 = arith.cmpi eq, %arg0, %eq3A : i32
    %convert_element_type3A = arith.extui %eq3A_59 : i1 to i32
    %cond3A = arith.constant 0 : i32
    %cond3A_60 = arith.cmpi ne, %convert_element_type3A, %cond3A : i32
    scf.if %cond3A_60 {
      %broadcast_in_dim3A_85 = arith.constant 0.000000e+00 : f32
      %broadcast_in_dim3A_86 = vector.broadcast %broadcast_in_dim3A_85 : f32 to vector<1x128xf32>
      %swap3A_87 = arith.constant 0 : index
      %swap3A_88 = arith.constant 0 : index
      %swap3A_89 = vector.load %arg14[%swap3A_87, %swap3A_88] : memref<1x128xf32, #tpu.memory_space<vmem>>, vector<1x128xf32>
      tpu.vector_store %arg14[%swap3A_87, %swap3A_88], %broadcast_in_dim3A_86 {strides = array<i32>} : memref<1x128xf32, #tpu.memory_space<vmem>>, vector<1x128xf32>,
      %broadcast_in_dim3A_90 = arith.constant 0.000000e+00 : f32
      %broadcast_in_dim3A_91 = vector.broadcast %broadcast_in_dim3A_90 : f32 to vector<1x128xf32>
      %swap3A_92 = arith.constant 0 : index
      %swap3A_93 = arith.constant 0 : index
      %swap3A_94 = vector.load %arg15[%swap3A_92, %swap3A_93] : memref<1x128xf32, #tpu.memory_space<vmem>>, vector<1x128xf32>
      tpu.vector_store %arg15[%swap3A_92, %swap3A_93], %broadcast_in_dim3A_91 {strides = array<i32>} : memref<1x128xf32, #tpu.memory_space<vmem>>, vector<1x128xf32>,
    } else {
    }
    %get3A_61 = arith.constant 0 : index
    %get3A_62 = arith.constant 0 : index
    %get3A_63 = vector.load %arg14[%get3A_61, %get3A_62] : memref<1x128xf32, #tpu.memory_space<vmem>>, vector<1x128xf32>
    %reduce_sum3A = arith.constant dense<0.000000e+00> : vector<128xf32>
    %reduce_sum3A_64 = vector.multi_reduction <add>, %add3A_58, %reduce_sum3A [0] : vector<2048x128xf32> to vector<128xf32>
    %broadcast_in_dim3A_65 = vector.shape_cast %reduce_sum3A_64 : vector<128xf32> to vector<1x128xf32>
    %add3A_66 = arith.addf %get3A_63, %broadcast_in_dim3A_65 : vector<1x128xf32>
    %swap3A = arith.constant 0 : index
    %swap3A_67 = arith.constant 0 : index
    %swap3A_68 = vector.load %arg14[%swap3A, %swap3A_67] : memref<1x128xf32, #tpu.memory_space<vmem>>, vector<1x128xf32>
    tpu.vector_store %arg14[%swap3A, %swap3A_67], %add3A_66 {strides = array<i32>} : memref<1x128xf32, #tpu.memory_space<vmem>>, vector<1x128xf32>,
    %get3A_69 = arith.constant 0 : index
    %get3A_70 = arith.constant 0 : index
    %get3A_71 = vector.load %arg15[%get3A_69, %get3A_70] : memref<1x128xf32, #tpu.memory_space<vmem>>, vector<1x128xf32>
    %mul3A_72 = arith.mulf %add3A_58, %add3A_58 : vector<2048x128xf32>
    %reduce_sum3A_73 = arith.constant dense<0.000000e+00> : vector<128xf32>
    %reduce_sum3A_74 = vector.multi_reduction <add>, %mul3A_72, %reduce_sum3A_73 [0] : vector<2048x128xf32> to vector<128xf32>
    %broadcast_in_dim3A_75 = vector.shape_cast %reduce_sum3A_74 : vector<128xf32> to vector<1x128xf32>
    %add3A_76 = arith.addf %get3A_71, %broadcast_in_dim3A_75 : vector<1x128xf32>
    %swap3A_77 = arith.constant 0 : index
    %swap3A_78 = arith.constant 0 : index
    %swap3A_79 = vector.load %arg15[%swap3A_77, %swap3A_78] : memref<1x128xf32, #tpu.memory_space<vmem>>, vector<1x128xf32>
    tpu.vector_store %arg15[%swap3A_77, %swap3A_78], %add3A_76 {strides = array<i32>} : memref<1x128xf32, #tpu.memory_space<vmem>>, vector<1x128xf32>,
    %eq3A_80 = arith.constant 63 : i32
    %eq3A_81 = arith.cmpi eq, %arg0, %eq3A_80 : i32
    %convert_element_type3A_82 = arith.extui %eq3A_81 : i1 to i32
    %cond3A_83 = arith.constant 0 : i32
    %cond3A_84 = arith.cmpi ne, %convert_element_type3A_82, %cond3A_83 : i32
    scf.if %cond3A_84 {
      %get3A_85 = arith.constant 0 : index
      %get3A_86 = arith.constant 0 : index
      %get3A_87 = vector.load %arg14[%get3A_85, %get3A_86] : memref<1x128xf32, #tpu.memory_space<vmem>>, vector<1x128xf32>
      %swap3A_88 = arith.constant 0 : index
      %swap3A_89 = arith.constant 0 : index
      %swap3A_90 = vector.load %arg13[%swap3A_88, %swap3A_89] : memref<2x128xf32, #tpu.memory_space<vmem>>, vector<1x128xf32>
      tpu.vector_store %arg13[%swap3A_88, %swap3A_89], %get3A_87 {strides = array<i32>} : memref<2x128xf32, #tpu.memory_space<vmem>>, vector<1x128xf32>,
      %get3A_91 = arith.constant 0 : index
      %get3A_92 = arith.constant 0 : index
      %get3A_93 = vector.load %arg15[%get3A_91, %get3A_92] : memref<1x128xf32, #tpu.memory_space<vmem>>, vector<1x128xf32>
      %swap3A_94 = arith.constant 1 : index
      %swap3A_95 = arith.constant 0 : index
      %swap3A_96 = vector.load %arg13[%swap3A_94, %swap3A_95] : memref<2x128xf32, #tpu.memory_space<vmem>>, vector<1x128xf32>
      tpu.vector_store %arg13[%swap3A_94, %swap3A_95], %get3A_93 {strides = array<i32>} : memref<2x128xf32, #tpu.memory_space<vmem>>, vector<1x128xf32>,
    } else {
    }
    return
  }
  func.func @transform_0(%arg0: i32) -> (i32, i32) {
    %c0_i32 = arith.constant 0 : i32
    %c0_i32_0 = arith.constant 0 : i32
    return %arg0, %c0_i32 : i32, i32
  }
  func.func @transform_1(%arg0: i32) -> (i32, i32) {
    %c0_i32 = arith.constant 0 : i32
    %c0_i32_0 = arith.constant 0 : i32
    return %arg0, %c0_i32 : i32, i32
  }
  func.func @transform_2(%arg0: i32) -> (i32, i32) {
    %c0_i32 = arith.constant 0 : i32
    %c0_i32_0 = arith.constant 0 : i32
    %c0_i32_1 = arith.constant 0 : i32
    return %c0_i32, %c0_i32_0 : i32, i32
  }
  func.func @transform_3(%arg0: i32) -> (i32, i32) {
    %c0_i32 = arith.constant 0 : i32
    %c0_i32_0 = arith.constant 0 : i32
    %c0_i32_1 = arith.constant 0 : i32
    return %c0_i32, %c0_i32_0 : i32, i32
  }
  func.func @transform_4(%arg0: i32) -> (i32, i32) {
    %c0_i32 = arith.constant 0 : i32
    %c0_i32_0 = arith.constant 0 : i32
    %c0_i32_1 = arith.constant 0 : i32
    return %c0_i32, %c0_i32_0 : i32, i32
  }
  func.func @transform_5(%arg0: i32) -> (i32, i32) {
    %c0_i32 = arith.constant 0 : i32
    %c0_i32_0 = arith.constant 0 : i32
    %c0_i32_1 = arith.constant 0 : i32
    return %c0_i32, %c0_i32_0 : i32, i32
  }
  func.func @transform_6(%arg0: i32) -> (i32, i32) {
    %c0_i32 = arith.constant 0 : i32
    %c0_i32_0 = arith.constant 0 : i32
    %c0_i32_1 = arith.constant 0 : i32
    return %c0_i32, %c0_i32_0 : i32, i32
  }
  func.func @transform_7(%arg0: i32) -> (i32, i32) {
    %c0_i32 = arith.constant 0 : i32
    %c0_i32_0 = arith.constant 0 : i32
    %c0_i32_1 = arith.constant 0 : i32
    return %c0_i32, %c0_i32_0 : i32, i32
  }
  func.func @transform_8(%arg0: i32) -> (i32, i32) {
    %c0_i32 = arith.constant 0 : i32
    %c0_i32_0 = arith.constant 0 : i32
    %c0_i32_1 = arith.constant 0 : i32
    return %c0_i32, %c0_i32_0 : i32, i32
  }
  func.func @transform_9(%arg0: i32) -> (i32, i32) {
    %c0_i32 = arith.constant 0 : i32
    %c0_i32_0 = arith.constant 0 : i32
    %c0_i32_1 = arith.constant 0 : i32
    return %c0_i32, %c0_i32_0 : i32, i32
  }
  func.func @transform_10(%arg0: i32) -> (i32, i32) {
    %c0_i32 = arith.constant 0 : i32
    %c0_i32_0 = arith.constant 0 : i32
    %c0_i32_1 = arith.constant 0 : i32
    return %c0_i32, %c0_i32_0 : i32, i32
  }
  func.func @transform_11(%arg0: i32) -> (i32, i32) {
    %c0_i32 = arith.constant 0 : i32
    %c0_i32_0 = arith.constant 0 : i32
    %c0_i32_1 = arith.constant 0 : i32
    return %c0_i32, %c0_i32_0 : i32, i32
  }
  func.func @transform_12(%arg0: i32) -> (i32, i32) {
    %c0_i32 = arith.constant 0 : i32
    %c0_i32_0 = arith.constant 0 : i32
    %c0_i32_1 = arith.constant 0 : i32
    return %c0_i32, %c0_i32_0 : i32, i32
  }
}

module attributes {stable_mosaic.version = 14 : i64} {
  func.func @_mlp_pass(%arg0: i32, %arg1: memref<2048x48xf32, #tpu.memory_space<vmem>>, %arg2: memref<64x48xf32, #tpu.memory_space<vmem>>, %arg3: memref<64x48xf32, #tpu.memory_space<vmem>>, %arg4: memref<1x64xf32, #tpu.memory_space<vmem>>, %arg5: memref<1x64xf32, #tpu.memory_space<vmem>>, %arg6: memref<1x64xf32, #tpu.memory_space<vmem>>, %arg7: memref<64x64xf32, #tpu.memory_space<vmem>>, %arg8: memref<1x64xf32, #tpu.memory_space<vmem>>, %arg9: memref<1x64xf32, #tpu.memory_space<vmem>>, %arg10: memref<1x64xf32, #tpu.memory_space<vmem>>, %arg11: memref<128x64xf32, #tpu.memory_space<vmem>>, %arg12: memref<1x128xf32, #tpu.memory_space<vmem>>, %arg13: memref<1x128xf32, #tpu.memory_space<vmem>>, %arg14: memref<1x128xf32, #tpu.memory_space<vmem>>, %arg15: memref<64x128xf32, #tpu.memory_space<vmem>>) attributes {dimension_semantics = [#tpu.dimension_semantics<arbitrary>], iteration_bounds = array<i64: 64>, scalar_prefetch = 0 : i64, scratch_operands = 0 : i64, tpu.core_type = #tpu.core_type<tc>, window_params = [{transform_indices = @transform_0, window_bounds = array<i64: 2048, 48>}, {transform_indices = @transform_1, window_bounds = array<i64: 64, 48>}, {pipeline_mode = #tpu.pipeline_mode<synchronous>, transform_indices = @transform_2, window_bounds = array<i64: 64, 48>}, {pipeline_mode = #tpu.pipeline_mode<synchronous>, transform_indices = @transform_3, window_bounds = array<i64: 1, 64>}, {pipeline_mode = #tpu.pipeline_mode<synchronous>, transform_indices = @transform_4, window_bounds = array<i64: 1, 64>}, {pipeline_mode = #tpu.pipeline_mode<synchronous>, transform_indices = @transform_5, window_bounds = array<i64: 1, 64>}, {pipeline_mode = #tpu.pipeline_mode<synchronous>, transform_indices = @transform_6, window_bounds = array<i64: 64, 64>}, {pipeline_mode = #tpu.pipeline_mode<synchronous>, transform_indices = @transform_7, window_bounds = array<i64: 1, 64>}, {pipeline_mode = #tpu.pipeline_mode<synchronous>, transform_indices = @transform_8, window_bounds = array<i64: 1, 64>}, {pipeline_mode = #tpu.pipeline_mode<synchronous>, transform_indices = @transform_9, window_bounds = array<i64: 1, 64>}, {pipeline_mode = #tpu.pipeline_mode<synchronous>, transform_indices = @transform_10, window_bounds = array<i64: 128, 64>}, {pipeline_mode = #tpu.pipeline_mode<synchronous>, transform_indices = @transform_11, window_bounds = array<i64: 1, 128>}, {pipeline_mode = #tpu.pipeline_mode<synchronous>, transform_indices = @transform_12, window_bounds = array<i64: 1, 128>}, {pipeline_mode = #tpu.pipeline_mode<synchronous>, transform_indices = @transform_13, window_bounds = array<i64: 1, 128>}, {transform_indices = @transform_14, window_bounds = array<i64: 64, 128>}]} {
    %get3A = arith.constant 0 : index
    %get3A_0 = arith.constant 0 : index
    %get3A_1 = vector.load %arg1[%get3A, %get3A_0] : memref<2048x48xf32, #tpu.memory_space<vmem>>, vector<2048x48xf32>
    %get3A_2 = arith.constant 0 : index
    %get3A_3 = arith.constant 0 : index
    %get3A_4 = vector.load %arg2[%get3A_2, %get3A_3] : memref<64x48xf32, #tpu.memory_space<vmem>>, vector<64x48xf32>
    %broadcast_in_dim3A = vector.shape_cast %get3A_4 : vector<64x48xf32> to vector<64x1x48xf32>
    %broadcast_in_dim3A_5 = vector.shape_cast %broadcast_in_dim3A : vector<64x1x48xf32> to vector<64x1x48xf32>
    %broadcast_in_dim3A_6 = vector.broadcast %broadcast_in_dim3A_5 : vector<64x1x48xf32> to vector<64x32x48xf32>
    %reshape3A = vector.shape_cast %broadcast_in_dim3A_6 : vector<64x32x48xf32> to vector<2048x48xf32>
    %sub3A = arith.subf %get3A_1, %reshape3A : vector<2048x48xf32>
    %get3A_7 = arith.constant 0 : index
    %get3A_8 = arith.constant 0 : index
    %get3A_9 = vector.load %arg3[%get3A_7, %get3A_8] : memref<64x48xf32, #tpu.memory_space<vmem>>, vector<64x48xf32>
    %get3A_10 = arith.constant 0 : index
    %get3A_11 = arith.constant 0 : index
    %get3A_12 = vector.load %arg4[%get3A_10, %get3A_11] : memref<1x64xf32, #tpu.memory_space<vmem>>, vector<1x64xf32>
    %dot_general3A = arith.constant dense<0.000000e+00> : vector<2048x64xf32>
    %dot_general3A_13 = tpu.matmul %sub3A, %get3A_9, %dot_general3A {dimension_numbers = #tpu.dot_dimension_numbers<[1], [1], [0], [0], [0, 0, 1, 0], [], []>, transpose_lhs_hint = false} : vector<2048x48xf32>, vector<64x48xf32>, vector<2048x64xf32> -> vector<2048x64xf32>
    %add3A = vector.broadcast %get3A_12 : vector<1x64xf32> to vector<2048x64xf32>
    %add3A_14 = arith.addf %dot_general3A_13, %add3A : vector<2048x64xf32>
    %get3A_15 = arith.constant 0 : index
    %get3A_16 = arith.constant 0 : index
    %get3A_17 = vector.load %arg5[%get3A_15, %get3A_16] : memref<1x64xf32, #tpu.memory_space<vmem>>, vector<1x64xf32>
    %get3A_18 = arith.constant 0 : index
    %get3A_19 = arith.constant 0 : index
    %get3A_20 = vector.load %arg6[%get3A_18, %get3A_19] : memref<1x64xf32, #tpu.memory_space<vmem>>, vector<1x64xf32>
    %mul3A = vector.broadcast %get3A_17 : vector<1x64xf32> to vector<2048x64xf32>
    %mul3A_21 = arith.mulf %add3A_14, %mul3A : vector<2048x64xf32>
    %add3A_22 = vector.broadcast %get3A_20 : vector<1x64xf32> to vector<2048x64xf32>
    %add3A_23 = arith.addf %mul3A_21, %add3A_22 : vector<2048x64xf32>
    %max3A = arith.constant 0.000000e+00 : f32
    %max3A_24 = vector.broadcast %max3A : f32 to vector<2048x64xf32>
    %max3A_25 = arith.maximumf %add3A_23, %max3A_24 : vector<2048x64xf32>
    %get3A_26 = arith.constant 0 : index
    %get3A_27 = arith.constant 0 : index
    %get3A_28 = vector.load %arg7[%get3A_26, %get3A_27] : memref<64x64xf32, #tpu.memory_space<vmem>>, vector<64x64xf32>
    %get3A_29 = arith.constant 0 : index
    %get3A_30 = arith.constant 0 : index
    %get3A_31 = vector.load %arg8[%get3A_29, %get3A_30] : memref<1x64xf32, #tpu.memory_space<vmem>>, vector<1x64xf32>
    %dot_general3A_32 = arith.constant dense<0.000000e+00> : vector<2048x64xf32>
    %dot_general3A_33 = tpu.matmul %max3A_25, %get3A_28, %dot_general3A_32 {dimension_numbers = #tpu.dot_dimension_numbers<[1], [1], [0], [0], [0, 0, 1, 0], [], []>, transpose_lhs_hint = false} : vector<2048x64xf32>, vector<64x64xf32>, vector<2048x64xf32> -> vector<2048x64xf32>
    %add3A_34 = vector.broadcast %get3A_31 : vector<1x64xf32> to vector<2048x64xf32>
    %add3A_35 = arith.addf %dot_general3A_33, %add3A_34 : vector<2048x64xf32>
    %get3A_36 = arith.constant 0 : index
    %get3A_37 = arith.constant 0 : index
    %get3A_38 = vector.load %arg9[%get3A_36, %get3A_37] : memref<1x64xf32, #tpu.memory_space<vmem>>, vector<1x64xf32>
    %get3A_39 = arith.constant 0 : index
    %get3A_40 = arith.constant 0 : index
    %get3A_41 = vector.load %arg10[%get3A_39, %get3A_40] : memref<1x64xf32, #tpu.memory_space<vmem>>, vector<1x64xf32>
    %mul3A_42 = vector.broadcast %get3A_38 : vector<1x64xf32> to vector<2048x64xf32>
    %mul3A_43 = arith.mulf %add3A_35, %mul3A_42 : vector<2048x64xf32>
    %add3A_44 = vector.broadcast %get3A_41 : vector<1x64xf32> to vector<2048x64xf32>
    %add3A_45 = arith.addf %mul3A_43, %add3A_44 : vector<2048x64xf32>
    %max3A_46 = arith.constant 0.000000e+00 : f32
    %max3A_47 = vector.broadcast %max3A_46 : f32 to vector<2048x64xf32>
    %max3A_48 = arith.maximumf %add3A_45, %max3A_47 : vector<2048x64xf32>
    %get3A_49 = arith.constant 0 : index
    %get3A_50 = arith.constant 0 : index
    %get3A_51 = vector.load %arg11[%get3A_49, %get3A_50] : memref<128x64xf32, #tpu.memory_space<vmem>>, vector<128x64xf32>
    %get3A_52 = arith.constant 0 : index
    %get3A_53 = arith.constant 0 : index
    %get3A_54 = vector.load %arg12[%get3A_52, %get3A_53] : memref<1x128xf32, #tpu.memory_space<vmem>>, vector<1x128xf32>
    %dot_general3A_55 = arith.constant dense<0.000000e+00> : vector<2048x128xf32>
    %dot_general3A_56 = tpu.matmul %max3A_48, %get3A_51, %dot_general3A_55 {dimension_numbers = #tpu.dot_dimension_numbers<[1], [1], [0], [0], [0, 0, 1, 0], [], []>, transpose_lhs_hint = false} : vector<2048x64xf32>, vector<128x64xf32>, vector<2048x128xf32> -> vector<2048x128xf32>
    %add3A_57 = vector.broadcast %get3A_54 : vector<1x128xf32> to vector<2048x128xf32>
    %add3A_58 = arith.addf %dot_general3A_56, %add3A_57 : vector<2048x128xf32>
    %get3A_59 = arith.constant 0 : index
    %get3A_60 = arith.constant 0 : index
    %get3A_61 = vector.load %arg13[%get3A_59, %get3A_60] : memref<1x128xf32, #tpu.memory_space<vmem>>, vector<1x128xf32>
    %get3A_62 = arith.constant 0 : index
    %get3A_63 = arith.constant 0 : index
    %get3A_64 = vector.load %arg14[%get3A_62, %get3A_63] : memref<1x128xf32, #tpu.memory_space<vmem>>, vector<1x128xf32>
    %mul3A_65 = vector.broadcast %get3A_61 : vector<1x128xf32> to vector<2048x128xf32>
    %mul3A_66 = arith.mulf %add3A_58, %mul3A_65 : vector<2048x128xf32>
    %add3A_67 = vector.broadcast %get3A_64 : vector<1x128xf32> to vector<2048x128xf32>
    %add3A_68 = arith.addf %mul3A_66, %add3A_67 : vector<2048x128xf32>
    %max3A_69 = arith.constant 0.000000e+00 : f32
    %max3A_70 = vector.broadcast %max3A_69 : f32 to vector<2048x128xf32>
    %max3A_71 = arith.maximumf %add3A_68, %max3A_70 : vector<2048x128xf32>
    %reshape3A_72 = vector.shape_cast %max3A_71 : vector<2048x128xf32> to vector<64x32x128xf32>
    %reduce_max3A = arith.constant dense<0xFF800000> : vector<64x128xf32>
    %reduce_max3A_73 = vector.multi_reduction <maximumf>, %reshape3A_72, %reduce_max3A [1] : vector<64x32x128xf32> to vector<64x128xf32>
    %swap3A = arith.constant 0 : index
    %swap3A_74 = arith.constant 0 : index
    %swap3A_75 = vector.load %arg15[%swap3A, %swap3A_74] : memref<64x128xf32, #tpu.memory_space<vmem>>, vector<64x128xf32>
    tpu.vector_store %arg15[%swap3A, %swap3A_74], %reduce_max3A_73 {strides = array<i32>} : memref<64x128xf32, #tpu.memory_space<vmem>>, vector<64x128xf32>,
    return
  }
  func.func @transform_0(%arg0: i32) -> (i32, i32) {
    %c0_i32 = arith.constant 0 : i32
    %c0_i32_0 = arith.constant 0 : i32
    return %arg0, %c0_i32 : i32, i32
  }
  func.func @transform_1(%arg0: i32) -> (i32, i32) {
    %c0_i32 = arith.constant 0 : i32
    %c0_i32_0 = arith.constant 0 : i32
    return %arg0, %c0_i32 : i32, i32
  }
  func.func @transform_2(%arg0: i32) -> (i32, i32) {
    %c0_i32 = arith.constant 0 : i32
    %c0_i32_0 = arith.constant 0 : i32
    %c0_i32_1 = arith.constant 0 : i32
    return %c0_i32, %c0_i32_0 : i32, i32
  }
  func.func @transform_3(%arg0: i32) -> (i32, i32) {
    %c0_i32 = arith.constant 0 : i32
    %c0_i32_0 = arith.constant 0 : i32
    %c0_i32_1 = arith.constant 0 : i32
    return %c0_i32, %c0_i32_0 : i32, i32
  }
  func.func @transform_4(%arg0: i32) -> (i32, i32) {
    %c0_i32 = arith.constant 0 : i32
    %c0_i32_0 = arith.constant 0 : i32
    %c0_i32_1 = arith.constant 0 : i32
    return %c0_i32, %c0_i32_0 : i32, i32
  }
  func.func @transform_5(%arg0: i32) -> (i32, i32) {
    %c0_i32 = arith.constant 0 : i32
    %c0_i32_0 = arith.constant 0 : i32
    %c0_i32_1 = arith.constant 0 : i32
    return %c0_i32, %c0_i32_0 : i32, i32
  }
  func.func @transform_6(%arg0: i32) -> (i32, i32) {
    %c0_i32 = arith.constant 0 : i32
    %c0_i32_0 = arith.constant 0 : i32
    %c0_i32_1 = arith.constant 0 : i32
    return %c0_i32, %c0_i32_0 : i32, i32
  }
  func.func @transform_7(%arg0: i32) -> (i32, i32) {
    %c0_i32 = arith.constant 0 : i32
    %c0_i32_0 = arith.constant 0 : i32
    %c0_i32_1 = arith.constant 0 : i32
    return %c0_i32, %c0_i32_0 : i32, i32
  }
  func.func @transform_8(%arg0: i32) -> (i32, i32) {
    %c0_i32 = arith.constant 0 : i32
    %c0_i32_0 = arith.constant 0 : i32
    %c0_i32_1 = arith.constant 0 : i32
    return %c0_i32, %c0_i32_0 : i32, i32
  }
  func.func @transform_9(%arg0: i32) -> (i32, i32) {
    %c0_i32 = arith.constant 0 : i32
    %c0_i32_0 = arith.constant 0 : i32
    %c0_i32_1 = arith.constant 0 : i32
    return %c0_i32, %c0_i32_0 : i32, i32
  }
  func.func @transform_10(%arg0: i32) -> (i32, i32) {
    %c0_i32 = arith.constant 0 : i32
    %c0_i32_0 = arith.constant 0 : i32
    %c0_i32_1 = arith.constant 0 : i32
    return %c0_i32, %c0_i32_0 : i32, i32
  }
  func.func @transform_11(%arg0: i32) -> (i32, i32) {
    %c0_i32 = arith.constant 0 : i32
    %c0_i32_0 = arith.constant 0 : i32
    %c0_i32_1 = arith.constant 0 : i32
    return %c0_i32, %c0_i32_0 : i32, i32
  }
  func.func @transform_12(%arg0: i32) -> (i32, i32) {
    %c0_i32 = arith.constant 0 : i32
    %c0_i32_0 = arith.constant 0 : i32
    %c0_i32_1 = arith.constant 0 : i32
    return %c0_i32, %c0_i32_0 : i32, i32
  }
  func.func @transform_13(%arg0: i32) -> (i32, i32) {
    %c0_i32 = arith.constant 0 : i32
    %c0_i32_0 = arith.constant 0 : i32
    %c0_i32_1 = arith.constant 0 : i32
    return %c0_i32, %c0_i32_0 : i32, i32
  }
  func.func @transform_14(%arg0: i32) -> (i32, i32) {
    %c0_i32 = arith.constant 0 : i32
    %c0_i32_0 = arith.constant 0 : i32
    return %arg0, %c0_i32 : i32, i32
  }
}

module attributes {stable_mosaic.version = 14 : i64} {
  func.func @_mlp_pass(%arg0: i32, %arg1: memref<2048x128xf32, #tpu.memory_space<vmem>>, %arg2: memref<32x48xf32, #tpu.memory_space<vmem>>, %arg3: memref<64x48xf32, #tpu.memory_space<vmem>>, %arg4: memref<1x64xf32, #tpu.memory_space<vmem>>, %arg5: memref<2048x48xf32, #tpu.memory_space<vmem>>, %arg6: memref<2x64xf32, #tpu.memory_space<vmem>>, %arg7: memref<1x64xf32, #tpu.memory_space<vmem>>, %arg8: memref<1x64xf32, #tpu.memory_space<vmem>>) attributes {dimension_semantics = [#tpu.dimension_semantics<arbitrary>], iteration_bounds = array<i64: 128>, scalar_prefetch = 0 : i64, scratch_operands = 2 : i64, tpu.core_type = #tpu.core_type<tc>, window_params = [{transform_indices = @transform_0, window_bounds = array<i64: 2048, 128>}, {transform_indices = @transform_1, window_bounds = array<i64: 32, 48>}, {pipeline_mode = #tpu.pipeline_mode<synchronous>, transform_indices = @transform_2, window_bounds = array<i64: 64, 48>}, {pipeline_mode = #tpu.pipeline_mode<synchronous>, transform_indices = @transform_3, window_bounds = array<i64: 1, 64>}, {transform_indices = @transform_4, window_bounds = array<i64: 2048, 48>}, {pipeline_mode = #tpu.pipeline_mode<synchronous>, transform_indices = @transform_5, window_bounds = array<i64: 2, 64>}]} {
    %get3A = arith.constant 0 : index
    %get3A_0 = arith.constant 0 : index
    %get3A_1 = vector.load %arg1[%get3A, %get3A_0] : memref<2048x128xf32, #tpu.memory_space<vmem>>, vector<2048x128xf32>
    %slice3A = vector.extract_strided_slice %get3A_1 {offsets = [0, 0], sizes = [2048, 48], strides = [1, 1]} : vector<2048x128xf32> to vector<2048x48xf32>
    %swap3A = arith.constant 0 : index
    %swap3A_2 = arith.constant 0 : index
    %swap3A_3 = vector.load %arg5[%swap3A, %swap3A_2] : memref<2048x48xf32, #tpu.memory_space<vmem>>, vector<2048x48xf32>
    tpu.vector_store %arg5[%swap3A, %swap3A_2], %slice3A {strides = array<i32>} : memref<2048x48xf32, #tpu.memory_space<vmem>>, vector<2048x48xf32>,
    %get3A_4 = arith.constant 0 : index
    %get3A_5 = arith.constant 0 : index
    %get3A_6 = vector.load %arg2[%get3A_4, %get3A_5] : memref<32x48xf32, #tpu.memory_space<vmem>>, vector<32x48xf32>
    %broadcast_in_dim3A = vector.shape_cast %get3A_6 : vector<32x48xf32> to vector<32x1x48xf32>
    %broadcast_in_dim3A_7 = vector.shape_cast %broadcast_in_dim3A : vector<32x1x48xf32> to vector<32x1x48xf32>
    %broadcast_in_dim3A_8 = vector.broadcast %broadcast_in_dim3A_7 : vector<32x1x48xf32> to vector<32x64x48xf32>
    %reshape3A = vector.shape_cast %broadcast_in_dim3A_8 : vector<32x64x48xf32> to vector<2048x48xf32>
    %sub3A = arith.subf %slice3A, %reshape3A : vector<2048x48xf32>
    %get3A_9 = arith.constant 0 : index
    %get3A_10 = arith.constant 0 : index
    %get3A_11 = vector.load %arg3[%get3A_9, %get3A_10] : memref<64x48xf32, #tpu.memory_space<vmem>>, vector<64x48xf32>
    %get3A_12 = arith.constant 0 : index
    %get3A_13 = arith.constant 0 : index
    %get3A_14 = vector.load %arg4[%get3A_12, %get3A_13] : memref<1x64xf32, #tpu.memory_space<vmem>>, vector<1x64xf32>
    %dot_general3A = arith.constant dense<0.000000e+00> : vector<2048x64xf32>
    %dot_general3A_15 = tpu.matmul %sub3A, %get3A_11, %dot_general3A {dimension_numbers = #tpu.dot_dimension_numbers<[1], [1], [0], [0], [0, 0, 1, 0], [], []>, transpose_lhs_hint = false} : vector<2048x48xf32>, vector<64x48xf32>, vector<2048x64xf32> -> vector<2048x64xf32>
    %add3A = vector.broadcast %get3A_14 : vector<1x64xf32> to vector<2048x64xf32>
    %add3A_16 = arith.addf %dot_general3A_15, %add3A : vector<2048x64xf32>
    %eq3A = arith.constant 0 : i32
    %eq3A_17 = arith.cmpi eq, %arg0, %eq3A : i32
    %convert_element_type3A = arith.extui %eq3A_17 : i1 to i32
    %cond3A = arith.constant 0 : i32
    %cond3A_18 = arith.cmpi ne, %convert_element_type3A, %cond3A : i32
    scf.if %cond3A_18 {
      %broadcast_in_dim3A_43 = arith.constant 0.000000e+00 : f32
      %broadcast_in_dim3A_44 = vector.broadcast %broadcast_in_dim3A_43 : f32 to vector<1x64xf32>
      %swap3A_45 = arith.constant 0 : index
      %swap3A_46 = arith.constant 0 : index
      %swap3A_47 = vector.load %arg7[%swap3A_45, %swap3A_46] : memref<1x64xf32, #tpu.memory_space<vmem>>, vector<1x64xf32>
      tpu.vector_store %arg7[%swap3A_45, %swap3A_46], %broadcast_in_dim3A_44 {strides = array<i32>} : memref<1x64xf32, #tpu.memory_space<vmem>>, vector<1x64xf32>,
      %broadcast_in_dim3A_48 = arith.constant 0.000000e+00 : f32
      %broadcast_in_dim3A_49 = vector.broadcast %broadcast_in_dim3A_48 : f32 to vector<1x64xf32>
      %swap3A_50 = arith.constant 0 : index
      %swap3A_51 = arith.constant 0 : index
      %swap3A_52 = vector.load %arg8[%swap3A_50, %swap3A_51] : memref<1x64xf32, #tpu.memory_space<vmem>>, vector<1x64xf32>
      tpu.vector_store %arg8[%swap3A_50, %swap3A_51], %broadcast_in_dim3A_49 {strides = array<i32>} : memref<1x64xf32, #tpu.memory_space<vmem>>, vector<1x64xf32>,
    } else {
    }
    %get3A_19 = arith.constant 0 : index
    %get3A_20 = arith.constant 0 : index
    %get3A_21 = vector.load %arg7[%get3A_19, %get3A_20] : memref<1x64xf32, #tpu.memory_space<vmem>>, vector<1x64xf32>
    %reduce_sum3A = arith.constant dense<0.000000e+00> : vector<64xf32>
    %reduce_sum3A_22 = vector.multi_reduction <add>, %add3A_16, %reduce_sum3A [0] : vector<2048x64xf32> to vector<64xf32>
    %broadcast_in_dim3A_23 = vector.shape_cast %reduce_sum3A_22 : vector<64xf32> to vector<1x64xf32>
    %add3A_24 = arith.addf %get3A_21, %broadcast_in_dim3A_23 : vector<1x64xf32>
    %swap3A_25 = arith.constant 0 : index
    %swap3A_26 = arith.constant 0 : index
    %swap3A_27 = vector.load %arg7[%swap3A_25, %swap3A_26] : memref<1x64xf32, #tpu.memory_space<vmem>>, vector<1x64xf32>
    tpu.vector_store %arg7[%swap3A_25, %swap3A_26], %add3A_24 {strides = array<i32>} : memref<1x64xf32, #tpu.memory_space<vmem>>, vector<1x64xf32>,
    %get3A_28 = arith.constant 0 : index
    %get3A_29 = arith.constant 0 : index
    %get3A_30 = vector.load %arg8[%get3A_28, %get3A_29] : memref<1x64xf32, #tpu.memory_space<vmem>>, vector<1x64xf32>
    %mul3A = arith.mulf %add3A_16, %add3A_16 : vector<2048x64xf32>
    %reduce_sum3A_31 = arith.constant dense<0.000000e+00> : vector<64xf32>
    %reduce_sum3A_32 = vector.multi_reduction <add>, %mul3A, %reduce_sum3A_31 [0] : vector<2048x64xf32> to vector<64xf32>
    %broadcast_in_dim3A_33 = vector.shape_cast %reduce_sum3A_32 : vector<64xf32> to vector<1x64xf32>
    %add3A_34 = arith.addf %get3A_30, %broadcast_in_dim3A_33 : vector<1x64xf32>
    %swap3A_35 = arith.constant 0 : index
    %swap3A_36 = arith.constant 0 : index
    %swap3A_37 = vector.load %arg8[%swap3A_35, %swap3A_36] : memref<1x64xf32, #tpu.memory_space<vmem>>, vector<1x64xf32>
    tpu.vector_store %arg8[%swap3A_35, %swap3A_36], %add3A_34 {strides = array<i32>} : memref<1x64xf32, #tpu.memory_space<vmem>>, vector<1x64xf32>,
    %eq3A_38 = arith.constant 127 : i32
    %eq3A_39 = arith.cmpi eq, %arg0, %eq3A_38 : i32
    %convert_element_type3A_40 = arith.extui %eq3A_39 : i1 to i32
    %cond3A_41 = arith.constant 0 : i32
    %cond3A_42 = arith.cmpi ne, %convert_element_type3A_40, %cond3A_41 : i32
    scf.if %cond3A_42 {
      %get3A_43 = arith.constant 0 : index
      %get3A_44 = arith.constant 0 : index
      %get3A_45 = vector.load %arg7[%get3A_43, %get3A_44] : memref<1x64xf32, #tpu.memory_space<vmem>>, vector<1x64xf32>
      %swap3A_46 = arith.constant 0 : index
      %swap3A_47 = arith.constant 0 : index
      %swap3A_48 = vector.load %arg6[%swap3A_46, %swap3A_47] : memref<2x64xf32, #tpu.memory_space<vmem>>, vector<1x64xf32>
      tpu.vector_store %arg6[%swap3A_46, %swap3A_47], %get3A_45 {strides = array<i32>} : memref<2x64xf32, #tpu.memory_space<vmem>>, vector<1x64xf32>,
      %get3A_49 = arith.constant 0 : index
      %get3A_50 = arith.constant 0 : index
      %get3A_51 = vector.load %arg8[%get3A_49, %get3A_50] : memref<1x64xf32, #tpu.memory_space<vmem>>, vector<1x64xf32>
      %swap3A_52 = arith.constant 1 : index
      %swap3A_53 = arith.constant 0 : index
      %swap3A_54 = vector.load %arg6[%swap3A_52, %swap3A_53] : memref<2x64xf32, #tpu.memory_space<vmem>>, vector<1x64xf32>
      tpu.vector_store %arg6[%swap3A_52, %swap3A_53], %get3A_51 {strides = array<i32>} : memref<2x64xf32, #tpu.memory_space<vmem>>, vector<1x64xf32>,
    } else {
    }
    return
  }
  func.func @transform_0(%arg0: i32) -> (i32, i32) {
    %c0_i32 = arith.constant 0 : i32
    %c0_i32_0 = arith.constant 0 : i32
    return %arg0, %c0_i32 : i32, i32
  }
  func.func @transform_1(%arg0: i32) -> (i32, i32) {
    %c0_i32 = arith.constant 0 : i32
    %c0_i32_0 = arith.constant 0 : i32
    return %arg0, %c0_i32 : i32, i32
  }
  func.func @transform_2(%arg0: i32) -> (i32, i32) {
    %c0_i32 = arith.constant 0 : i32
    %c0_i32_0 = arith.constant 0 : i32
    %c0_i32_1 = arith.constant 0 : i32
    return %c0_i32, %c0_i32_0 : i32, i32
  }
  func.func @transform_3(%arg0: i32) -> (i32, i32) {
    %c0_i32 = arith.constant 0 : i32
    %c0_i32_0 = arith.constant 0 : i32
    %c0_i32_1 = arith.constant 0 : i32
    return %c0_i32, %c0_i32_0 : i32, i32
  }
  func.func @transform_4(%arg0: i32) -> (i32, i32) {
    %c0_i32 = arith.constant 0 : i32
    %c0_i32_0 = arith.constant 0 : i32
    return %arg0, %c0_i32 : i32, i32
  }
  func.func @transform_5(%arg0: i32) -> (i32, i32) {
    %c0_i32 = arith.constant 0 : i32
    %c0_i32_0 = arith.constant 0 : i32
    %c0_i32_1 = arith.constant 0 : i32
    return %c0_i32, %c0_i32_0 : i32, i32
  }
}

module attributes {stable_mosaic.version = 14 : i64} {
  func.func @_mlp_pass(%arg0: i32, %arg1: memref<2048x48xf32, #tpu.memory_space<vmem>>, %arg2: memref<32x48xf32, #tpu.memory_space<vmem>>, %arg3: memref<64x48xf32, #tpu.memory_space<vmem>>, %arg4: memref<1x64xf32, #tpu.memory_space<vmem>>, %arg5: memref<1x64xf32, #tpu.memory_space<vmem>>, %arg6: memref<1x64xf32, #tpu.memory_space<vmem>>, %arg7: memref<96x64xf32, #tpu.memory_space<vmem>>, %arg8: memref<1x96xf32, #tpu.memory_space<vmem>>, %arg9: memref<2x96xf32, #tpu.memory_space<vmem>>, %arg10: memref<1x96xf32, #tpu.memory_space<vmem>>, %arg11: memref<1x96xf32, #tpu.memory_space<vmem>>) attributes {dimension_semantics = [#tpu.dimension_semantics<arbitrary>], iteration_bounds = array<i64: 128>, scalar_prefetch = 0 : i64, scratch_operands = 2 : i64, tpu.core_type = #tpu.core_type<tc>, window_params = [{transform_indices = @transform_0, window_bounds = array<i64: 2048, 48>}, {transform_indices = @transform_1, window_bounds = array<i64: 32, 48>}, {pipeline_mode = #tpu.pipeline_mode<synchronous>, transform_indices = @transform_2, window_bounds = array<i64: 64, 48>}, {pipeline_mode = #tpu.pipeline_mode<synchronous>, transform_indices = @transform_3, window_bounds = array<i64: 1, 64>}, {pipeline_mode = #tpu.pipeline_mode<synchronous>, transform_indices = @transform_4, window_bounds = array<i64: 1, 64>}, {pipeline_mode = #tpu.pipeline_mode<synchronous>, transform_indices = @transform_5, window_bounds = array<i64: 1, 64>}, {pipeline_mode = #tpu.pipeline_mode<synchronous>, transform_indices = @transform_6, window_bounds = array<i64: 96, 64>}, {pipeline_mode = #tpu.pipeline_mode<synchronous>, transform_indices = @transform_7, window_bounds = array<i64: 1, 96>}, {pipeline_mode = #tpu.pipeline_mode<synchronous>, transform_indices = @transform_8, window_bounds = array<i64: 2, 96>}]} {
    %get3A = arith.constant 0 : index
    %get3A_0 = arith.constant 0 : index
    %get3A_1 = vector.load %arg1[%get3A, %get3A_0] : memref<2048x48xf32, #tpu.memory_space<vmem>>, vector<2048x48xf32>
    %get3A_2 = arith.constant 0 : index
    %get3A_3 = arith.constant 0 : index
    %get3A_4 = vector.load %arg2[%get3A_2, %get3A_3] : memref<32x48xf32, #tpu.memory_space<vmem>>, vector<32x48xf32>
    %broadcast_in_dim3A = vector.shape_cast %get3A_4 : vector<32x48xf32> to vector<32x1x48xf32>
    %broadcast_in_dim3A_5 = vector.shape_cast %broadcast_in_dim3A : vector<32x1x48xf32> to vector<32x1x48xf32>
    %broadcast_in_dim3A_6 = vector.broadcast %broadcast_in_dim3A_5 : vector<32x1x48xf32> to vector<32x64x48xf32>
    %reshape3A = vector.shape_cast %broadcast_in_dim3A_6 : vector<32x64x48xf32> to vector<2048x48xf32>
    %sub3A = arith.subf %get3A_1, %reshape3A : vector<2048x48xf32>
    %get3A_7 = arith.constant 0 : index
    %get3A_8 = arith.constant 0 : index
    %get3A_9 = vector.load %arg3[%get3A_7, %get3A_8] : memref<64x48xf32, #tpu.memory_space<vmem>>, vector<64x48xf32>
    %get3A_10 = arith.constant 0 : index
    %get3A_11 = arith.constant 0 : index
    %get3A_12 = vector.load %arg4[%get3A_10, %get3A_11] : memref<1x64xf32, #tpu.memory_space<vmem>>, vector<1x64xf32>
    %dot_general3A = arith.constant dense<0.000000e+00> : vector<2048x64xf32>
    %dot_general3A_13 = tpu.matmul %sub3A, %get3A_9, %dot_general3A {dimension_numbers = #tpu.dot_dimension_numbers<[1], [1], [0], [0], [0, 0, 1, 0], [], []>, transpose_lhs_hint = false} : vector<2048x48xf32>, vector<64x48xf32>, vector<2048x64xf32> -> vector<2048x64xf32>
    %add3A = vector.broadcast %get3A_12 : vector<1x64xf32> to vector<2048x64xf32>
    %add3A_14 = arith.addf %dot_general3A_13, %add3A : vector<2048x64xf32>
    %get3A_15 = arith.constant 0 : index
    %get3A_16 = arith.constant 0 : index
    %get3A_17 = vector.load %arg5[%get3A_15, %get3A_16] : memref<1x64xf32, #tpu.memory_space<vmem>>, vector<1x64xf32>
    %get3A_18 = arith.constant 0 : index
    %get3A_19 = arith.constant 0 : index
    %get3A_20 = vector.load %arg6[%get3A_18, %get3A_19] : memref<1x64xf32, #tpu.memory_space<vmem>>, vector<1x64xf32>
    %mul3A = vector.broadcast %get3A_17 : vector<1x64xf32> to vector<2048x64xf32>
    %mul3A_21 = arith.mulf %add3A_14, %mul3A : vector<2048x64xf32>
    %add3A_22 = vector.broadcast %get3A_20 : vector<1x64xf32> to vector<2048x64xf32>
    %add3A_23 = arith.addf %mul3A_21, %add3A_22 : vector<2048x64xf32>
    %max3A = arith.constant 0.000000e+00 : f32
    %max3A_24 = vector.broadcast %max3A : f32 to vector<2048x64xf32>
    %max3A_25 = arith.maximumf %add3A_23, %max3A_24 : vector<2048x64xf32>
    %get3A_26 = arith.constant 0 : index
    %get3A_27 = arith.constant 0 : index
    %get3A_28 = vector.load %arg7[%get3A_26, %get3A_27] : memref<96x64xf32, #tpu.memory_space<vmem>>, vector<96x64xf32>
    %get3A_29 = arith.constant 0 : index
    %get3A_30 = arith.constant 0 : index
    %get3A_31 = vector.load %arg8[%get3A_29, %get3A_30] : memref<1x96xf32, #tpu.memory_space<vmem>>, vector<1x96xf32>
    %dot_general3A_32 = arith.constant dense<0.000000e+00> : vector<2048x96xf32>
    %dot_general3A_33 = tpu.matmul %max3A_25, %get3A_28, %dot_general3A_32 {dimension_numbers = #tpu.dot_dimension_numbers<[1], [1], [0], [0], [0, 0, 1, 0], [], []>, transpose_lhs_hint = false} : vector<2048x64xf32>, vector<96x64xf32>, vector<2048x96xf32> -> vector<2048x96xf32>
    %add3A_34 = vector.broadcast %get3A_31 : vector<1x96xf32> to vector<2048x96xf32>
    %add3A_35 = arith.addf %dot_general3A_33, %add3A_34 : vector<2048x96xf32>
    %eq3A = arith.constant 0 : i32
    %eq3A_36 = arith.cmpi eq, %arg0, %eq3A : i32
    %convert_element_type3A = arith.extui %eq3A_36 : i1 to i32
    %cond3A = arith.constant 0 : i32
    %cond3A_37 = arith.cmpi ne, %convert_element_type3A, %cond3A : i32
    scf.if %cond3A_37 {
      %broadcast_in_dim3A_62 = arith.constant 0.000000e+00 : f32
      %broadcast_in_dim3A_63 = vector.broadcast %broadcast_in_dim3A_62 : f32 to vector<1x96xf32>
      %swap3A_64 = arith.constant 0 : index
      %swap3A_65 = arith.constant 0 : index
      %swap3A_66 = vector.load %arg10[%swap3A_64, %swap3A_65] : memref<1x96xf32, #tpu.memory_space<vmem>>, vector<1x96xf32>
      tpu.vector_store %arg10[%swap3A_64, %swap3A_65], %broadcast_in_dim3A_63 {strides = array<i32>} : memref<1x96xf32, #tpu.memory_space<vmem>>, vector<1x96xf32>,
      %broadcast_in_dim3A_67 = arith.constant 0.000000e+00 : f32
      %broadcast_in_dim3A_68 = vector.broadcast %broadcast_in_dim3A_67 : f32 to vector<1x96xf32>
      %swap3A_69 = arith.constant 0 : index
      %swap3A_70 = arith.constant 0 : index
      %swap3A_71 = vector.load %arg11[%swap3A_69, %swap3A_70] : memref<1x96xf32, #tpu.memory_space<vmem>>, vector<1x96xf32>
      tpu.vector_store %arg11[%swap3A_69, %swap3A_70], %broadcast_in_dim3A_68 {strides = array<i32>} : memref<1x96xf32, #tpu.memory_space<vmem>>, vector<1x96xf32>,
    } else {
    }
    %get3A_38 = arith.constant 0 : index
    %get3A_39 = arith.constant 0 : index
    %get3A_40 = vector.load %arg10[%get3A_38, %get3A_39] : memref<1x96xf32, #tpu.memory_space<vmem>>, vector<1x96xf32>
    %reduce_sum3A = arith.constant dense<0.000000e+00> : vector<96xf32>
    %reduce_sum3A_41 = vector.multi_reduction <add>, %add3A_35, %reduce_sum3A [0] : vector<2048x96xf32> to vector<96xf32>
    %broadcast_in_dim3A_42 = vector.shape_cast %reduce_sum3A_41 : vector<96xf32> to vector<1x96xf32>
    %add3A_43 = arith.addf %get3A_40, %broadcast_in_dim3A_42 : vector<1x96xf32>
    %swap3A = arith.constant 0 : index
    %swap3A_44 = arith.constant 0 : index
    %swap3A_45 = vector.load %arg10[%swap3A, %swap3A_44] : memref<1x96xf32, #tpu.memory_space<vmem>>, vector<1x96xf32>
    tpu.vector_store %arg10[%swap3A, %swap3A_44], %add3A_43 {strides = array<i32>} : memref<1x96xf32, #tpu.memory_space<vmem>>, vector<1x96xf32>,
    %get3A_46 = arith.constant 0 : index
    %get3A_47 = arith.constant 0 : index
    %get3A_48 = vector.load %arg11[%get3A_46, %get3A_47] : memref<1x96xf32, #tpu.memory_space<vmem>>, vector<1x96xf32>
    %mul3A_49 = arith.mulf %add3A_35, %add3A_35 : vector<2048x96xf32>
    %reduce_sum3A_50 = arith.constant dense<0.000000e+00> : vector<96xf32>
    %reduce_sum3A_51 = vector.multi_reduction <add>, %mul3A_49, %reduce_sum3A_50 [0] : vector<2048x96xf32> to vector<96xf32>
    %broadcast_in_dim3A_52 = vector.shape_cast %reduce_sum3A_51 : vector<96xf32> to vector<1x96xf32>
    %add3A_53 = arith.addf %get3A_48, %broadcast_in_dim3A_52 : vector<1x96xf32>
    %swap3A_54 = arith.constant 0 : index
    %swap3A_55 = arith.constant 0 : index
    %swap3A_56 = vector.load %arg11[%swap3A_54, %swap3A_55] : memref<1x96xf32, #tpu.memory_space<vmem>>, vector<1x96xf32>
    tpu.vector_store %arg11[%swap3A_54, %swap3A_55], %add3A_53 {strides = array<i32>} : memref<1x96xf32, #tpu.memory_space<vmem>>, vector<1x96xf32>,
    %eq3A_57 = arith.constant 127 : i32
    %eq3A_58 = arith.cmpi eq, %arg0, %eq3A_57 : i32
    %convert_element_type3A_59 = arith.extui %eq3A_58 : i1 to i32
    %cond3A_60 = arith.constant 0 : i32
    %cond3A_61 = arith.cmpi ne, %convert_element_type3A_59, %cond3A_60 : i32
    scf.if %cond3A_61 {
      %get3A_62 = arith.constant 0 : index
      %get3A_63 = arith.constant 0 : index
      %get3A_64 = vector.load %arg10[%get3A_62, %get3A_63] : memref<1x96xf32, #tpu.memory_space<vmem>>, vector<1x96xf32>
      %swap3A_65 = arith.constant 0 : index
      %swap3A_66 = arith.constant 0 : index
      %swap3A_67 = vector.load %arg9[%swap3A_65, %swap3A_66] : memref<2x96xf32, #tpu.memory_space<vmem>>, vector<1x96xf32>
      tpu.vector_store %arg9[%swap3A_65, %swap3A_66], %get3A_64 {strides = array<i32>} : memref<2x96xf32, #tpu.memory_space<vmem>>, vector<1x96xf32>,
      %get3A_68 = arith.constant 0 : index
      %get3A_69 = arith.constant 0 : index
      %get3A_70 = vector.load %arg11[%get3A_68, %get3A_69] : memref<1x96xf32, #tpu.memory_space<vmem>>, vector<1x96xf32>
      %swap3A_71 = arith.constant 1 : index
      %swap3A_72 = arith.constant 0 : index
      %swap3A_73 = vector.load %arg9[%swap3A_71, %swap3A_72] : memref<2x96xf32, #tpu.memory_space<vmem>>, vector<1x96xf32>
      tpu.vector_store %arg9[%swap3A_71, %swap3A_72], %get3A_70 {strides = array<i32>} : memref<2x96xf32, #tpu.memory_space<vmem>>, vector<1x96xf32>,
    } else {
    }
    return
  }
  func.func @transform_0(%arg0: i32) -> (i32, i32) {
    %c0_i32 = arith.constant 0 : i32
    %c0_i32_0 = arith.constant 0 : i32
    return %arg0, %c0_i32 : i32, i32
  }
  func.func @transform_1(%arg0: i32) -> (i32, i32) {
    %c0_i32 = arith.constant 0 : i32
    %c0_i32_0 = arith.constant 0 : i32
    return %arg0, %c0_i32 : i32, i32
  }
  func.func @transform_2(%arg0: i32) -> (i32, i32) {
    %c0_i32 = arith.constant 0 : i32
    %c0_i32_0 = arith.constant 0 : i32
    %c0_i32_1 = arith.constant 0 : i32
    return %c0_i32, %c0_i32_0 : i32, i32
  }
  func.func @transform_3(%arg0: i32) -> (i32, i32) {
    %c0_i32 = arith.constant 0 : i32
    %c0_i32_0 = arith.constant 0 : i32
    %c0_i32_1 = arith.constant 0 : i32
    return %c0_i32, %c0_i32_0 : i32, i32
  }
  func.func @transform_4(%arg0: i32) -> (i32, i32) {
    %c0_i32 = arith.constant 0 : i32
    %c0_i32_0 = arith.constant 0 : i32
    %c0_i32_1 = arith.constant 0 : i32
    return %c0_i32, %c0_i32_0 : i32, i32
  }
  func.func @transform_5(%arg0: i32) -> (i32, i32) {
    %c0_i32 = arith.constant 0 : i32
    %c0_i32_0 = arith.constant 0 : i32
    %c0_i32_1 = arith.constant 0 : i32
    return %c0_i32, %c0_i32_0 : i32, i32
  }
  func.func @transform_6(%arg0: i32) -> (i32, i32) {
    %c0_i32 = arith.constant 0 : i32
    %c0_i32_0 = arith.constant 0 : i32
    %c0_i32_1 = arith.constant 0 : i32
    return %c0_i32, %c0_i32_0 : i32, i32
  }
  func.func @transform_7(%arg0: i32) -> (i32, i32) {
    %c0_i32 = arith.constant 0 : i32
    %c0_i32_0 = arith.constant 0 : i32
    %c0_i32_1 = arith.constant 0 : i32
    return %c0_i32, %c0_i32_0 : i32, i32
  }
  func.func @transform_8(%arg0: i32) -> (i32, i32) {
    %c0_i32 = arith.constant 0 : i32
    %c0_i32_0 = arith.constant 0 : i32
    %c0_i32_1 = arith.constant 0 : i32
    return %c0_i32, %c0_i32_0 : i32, i32
  }
}

module attributes {stable_mosaic.version = 14 : i64} {
  func.func @_mlp_pass(%arg0: i32, %arg1: memref<2048x48xf32, #tpu.memory_space<vmem>>, %arg2: memref<32x48xf32, #tpu.memory_space<vmem>>, %arg3: memref<64x48xf32, #tpu.memory_space<vmem>>, %arg4: memref<1x64xf32, #tpu.memory_space<vmem>>, %arg5: memref<1x64xf32, #tpu.memory_space<vmem>>, %arg6: memref<1x64xf32, #tpu.memory_space<vmem>>, %arg7: memref<96x64xf32, #tpu.memory_space<vmem>>, %arg8: memref<1x96xf32, #tpu.memory_space<vmem>>, %arg9: memref<1x96xf32, #tpu.memory_space<vmem>>, %arg10: memref<1x96xf32, #tpu.memory_space<vmem>>, %arg11: memref<128x96xf32, #tpu.memory_space<vmem>>, %arg12: memref<1x128xf32, #tpu.memory_space<vmem>>, %arg13: memref<2x128xf32, #tpu.memory_space<vmem>>, %arg14: memref<1x128xf32, #tpu.memory_space<vmem>>, %arg15: memref<1x128xf32, #tpu.memory_space<vmem>>) attributes {dimension_semantics = [#tpu.dimension_semantics<arbitrary>], iteration_bounds = array<i64: 128>, scalar_prefetch = 0 : i64, scratch_operands = 2 : i64, tpu.core_type = #tpu.core_type<tc>, window_params = [{transform_indices = @transform_0, window_bounds = array<i64: 2048, 48>}, {transform_indices = @transform_1, window_bounds = array<i64: 32, 48>}, {pipeline_mode = #tpu.pipeline_mode<synchronous>, transform_indices = @transform_2, window_bounds = array<i64: 64, 48>}, {pipeline_mode = #tpu.pipeline_mode<synchronous>, transform_indices = @transform_3, window_bounds = array<i64: 1, 64>}, {pipeline_mode = #tpu.pipeline_mode<synchronous>, transform_indices = @transform_4, window_bounds = array<i64: 1, 64>}, {pipeline_mode = #tpu.pipeline_mode<synchronous>, transform_indices = @transform_5, window_bounds = array<i64: 1, 64>}, {pipeline_mode = #tpu.pipeline_mode<synchronous>, transform_indices = @transform_6, window_bounds = array<i64: 96, 64>}, {pipeline_mode = #tpu.pipeline_mode<synchronous>, transform_indices = @transform_7, window_bounds = array<i64: 1, 96>}, {pipeline_mode = #tpu.pipeline_mode<synchronous>, transform_indices = @transform_8, window_bounds = array<i64: 1, 96>}, {pipeline_mode = #tpu.pipeline_mode<synchronous>, transform_indices = @transform_9, window_bounds = array<i64: 1, 96>}, {pipeline_mode = #tpu.pipeline_mode<synchronous>, transform_indices = @transform_10, window_bounds = array<i64: 128, 96>}, {pipeline_mode = #tpu.pipeline_mode<synchronous>, transform_indices = @transform_11, window_bounds = array<i64: 1, 128>}, {pipeline_mode = #tpu.pipeline_mode<synchronous>, transform_indices = @transform_12, window_bounds = array<i64: 2, 128>}]} {
    %get3A = arith.constant 0 : index
    %get3A_0 = arith.constant 0 : index
    %get3A_1 = vector.load %arg1[%get3A, %get3A_0] : memref<2048x48xf32, #tpu.memory_space<vmem>>, vector<2048x48xf32>
    %get3A_2 = arith.constant 0 : index
    %get3A_3 = arith.constant 0 : index
    %get3A_4 = vector.load %arg2[%get3A_2, %get3A_3] : memref<32x48xf32, #tpu.memory_space<vmem>>, vector<32x48xf32>
    %broadcast_in_dim3A = vector.shape_cast %get3A_4 : vector<32x48xf32> to vector<32x1x48xf32>
    %broadcast_in_dim3A_5 = vector.shape_cast %broadcast_in_dim3A : vector<32x1x48xf32> to vector<32x1x48xf32>
    %broadcast_in_dim3A_6 = vector.broadcast %broadcast_in_dim3A_5 : vector<32x1x48xf32> to vector<32x64x48xf32>
    %reshape3A = vector.shape_cast %broadcast_in_dim3A_6 : vector<32x64x48xf32> to vector<2048x48xf32>
    %sub3A = arith.subf %get3A_1, %reshape3A : vector<2048x48xf32>
    %get3A_7 = arith.constant 0 : index
    %get3A_8 = arith.constant 0 : index
    %get3A_9 = vector.load %arg3[%get3A_7, %get3A_8] : memref<64x48xf32, #tpu.memory_space<vmem>>, vector<64x48xf32>
    %get3A_10 = arith.constant 0 : index
    %get3A_11 = arith.constant 0 : index
    %get3A_12 = vector.load %arg4[%get3A_10, %get3A_11] : memref<1x64xf32, #tpu.memory_space<vmem>>, vector<1x64xf32>
    %dot_general3A = arith.constant dense<0.000000e+00> : vector<2048x64xf32>
    %dot_general3A_13 = tpu.matmul %sub3A, %get3A_9, %dot_general3A {dimension_numbers = #tpu.dot_dimension_numbers<[1], [1], [0], [0], [0, 0, 1, 0], [], []>, transpose_lhs_hint = false} : vector<2048x48xf32>, vector<64x48xf32>, vector<2048x64xf32> -> vector<2048x64xf32>
    %add3A = vector.broadcast %get3A_12 : vector<1x64xf32> to vector<2048x64xf32>
    %add3A_14 = arith.addf %dot_general3A_13, %add3A : vector<2048x64xf32>
    %get3A_15 = arith.constant 0 : index
    %get3A_16 = arith.constant 0 : index
    %get3A_17 = vector.load %arg5[%get3A_15, %get3A_16] : memref<1x64xf32, #tpu.memory_space<vmem>>, vector<1x64xf32>
    %get3A_18 = arith.constant 0 : index
    %get3A_19 = arith.constant 0 : index
    %get3A_20 = vector.load %arg6[%get3A_18, %get3A_19] : memref<1x64xf32, #tpu.memory_space<vmem>>, vector<1x64xf32>
    %mul3A = vector.broadcast %get3A_17 : vector<1x64xf32> to vector<2048x64xf32>
    %mul3A_21 = arith.mulf %add3A_14, %mul3A : vector<2048x64xf32>
    %add3A_22 = vector.broadcast %get3A_20 : vector<1x64xf32> to vector<2048x64xf32>
    %add3A_23 = arith.addf %mul3A_21, %add3A_22 : vector<2048x64xf32>
    %max3A = arith.constant 0.000000e+00 : f32
    %max3A_24 = vector.broadcast %max3A : f32 to vector<2048x64xf32>
    %max3A_25 = arith.maximumf %add3A_23, %max3A_24 : vector<2048x64xf32>
    %get3A_26 = arith.constant 0 : index
    %get3A_27 = arith.constant 0 : index
    %get3A_28 = vector.load %arg7[%get3A_26, %get3A_27] : memref<96x64xf32, #tpu.memory_space<vmem>>, vector<96x64xf32>
    %get3A_29 = arith.constant 0 : index
    %get3A_30 = arith.constant 0 : index
    %get3A_31 = vector.load %arg8[%get3A_29, %get3A_30] : memref<1x96xf32, #tpu.memory_space<vmem>>, vector<1x96xf32>
    %dot_general3A_32 = arith.constant dense<0.000000e+00> : vector<2048x96xf32>
    %dot_general3A_33 = tpu.matmul %max3A_25, %get3A_28, %dot_general3A_32 {dimension_numbers = #tpu.dot_dimension_numbers<[1], [1], [0], [0], [0, 0, 1, 0], [], []>, transpose_lhs_hint = false} : vector<2048x64xf32>, vector<96x64xf32>, vector<2048x96xf32> -> vector<2048x96xf32>
    %add3A_34 = vector.broadcast %get3A_31 : vector<1x96xf32> to vector<2048x96xf32>
    %add3A_35 = arith.addf %dot_general3A_33, %add3A_34 : vector<2048x96xf32>
    %get3A_36 = arith.constant 0 : index
    %get3A_37 = arith.constant 0 : index
    %get3A_38 = vector.load %arg9[%get3A_36, %get3A_37] : memref<1x96xf32, #tpu.memory_space<vmem>>, vector<1x96xf32>
    %get3A_39 = arith.constant 0 : index
    %get3A_40 = arith.constant 0 : index
    %get3A_41 = vector.load %arg10[%get3A_39, %get3A_40] : memref<1x96xf32, #tpu.memory_space<vmem>>, vector<1x96xf32>
    %mul3A_42 = vector.broadcast %get3A_38 : vector<1x96xf32> to vector<2048x96xf32>
    %mul3A_43 = arith.mulf %add3A_35, %mul3A_42 : vector<2048x96xf32>
    %add3A_44 = vector.broadcast %get3A_41 : vector<1x96xf32> to vector<2048x96xf32>
    %add3A_45 = arith.addf %mul3A_43, %add3A_44 : vector<2048x96xf32>
    %max3A_46 = arith.constant 0.000000e+00 : f32
    %max3A_47 = vector.broadcast %max3A_46 : f32 to vector<2048x96xf32>
    %max3A_48 = arith.maximumf %add3A_45, %max3A_47 : vector<2048x96xf32>
    %get3A_49 = arith.constant 0 : index
    %get3A_50 = arith.constant 0 : index
    %get3A_51 = vector.load %arg11[%get3A_49, %get3A_50] : memref<128x96xf32, #tpu.memory_space<vmem>>, vector<128x96xf32>
    %get3A_52 = arith.constant 0 : index
    %get3A_53 = arith.constant 0 : index
    %get3A_54 = vector.load %arg12[%get3A_52, %get3A_53] : memref<1x128xf32, #tpu.memory_space<vmem>>, vector<1x128xf32>
    %dot_general3A_55 = arith.constant dense<0.000000e+00> : vector<2048x128xf32>
    %dot_general3A_56 = tpu.matmul %max3A_48, %get3A_51, %dot_general3A_55 {dimension_numbers = #tpu.dot_dimension_numbers<[1], [1], [0], [0], [0, 0, 1, 0], [], []>, transpose_lhs_hint = false} : vector<2048x96xf32>, vector<128x96xf32>, vector<2048x128xf32> -> vector<2048x128xf32>
    %add3A_57 = vector.broadcast %get3A_54 : vector<1x128xf32> to vector<2048x128xf32>
    %add3A_58 = arith.addf %dot_general3A_56, %add3A_57 : vector<2048x128xf32>
    %eq3A = arith.constant 0 : i32
    %eq3A_59 = arith.cmpi eq, %arg0, %eq3A : i32
    %convert_element_type3A = arith.extui %eq3A_59 : i1 to i32
    %cond3A = arith.constant 0 : i32
    %cond3A_60 = arith.cmpi ne, %convert_element_type3A, %cond3A : i32
    scf.if %cond3A_60 {
      %broadcast_in_dim3A_85 = arith.constant 0.000000e+00 : f32
      %broadcast_in_dim3A_86 = vector.broadcast %broadcast_in_dim3A_85 : f32 to vector<1x128xf32>
      %swap3A_87 = arith.constant 0 : index
      %swap3A_88 = arith.constant 0 : index
      %swap3A_89 = vector.load %arg14[%swap3A_87, %swap3A_88] : memref<1x128xf32, #tpu.memory_space<vmem>>, vector<1x128xf32>
      tpu.vector_store %arg14[%swap3A_87, %swap3A_88], %broadcast_in_dim3A_86 {strides = array<i32>} : memref<1x128xf32, #tpu.memory_space<vmem>>, vector<1x128xf32>,
      %broadcast_in_dim3A_90 = arith.constant 0.000000e+00 : f32
      %broadcast_in_dim3A_91 = vector.broadcast %broadcast_in_dim3A_90 : f32 to vector<1x128xf32>
      %swap3A_92 = arith.constant 0 : index
      %swap3A_93 = arith.constant 0 : index
      %swap3A_94 = vector.load %arg15[%swap3A_92, %swap3A_93] : memref<1x128xf32, #tpu.memory_space<vmem>>, vector<1x128xf32>
      tpu.vector_store %arg15[%swap3A_92, %swap3A_93], %broadcast_in_dim3A_91 {strides = array<i32>} : memref<1x128xf32, #tpu.memory_space<vmem>>, vector<1x128xf32>,
    } else {
    }
    %get3A_61 = arith.constant 0 : index
    %get3A_62 = arith.constant 0 : index
    %get3A_63 = vector.load %arg14[%get3A_61, %get3A_62] : memref<1x128xf32, #tpu.memory_space<vmem>>, vector<1x128xf32>
    %reduce_sum3A = arith.constant dense<0.000000e+00> : vector<128xf32>
    %reduce_sum3A_64 = vector.multi_reduction <add>, %add3A_58, %reduce_sum3A [0] : vector<2048x128xf32> to vector<128xf32>
    %broadcast_in_dim3A_65 = vector.shape_cast %reduce_sum3A_64 : vector<128xf32> to vector<1x128xf32>
    %add3A_66 = arith.addf %get3A_63, %broadcast_in_dim3A_65 : vector<1x128xf32>
    %swap3A = arith.constant 0 : index
    %swap3A_67 = arith.constant 0 : index
    %swap3A_68 = vector.load %arg14[%swap3A, %swap3A_67] : memref<1x128xf32, #tpu.memory_space<vmem>>, vector<1x128xf32>
    tpu.vector_store %arg14[%swap3A, %swap3A_67], %add3A_66 {strides = array<i32>} : memref<1x128xf32, #tpu.memory_space<vmem>>, vector<1x128xf32>,
    %get3A_69 = arith.constant 0 : index
    %get3A_70 = arith.constant 0 : index
    %get3A_71 = vector.load %arg15[%get3A_69, %get3A_70] : memref<1x128xf32, #tpu.memory_space<vmem>>, vector<1x128xf32>
    %mul3A_72 = arith.mulf %add3A_58, %add3A_58 : vector<2048x128xf32>
    %reduce_sum3A_73 = arith.constant dense<0.000000e+00> : vector<128xf32>
    %reduce_sum3A_74 = vector.multi_reduction <add>, %mul3A_72, %reduce_sum3A_73 [0] : vector<2048x128xf32> to vector<128xf32>
    %broadcast_in_dim3A_75 = vector.shape_cast %reduce_sum3A_74 : vector<128xf32> to vector<1x128xf32>
    %add3A_76 = arith.addf %get3A_71, %broadcast_in_dim3A_75 : vector<1x128xf32>
    %swap3A_77 = arith.constant 0 : index
    %swap3A_78 = arith.constant 0 : index
    %swap3A_79 = vector.load %arg15[%swap3A_77, %swap3A_78] : memref<1x128xf32, #tpu.memory_space<vmem>>, vector<1x128xf32>
    tpu.vector_store %arg15[%swap3A_77, %swap3A_78], %add3A_76 {strides = array<i32>} : memref<1x128xf32, #tpu.memory_space<vmem>>, vector<1x128xf32>,
    %eq3A_80 = arith.constant 127 : i32
    %eq3A_81 = arith.cmpi eq, %arg0, %eq3A_80 : i32
    %convert_element_type3A_82 = arith.extui %eq3A_81 : i1 to i32
    %cond3A_83 = arith.constant 0 : i32
    %cond3A_84 = arith.cmpi ne, %convert_element_type3A_82, %cond3A_83 : i32
    scf.if %cond3A_84 {
      %get3A_85 = arith.constant 0 : index
      %get3A_86 = arith.constant 0 : index
      %get3A_87 = vector.load %arg14[%get3A_85, %get3A_86] : memref<1x128xf32, #tpu.memory_space<vmem>>, vector<1x128xf32>
      %swap3A_88 = arith.constant 0 : index
      %swap3A_89 = arith.constant 0 : index
      %swap3A_90 = vector.load %arg13[%swap3A_88, %swap3A_89] : memref<2x128xf32, #tpu.memory_space<vmem>>, vector<1x128xf32>
      tpu.vector_store %arg13[%swap3A_88, %swap3A_89], %get3A_87 {strides = array<i32>} : memref<2x128xf32, #tpu.memory_space<vmem>>, vector<1x128xf32>,
      %get3A_91 = arith.constant 0 : index
      %get3A_92 = arith.constant 0 : index
      %get3A_93 = vector.load %arg15[%get3A_91, %get3A_92] : memref<1x128xf32, #tpu.memory_space<vmem>>, vector<1x128xf32>
      %swap3A_94 = arith.constant 1 : index
      %swap3A_95 = arith.constant 0 : index
      %swap3A_96 = vector.load %arg13[%swap3A_94, %swap3A_95] : memref<2x128xf32, #tpu.memory_space<vmem>>, vector<1x128xf32>
      tpu.vector_store %arg13[%swap3A_94, %swap3A_95], %get3A_93 {strides = array<i32>} : memref<2x128xf32, #tpu.memory_space<vmem>>, vector<1x128xf32>,
    } else {
    }
    return
  }
  func.func @transform_0(%arg0: i32) -> (i32, i32) {
    %c0_i32 = arith.constant 0 : i32
    %c0_i32_0 = arith.constant 0 : i32
    return %arg0, %c0_i32 : i32, i32
  }
  func.func @transform_1(%arg0: i32) -> (i32, i32) {
    %c0_i32 = arith.constant 0 : i32
    %c0_i32_0 = arith.constant 0 : i32
    return %arg0, %c0_i32 : i32, i32
  }
  func.func @transform_2(%arg0: i32) -> (i32, i32) {
    %c0_i32 = arith.constant 0 : i32
    %c0_i32_0 = arith.constant 0 : i32
    %c0_i32_1 = arith.constant 0 : i32
    return %c0_i32, %c0_i32_0 : i32, i32
  }
  func.func @transform_3(%arg0: i32) -> (i32, i32) {
    %c0_i32 = arith.constant 0 : i32
    %c0_i32_0 = arith.constant 0 : i32
    %c0_i32_1 = arith.constant 0 : i32
    return %c0_i32, %c0_i32_0 : i32, i32
  }
  func.func @transform_4(%arg0: i32) -> (i32, i32) {
    %c0_i32 = arith.constant 0 : i32
    %c0_i32_0 = arith.constant 0 : i32
    %c0_i32_1 = arith.constant 0 : i32
    return %c0_i32, %c0_i32_0 : i32, i32
  }
  func.func @transform_5(%arg0: i32) -> (i32, i32) {
    %c0_i32 = arith.constant 0 : i32
    %c0_i32_0 = arith.constant 0 : i32
    %c0_i32_1 = arith.constant 0 : i32
    return %c0_i32, %c0_i32_0 : i32, i32
  }
  func.func @transform_6(%arg0: i32) -> (i32, i32) {
    %c0_i32 = arith.constant 0 : i32
    %c0_i32_0 = arith.constant 0 : i32
    %c0_i32_1 = arith.constant 0 : i32
    return %c0_i32, %c0_i32_0 : i32, i32
  }
  func.func @transform_7(%arg0: i32) -> (i32, i32) {
    %c0_i32 = arith.constant 0 : i32
    %c0_i32_0 = arith.constant 0 : i32
    %c0_i32_1 = arith.constant 0 : i32
    return %c0_i32, %c0_i32_0 : i32, i32
  }
  func.func @transform_8(%arg0: i32) -> (i32, i32) {
    %c0_i32 = arith.constant 0 : i32
    %c0_i32_0 = arith.constant 0 : i32
    %c0_i32_1 = arith.constant 0 : i32
    return %c0_i32, %c0_i32_0 : i32, i32
  }
  func.func @transform_9(%arg0: i32) -> (i32, i32) {
    %c0_i32 = arith.constant 0 : i32
    %c0_i32_0 = arith.constant 0 : i32
    %c0_i32_1 = arith.constant 0 : i32
    return %c0_i32, %c0_i32_0 : i32, i32
  }
  func.func @transform_10(%arg0: i32) -> (i32, i32) {
    %c0_i32 = arith.constant 0 : i32
    %c0_i32_0 = arith.constant 0 : i32
    %c0_i32_1 = arith.constant 0 : i32
    return %c0_i32, %c0_i32_0 : i32, i32
  }
  func.func @transform_11(%arg0: i32) -> (i32, i32) {
    %c0_i32 = arith.constant 0 : i32
    %c0_i32_0 = arith.constant 0 : i32
    %c0_i32_1 = arith.constant 0 : i32
    return %c0_i32, %c0_i32_0 : i32, i32
  }
  func.func @transform_12(%arg0: i32) -> (i32, i32) {
    %c0_i32 = arith.constant 0 : i32
    %c0_i32_0 = arith.constant 0 : i32
    %c0_i32_1 = arith.constant 0 : i32
    return %c0_i32, %c0_i32_0 : i32, i32
  }
}

module attributes {stable_mosaic.version = 14 : i64} {
  func.func @_mlp_pass(%arg0: i32, %arg1: memref<2048x48xf32, #tpu.memory_space<vmem>>, %arg2: memref<32x48xf32, #tpu.memory_space<vmem>>, %arg3: memref<64x48xf32, #tpu.memory_space<vmem>>, %arg4: memref<1x64xf32, #tpu.memory_space<vmem>>, %arg5: memref<1x64xf32, #tpu.memory_space<vmem>>, %arg6: memref<1x64xf32, #tpu.memory_space<vmem>>, %arg7: memref<96x64xf32, #tpu.memory_space<vmem>>, %arg8: memref<1x96xf32, #tpu.memory_space<vmem>>, %arg9: memref<1x96xf32, #tpu.memory_space<vmem>>, %arg10: memref<1x96xf32, #tpu.memory_space<vmem>>, %arg11: memref<128x96xf32, #tpu.memory_space<vmem>>, %arg12: memref<1x128xf32, #tpu.memory_space<vmem>>, %arg13: memref<1x128xf32, #tpu.memory_space<vmem>>, %arg14: memref<1x128xf32, #tpu.memory_space<vmem>>, %arg15: memref<32x128xf32, #tpu.memory_space<vmem>>) attributes {dimension_semantics = [#tpu.dimension_semantics<arbitrary>], iteration_bounds = array<i64: 128>, scalar_prefetch = 0 : i64, scratch_operands = 0 : i64, tpu.core_type = #tpu.core_type<tc>, window_params = [{transform_indices = @transform_0, window_bounds = array<i64: 2048, 48>}, {transform_indices = @transform_1, window_bounds = array<i64: 32, 48>}, {pipeline_mode = #tpu.pipeline_mode<synchronous>, transform_indices = @transform_2, window_bounds = array<i64: 64, 48>}, {pipeline_mode = #tpu.pipeline_mode<synchronous>, transform_indices = @transform_3, window_bounds = array<i64: 1, 64>}, {pipeline_mode = #tpu.pipeline_mode<synchronous>, transform_indices = @transform_4, window_bounds = array<i64: 1, 64>}, {pipeline_mode = #tpu.pipeline_mode<synchronous>, transform_indices = @transform_5, window_bounds = array<i64: 1, 64>}, {pipeline_mode = #tpu.pipeline_mode<synchronous>, transform_indices = @transform_6, window_bounds = array<i64: 96, 64>}, {pipeline_mode = #tpu.pipeline_mode<synchronous>, transform_indices = @transform_7, window_bounds = array<i64: 1, 96>}, {pipeline_mode = #tpu.pipeline_mode<synchronous>, transform_indices = @transform_8, window_bounds = array<i64: 1, 96>}, {pipeline_mode = #tpu.pipeline_mode<synchronous>, transform_indices = @transform_9, window_bounds = array<i64: 1, 96>}, {pipeline_mode = #tpu.pipeline_mode<synchronous>, transform_indices = @transform_10, window_bounds = array<i64: 128, 96>}, {pipeline_mode = #tpu.pipeline_mode<synchronous>, transform_indices = @transform_11, window_bounds = array<i64: 1, 128>}, {pipeline_mode = #tpu.pipeline_mode<synchronous>, transform_indices = @transform_12, window_bounds = array<i64: 1, 128>}, {pipeline_mode = #tpu.pipeline_mode<synchronous>, transform_indices = @transform_13, window_bounds = array<i64: 1, 128>}, {transform_indices = @transform_14, window_bounds = array<i64: 32, 128>}]} {
    %get3A = arith.constant 0 : index
    %get3A_0 = arith.constant 0 : index
    %get3A_1 = vector.load %arg1[%get3A, %get3A_0] : memref<2048x48xf32, #tpu.memory_space<vmem>>, vector<2048x48xf32>
    %get3A_2 = arith.constant 0 : index
    %get3A_3 = arith.constant 0 : index
    %get3A_4 = vector.load %arg2[%get3A_2, %get3A_3] : memref<32x48xf32, #tpu.memory_space<vmem>>, vector<32x48xf32>
    %broadcast_in_dim3A = vector.shape_cast %get3A_4 : vector<32x48xf32> to vector<32x1x48xf32>
    %broadcast_in_dim3A_5 = vector.shape_cast %broadcast_in_dim3A : vector<32x1x48xf32> to vector<32x1x48xf32>
    %broadcast_in_dim3A_6 = vector.broadcast %broadcast_in_dim3A_5 : vector<32x1x48xf32> to vector<32x64x48xf32>
    %reshape3A = vector.shape_cast %broadcast_in_dim3A_6 : vector<32x64x48xf32> to vector<2048x48xf32>
    %sub3A = arith.subf %get3A_1, %reshape3A : vector<2048x48xf32>
    %get3A_7 = arith.constant 0 : index
    %get3A_8 = arith.constant 0 : index
    %get3A_9 = vector.load %arg3[%get3A_7, %get3A_8] : memref<64x48xf32, #tpu.memory_space<vmem>>, vector<64x48xf32>
    %get3A_10 = arith.constant 0 : index
    %get3A_11 = arith.constant 0 : index
    %get3A_12 = vector.load %arg4[%get3A_10, %get3A_11] : memref<1x64xf32, #tpu.memory_space<vmem>>, vector<1x64xf32>
    %dot_general3A = arith.constant dense<0.000000e+00> : vector<2048x64xf32>
    %dot_general3A_13 = tpu.matmul %sub3A, %get3A_9, %dot_general3A {dimension_numbers = #tpu.dot_dimension_numbers<[1], [1], [0], [0], [0, 0, 1, 0], [], []>, transpose_lhs_hint = false} : vector<2048x48xf32>, vector<64x48xf32>, vector<2048x64xf32> -> vector<2048x64xf32>
    %add3A = vector.broadcast %get3A_12 : vector<1x64xf32> to vector<2048x64xf32>
    %add3A_14 = arith.addf %dot_general3A_13, %add3A : vector<2048x64xf32>
    %get3A_15 = arith.constant 0 : index
    %get3A_16 = arith.constant 0 : index
    %get3A_17 = vector.load %arg5[%get3A_15, %get3A_16] : memref<1x64xf32, #tpu.memory_space<vmem>>, vector<1x64xf32>
    %get3A_18 = arith.constant 0 : index
    %get3A_19 = arith.constant 0 : index
    %get3A_20 = vector.load %arg6[%get3A_18, %get3A_19] : memref<1x64xf32, #tpu.memory_space<vmem>>, vector<1x64xf32>
    %mul3A = vector.broadcast %get3A_17 : vector<1x64xf32> to vector<2048x64xf32>
    %mul3A_21 = arith.mulf %add3A_14, %mul3A : vector<2048x64xf32>
    %add3A_22 = vector.broadcast %get3A_20 : vector<1x64xf32> to vector<2048x64xf32>
    %add3A_23 = arith.addf %mul3A_21, %add3A_22 : vector<2048x64xf32>
    %max3A = arith.constant 0.000000e+00 : f32
    %max3A_24 = vector.broadcast %max3A : f32 to vector<2048x64xf32>
    %max3A_25 = arith.maximumf %add3A_23, %max3A_24 : vector<2048x64xf32>
    %get3A_26 = arith.constant 0 : index
    %get3A_27 = arith.constant 0 : index
    %get3A_28 = vector.load %arg7[%get3A_26, %get3A_27] : memref<96x64xf32, #tpu.memory_space<vmem>>, vector<96x64xf32>
    %get3A_29 = arith.constant 0 : index
    %get3A_30 = arith.constant 0 : index
    %get3A_31 = vector.load %arg8[%get3A_29, %get3A_30] : memref<1x96xf32, #tpu.memory_space<vmem>>, vector<1x96xf32>
    %dot_general3A_32 = arith.constant dense<0.000000e+00> : vector<2048x96xf32>
    %dot_general3A_33 = tpu.matmul %max3A_25, %get3A_28, %dot_general3A_32 {dimension_numbers = #tpu.dot_dimension_numbers<[1], [1], [0], [0], [0, 0, 1, 0], [], []>, transpose_lhs_hint = false} : vector<2048x64xf32>, vector<96x64xf32>, vector<2048x96xf32> -> vector<2048x96xf32>
    %add3A_34 = vector.broadcast %get3A_31 : vector<1x96xf32> to vector<2048x96xf32>
    %add3A_35 = arith.addf %dot_general3A_33, %add3A_34 : vector<2048x96xf32>
    %get3A_36 = arith.constant 0 : index
    %get3A_37 = arith.constant 0 : index
    %get3A_38 = vector.load %arg9[%get3A_36, %get3A_37] : memref<1x96xf32, #tpu.memory_space<vmem>>, vector<1x96xf32>
    %get3A_39 = arith.constant 0 : index
    %get3A_40 = arith.constant 0 : index
    %get3A_41 = vector.load %arg10[%get3A_39, %get3A_40] : memref<1x96xf32, #tpu.memory_space<vmem>>, vector<1x96xf32>
    %mul3A_42 = vector.broadcast %get3A_38 : vector<1x96xf32> to vector<2048x96xf32>
    %mul3A_43 = arith.mulf %add3A_35, %mul3A_42 : vector<2048x96xf32>
    %add3A_44 = vector.broadcast %get3A_41 : vector<1x96xf32> to vector<2048x96xf32>
    %add3A_45 = arith.addf %mul3A_43, %add3A_44 : vector<2048x96xf32>
    %max3A_46 = arith.constant 0.000000e+00 : f32
    %max3A_47 = vector.broadcast %max3A_46 : f32 to vector<2048x96xf32>
    %max3A_48 = arith.maximumf %add3A_45, %max3A_47 : vector<2048x96xf32>
    %get3A_49 = arith.constant 0 : index
    %get3A_50 = arith.constant 0 : index
    %get3A_51 = vector.load %arg11[%get3A_49, %get3A_50] : memref<128x96xf32, #tpu.memory_space<vmem>>, vector<128x96xf32>
    %get3A_52 = arith.constant 0 : index
    %get3A_53 = arith.constant 0 : index
    %get3A_54 = vector.load %arg12[%get3A_52, %get3A_53] : memref<1x128xf32, #tpu.memory_space<vmem>>, vector<1x128xf32>
    %dot_general3A_55 = arith.constant dense<0.000000e+00> : vector<2048x128xf32>
    %dot_general3A_56 = tpu.matmul %max3A_48, %get3A_51, %dot_general3A_55 {dimension_numbers = #tpu.dot_dimension_numbers<[1], [1], [0], [0], [0, 0, 1, 0], [], []>, transpose_lhs_hint = false} : vector<2048x96xf32>, vector<128x96xf32>, vector<2048x128xf32> -> vector<2048x128xf32>
    %add3A_57 = vector.broadcast %get3A_54 : vector<1x128xf32> to vector<2048x128xf32>
    %add3A_58 = arith.addf %dot_general3A_56, %add3A_57 : vector<2048x128xf32>
    %get3A_59 = arith.constant 0 : index
    %get3A_60 = arith.constant 0 : index
    %get3A_61 = vector.load %arg13[%get3A_59, %get3A_60] : memref<1x128xf32, #tpu.memory_space<vmem>>, vector<1x128xf32>
    %get3A_62 = arith.constant 0 : index
    %get3A_63 = arith.constant 0 : index
    %get3A_64 = vector.load %arg14[%get3A_62, %get3A_63] : memref<1x128xf32, #tpu.memory_space<vmem>>, vector<1x128xf32>
    %mul3A_65 = vector.broadcast %get3A_61 : vector<1x128xf32> to vector<2048x128xf32>
    %mul3A_66 = arith.mulf %add3A_58, %mul3A_65 : vector<2048x128xf32>
    %add3A_67 = vector.broadcast %get3A_64 : vector<1x128xf32> to vector<2048x128xf32>
    %add3A_68 = arith.addf %mul3A_66, %add3A_67 : vector<2048x128xf32>
    %max3A_69 = arith.constant 0.000000e+00 : f32
    %max3A_70 = vector.broadcast %max3A_69 : f32 to vector<2048x128xf32>
    %max3A_71 = arith.maximumf %add3A_68, %max3A_70 : vector<2048x128xf32>
    %reshape3A_72 = vector.shape_cast %max3A_71 : vector<2048x128xf32> to vector<32x64x128xf32>
    %reduce_max3A = arith.constant dense<0xFF800000> : vector<32x128xf32>
    %reduce_max3A_73 = vector.multi_reduction <maximumf>, %reshape3A_72, %reduce_max3A [1] : vector<32x64x128xf32> to vector<32x128xf32>
    %swap3A = arith.constant 0 : index
    %swap3A_74 = arith.constant 0 : index
    %swap3A_75 = vector.load %arg15[%swap3A, %swap3A_74] : memref<32x128xf32, #tpu.memory_space<vmem>>, vector<32x128xf32>
    tpu.vector_store %arg15[%swap3A, %swap3A_74], %reduce_max3A_73 {strides = array<i32>} : memref<32x128xf32, #tpu.memory_space<vmem>>, vector<32x128xf32>,
    return
  }
  func.func @transform_0(%arg0: i32) -> (i32, i32) {
    %c0_i32 = arith.constant 0 : i32
    %c0_i32_0 = arith.constant 0 : i32
    return %arg0, %c0_i32 : i32, i32
  }
  func.func @transform_1(%arg0: i32) -> (i32, i32) {
    %c0_i32 = arith.constant 0 : i32
    %c0_i32_0 = arith.constant 0 : i32
    return %arg0, %c0_i32 : i32, i32
  }
  func.func @transform_2(%arg0: i32) -> (i32, i32) {
    %c0_i32 = arith.constant 0 : i32
    %c0_i32_0 = arith.constant 0 : i32
    %c0_i32_1 = arith.constant 0 : i32
    return %c0_i32, %c0_i32_0 : i32, i32
  }
  func.func @transform_3(%arg0: i32) -> (i32, i32) {
    %c0_i32 = arith.constant 0 : i32
    %c0_i32_0 = arith.constant 0 : i32
    %c0_i32_1 = arith.constant 0 : i32
    return %c0_i32, %c0_i32_0 : i32, i32
  }
  func.func @transform_4(%arg0: i32) -> (i32, i32) {
    %c0_i32 = arith.constant 0 : i32
    %c0_i32_0 = arith.constant 0 : i32
    %c0_i32_1 = arith.constant 0 : i32
    return %c0_i32, %c0_i32_0 : i32, i32
  }
  func.func @transform_5(%arg0: i32) -> (i32, i32) {
    %c0_i32 = arith.constant 0 : i32
    %c0_i32_0 = arith.constant 0 : i32
    %c0_i32_1 = arith.constant 0 : i32
    return %c0_i32, %c0_i32_0 : i32, i32
  }
  func.func @transform_6(%arg0: i32) -> (i32, i32) {
    %c0_i32 = arith.constant 0 : i32
    %c0_i32_0 = arith.constant 0 : i32
    %c0_i32_1 = arith.constant 0 : i32
    return %c0_i32, %c0_i32_0 : i32, i32
  }
  func.func @transform_7(%arg0: i32) -> (i32, i32) {
    %c0_i32 = arith.constant 0 : i32
    %c0_i32_0 = arith.constant 0 : i32
    %c0_i32_1 = arith.constant 0 : i32
    return %c0_i32, %c0_i32_0 : i32, i32
  }
  func.func @transform_8(%arg0: i32) -> (i32, i32) {
    %c0_i32 = arith.constant 0 : i32
    %c0_i32_0 = arith.constant 0 : i32
    %c0_i32_1 = arith.constant 0 : i32
    return %c0_i32, %c0_i32_0 : i32, i32
  }
  func.func @transform_9(%arg0: i32) -> (i32, i32) {
    %c0_i32 = arith.constant 0 : i32
    %c0_i32_0 = arith.constant 0 : i32
    %c0_i32_1 = arith.constant 0 : i32
    return %c0_i32, %c0_i32_0 : i32, i32
  }
  func.func @transform_10(%arg0: i32) -> (i32, i32) {
    %c0_i32 = arith.constant 0 : i32
    %c0_i32_0 = arith.constant 0 : i32
    %c0_i32_1 = arith.constant 0 : i32
    return %c0_i32, %c0_i32_0 : i32, i32
  }
  func.func @transform_11(%arg0: i32) -> (i32, i32) {
    %c0_i32 = arith.constant 0 : i32
    %c0_i32_0 = arith.constant 0 : i32
    %c0_i32_1 = arith.constant 0 : i32
    return %c0_i32, %c0_i32_0 : i32, i32
  }
  func.func @transform_12(%arg0: i32) -> (i32, i32) {
    %c0_i32 = arith.constant 0 : i32
    %c0_i32_0 = arith.constant 0 : i32
    %c0_i32_1 = arith.constant 0 : i32
    return %c0_i32, %c0_i32_0 : i32, i32
  }
  func.func @transform_13(%arg0: i32) -> (i32, i32) {
    %c0_i32 = arith.constant 0 : i32
    %c0_i32_0 = arith.constant 0 : i32
    %c0_i32_1 = arith.constant 0 : i32
    return %c0_i32, %c0_i32_0 : i32, i32
  }
  func.func @transform_14(%arg0: i32) -> (i32, i32) {
    %c0_i32 = arith.constant 0 : i32
    %c0_i32_0 = arith.constant 0 : i32
    return %arg0, %c0_i32 : i32, i32
  }
}

</mosaic_0001>

<sc_bundles>
// kernel: kernel.17.cloned.1.call-start
scs
__scs_entry_jumppad:
0x0: {  	(pc) =	sbr.rel $0x88, $3  }
0x1: {  	(tag) =	ssettag $0x0;
	lr =	simm.s32 $0x1  }
0x2: {  	[smem:$0x3F7B] =	sst lr;
	_ =	strace $0xD0000000  }
0x3: {  	_ = 	snop  }
0x4: {  	_ = 	snop  }
0x5: {  	_ = 	snop  }
0x6: {  	_ = 	snop  }
0x7: {  	_ = 	snop  }
__scs_overlays_trampoline_lowered:
0x8: {  	[smem:$0x3F8A] =	sst s0  }
0x9: {  	[smem:$0x3F8B] =	sst s1  }
0xa: {  	[smem:$0x3F8C] =	sst s2  }
0xb: {  	[smem:$0x3F8D] =	sst s3  }
0xc: {  	[smem:$0x3F8E] =	sst s4  }
0xd: {  	[smem:$0x3F8F] =	sst s5  }
0xe: {  	[smem:$0x3F90] =	sst s6  }
0xf: {  	[smem:$0x3F91] =	sst s7  }
0x10: {  	[smem:$0x3F92] =	sst s8  }
0x11: {  	[smem:$0x3F93] =	sst s9;
	s0 =	simm.s32 @!p0 $0x0  }
0x12: {  	s1 =	sld [smem:$0x3F79];
	s0 =	simm.s32 @p0 $0x1  }
0x13: {  	[smem:$0x3F94] =	sst s0;
	s0 =	simm.s32 @!p1 $0x0  }
0x14: {  	s2 =	sld [smem:$0x3F78];
	s0 =	simm.s32 @p1 $0x1  }
0x15: {  	[smem:$0x3F95] =	sst s0;
	s0 =	simm.s32 @!p2 $0x0  }
0x16: {  	s3 =	sld [smem:$0x3FDB];
	s0 =	simm.s32 @p2 $0x1  }
0x17: {  	s4 =	simm.s32 $0x1BF5;
	[smem:$0x3F97] =	sst s0  }
0x18: {  	s0 =	sld [smem:$0x3F7A];
	_ =	swait.ge [sflag:s4], $0x0  }
0x19: {  	s7 =	sld [smem:$0x3F7B]  }
0x1a: {  	s8 =	sadd.s32 $0xFFFFE003, lr  }
0x1b: {  	s9 =	sadd.s32 $0xFFFFFEF7, lr;
	s5 =	simm.s32 $0xFFFFFFFF;
	p2 =	slt.u32 s8, $0xFFFFF086  }
0x1c: {  	p1 =	slt.u32 s9, $0xF7A;
	s5 =	simm.s32 @!p2 $0x0  }
0x1d: {  	s5 =	simm.s32 @p1 $0x1;
	p0 =	seq.s32 s7, s2  }
0x1e: {  	s7 =	smul.u32 @!p0 $0xF7A, s2;
	p2 =	seq.s32 @!p0 s5, $0x0  }
0x1f: {  	s9 =	smul.u32 $0xF7A, s1;
	s8 =	simm.s32 @!p0 $0x1BF5;
	p2 =	por !p2, p0  }
0x20: {  	[sflag:s8] =	ssyncset.s32 @!p0 $0xFFFFF086;
	s6 =	sadd.s32 @!p0 s3, s7;
	s7 =	simm.s32 @!p0 $0x108  }
0x21: {  	s3 =	sadd.s32 s3, s9;
	s6 =	sadd.s32 @!p0 $0x88, s6;
	s7 =	simm.s32 @p2 $0x1082  }
0x22: {  	[simem:s7], [sflag:s8] =	dma.local @!p0 [hbm:s6], $0xF7A  }
0x23: {  	s9 =	sor.u32 $0xD0000000, s2;
	s6 =	simm.s32 $0x108;
	_ =	swait.ge @!p0 [sflag:s8], $0x0  }
0x24: {  	s3 =	sadd.s32 $0x88, s3;
	s6 =	simm.s32 @!p1 $0x1082;
	[sflag:s4] =	ssyncset.s32 $0xFFFFF086  }
0x25: {  	[simem:s6], [sflag:s4] =	dma.local [hbm:s3], $0xF7A  }
0x26: {  	[smem:$0x3F7B] =	sst s1;
	(tag) =	ssettag s2;
	_ =	strace s9  }
0x27: {  	s1 =	sld [smem:$0x3F8B]  }
0x28: {  	s2 =	sld [smem:$0x3F8C]  }
0x29: {  	s4 =	sld [smem:$0x3F8E]  }
0x2a: {  	p0 =	seq.s32 s5, $0x0;
	s5 =	sld [smem:$0x3F8F]  }
0x2b: {  	s6 =	sld [smem:$0x3F90]  }
0x2c: {  	s7 =	sld [smem:$0x3F91]  }
0x2d: {  	s3 =	simm.s32 $0x108;
	s8 =	sld [smem:$0x3F92]  }
0x2e: {  	s3 =	simm.s32 @!p0 $0x1082;
	s9 =	sld [smem:$0x3F93]  }
0x2f: {  	lr =	sadd.s32 s0, s3;
	s0 =	sld [smem:$0x3F8A]  }
0x30: {  	s3 =	sld [smem:$0x3F8D]  }
0x31: {  	[smem:$0x3F96] =	sst s10  }
0x32: {  	s10 =	sld [smem:$0x3F94];
	_ =	sdelay $0x3  }
0x33: {  	p0 =	seq.s32 s10, $0x1;
	s10 =	sld [smem:$0x3F96];
	_ =	sdelay $0x3  }
0x34: {  	[smem:$0x3F96] =	sst s10  }
0x35: {  	s10 =	sld [smem:$0x3F95];
	_ =	sdelay $0x3  }
0x36: {  	p1 =	seq.s32 s10, $0x1;
	s10 =	sld [smem:$0x3F96];
	_ =	sdelay $0x3  }
0x37: {  	[smem:$0x3F96] =	sst s10  }
0x38: {  	s10 =	sld [smem:$0x3F97]  }
0x39: {  	_ = 	snop;
	(pc) =	sbr.ind lr, $3  }
0x3a: {  	_ = 	snop  }
0x3b: {  	_ = 	snop  }
0x3c: {  	p2 =	seq.s32 s10, $0x1;
	s10 =	sld [smem:$0x3F96]  }
0x3d: {  	_ =	shalt  }
0x3e: {  	_ =	shalt  }
0x3f: {  	_ =	shalt  }
0x40: {  	_ =	shalt  }
0x41: {  	_ =	shalt  }
0x42: {  	_ =	shalt  }
0x43: {  	_ =	shalt  }
0x44: {  	_ =	shalt  }
0x45: {  	_ =	shalt  }
0x46: {  	_ =	shalt  }
0x47: {  	_ =	shalt  }
0x48: {  	_ =	shalt  }
0x49: {  	_ =	shalt  }
0x4a: {  	_ =	shalt  }
0x4b: {  	_ =	shalt  }
0x4c: {  	_ =	shalt  }
0x4d: {  	_ =	shalt  }
0x4e: {  	_ =	shalt  }
0x4f: {  	_ =	shalt  }
0x50: {  	_ =	shalt  }
0x51: {  	_ =	shalt  }
0x52: {  	_ =	shalt  }
0x53: {  	_ =	shalt  }
0x54: {  	_ =	shalt  }
0x55: {  	_ =	shalt  }
0x56: {  	_ =	shalt  }
0x57: {  	_ =	shalt  }
0x58: {  	_ =	shalt  }
0x59: {  	_ =	shalt  }
0x5a: {  	_ =	shalt  }
0x5b: {  	_ =	shalt  }
0x5c: {  	_ =	shalt  }
0x5d: {  	_ =	shalt  }
0x5e: {  	_ =	shalt  }
0x5f: {  	_ =	shalt  }
0x60: {  	_ =	shalt  }
0x61: {  	_ =	shalt  }
0x62: {  	_ =	shalt  }
0x63: {  	_ =	shalt  }
0x64: {  	_ =	shalt  }
0x65: {  	_ =	shalt  }
0x66: {  	_ =	shalt  }
0x67: {  	_ =	shalt  }
0x68: {  	_ =	shalt  }
0x69: {  	_ =	shalt  }
0x6a: {  	_ =	shalt  }
0x6b: {  	_ =	shalt  }
0x6c: {  	_ =	shalt  }
0x6d: {  	_ =	shalt  }
0x6e: {  	_ =	shalt  }
0x6f: {  	_ =	shalt  }
0x70: {  	_ =	shalt  }
0x71: {  	_ =	shalt  }
0x72: {  	_ =	shalt  }
0x73: {  	_ =	shalt  }
0x74: {  	_ =	shalt  }
0x75: {  	_ =	shalt  }
0x76: {  	_ =	shalt  }
0x77: {  	_ =	shalt  }
0x78: {  	_ =	shalt  }
0x79: {  	_ =	shalt  }
0x7a: {  	_ =	shalt  }
0x7b: {  	_ =	shalt  }
0x7c: {  	_ =	shalt  }
0x7d: {  	_ =	shalt  }
0x7e: {  	_ =	shalt  }
0x7f: {  	_ =	shalt  }
0x80: {  	_ =	shalt  }
0x81: {  	_ =	shalt  }
0x82: {  	_ =	shalt  }
0x83: {  	_ =	shalt  }
0x84: {  	_ =	shalt  }
0x85: {  	_ =	shalt  }
0x86: {  	_ =	shalt  }
0x87: {  	_ =	shalt  }
.Lfunc_end0:
.L_simem_size_0:
called_computation_lowered:
.L_overlay_start_0:
0x88: {  	s2 =	sld [smem:$0x3FD9]  }
0x89: {  	s3 =	sld [smem:$0x3FFE];
	_ =	sdelay $0x1  }
0x8a: {  	s1 =	srdreg.scid  }
0x8b: {  	s0 =	sand.u32 $0x1, s1  }
0x8c: {  	s16 =	sshll.u32 s0, $0xA;
	s2 =	sadd.s32 s3, s2  }
0x8d: {  	s2 =	sadd.s32 s2, s16  }
0x8e: {  	[smem:$0x3FA2] =	sst s2  }
0x8f: {  	_ = 	snop  }
0x90: {  	(tm) =	ssettm $0x1  }
0x91: {  	s17 =	sld [smem:$0x3FFB];
	_ =	sdelay $0x3  }
0x92: {  	_ =	strace s17  }
0x93: {  	s2 =	sld [smem:$0x3FFC];
	_ =	sdelay $0x3  }
0x94: {  	_ =	strace s2  }
0x95: {  	s2 =	sld [smem:$0x3FFD];
	_ =	sdelay $0x3  }
0x96: {  	_ =	strace s2  }
0x97: {  	_ =	strace $0x8FFFFFFF  }
0x98: {  	s18 =	sld [smem:$0x3FDB];
	_ =	sdelay $0x1  }
0x99: {  	s19 =	simm.s32 $_scs_section_size  }
0x9a: {  	s4 =	simm.s32 $_size__tile_overlayer_lowered;
	s5 =	simm.s32 $_tile_overlayer_lowered  }
0x9b: {  	s22 =	simm.s32 $0x1BFF;
	s21 =	sshll.u32 s5, $0x1;
	s2 =	sadd.s32 s19, s18  }
0x9c: {  	s6 =	simm.s32 $0x0;
	s20 =	sshll.u32 s4, $0x1;
	s4 =	sadd.s32 s21, s2  }
0x9d: {  	[timem:s6], [sflag:s22] =	dma.local [hbm:s4], s20  }
0x9e: {  	_ =	swait.ge [sflag:s22], s20  }
0x9f: {  	s3 =	ssub.s32 $0x0, s20;
	[sflag:s22] =	ssyncset.done $0x0  }
0xa0: {  	[sflag:s22] =	ssyncadd.s32 s3;
	_ =	sdelay $0x1  }
0xa1: {  	s23 =	simm.s32 $0x1B8B  }
0xa2: {  	_ =	swait.ge [sflag:s23], $0x1  }
0xa3: {  	[sflag:s23] =	ssyncset.done $0x0  }
0xa4: {  	s25 =	simm.s32 $0x1B8E;
	s24 =	sld [smem:$0x3FFE];
	[sflag:s23] =	ssyncadd.s32 $0xFFFFFFFF  }
0xa5: {  	s26 =	simm.s32 $execute0_lowered;
	[smem:$0x3FD2] =	sst s25  }
0xa6: {  	s4 =	sshll.u32 s26, $0x1;
	_ =	strace $0x80000046;
	[dreg:$0x1] =	wrdreg $0xFFFFFFFF  }
0xa7: {  	s28 =	simm.s32 $_size_execute0_lowered;
	s2 =	sadd.s32 s2, s4;
	[dreg:$0x0] =	wrdreg $0x0  }
0xa8: {  	s4 =	sshll.u32 s28, $0x1;
	[dreg:$0x2] =	wrdreg s2  }
0xa9: {  	[dreg:$0x3] =	wrdreg s4  }
0xaa: {  	[dreg:$0x4] =	wrdreg $0xC0  }
0xab: {  	_ =	task [dreg:s6], $0x5FFFF  }
0xac: {  	[dreg:$0x1] =	wrdreg $0xFFFFFFFF  }
0xad: {  	[dreg:$0x0] =	wrdreg $0x60  }
0xae: {  	[dreg:$0x2] =	wrdreg s24  }
0xaf: {  	[dreg:$0x3] =	wrdreg $0x9  }
0xb0: {  	_ =	task.clear_ibuf [dreg:s6], $0x4FFFF;
	_ =	strace $0x90000046  }
0xb1: {  	s29 =	simm.s32 $0x9;
	_ =	strace $0x80000048  }
0xb2: {  	_ =	swait.ge [sflag:s29], $0x1  }
0xb3: {  	[sflag:s29] =	ssyncadd.s32 $0xFFFFFFFF  }
0xb4: {  	_ =	strace $0x90000048  }
0xb5: {  	_ =	sfence  }
0xb6: {  	s30 =	sld [smem:$0x0];
	_ =	sdelay $0x2  }
0xb7: {  	s31 =	sshll.u32 s1, $0xD;
	s1 =	sshrl.u32 s1, $0x2  }
0xb8: {  	s3 =	sand.u32 $0x4000, s31;
	s1 =	sadd.s32 s1, s30  }
0xb9: {  	s0 =	sor.u32 s3, s0;
	s1 =	sshll.u32 s1, $0x11  }
0xba: {  	s0 =	sor.u32 s1, s0  }
0xbb: {  	s0 =	sadd.s32 $0x8F2B, s0  }
0xbc: {  	[sflag:s0] =	ssyncadd.remote.s32 $0x1  }
0xbd: {  	_ =	sfence.sel $0xFFFF  }
0xbe: {  	[dreg:$0x0] =	wrdreg $0xFFFFFFFF;
	(pc) =	sbr.abs _section_cstart, $3  }
0xbf: {  	[dreg:$0x1] =	wrdreg $0xFFFFFFFF  }
0xc0: {  	_ =	task.clear_ibuf [dreg:s6], $0x2FFFF;
	_ =	strace $0x9FFFFFFF  }
0xc1: {  	(tm) =	ssettm $0x7FFFFFFF  }
tec
execute0_lowered:
.L_overlay_start_1:
0x0: {  	(tag) =	ssettag $0x1  }
0x1: {  	s0 =	rddreg [dreg:$0x0];
	s1 =	simm.s32 $0x0;
	s2 =	srdreg.scid  }
0x2: {  	s9 =	stileid.u32;
	[smem:$0x7FF] =	sst s1;
	s3 =	sadd.s32 $0x7A00, s0  }
0x3: {  	s4 =	sadd.s32 $0x107A00, s0;
	s2 =	sand.u32 $0x1, s2;
	s5 =	sadd.s32 $0x147A00, s0  }
0x4: {  	s7 =	sshll.u32 s9, $0x8;
	s8 =	sshll.u32 s2, $0x7;
	s2 =	ssub.s32 $0x2, s2  }
0x5: {  	s6 =	sadd.s32 $0x247A00, s0;
	_ =	strace $0x80000047;
	s26 =	sshrl.u32 s2, $0x1  }
0x6: {  	s7 =	sor.u32 s8, s7;
	s8 =	sadd.s32 $0x447A00, s0;
	s0 =	ssub.s32 s2, s26  }
0x7: {  	[dreg:$0x2] =	wrdreg s7;
	s7 =	sshll.u32 s7, $0x8;
	s0 =	smax.u32 s0, $0x1  }
0x8: {  	s10 =	sadd.s32 s3, s7;
	[dreg:$0x4] =	wrdreg s0  }
0x9: {  	s12 =	sadd.s32 $0x80, s10;
	[dreg:$0x3] =	wrdreg s10  }
0xa: {  	s13 =	sadd.s32 $0x100, s10;
	[dreg:$0x5] =	wrdreg s12  }
0xb: {  	s14 =	sadd.s32 $0x180, s10;
	[dreg:$0x6] =	wrdreg s13  }
0xc: {  	s15 =	sadd.s32 $0x200, s10;
	[dreg:$0x7] =	wrdreg s14  }
0xd: {  	s16 =	sadd.s32 $0x280, s10;
	[dreg:$0x8] =	wrdreg s15  }
0xe: {  	s17 =	sadd.s32 $0x300, s10;
	[dreg:$0x9] =	wrdreg s16  }
0xf: {  	s18 =	sadd.s32 $0x380, s10;
	[dreg:$0xa] =	wrdreg s17  }
0x10: {  	s28 =	simm.s32 $0x1;
	s19 =	sadd.s32 $0x400, s10;
	[dreg:$0xb] =	wrdreg s18  }
0x11: {  	s29 =	simm.s32 $0x1200;
	s20 =	sadd.s32 $0x480, s10;
	[dreg:$0xc] =	wrdreg s19  }
0x12: {  	s30 =	simm.s32 $0x2300;
	s21 =	sadd.s32 $0x500, s10;
	[dreg:$0xd] =	wrdreg s20  }
0x13: {  	s31 =	simm.s32 $0x40;
	s22 =	sadd.s32 $0x580, s10;
	[dreg:$0xe] =	wrdreg s21  }
0x14: {  	s11 =	simm.s32 $0x5;
	s23 =	sadd.s32 $0x600, s10;
	[dreg:$0xf] =	wrdreg s22  }
0x15: {  	s2 =	simm.s32 $0x4300;
	s24 =	sadd.s32 $0x680, s10;
	[dreg:$0x10] =	wrdreg s23  }
0x16: {  	s7 =	sshll.u32 s9, $0xA;
	s25 =	sadd.s32 $0x700, s10;
	[dreg:$0x11] =	wrdreg s24  }
0x17: {  	s9 =	sand.u32 $0x3800, s7;
	s26 =	sadd.s32 $0x780, s10;
	[dreg:$0x12] =	wrdreg s25  }
0x18: {  	s0 =	simm.s32 $0x1280;
	s10 =	simm.s32 $0x4;
	[dreg:$0x13] =	wrdreg s26  }
0x19: {  	s20 =	simm.s32 $0x1000;
	s21 =	simm.s32 $0x1080;
	s22 =	simm.s32 $0x1100  }
0x1a: {  	v1 =	vimm.s32 $0x7FF;
	s26 =	simm.s32 $0x3;
	s12 =	simm.s32 $0x2;
	s13 =	simm.s32 $0x1B00  }
0x1b: {  	v2 =	vlaneseq.u32;
	v3 =	vimm.s32 $0x0;
	s14 =	simm.s32 $0x3300;
	s15 =	simm.s32 $0x6300;
	v0 =	vmov s9;
	s16 =	simm.s32 $0x0  }
.LBB2_1:
0x1c: {  	[dreg:$0x14] =	wrdreg s16  }
0x1d: {  	s7 =	rddreg [dreg:$0x3]  }
0x1e: {  	[tilespmem:s1], [sflag:$0x1] =	stream.linear.gather [hbm4b:s7+s1], $0x80, $0x38;
	[tilespmem:$0x8300] =	vst v63  }
0x1f: {  	s18 =	rddreg [dreg:$0x5];
	s9 =	simm.s32 $0x100  }
0x20: {  	[tilespmem:s9], [sflag:$0x1] =	stream.linear.gather [hbm4b:s18+s1], $0x80, $0x38;
	[tilespmem:$0x8300] =	vst v63  }
0x21: {  	s19 =	rddreg [dreg:$0x6];
	s23 =	simm.s32 $0x200  }
0x22: {  	[tilespmem:s23], [sflag:$0x1] =	stream.linear.gather [hbm4b:s19+s1], $0x80, $0x38;
	[tilespmem:$0x8300] =	vst v63  }
0x23: {  	s24 =	rddreg [dreg:$0x7];
	s25 =	simm.s32 $0x300  }
0x24: {  	[tilespmem:s25], [sflag:$0x1] =	stream.linear.gather [hbm4b:s24+s1], $0x80, $0x38;
	[tilespmem:$0x8300] =	vst v63  }
0x25: {  	s16 =	simm.s32 $0x400;
	s9 =	rddreg [dreg:$0x8]  }
0x26: {  	[tilespmem:s16], [sflag:$0x1] =	stream.linear.gather [hbm4b:s9+s1], $0x80, $0x38;
	[tilespmem:$0x8300] =	vst v63  }
0x27: {  	s17 =	rddreg [dreg:$0x9];
	s18 =	simm.s32 $0x500  }
0x28: {  	[tilespmem:s18], [sflag:$0x1] =	stream.linear.gather [hbm4b:s17+s1], $0x80, $0x38;
	[tilespmem:$0x8300] =	vst v63  }
0x29: {  	s19 =	rddreg [dreg:$0xa];
	s23 =	simm.s32 $0x600  }
0x2a: {  	[tilespmem:s23], [sflag:$0x1] =	stream.linear.gather [hbm4b:s19+s1], $0x80, $0x38;
	[tilespmem:$0x8300] =	vst v63  }
0x2b: {  	s24 =	rddreg [dreg:$0xb];
	s25 =	simm.s32 $0x700  }
0x2c: {  	[tilespmem:s25], [sflag:$0x1] =	stream.linear.gather [hbm4b:s24+s1], $0x80, $0x38;
	[tilespmem:$0x8300] =	vst v63  }
0x2d: {  	s9 =	rddreg [dreg:$0xc];
	s16 =	simm.s32 $0x800  }
0x2e: {  	[tilespmem:s16], [sflag:$0x1] =	stream.linear.gather [hbm4b:s9+s1], $0x80, $0x38;
	[tilespmem:$0x8300] =	vst v63  }
0x2f: {  	s17 =	rddreg [dreg:$0xd];
	s18 =	simm.s32 $0x900  }
0x30: {  	[tilespmem:s18], [sflag:$0x1] =	stream.linear.gather [hbm4b:s17+s1], $0x80, $0x38;
	[tilespmem:$0x8300] =	vst v63  }
0x31: {  	s19 =	rddreg [dreg:$0xe];
	s23 =	simm.s32 $0xA00  }
0x32: {  	[tilespmem:s23], [sflag:$0x1] =	stream.linear.gather [hbm4b:s19+s1], $0x80, $0x38;
	[tilespmem:$0x8300] =	vst v63  }
0x33: {  	s24 =	rddreg [dreg:$0xf];
	s25 =	simm.s32 $0xB00  }
0x34: {  	[tilespmem:s25], [sflag:$0x1] =	stream.linear.gather [hbm4b:s24+s1], $0x80, $0x38;
	[tilespmem:$0x8300] =	vst v63  }
0x35: {  	s9 =	rddreg [dreg:$0x10];
	s16 =	simm.s32 $0xC00  }
0x36: {  	[tilespmem:s16], [sflag:$0x1] =	stream.linear.gather [hbm4b:s9+s1], $0x80, $0x38;
	[tilespmem:$0x8300] =	vst v63  }
0x37: {  	s17 =	rddreg [dreg:$0x11];
	s18 =	simm.s32 $0xD00  }
0x38: {  	[tilespmem:s18], [sflag:$0x1] =	stream.linear.gather [hbm4b:s17+s1], $0x80, $0x38;
	[tilespmem:$0x8300] =	vst v63  }
0x39: {  	s19 =	rddreg [dreg:$0x12];
	s23 =	simm.s32 $0xE00  }
0x3a: {  	[tilespmem:s23], [sflag:$0x1] =	stream.linear.gather [hbm4b:s19+s1], $0x80, $0x38;
	[tilespmem:$0x8300] =	vst v63  }
0x3b: {  	s24 =	rddreg [dreg:$0x13];
	s25 =	simm.s32 $0xF00;
	s16 =	simm.s32 $0x0  }
0x3c: {  	[tilespmem:s25], [sflag:$0x1] =	stream.linear.gather [hbm4b:s24+s1], $0x80, $0x38;
	[tilespmem:$0x8300] =	vst v63  }
.LBB2_2:
0x3d: {  	s7 =	sshll.u32 s16, $0x1;
	s9 =	rddreg [dreg:$0x2]  }
0x3e: {  	s19 =	sshll.u32 s16, $0x5;
	s17 =	sor.u32 s9, s7  }
0x3f: {  	s7 =	sand.u32 $0x60, s19;
	s18 =	sshll.u32 s17, $0x8  }
0x40: {  	_ =	swait.ge [sflag:s28], $0x800;
	s7 =	sadd.s32 s7, s3;
	s23 =	sand.u32 $0xFF800, s18  }
0x41: {  	[sflag:s28] =	ssyncset.done $0x0;
	s19 =	simm.s32 $0x0;
	s7 =	sadd.s32 s23, s7  }
0x42: {  	[sflag:s28] =	ssyncadd.s32 $0xFFFFF800;
	s23 =	simm.s32 $0x80;
	s9 =	sadd.s32 $0x10, s7  }
0x43: {  	[tilespmem:s23], [sflag:$0x2] =	stream.linear.gather [hbm4b:s9+s19], $0x80, $0x38;
	[tilespmem:$0x8300] =	vst v63  }
0x44: {  	s25 =	simm.s32 $0x180;
	s24 =	sadd.s32 $0x90, s7  }
0x45: {  	[tilespmem:s25], [sflag:$0x2] =	stream.linear.gather [hbm4b:s24+s19], $0x80, $0x38;
	[tilespmem:$0x8300] =	vst v63  }
0x46: {  	s24 =	sadd.s32 $0x110, s7;
	s25 =	simm.s32 $0x280  }
0x47: {  	[tilespmem:s25], [sflag:$0x2] =	stream.linear.gather [hbm4b:s24+s19], $0x80, $0x38;
	[tilespmem:$0x8300] =	vst v63  }
0x48: {  	s24 =	sadd.s32 $0x190, s7;
	s25 =	simm.s32 $0x380  }
0x49: {  	[tilespmem:s25], [sflag:$0x2] =	stream.linear.gather [hbm4b:s24+s19], $0x80, $0x38;
	[tilespmem:$0x8300] =	vst v63  }
0x4a: {  	s24 =	sadd.s32 $0x210, s7;
	s25 =	simm.s32 $0x480  }
0x4b: {  	[tilespmem:s25], [sflag:$0x2] =	stream.linear.gather [hbm4b:s24+s19], $0x80, $0x38;
	[tilespmem:$0x8300] =	vst v63  }
0x4c: {  	s24 =	sadd.s32 $0x290, s7;
	s25 =	simm.s32 $0x580  }
0x4d: {  	[tilespmem:s25], [sflag:$0x2] =	stream.linear.gather [hbm4b:s24+s19], $0x80, $0x38;
	[tilespmem:$0x8300] =	vst v63  }
0x4e: {  	s24 =	sadd.s32 $0x310, s7;
	s25 =	simm.s32 $0x680  }
0x4f: {  	[tilespmem:s25], [sflag:$0x2] =	stream.linear.gather [hbm4b:s24+s19], $0x80, $0x38;
	[tilespmem:$0x8300] =	vst v63  }
0x50: {  	s24 =	sadd.s32 $0x390, s7;
	s25 =	simm.s32 $0x780  }
0x51: {  	[tilespmem:s25], [sflag:$0x2] =	stream.linear.gather [hbm4b:s24+s19], $0x80, $0x38;
	[tilespmem:$0x8300] =	vst v63  }
0x52: {  	s24 =	sadd.s32 $0x410, s7;
	s25 =	simm.s32 $0x880  }
0x53: {  	[tilespmem:s25], [sflag:$0x2] =	stream.linear.gather [hbm4b:s24+s19], $0x80, $0x38;
	[tilespmem:$0x8300] =	vst v63  }
0x54: {  	s24 =	sadd.s32 $0x490, s7;
	s25 =	simm.s32 $0x980  }
0x55: {  	[tilespmem:s25], [sflag:$0x2] =	stream.linear.gather [hbm4b:s24+s19], $0x80, $0x38;
	[tilespmem:$0x8300] =	vst v63  }
0x56: {  	s24 =	sadd.s32 $0x510, s7;
	s25 =	simm.s32 $0xA80  }
0x57: {  	[tilespmem:s25], [sflag:$0x2] =	stream.linear.gather [hbm4b:s24+s19], $0x80, $0x38;
	[tilespmem:$0x8300] =	vst v63  }
0x58: {  	s24 =	sadd.s32 $0x590, s7;
	s25 =	simm.s32 $0xB80  }
0x59: {  	[tilespmem:s25], [sflag:$0x2] =	stream.linear.gather [hbm4b:s24+s19], $0x80, $0x38;
	[tilespmem:$0x8300] =	vst v63  }
0x5a: {  	s24 =	sadd.s32 $0x610, s7;
	s25 =	simm.s32 $0xC80  }
0x5b: {  	[tilespmem:s25], [sflag:$0x2] =	stream.linear.gather [hbm4b:s24+s19], $0x80, $0x38;
	[tilespmem:$0x8300] =	vst v63  }
0x5c: {  	s24 =	sadd.s32 $0x690, s7;
	s25 =	simm.s32 $0xD80  }
0x5d: {  	[tilespmem:s25], [sflag:$0x2] =	stream.linear.gather [hbm4b:s24+s19], $0x80, $0x38;
	[tilespmem:$0x8300] =	vst v63  }
0x5e: {  	s24 =	sadd.s32 $0x710, s7;
	s25 =	simm.s32 $0xE80  }
0x5f: {  	[tilespmem:s25], [sflag:$0x2] =	stream.linear.gather [hbm4b:s24+s19], $0x80, $0x38;
	[tilespmem:$0x8300] =	vst v63  }
0x60: {  	s7 =	sadd.s32 $0x790, s7;
	s24 =	simm.s32 $0xF80  }
0x61: {  	[tilespmem:s24], [sflag:$0x2] =	stream.linear.gather [hbm4b:s7+s19], $0x80, $0x38;
	[tilespmem:$0x8300] =	vst v63  }
0x62: {  	[tilespmem:$0x1000] =	vst v1  }
0x63: {  	[tilespmem:$0x1010] =	vst v1  }
0x64: {  	[tilespmem:$0x1080] =	vst v1  }
0x65: {  	[tilespmem:$0x1090] =	vst v1  }
0x66: {  	[tilespmem:$0x10A0] =	vst v1  }
0x67: {  	[tilespmem:$0x1100] =	vst v1  }
0x68: {  	[tilespmem:$0x1110] =	vst v1  }
0x69: {  	s25 =	simm.s32 $0x0;
	[tilespmem:$0x1120] =	vst v1  }
0x6a: {  	s23 =	sand.u32 $0x60, s25;
	s19 =	sand.u32 $0xF00, s19;
	[tilespmem:$0x1130] =	vst v1  }
0x6b: {  	[tilespmem:$0x1140] =	vst v1;
	s9 =	sor.u32 s23, s19  }
0x6c: {  	v4 =	vld [tilespmem:s9+$0x0];
	_ =	sdelay $0x4  }
0x6d: {  	vm0 =	vle.f32 v4, $9.999999770e-03  }
0x6e: {  	vm3 =	vle.f32 v4, $3.999999910e-02;
	v5 =	vsel vm0, $0x1, v3  }
0x6f: {  	vm1 =	vle.f32 v4, $1.599999960e-01;
	v6 =	vsel vm3, $0x1, v3;
	(xrf0) =	vadd.scan.msk.s32 $0xffff, v5  }
0x70: {  	v4 =	vsel vm1, $0x1, v3;
	(xrf0) =	vadd.scan.msk.s32 $0xffff, v6  }
0x71: {  	(xrf0) =	vadd.scan.msk.s32 $0xffff, v4;
	_ =	sdelay $0x3  }
0x72: {  	v4 =	vimm.s32 $0x0;
	v5, _, _ =	vpop (xrf0)  }
0x73: {  	v5 =	vadd.s32 v5, v4;
	v6, _, _ =	vpop (xrf0)  }
0x74: {  	v5 =	vadd.s32 $0xFFFFFFFF, v5;
	v6 =	vadd.s32 v6, v4;
	v7, _, _ =	vpop (xrf0)  }
0x75: {  	vm2 =	vlt.s32 v5, $0x10;
	v6 =	vadd.s32 $0xFFFFFFFF, v6;
	v7 =	vadd.s32 v7, v4  }
0x76: {  	v5 =	vnsel vm2, $0x10, v5;
	vm2 =	vlt.s32 v6, $0x20;
	v7 =	vadd.s32 $0xFFFFFFFF, v7  }
0x77: {  	v6 =	vnsel vm2, $0x20, v6;
	vm2 =	vlt.s32 v7, $0x40  }
0x78: {  	v7 =	vnsel vm2, $0x40, v7;
	_ =	sdelay $0x1  }
0x79: {  	v8 =	vor.u32 s25, v2  }
0x7a: {  	s24 =	simm.s32 $0x10;
	[tilespmem:v5+s20+$0x0] =	vst.idx.msk vm0, v8  }
0x7b: {  	s25 =	sand.u32 $0x70, s24;
	[tilespmem:v6+s21+$0x0] =	vst.idx.msk vm3, v8  }
0x7c: {  	s9 =	sor.u32 s25, s19;
	[tilespmem:v7+s22+$0x0] =	vst.idx.msk vm1, v8  }
0x7d: {  	v5 =	vld [tilespmem:s9+$0x0];
	_ =	sdelay $0x4  }
0x7e: {  	vm4 =	vle.f32 v5, $9.999999770e-03  }
0x7f: {  	v6 =	vsel vm4, $0x1, v3  }
0x80: {  	(xrf0) =	vadd.scan.msk.s32 $0xffff, v6  }
0x81: {  	vm2 =	vle.f32 v5, $3.999999910e-02  }
0x82: {  	v7 =	vsel vm2, $0x1, v3;
	v6 =	vmpcnt.ones.xlane vm0;
	vm0 =	vle.f32 v5, $1.599999960e-01  }
0x83: {  	(xrf0) =	vadd.scan.msk.s32 $0xffff, v7;
	v7 =	vsel vm0, $0x1, v3;
	_ =	sdelay $0x1  }
0x84: {  	v5 =	vmpcnt.ones.xlane vm3;
	(xrf0) =	vadd.scan.msk.s32 $0xffff, v7  }
0x85: {  	v6 =	vadd.s32 v4, v6;
	v7, _, _ =	vpop (xrf0)  }
0x86: {  	v8 =	vadd.s32 v4, v5;
	v5 =	vadd.s32 v7, v6  }
0x87: {  	v5 =	vadd.s32 $0xFFFFFFFF, v5  }
0x88: {  	v9 =	vmpcnt.ones.xlane vm1  }
0x89: {  	v7, _, _ =	vpop (xrf0);
	vm3 =	vlt.s32 v5, $0x10  }
0x8a: {  	v4 =	vadd.s32 v4, v9;
	v7 =	vadd.s32 v7, v8;
	v10 =	vnsel vm3, $0x10, v5;
	v5, _, _ =	vpop (xrf0)  }
0x8b: {  	v12 =	vmpcnt.ones.xlane vm2;
	v7 =	vadd.s32 $0xFFFFFFFF, v7;
	v5 =	vadd.s32 v5, v4  }
0x8c: {  	v9 =	vmpcnt.ones.xlane vm4;
	vm1 =	vlt.s32 v7, $0x20;
	v14 =	vadd.s32 $0xFFFFFFFF, v5  }
0x8d: {  	v11 =	vnsel vm1, $0x20, v7;
	vm1 =	vlt.s32 v14, $0x40  }
0x8e: {  	v5 =	vadd.s32 v6, v9;
	v6 =	vadd.s32 v8, v12;
	v8 =	vnsel vm1, $0x40, v14;
	_ =	sdelay $0x1  }
0x8f: {  	v13 =	vmpcnt.ones.xlane vm0;
	v7 =	vor.u32 s24, v2  }
0x90: {  	s7 =	simm.s32 $0x2;
	s23 =	simm.s32 $0x40;
	s25 =	simm.s32 $0x20;
	[tilespmem:v10+s20+$0x0] =	vst.idx.msk vm4, v7  }
0x91: {  	s19 =	simm.s32 $0x30;
	s9 =	sand.u32 $0x60, s25;
	s24 =	sand.u32 $0xF00, s23;
	v4 =	vadd.s32 v4, v13;
	[tilespmem:v11+s21+$0x0] =	vst.idx.msk vm2, v7  }
.LBB2_3:
0x92: {  	s7 =	sadd.s32 $0x2, s7;
	s9 =	sor.u32 s9, s24;
	[tilespmem:v8+s22+$0x0] =	vst.idx.msk vm0, v7  }
0x93: {  	p0 =	slt.u32 s7, $0x7E;
	v7 =	vld [tilespmem:s9+$0x0];
	_ =	sdelay $0x4  }
0x94: {  	vm0 =	vle.f32 v7, $9.999999770e-03  }
0x95: {  	vm1 =	vle.f32 v7, $3.999999910e-02;
	v8 =	vsel vm0, $0x1, v3  }
0x96: {  	vm2 =	vle.f32 v7, $1.599999960e-01;
	v9 =	vsel vm1, $0x1, v3;
	v10 =	vmpcnt.ones.xlane vm1;
	(xrf0) =	vadd.scan.msk.s32 $0xffff, v8  }
0x97: {  	v7 =	vsel vm2, $0x1, v3;
	v8 =	vmpcnt.ones.xlane vm2;
	(xrf0) =	vadd.scan.msk.s32 $0xffff, v9  }
0x98: {  	(xrf0) =	vadd.scan.msk.s32 $0xffff, v7;
	_ =	sdelay $0x3  }
0x99: {  	v7, _, _ =	vpop (xrf0)  }
0x9a: {  	v7 =	vadd.s32 v7, v5;
	v9, _, _ =	vpop (xrf0)  }
0x9b: {  	v7 =	vadd.s32 $0xFFFFFFFF, v7;
	v9 =	vadd.s32 v9, v6;
	v11, _, _ =	vpop (xrf0)  }
0x9c: {  	vm3 =	vlt.s32 v7, $0x10;
	v9 =	vadd.s32 $0xFFFFFFFF, v9;
	v11 =	vadd.s32 v11, v4  }
0x9d: {  	v7 =	vnsel vm3, $0x10, v7;
	vm3 =	vlt.s32 v9, $0x20;
	v11 =	vadd.s32 $0xFFFFFFFF, v11  }
0x9e: {  	v9 =	vnsel vm3, $0x20, v9;
	vm3 =	vlt.s32 v11, $0x40  }
0x9f: {  	v11 =	vnsel vm3, $0x40, v11;
	_ =	sdelay $0x1  }
0xa0: {  	v12 =	vor.u32 s25, v2  }
0xa1: {  	[tilespmem:v7+s20+$0x0] =	vst.idx.msk vm0, v12  }
0xa2: {  	s9 =	sand.u32 $0x70, s19;
	[tilespmem:v9+s21+$0x0] =	vst.idx.msk vm1, v12  }
0xa3: {  	s9 =	sor.u32 s9, s24;
	[tilespmem:v11+s22+$0x0] =	vst.idx.msk vm2, v12  }
0xa4: {  	v7 =	vld [tilespmem:s9+$0x0];
	_ =	sdelay $0x2  }
0xa5: {  	v9 =	vmpcnt.ones.xlane vm0;
	_ =	sdelay $0x1  }
0xa6: {  	v10 =	vadd.s32 v6, v10;
	v9 =	vadd.s32 v5, v9;
	vm2 =	vle.f32 v7, $9.999999770e-03  }
0xa7: {  	vm1 =	vle.f32 v7, $3.999999910e-02;
	v5 =	vsel vm2, $0x1, v3;
	v6 =	vmpcnt.ones.xlane vm2  }
0xa8: {  	vm0 =	vle.f32 v7, $1.599999960e-01;
	v11 =	vsel vm1, $0x1, v3;
	v12 =	vmpcnt.ones.xlane vm1;
	(xrf0) =	vadd.scan.msk.s32 $0xffff, v5  }
0xa9: {  	v7 =	vsel vm0, $0x1, v3;
	v13 =	vmpcnt.ones.xlane vm0;
	v5 =	vadd.s32 v9, v6;
	(xrf0) =	vadd.scan.msk.s32 $0xffff, v11  }
0xaa: {  	v8 =	vadd.s32 v4, v8;
	v6 =	vadd.s32 v10, v12;
	(xrf0) =	vadd.scan.msk.s32 $0xffff, v7  }
0xab: {  	v4 =	vadd.s32 v8, v13;
	_ =	sdelay $0x2  }
0xac: {  	v7, _, _ =	vpop (xrf0)  }
0xad: {  	v7 =	vadd.s32 v7, v9;
	v9, _, _ =	vpop (xrf0)  }
0xae: {  	v7 =	vadd.s32 $0xFFFFFFFF, v7;
	v9 =	vadd.s32 v9, v10;
	v10, _, _ =	vpop (xrf0)  }
0xaf: {  	vm3 =	vlt.s32 v7, $0x10;
	v9 =	vadd.s32 $0xFFFFFFFF, v9;
	v8 =	vadd.s32 v10, v8  }
0xb0: {  	v10 =	vnsel vm3, $0x10, v7;
	vm3 =	vlt.s32 v9, $0x20;
	v7 =	vadd.s32 $0xFFFFFFFF, v8  }
0xb1: {  	v9 =	vnsel vm3, $0x20, v9;
	vm3 =	vlt.s32 v7, $0x40  }
.Ltmp0:
0xb2: {  	v8 =	vnsel vm3, $0x40, v7;
	(pc) =	sbr.rel @p0 .LBB2_3-.Ltmp0, $4  }
0xb3: {  	_ = 	snop  }
0xb4: {  	v7 =	vor.u32 s19, v2;
	s19 =	sadd.s32 $0x20, s19  }
0xb5: {  	s23 =	sadd.s32 $0x40, s23;
	s25 =	sadd.s32 $0xFFFFFFF0, s19;
	[tilespmem:v10+s20+$0x0] =	vst.idx.msk vm2, v7  }
0xb6: {  	s24 =	sand.u32 $0xF00, s23;
	s9 =	sand.u32 $0x60, s25;
	[tilespmem:v9+s21+$0x0] =	vst.idx.msk vm1, v7  }
0xb7: {  	_ =	sdelay $0x4  }
0xb8: {  	s7 =	sor.u32 s9, s24;
	[tilespmem:v8+s22+$0x0] =	vst.idx.msk vm0, v7  }
0xb9: {  	v7 =	vld [tilespmem:s7+$0x0];
	_ =	sdelay $0x4  }
0xba: {  	vm0 =	vle.f32 v7, $9.999999770e-03  }
0xbb: {  	vm1 =	vle.f32 v7, $3.999999910e-02;
	v8 =	vsel vm0, $0x1, v3  }
0xbc: {  	vm2 =	vle.f32 v7, $1.599999960e-01;
	v9 =	vsel vm1, $0x1, v3;
	(xrf0) =	vadd.scan.msk.s32 $0xffff, v8  }
0xbd: {  	v7 =	vsel vm2, $0x1, v3;
	(xrf0) =	vadd.scan.msk.s32 $0xffff, v9  }
0xbe: {  	(xrf0) =	vadd.scan.msk.s32 $0xffff, v7;
	_ =	sdelay $0x3  }
0xbf: {  	v7, _, _ =	vpop (xrf0)  }
0xc0: {  	v7 =	vadd.s32 v7, v5;
	v8, _, _ =	vpop (xrf0)  }
0xc1: {  	v7 =	vadd.s32 $0xFFFFFFFF, v7;
	v8 =	vadd.s32 v8, v6;
	v9, _, _ =	vpop (xrf0)  }
0xc2: {  	vm3 =	vlt.s32 v7, $0x10;
	v8 =	vadd.s32 $0xFFFFFFFF, v8;
	v9 =	vadd.s32 v9, v4  }
0xc3: {  	v7 =	vnsel vm3, $0x10, v7;
	vm3 =	vlt.s32 v8, $0x20;
	v9 =	vadd.s32 $0xFFFFFFFF, v9  }
0xc4: {  	v8 =	vnsel vm3, $0x20, v8;
	vm3 =	vlt.s32 v9, $0x40  }
0xc5: {  	v9 =	vnsel vm3, $0x40, v9;
	_ =	sdelay $0x1  }
0xc6: {  	v10 =	vor.u32 s25, v2  }
0xc7: {  	[tilespmem:v7+s20+$0x0] =	vst.idx.msk vm0, v10  }
0xc8: {  	s25 =	sand.u32 $0x70, s19;
	[tilespmem:v8+s21+$0x0] =	vst.idx.msk vm1, v10  }
0xc9: {  	s7 =	sor.u32 s25, s24;
	[tilespmem:v9+s22+$0x0] =	vst.idx.msk vm2, v10  }
0xca: {  	v7 =	vld [tilespmem:s7+$0x0];
	_ =	sdelay $0x4  }
0xcb: {  	vm3 =	vle.f32 v7, $9.999999770e-03  }
0xcc: {  	vm4 =	vle.f32 v7, $3.999999910e-02;
	v8 =	vsel vm3, $0x1, v3  }
0xcd: {  	vm5 =	vle.f32 v7, $1.599999960e-01;
	v9 =	vsel vm4, $0x1, v3;
	(xrf0) =	vadd.scan.msk.s32 $0xffff, v8  }
0xce: {  	v7 =	vsel vm5, $0x1, v3;
	(xrf0) =	vadd.scan.msk.s32 $0xffff, v9  }
0xcf: {  	(xrf0) =	vadd.scan.msk.s32 $0xffff, v7;
	v7 =	vmpcnt.ones.xlane vm0;
	_ =	sdelay $0x2  }
0xd0: {  	v8 =	vmpcnt.ones.xlane vm1  }
0xd1: {  	v9 =	vmpcnt.ones.xlane vm2;
	v5 =	vadd.s32 v5, v7;
	v7, _, _ =	vpop (xrf0)  }
0xd2: {  	v6 =	vadd.s32 v6, v8;
	v5 =	vadd.s32 v7, v5;
	v7, _, _ =	vpop (xrf0)  }
0xd3: {  	v4 =	vadd.s32 v4, v9;
	v5 =	vadd.s32 $0xFFFFFFFF, v5;
	v6 =	vadd.s32 v7, v6;
	v7, _, _ =	vpop (xrf0)  }
0xd4: {  	vm0 =	vlt.s32 v5, $0x10;
	v6 =	vadd.s32 $0xFFFFFFFF, v6;
	v4 =	vadd.s32 v7, v4  }
0xd5: {  	v5 =	vnsel vm0, $0x10, v5;
	vm0 =	vlt.s32 v6, $0x20;
	v4 =	vadd.s32 $0xFFFFFFFF, v4  }
0xd6: {  	v6 =	vnsel vm0, $0x20, v6;
	vm0 =	vlt.s32 v4, $0x40  }
0xd7: {  	v4 =	vnsel vm0, $0x40, v4;
	_ =	sdelay $0x1  }
0xd8: {  	v7 =	vor.u32 s19, v2  }
0xd9: {  	[tilespmem:v5+s20+$0x0] =	vst.idx.msk vm3, v7  }
0xda: {  	[tilespmem:v6+s21+$0x0] =	vst.idx.msk vm4, v7  }
0xdb: {  	[tilespmem:v4+s22+$0x0] =	vst.idx.msk vm5, v7  }
0xdc: {  	v4 =	vld [tilespmem:$0x1000]  }
0xdd: {  	v5 =	vld [tilespmem:$0x1080];
	_ =	sdelay $0x1  }
0xde: {  	v6 =	vld [tilespmem:$0x1100];
	_ =	sdelay $0x1  }
0xdf: {  	v7 =	vxor.u32 $0x80000000, v4  }
0xe0: {  	(xrf0) =	vmin.scan.msk.u32 $0xffff, v7;
	v7 =	vxor.u32 $0x80000000, v5  }
0xe1: {  	(xrf0) =	vmin.scan.msk.u32 $0xffff, v7  }
0xe2: {  	v7 =	vxor.u32 $0x80000000, v6  }
0xe3: {  	(xrf0) =	vmin.scan.msk.u32 $0xffff, v7;
	_ =	sdelay $0x2  }
0xe4: {  	v7, _, _ =	vpop (xrf0)  }
0xe5: {  	(v2sf) =	vpush v7, $0xF;
	v7, _, _ =	vpop (xrf0)  }
0xe6: {  	(v2sf) =	vpush v7, $0xF  }
0xe7: {  	v7, _, _ =	vpop (xrf0)  }
0xe8: {  	(v2sf) =	vpush v7, $0xF;
	_ =	sdelay $0x9  }
0xe9: {  	v7 =	vld [tilespmem:$0x1090];
	_ =	sdelay $0x1  }
0xea: {  	v8 =	vld [tilespmem:$0x1110];
	s9 =	spop (v2sf)  }
0xeb: {  	v9 =	vld [tilespmem:$0x1120];
	vm0 =	veq.s32 v4, $0x7FF;
	s19 =	spop (v2sf);
	s7 =	sxor.u32 $0x80000000, s9  }
0xec: {  	v10 =	vld [tilespmem:$0x1130];
	v4 =	vsel vm0, s7, v4;
	s23 =	sxor.u32 $0x80000000, s19;
	vm0 =	veq.s32 v5, $0x7FF  }
0xed: {  	s24 =	spop (v2sf);
	v4 =	vadd.s32 v0, v4;
	v5 =	vsel vm0, s23, v5;
	vm0 =	veq.s32 v7, $0x7FF  }
0xee: {  	s25 =	sxor.u32 $0x80000000, s24;
	[tilespmem:$0x1180] =	vst v4;
	v4 =	vadd.s32 v0, v5;
	v5 =	vsel vm0, s23, v7;
	vm0 =	veq.s32 v6, $0x7FF  }
0xef: {  	[tilespmem:$0x1200] =	vst v4;
	v4 =	vadd.s32 v0, v5;
	v5 =	vsel vm0, s25, v6;
	vm0 =	veq.s32 v8, $0x7FF  }
0xf0: {  	[tilespmem:$0x1210] =	vst v4;
	v4 =	vadd.s32 v0, v5;
	v5 =	vsel vm0, s25, v8;
	vm0 =	veq.s32 v9, $0x7FF  }
0xf1: {  	[tilespmem:$0x1280] =	vst v4;
	v4 =	vadd.s32 v0, v5;
	v5 =	vsel vm0, s25, v9;
	vm0 =	veq.s32 v10, $0x7FF  }
0xf2: {  	[tilespmem:$0x1290] =	vst v4;
	v4 =	vadd.s32 v0, v5;
	v5 =	vsel vm0, s25, v10  }
0xf3: {  	p0 =	seq.s32 s16, $0x0;
	[tilespmem:$0x12A0] =	vst v4;
	v4 =	vadd.s32 v0, v5  }
0xf4: {  	s7 =	simm.s32 @!p0 $0x6;
	[tilespmem:$0x12B0] =	vst v4  }
0xf5: {  	_ =	swait.ge @!p0 [sflag:s7], $0x800  }
0xf6: {  	[sflag:s7] =	ssyncset.done @!p0 $0x0  }
0xf7: {  	[sflag:s7] =	ssyncadd.s32 @!p0 $0xFFFFF800;
	s7 =	simm.s32 @!p0 $0x8  }
0xf8: {  	_ =	swait.ge @!p0 [sflag:s7], $0x1000  }
0xf9: {  	[sflag:s7] =	ssyncset.done @!p0 $0x0  }
0xfa: {  	[sflag:s7] =	ssyncadd.s32 @!p0 $0xFFFFF000;
	s7 =	simm.s32 @!p0 $0xA  }
0xfb: {  	_ =	swait.ge @!p0 [sflag:s7], $0x2000  }
0xfc: {  	s9 =	simm.s32 $0x1180;
	[sflag:s7] =	ssyncset.done @!p0 $0x0  }
0xfd: {  	s19 =	simm.s32 $0x1300;
	s25 =	simm.s32 $0x10;
	[sflag:s7] =	ssyncadd.s32 @!p0 $0xFFFFE000  }
0xfe: {  	[tilespmem:s19], [sflag:$0x3] =	stream.indirect.gather [hbm4b:s4+s25], $0x80, s9, s25, $0xb8;
	[tilespmem:$0x8300] =	vst v63  }
0xff: {  	s23 =	simm.s32 $0x20  }
0x100: {  	[tilespmem:s30], [sflag:$0x4] =	stream.indirect.gather [hbm4b:s4+s23], $0x80, s29, s23, $0xb8;
	[tilespmem:$0x8300] =	vst v63  }
0x101: {  	_ = 	snop  }
0x102: {  	[tilespmem:s2], [sflag:$0x5] =	stream.indirect.gather [hbm4b:s4+s31], $0x80, s0, s31, $0xb8;
	[tilespmem:$0x8300] =	vst v63  }
0x103: {  	_ =	swait.ge [sflag:s26], $0x800  }
0x104: {  	[sflag:s26] =	ssyncset.done $0x0  }
0x105: {  	s24 =	sadd.s32 s5, s18;
	[sflag:s26] =	ssyncadd.s32 $0xFFFFF800  }
0x106: {  	[hbm4b:s24+s1] =	stream.linear.scatter [tilespmem:s19], [sflag:$0x6], $0x800, $0x38;
	[tilespmem:$0x8300] =	vst v63  }
0x107: {  	_ =	swait.ge [sflag:s10], $0x1000  }
0x108: {  	s18 =	sshll.u32 s17, $0x9;
	[sflag:s10] =	ssyncset.done $0x0  }
0x109: {  	s7 =	sadd.s32 s6, s18;
	[sflag:s10] =	ssyncadd.s32 $0xFFFFF000  }
0x10a: {  	[hbm4b:s7+s1] =	stream.linear.scatter [tilespmem:s30], [sflag:$0x8], $0x1000, $0x38;
	[tilespmem:$0x8300] =	vst v63  }
0x10b: {  	_ =	swait.ge [sflag:s11], $0x2000  }
0x10c: {  	s19 =	sshll.u32 s17, $0xA;
	[sflag:s11] =	ssyncset.done $0x0  }
0x10d: {  	p1 =	seq.s32 s16, $0x3F;
	s7 =	sadd.s32 s8, s19;
	[sflag:s11] =	ssyncadd.s32 $0xFFFFE000  }
0x10e: {  	[hbm4b:s7+s1] =	stream.linear.scatter [tilespmem:s2], [sflag:$0xA], $0x2000, $0x38;
	[tilespmem:$0x8300] =	vst v63  }
0x10f: {  	s7 =	sadd.s32 @!p1 $0x2, s17  }
0x110: {  	s9 =	sshll.u32 @!p1 s7, $0x4  }
0x111: {  	_ =	swait.ge [sflag:s12], $0x800;
	s7 =	sshll.u32 @!p1 s7, $0x8;
	s9 =	sand.u32 @!p1 $0x60, s9  }
0x112: {  	[sflag:s12] =	ssyncset.done $0x0;
	s7 =	sand.u32 @!p1 $0xFFFF800, s7;
	s9 =	sadd.s32 @!p1 s3, s9  }
0x113: {  	[sflag:s12] =	ssyncadd.s32 $0xFFFFF800;
	s7 =	sadd.s32 @!p1 s7, s9;
	s9 =	simm.s32 @!p1 $0x0  }
0x114: {  	[tilespmem:s9], [sflag:$0x1] =	stream.linear.gather @!p1 [hbm4b:s7+s9], $0x80, $0x38;
	[tilespmem:$0x8300] =	vst v63  }
0x115: {  	s19 =	simm.s32 @!p1 $0x100;
	s18 =	sadd.s32 @!p1 $0x80, s7  }
0x116: {  	[tilespmem:s19], [sflag:$0x1] =	stream.linear.gather @!p1 [hbm4b:s18+s9], $0x80, $0x38;
	[tilespmem:$0x8300] =	vst v63  }
0x117: {  	s18 =	sadd.s32 @!p1 $0x100, s7;
	s19 =	simm.s32 @!p1 $0x200  }
0x118: {  	[tilespmem:s19], [sflag:$0x1] =	stream.linear.gather @!p1 [hbm4b:s18+s9], $0x80, $0x38;
	[tilespmem:$0x8300] =	vst v63  }
0x119: {  	s18 =	sadd.s32 @!p1 $0x180, s7;
	s19 =	simm.s32 @!p1 $0x300  }
0x11a: {  	[tilespmem:s19], [sflag:$0x1] =	stream.linear.gather @!p1 [hbm4b:s18+s9], $0x80, $0x38;
	[tilespmem:$0x8300] =	vst v63  }
0x11b: {  	s18 =	sadd.s32 @!p1 $0x200, s7;
	s19 =	simm.s32 @!p1 $0x400  }
0x11c: {  	[tilespmem:s19], [sflag:$0x1] =	stream.linear.gather @!p1 [hbm4b:s18+s9], $0x80, $0x38;
	[tilespmem:$0x8300] =	vst v63  }
0x11d: {  	s18 =	sadd.s32 @!p1 $0x280, s7;
	s19 =	simm.s32 @!p1 $0x500  }
0x11e: {  	[tilespmem:s19], [sflag:$0x1] =	stream.linear.gather @!p1 [hbm4b:s18+s9], $0x80, $0x38;
	[tilespmem:$0x8300] =	vst v63  }
0x11f: {  	s18 =	sadd.s32 @!p1 $0x300, s7;
	s19 =	simm.s32 @!p1 $0x600  }
0x120: {  	[tilespmem:s19], [sflag:$0x1] =	stream.linear.gather @!p1 [hbm4b:s18+s9], $0x80, $0x38;
	[tilespmem:$0x8300] =	vst v63  }
0x121: {  	s18 =	sadd.s32 @!p1 $0x380, s7;
	s19 =	simm.s32 @!p1 $0x700  }
0x122: {  	[tilespmem:s19], [sflag:$0x1] =	stream.linear.gather @!p1 [hbm4b:s18+s9], $0x80, $0x38;
	[tilespmem:$0x8300] =	vst v63  }
0x123: {  	s18 =	sadd.s32 @!p1 $0x400, s7;
	s19 =	simm.s32 @!p1 $0x800  }
0x124: {  	[tilespmem:s19], [sflag:$0x1] =	stream.linear.gather @!p1 [hbm4b:s18+s9], $0x80, $0x38;
	[tilespmem:$0x8300] =	vst v63  }
0x125: {  	s18 =	sadd.s32 @!p1 $0x480, s7;
	s19 =	simm.s32 @!p1 $0x900  }
0x126: {  	[tilespmem:s19], [sflag:$0x1] =	stream.linear.gather @!p1 [hbm4b:s18+s9], $0x80, $0x38;
	[tilespmem:$0x8300] =	vst v63  }
0x127: {  	s18 =	sadd.s32 @!p1 $0x500, s7;
	s19 =	simm.s32 @!p1 $0xA00  }
0x128: {  	[tilespmem:s19], [sflag:$0x1] =	stream.linear.gather @!p1 [hbm4b:s18+s9], $0x80, $0x38;
	[tilespmem:$0x8300] =	vst v63  }
0x129: {  	s18 =	sadd.s32 @!p1 $0x580, s7;
	s19 =	simm.s32 @!p1 $0xB00  }
0x12a: {  	[tilespmem:s19], [sflag:$0x1] =	stream.linear.gather @!p1 [hbm4b:s18+s9], $0x80, $0x38;
	[tilespmem:$0x8300] =	vst v63  }
0x12b: {  	s18 =	sadd.s32 @!p1 $0x600, s7;
	s19 =	simm.s32 @!p1 $0xC00  }
0x12c: {  	[tilespmem:s19], [sflag:$0x1] =	stream.linear.gather @!p1 [hbm4b:s18+s9], $0x80, $0x38;
	[tilespmem:$0x8300] =	vst v63  }
0x12d: {  	s18 =	sadd.s32 @!p1 $0x680, s7;
	s19 =	simm.s32 @!p1 $0xD00  }
0x12e: {  	[tilespmem:s19], [sflag:$0x1] =	stream.linear.gather @!p1 [hbm4b:s18+s9], $0x80, $0x38;
	[tilespmem:$0x8300] =	vst v63  }
0x12f: {  	s18 =	sadd.s32 @!p1 $0x700, s7;
	s19 =	simm.s32 @!p1 $0xE00  }
0x130: {  	[tilespmem:s19], [sflag:$0x1] =	stream.linear.gather @!p1 [hbm4b:s18+s9], $0x80, $0x38;
	[tilespmem:$0x8300] =	vst v63  }
0x131: {  	s7 =	sadd.s32 @!p1 $0x780, s7;
	s18 =	simm.s32 @!p1 $0xF00  }
0x132: {  	[tilespmem:s18], [sflag:$0x1] =	stream.linear.gather @!p1 [hbm4b:s7+s9], $0x80, $0x38;
	[tilespmem:$0x8300] =	vst v63  }
0x133: {  	[tilespmem:$0x1000] =	vst v1  }
0x134: {  	[tilespmem:$0x1010] =	vst v1  }
0x135: {  	[tilespmem:$0x1080] =	vst v1  }
0x136: {  	[tilespmem:$0x1090] =	vst v1  }
0x137: {  	[tilespmem:$0x10A0] =	vst v1  }
0x138: {  	[tilespmem:$0x1100] =	vst v1  }
0x139: {  	[tilespmem:$0x1110] =	vst v1  }
0x13a: {  	s23 =	simm.s32 $0x0;
	s24 =	simm.s32 $0x0;
	[tilespmem:$0x1120] =	vst v1  }
0x13b: {  	s19 =	sand.u32 $0x60, s24;
	s7 =	sand.u32 $0xF00, s23;
	[tilespmem:$0x1130] =	vst v1  }
0x13c: {  	[tilespmem:$0x1140] =	vst v1;
	s18 =	sor.u32 s19, s7  }
0x13d: {  	v4 =	vld [tilespmem:s18+$0x80];
	_ =	sdelay $0x4  }
0x13e: {  	vm0 =	vle.f32 v4, $9.999999770e-03  }
0x13f: {  	vm3 =	vle.f32 v4, $3.999999910e-02;
	v5 =	vsel vm0, $0x1, v3  }
0x140: {  	vm1 =	vle.f32 v4, $1.599999960e-01;
	v6 =	vsel vm3, $0x1, v3;
	(xrf0) =	vadd.scan.msk.s32 $0xffff, v5  }
0x141: {  	v4 =	vsel vm1, $0x1, v3;
	(xrf0) =	vadd.scan.msk.s32 $0xffff, v6  }
0x142: {  	(xrf0) =	vadd.scan.msk.s32 $0xffff, v4;
	_ =	sdelay $0x3  }
0x143: {  	v4 =	vimm.s32 $0x0;
	v5, _, _ =	vpop (xrf0)  }
0x144: {  	v5 =	vadd.s32 v5, v4;
	v6, _, _ =	vpop (xrf0)  }
0x145: {  	v5 =	vadd.s32 $0xFFFFFFFF, v5;
	v6 =	vadd.s32 v6, v4;
	v7, _, _ =	vpop (xrf0)  }
0x146: {  	vm2 =	vlt.s32 v5, $0x10;
	v6 =	vadd.s32 $0xFFFFFFFF, v6;
	v7 =	vadd.s32 v7, v4  }
0x147: {  	v5 =	vnsel vm2, $0x10, v5;
	vm2 =	vlt.s32 v6, $0x20;
	v7 =	vadd.s32 $0xFFFFFFFF, v7  }
0x148: {  	v6 =	vnsel vm2, $0x20, v6;
	vm2 =	vlt.s32 v7, $0x40  }
0x149: {  	v7 =	vnsel vm2, $0x40, v7;
	_ =	sdelay $0x1  }
0x14a: {  	v8 =	vor.u32 s24, v2  }
0x14b: {  	s23 =	simm.s32 $0x10;
	[tilespmem:v5+s20+$0x0] =	vst.idx.msk vm0, v8  }
0x14c: {  	s24 =	sand.u32 $0x70, s23;
	[tilespmem:v6+s21+$0x0] =	vst.idx.msk vm3, v8  }
0x14d: {  	s7 =	sor.u32 s24, s7;
	[tilespmem:v7+s22+$0x0] =	vst.idx.msk vm1, v8  }
0x14e: {  	v5 =	vld [tilespmem:s7+$0x80];
	_ =	sdelay $0x4  }
0x14f: {  	vm15 =	vle.f32 v5, $9.999999770e-03  }
0x150: {  	v6 =	vsel vm15, $0x1, v3  }
0x151: {  	(xrf0) =	vadd.scan.msk.s32 $0xffff, v6  }
0x152: {  	vm2 =	vle.f32 v5, $3.999999910e-02  }
0x153: {  	v7 =	vsel vm2, $0x1, v3;
	v6 =	vmpcnt.ones.xlane vm0;
	vm0 =	vle.f32 v5, $1.599999960e-01  }
0x154: {  	(xrf0) =	vadd.scan.msk.s32 $0xffff, v7;
	v7 =	vsel vm0, $0x1, v3;
	_ =	sdelay $0x1  }
0x155: {  	v5 =	vmpcnt.ones.xlane vm3;
	(xrf0) =	vadd.scan.msk.s32 $0xffff, v7  }
0x156: {  	v6 =	vadd.s32 v4, v6;
	v7, _, _ =	vpop (xrf0)  }
0x157: {  	v8 =	vadd.s32 v4, v5;
	v5 =	vadd.s32 v7, v6  }
0x158: {  	v5 =	vadd.s32 $0xFFFFFFFF, v5  }
0x159: {  	v9 =	vmpcnt.ones.xlane vm1  }
0x15a: {  	v7, _, _ =	vpop (xrf0);
	vm3 =	vlt.s32 v5, $0x10  }
0x15b: {  	v4 =	vadd.s32 v4, v9;
	v7 =	vadd.s32 v7, v8;
	v10 =	vnsel vm3, $0x10, v5;
	v5, _, _ =	vpop (xrf0)  }
0x15c: {  	v12 =	vmpcnt.ones.xlane vm2;
	v7 =	vadd.s32 $0xFFFFFFFF, v7;
	v5 =	vadd.s32 v5, v4  }
0x15d: {  	v9 =	vmpcnt.ones.xlane vm15;
	vm1 =	vlt.s32 v7, $0x20;
	v14 =	vadd.s32 $0xFFFFFFFF, v5  }
0x15e: {  	v11 =	vnsel vm1, $0x20, v7;
	vm1 =	vlt.s32 v14, $0x40  }
0x15f: {  	v5 =	vadd.s32 v6, v9;
	v6 =	vadd.s32 v8, v12;
	v8 =	vnsel vm1, $0x40, v14;
	_ =	sdelay $0x1  }
0x160: {  	s17 =	sor.u32 $0x1, s17;
	v13 =	vmpcnt.ones.xlane vm0;
	v7 =	vor.u32 s23, v2  }
0x161: {  	s19 =	simm.s32 $0x40;
	s24 =	simm.s32 $0x20;
	s18 =	simm.s32 $0x30;
	[tilespmem:v10+s20+$0x0] =	vst.idx.msk vm15, v7  }
0x162: {  	s9 =	sand.u32 $0x60, s24;
	s7 =	simm.s32 $0x2;
	s23 =	sand.u32 $0xF00, s19;
	v4 =	vadd.s32 v4, v13;
	[tilespmem:v11+s21+$0x0] =	vst.idx.msk vm2, v7  }
.LBB2_5:
0x163: {  	s7 =	sadd.s32 $0x2, s7;
	s9 =	sor.u32 s9, s23;
	[tilespmem:v8+s22+$0x0] =	vst.idx.msk vm0, v7  }
0x164: {  	p1 =	slt.u32 s7, $0x7E;
	v7 =	vld [tilespmem:s9+$0x80];
	_ =	sdelay $0x4  }
0x165: {  	vm0 =	vle.f32 v7, $9.999999770e-03  }
0x166: {  	vm1 =	vle.f32 v7, $3.999999910e-02;
	v8 =	vsel vm0, $0x1, v3  }
0x167: {  	vm2 =	vle.f32 v7, $1.599999960e-01;
	v9 =	vsel vm1, $0x1, v3;
	v10 =	vmpcnt.ones.xlane vm1;
	(xrf0) =	vadd.scan.msk.s32 $0xffff, v8  }
0x168: {  	v7 =	vsel vm2, $0x1, v3;
	v8 =	vmpcnt.ones.xlane vm2;
	(xrf0) =	vadd.scan.msk.s32 $0xffff, v9  }
0x169: {  	(xrf0) =	vadd.scan.msk.s32 $0xffff, v7;
	_ =	sdelay $0x3  }
0x16a: {  	v7, _, _ =	vpop (xrf0)  }
0x16b: {  	v7 =	vadd.s32 v7, v5;
	v9, _, _ =	vpop (xrf0)  }
0x16c: {  	v7 =	vadd.s32 $0xFFFFFFFF, v7;
	v9 =	vadd.s32 v9, v6;
	v11, _, _ =	vpop (xrf0)  }
0x16d: {  	vm3 =	vlt.s32 v7, $0x10;
	v9 =	vadd.s32 $0xFFFFFFFF, v9;
	v11 =	vadd.s32 v11, v4  }
0x16e: {  	v7 =	vnsel vm3, $0x10, v7;
	vm3 =	vlt.s32 v9, $0x20;
	v11 =	vadd.s32 $0xFFFFFFFF, v11  }
0x16f: {  	v9 =	vnsel vm3, $0x20, v9;
	vm3 =	vlt.s32 v11, $0x40  }
0x170: {  	v11 =	vnsel vm3, $0x40, v11;
	_ =	sdelay $0x1  }
0x171: {  	v12 =	vor.u32 s24, v2  }
0x172: {  	[tilespmem:v7+s20+$0x0] =	vst.idx.msk vm0, v12  }
0x173: {  	s9 =	sand.u32 $0x70, s18;
	[tilespmem:v9+s21+$0x0] =	vst.idx.msk vm1, v12  }
0x174: {  	s9 =	sor.u32 s9, s23;
	[tilespmem:v11+s22+$0x0] =	vst.idx.msk vm2, v12  }
0x175: {  	v7 =	vld [tilespmem:s9+$0x80];
	_ =	sdelay $0x2  }
0x176: {  	v9 =	vmpcnt.ones.xlane vm0;
	_ =	sdelay $0x1  }
0x177: {  	v10 =	vadd.s32 v6, v10;
	v9 =	vadd.s32 v5, v9;
	vm2 =	vle.f32 v7, $9.999999770e-03  }
0x178: {  	vm1 =	vle.f32 v7, $3.999999910e-02;
	v5 =	vsel vm2, $0x1, v3;
	v6 =	vmpcnt.ones.xlane vm2  }
0x179: {  	vm0 =	vle.f32 v7, $1.599999960e-01;
	v11 =	vsel vm1, $0x1, v3;
	v12 =	vmpcnt.ones.xlane vm1;
	(xrf0) =	vadd.scan.msk.s32 $0xffff, v5  }
0x17a: {  	v7 =	vsel vm0, $0x1, v3;
	v13 =	vmpcnt.ones.xlane vm0;
	v5 =	vadd.s32 v9, v6;
	(xrf0) =	vadd.scan.msk.s32 $0xffff, v11  }
0x17b: {  	v8 =	vadd.s32 v4, v8;
	v6 =	vadd.s32 v10, v12;
	(xrf0) =	vadd.scan.msk.s32 $0xffff, v7  }
0x17c: {  	v4 =	vadd.s32 v8, v13;
	_ =	sdelay $0x2  }
0x17d: {  	v7, _, _ =	vpop (xrf0)  }
0x17e: {  	v7 =	vadd.s32 v7, v9;
	v9, _, _ =	vpop (xrf0)  }
0x17f: {  	v7 =	vadd.s32 $0xFFFFFFFF, v7;
	v9 =	vadd.s32 v9, v10;
	v10, _, _ =	vpop (xrf0)  }
0x180: {  	vm3 =	vlt.s32 v7, $0x10;
	v9 =	vadd.s32 $0xFFFFFFFF, v9;
	v8 =	vadd.s32 v10, v8  }
0x181: {  	v10 =	vnsel vm3, $0x10, v7;
	vm3 =	vlt.s32 v9, $0x20;
	v7 =	vadd.s32 $0xFFFFFFFF, v8  }
0x182: {  	v9 =	vnsel vm3, $0x20, v9;
	vm3 =	vlt.s32 v7, $0x40  }
.Ltmp1:
0x183: {  	v8 =	vnsel vm3, $0x40, v7;
	(pc) =	sbr.rel @p1 .LBB2_5-.Ltmp1, $4  }
0x184: {  	_ = 	snop  }
0x185: {  	v7 =	vor.u32 s18, v2;
	s18 =	sadd.s32 $0x20, s18  }
0x186: {  	s19 =	sadd.s32 $0x40, s19;
	s24 =	sadd.s32 $0xFFFFFFF0, s18;
	[tilespmem:v10+s20+$0x0] =	vst.idx.msk vm2, v7  }
0x187: {  	s23 =	sand.u32 $0xF00, s19;
	s9 =	sand.u32 $0x60, s24;
	[tilespmem:v9+s21+$0x0] =	vst.idx.msk vm1, v7  }
0x188: {  	_ =	sdelay $0x4  }
0x189: {  	s7 =	sor.u32 s9, s23;
	[tilespmem:v8+s22+$0x0] =	vst.idx.msk vm0, v7  }
0x18a: {  	v7 =	vld [tilespmem:s7+$0x80];
	_ =	sdelay $0x4  }
0x18b: {  	vm12 =	vle.f32 v7, $9.999999770e-03  }
0x18c: {  	vm1 =	vle.f32 v7, $3.999999910e-02;
	v41 =	vsel vm12, $0x1, v3  }
0x18d: {  	vm2 =	vle.f32 v7, $1.599999960e-01;
	v9 =	vsel vm1, $0x1, v3;
	(xrf0) =	vadd.scan.msk.s32 $0xffff, v41  }
0x18e: {  	v7 =	vsel vm2, $0x1, v3;
	(xrf0) =	vadd.scan.msk.s32 $0xffff, v9  }
0x18f: {  	(xrf0) =	vadd.scan.msk.s32 $0xffff, v7;
	_ =	sdelay $0x3  }
0x190: {  	v42, _, _ =	vpop (xrf0)  }
0x191: {  	v7 =	vadd.s32 v42, v5;
	v43, _, _ =	vpop (xrf0)  }
0x192: {  	v7 =	vadd.s32 $0xFFFFFFFF, v7;
	v8 =	vadd.s32 v43, v6;
	v44, _, _ =	vpop (xrf0)  }
0x193: {  	vm3 =	vlt.s32 v7, $0x10;
	v8 =	vadd.s32 $0xFFFFFFFF, v8;
	v9 =	vadd.s32 v44, v4  }
0x194: {  	v7 =	vnsel vm3, $0x10, v7;
	vm13 =	vlt.s32 v8, $0x20;
	v9 =	vadd.s32 $0xFFFFFFFF, v9  }
0x195: {  	v8 =	vnsel vm13, $0x20, v8;
	vm14 =	vlt.s32 v9, $0x40  }
0x196: {  	v9 =	vnsel vm14, $0x40, v9;
	_ =	sdelay $0x1  }
0x197: {  	v10 =	vor.u32 s24, v2  }
0x198: {  	[tilespmem:v7+s20+$0x0] =	vst.idx.msk vm12, v10  }
0x199: {  	s9 =	sand.u32 $0x70, s18;
	[tilespmem:v8+s21+$0x0] =	vst.idx.msk vm1, v10  }
0x19a: {  	s7 =	sor.u32 s9, s23;
	[tilespmem:v9+s22+$0x0] =	vst.idx.msk vm2, v10  }
0x19b: {  	v7 =	vld [tilespmem:s7+$0x80];
	_ =	sdelay $0x4  }
0x19c: {  	vm15 =	vle.f32 v7, $9.999999770e-03  }
0x19d: {  	vm4 =	vle.f32 v7, $3.999999910e-02;
	v45 =	vsel vm15, $0x1, v3  }
0x19e: {  	vm5 =	vle.f32 v7, $1.599999960e-01;
	v46 =	vsel vm4, $0x1, v3;
	(xrf0) =	vadd.scan.msk.s32 $0xffff, v45  }
0x19f: {  	v7 =	vsel vm5, $0x1, v3;
	(xrf0) =	vadd.scan.msk.s32 $0xffff, v46  }
0x1a0: {  	(xrf0) =	vadd.scan.msk.s32 $0xffff, v7;
	_ =	sdelay $0x1  }
0x1a1: {  	v47 =	vmpcnt.ones.xlane vm12  }
0x1a2: {  	v48 =	vmpcnt.ones.xlane vm1  }
0x1a3: {  	v49 =	vmpcnt.ones.xlane vm2;
	v5 =	vadd.s32 v5, v47;
	v50, _, _ =	vpop (xrf0)  }
0x1a4: {  	v51 =	vadd.s32 v6, v48;
	v5 =	vadd.s32 v50, v5;
	v52, _, _ =	vpop (xrf0)  }
0x1a5: {  	v4 =	vadd.s32 v4, v49;
	v5 =	vadd.s32 $0xFFFFFFFF, v5;
	v6 =	vadd.s32 v52, v51;
	v53, _, _ =	vpop (xrf0)  }
0x1a6: {  	vm6 =	vlt.s32 v5, $0x10;
	v6 =	vadd.s32 $0xFFFFFFFF, v6;
	v4 =	vadd.s32 v53, v4  }
0x1a7: {  	v5 =	vnsel vm6, $0x10, v5;
	vm7 =	vlt.s32 v6, $0x20;
	v4 =	vadd.s32 $0xFFFFFFFF, v4  }
0x1a8: {  	v6 =	vnsel vm7, $0x20, v6;
	vm8 =	vlt.s32 v4, $0x40  }
0x1a9: {  	v4 =	vnsel vm8, $0x40, v4;
	_ =	sdelay $0x1  }
0x1aa: {  	v54 =	vor.u32 s18, v2  }
0x1ab: {  	[tilespmem:v5+s20+$0x0] =	vst.idx.msk vm15, v54  }
0x1ac: {  	[tilespmem:v6+s21+$0x0] =	vst.idx.msk vm4, v54  }
0x1ad: {  	[tilespmem:v4+s22+$0x0] =	vst.idx.msk vm5, v54  }
0x1ae: {  	v4 =	vld [tilespmem:$0x1000]  }
0x1af: {  	v5 =	vld [tilespmem:$0x1080];
	_ =	sdelay $0x1  }
0x1b0: {  	v6 =	vld [tilespmem:$0x1100];
	_ =	sdelay $0x1  }
0x1b1: {  	v55 =	vxor.u32 $0x80000000, v4  }
0x1b2: {  	v56 =	vxor.u32 $0x80000000, v5;
	(xrf0) =	vmin.scan.msk.u32 $0xffff, v55  }
0x1b3: {  	(xrf0) =	vmin.scan.msk.u32 $0xffff, v56  }
0x1b4: {  	v57 =	vxor.u32 $0x80000000, v6  }
0x1b5: {  	(xrf0) =	vmin.scan.msk.u32 $0xffff, v57;
	_ =	sdelay $0x2  }
0x1b6: {  	v58, _, _ =	vpop (xrf0)  }
0x1b7: {  	(v2sf) =	vpush v58, $0xF;
	v59, _, _ =	vpop (xrf0)  }
0x1b8: {  	(v2sf) =	vpush v59, $0xF  }
0x1b9: {  	v60, _, _ =	vpop (xrf0)  }
0x1ba: {  	(v2sf) =	vpush v60, $0xF;
	_ =	sdelay $0x9  }
0x1bb: {  	v61 =	vld [tilespmem:$0x1090];
	_ =	sdelay $0x1  }
0x1bc: {  	v62 =	vld [tilespmem:$0x1110];
	s18 =	spop (v2sf)  }
0x1bd: {  	v63 =	vld [tilespmem:$0x1120];
	vm9 =	veq.s32 v4, $0x7FF;
	s19 =	spop (v2sf);
	s7 =	sxor.u32 $0x80000000, s18  }
0x1be: {  	v10 =	vld [tilespmem:$0x1130];
	vm10 =	veq.s32 v5, $0x7FF;
	v4 =	vsel vm9, s7, v4;
	s23 =	sxor.u32 $0x80000000, s19  }
0x1bf: {  	vm11 =	veq.s32 v61, $0x7FF;
	s24 =	spop (v2sf);
	v4 =	vadd.s32 v0, v4;
	v5 =	vsel vm10, s23, v5  }
0x1c0: {  	vm12 =	veq.s32 v6, $0x7FF;
	s9 =	sxor.u32 $0x80000000, s24;
	[tilespmem:$0x1180] =	vst v4;
	v4 =	vadd.s32 v0, v5;
	v5 =	vsel vm11, s23, v61  }
0x1c1: {  	vm13 =	veq.s32 v62, $0x7FF;
	[tilespmem:$0x1200] =	vst v4;
	v4 =	vadd.s32 v0, v5;
	v5 =	vsel vm12, s9, v6  }
0x1c2: {  	vm14 =	veq.s32 v63, $0x7FF;
	[tilespmem:$0x1210] =	vst v4;
	v4 =	vadd.s32 v0, v5;
	v5 =	vsel vm13, s9, v62  }
0x1c3: {  	vm15 =	veq.s32 v10, $0x7FF;
	[tilespmem:$0x1280] =	vst v4;
	v4 =	vadd.s32 v0, v5;
	v5 =	vsel vm14, s9, v63  }
0x1c4: {  	[tilespmem:$0x1290] =	vst v4;
	v4 =	vadd.s32 v0, v5;
	v5 =	vsel vm15, s9, v10  }
0x1c5: {  	[tilespmem:$0x12A0] =	vst v4;
	v4 =	vadd.s32 v0, v5  }
0x1c6: {  	s7 =	simm.s32 @!p0 $0x7;
	[tilespmem:$0x12B0] =	vst v4  }
0x1c7: {  	_ =	swait.ge @!p0 [sflag:s7], $0x800  }
0x1c8: {  	[sflag:s7] =	ssyncset.done @!p0 $0x0  }
0x1c9: {  	[sflag:s7] =	ssyncadd.s32 @!p0 $0xFFFFF800;
	s7 =	simm.s32 @!p0 $0x9  }
0x1ca: {  	_ =	swait.ge @!p0 [sflag:s7], $0x1000  }
0x1cb: {  	[sflag:s7] =	ssyncset.done @!p0 $0x0  }
0x1cc: {  	[sflag:s7] =	ssyncadd.s32 @!p0 $0xFFFFF000;
	s7 =	simm.s32 @!p0 $0xB  }
0x1cd: {  	_ =	swait.ge @!p0 [sflag:s7], $0x2000  }
0x1ce: {  	[sflag:s7] =	ssyncset.done @!p0 $0x0  }
0x1cf: {  	s18 =	simm.s32 $0x1180;
	[sflag:s7] =	ssyncadd.s32 @!p0 $0xFFFFE000  }
0x1d0: {  	[tilespmem:s13], [sflag:$0x3] =	stream.indirect.gather [hbm4b:s4+s25], $0x80, s18, s25, $0xb8;
	[tilespmem:$0x8300] =	vst v63  }
0x1d1: {  	s19 =	simm.s32 $0x20  }
0x1d2: {  	[tilespmem:s14], [sflag:$0x4] =	stream.indirect.gather [hbm4b:s4+s19], $0x80, s29, s19, $0xb8;
	[tilespmem:$0x8300] =	vst v63  }
0x1d3: {  	_ = 	snop  }
0x1d4: {  	[tilespmem:s15], [sflag:$0x5] =	stream.indirect.gather [hbm4b:s4+s31], $0x80, s0, s31, $0xb8;
	[tilespmem:$0x8300] =	vst v63  }
0x1d5: {  	_ =	swait.ge [sflag:s26], $0x800  }
0x1d6: {  	s23 =	sshll.u32 s17, $0x8;
	[sflag:s26] =	ssyncset.done $0x0  }
0x1d7: {  	s7 =	sadd.s32 s5, s23;
	[sflag:s26] =	ssyncadd.s32 $0xFFFFF800  }
0x1d8: {  	[hbm4b:s7+s1] =	stream.linear.scatter [tilespmem:s13], [sflag:$0x7], $0x800, $0x38;
	[tilespmem:$0x8300] =	vst v63  }
0x1d9: {  	_ =	swait.ge [sflag:s10], $0x1000  }
0x1da: {  	s16 =	sadd.s32 $0x1, s16;
	s24 =	sshll.u32 s17, $0x9;
	[sflag:s10] =	ssyncset.done $0x0  }
0x1db: {  	p0 =	sne.s32 s16, $0x40;
	s7 =	sadd.s32 s6, s24;
	[sflag:s10] =	ssyncadd.s32 $0xFFFFF000  }
0x1dc: {  	[hbm4b:s7+s1] =	stream.linear.scatter [tilespmem:s14], [sflag:$0x9], $0x1000, $0x38;
	[tilespmem:$0x8300] =	vst v63  }
.Ltmp2:
0x1dd: {  	_ = 	snop;
	(pc) =	sbr.rel @p0 .LBB2_2-.Ltmp2, $4  }
0x1de: {  	_ =	swait.ge [sflag:s11], $0x2000  }
0x1df: {  	s25 =	sshll.u32 s17, $0xA;
	[sflag:s11] =	ssyncset.done $0x0  }
0x1e0: {  	s7 =	sadd.s32 s8, s25;
	[sflag:s11] =	ssyncadd.s32 $0xFFFFE000  }
0x1e1: {  	[hbm4b:s7+s1] =	stream.linear.scatter [tilespmem:s15], [sflag:$0xB], $0x2000, $0x38;
	[tilespmem:$0x8300] =	vst v63  }
0x1e2: {  	s7 =	simm.s32 $0x6  }
0x1e3: {  	_ =	swait.ge [sflag:s7], $0x800  }
0x1e4: {  	[sflag:s7] =	ssyncset.done $0x0  }
0x1e5: {  	s18 =	simm.s32 $0x8;
	[sflag:s7] =	ssyncadd.s32 $0xFFFFF800  }
0x1e6: {  	_ =	swait.ge [sflag:s18], $0x1000  }
0x1e7: {  	[sflag:s18] =	ssyncset.done $0x0  }
0x1e8: {  	s19 =	simm.s32 $0xA;
	[sflag:s18] =	ssyncadd.s32 $0xFFFFF000  }
0x1e9: {  	_ =	swait.ge [sflag:s19], $0x2000  }
0x1ea: {  	[sflag:s19] =	ssyncset.done $0x0  }
0x1eb: {  	s23 =	simm.s32 $0x7;
	[sflag:s19] =	ssyncadd.s32 $0xFFFFE000  }
0x1ec: {  	_ =	swait.ge [sflag:s23], $0x800  }
0x1ed: {  	[sflag:s23] =	ssyncset.done $0x0  }
0x1ee: {  	s24 =	simm.s32 $0x9;
	[sflag:s23] =	ssyncadd.s32 $0xFFFFF800  }
0x1ef: {  	_ =	swait.ge [sflag:s24], $0x1000  }
0x1f0: {  	[sflag:s24] =	ssyncset.done $0x0  }
0x1f1: {  	s9 =	simm.s32 $0xB;
	[sflag:s24] =	ssyncadd.s32 $0xFFFFF000  }
0x1f2: {  	_ =	swait.ge [sflag:s9], $0x2000  }
0x1f3: {  	s16 =	rddreg [dreg:$0x14]  }
0x1f4: {  	s25 =	rddreg [dreg:$0x4];
	s16 =	sadd.s32 $0x1, s16  }
0x1f5: {  	p0 =	sne.s32 s16, s25  }
.Ltmp3:
0x1f6: {  	_ = 	snop;
	(pc) =	sbr.rel @p0 .LBB2_1-.Ltmp3, $3  }
0x1f7: {  	_ =	sdelay $0x1  }
0x1f8: {  	[sflag:s9] =	ssyncset.done $0x0  }
0x1f9: {  	[sflag:s9] =	ssyncadd.s32 $0xFFFFE000  }
0x1fa: {  	_ =	sfence.sel $0x180000  }
0x1fb: {  	[bflag:$0x0] =	sbarrier.arrive $0xFFFF  }
0x1fc: {  	_ =	strace $0x90000047  }
0x1fd: {  	s0 =	stileid.u32;
	[bflag:$0x2] =	sbarrier.arrive $0xFFFF  }
0x1fe: {  	p0 =	sne.s32 s0, $0x0;
	s0 =	rddreg [dreg:$0x1]  }
0x1ff: {  	s0 =	sadd.s32 @!p0 $0x100000, s0  }
0x200: {  	[sflag:s0] =	ssyncadd.tile.s32 @!p0 $0x1;
	_ =	shalt  }
.Lfunc_end2:
_tile_overlayer_lowered:
.L_overlay_start_2:
0x201: {  	(tag) =	ssettag $0x2  }
0x202: {  	s0 =	rddreg [dreg:$0x0];
	s2 =	stileid.u32  }
0x203: {  	s1 =	rddreg [dreg:$0x1];
	p0 =	sne.s32 s2, $0x0  }
0x204: {  	s3 =	rddreg [dreg:$0x2];
	[bflag:$0x3] =	sbarrier.arrive $0xFFFF;
	s2 =	simm.s32 @!p0 $0x1C0C  }
0x205: {  	[timem:s3], [sflag:s2] =	dma.local @!p0 [hbm:s0], s1  }
0x206: {  	s0 =	simm.s32 @!p0 $0xC  }
0x207: {  	_ =	swait.ge @!p0 [sflag:s0], s1  }
0x208: {  	s1 =	ssub.s32 @!p0 $0x0, s1;
	[sflag:s0] =	ssyncset.done @!p0 $0x0  }
0x209: {  	[sflag:s0] =	ssyncadd.s32 @!p0 s1  }
0x20a: {  	[bflag:$0x3] =	sbarrier.arrive $0xFFFF  }
0x20b: {  	_ =	shalt  }

</sc_bundles>
